<compile_context>
chip_gen: v7x
topology: tpu7x:2x2x1
jax: 0.10.2.dev20260603
libtpu: 0.0.44.dev20260713+nightly
codegen_flags: <defaults>
</compile_context>

<pallas_src>
import jax
import jax.numpy as jnp
from jax import lax
from jax.experimental import pallas as pl
from jax.experimental.pallas import tpu as pltpu
from jax.experimental.pallas import tpu_sc as plsc

N = 10000
NP = 10240
D = 128
E = 320000
NC, NS = 2, 16
NW = NC * NS
EPW = E // NW
K = 80
NB = EPW // K
RPT = NP // NS
CPT = NP // NS
NBUF = 3
NDX = 6
NQ = NB // NDX
NREM = NB - NQ * NDX

_mesh = plsc.VectorSubcoreMesh(core_axis_name="c", subcore_axis_name="s")


def _make_sc_layer(compute_cnt: bool):
    out_type = [jax.ShapeDtypeStruct((NC, NP, D), jnp.float32)]
    if compute_cnt:
        out_type.append(jax.ShapeDtypeStruct((NC * NP,), jnp.float32))

    scratch = [
        pltpu.VMEM_SHARED((NP, D), jnp.float32),
        pltpu.VMEM((EPW,), jnp.int32),
        pltpu.VMEM((NDX, K), jnp.int32),
        pltpu.VMEM((NBUF, K, D), jnp.float32),
        pltpu.SemaphoreType.DMA,
    ] + [pltpu.SemaphoreType.DMA] * (NBUF + NBUF + NDX)
    if compute_cnt:
        scratch += [
            pltpu.VMEM_SHARED((NP,), jnp.float32),
            pltpu.VMEM((K,), jnp.float32),
            pltpu.VMEM((CPT,), jnp.float32),
            pltpu.SemaphoreType.DMA,
        ]

    def body(h_hbm, src_hbm, dst_hbm, *rest):
        if compute_cnt:
            (p_hbm, c_hbm, acc, sidx, didx, rows, sem_i, *sems) = rest
            *sems, cnt, ones, cbuf, sem_c = sems
        else:
            p_hbm, acc, sidx, didx, rows, sem_i, *sems = rest
        sem_g = sems[:NBUF]
        sem_s = sems[NBUF:2 * NBUF]
        sem_d = sems[2 * NBUF:]
        cid = lax.axis_index("c")
        sid = lax.axis_index("s")
        wid = sid * NC + cid

        r0 = sid * RPT
        init_cp = pltpu.async_copy(h_hbm.at[pl.ds(r0, RPT)],
                                   acc.at[pl.ds(r0, RPT)], sem_i)

        pltpu.sync_copy(src_hbm.at[wid], sidx)
        for g0 in range(4):
            pltpu.async_copy(dst_hbm.at[wid, g0], didx.at[pl.ds(g0, 1)],
                             sem_d[g0])

        for b in range(2):
            pltpu.async_copy(h_hbm.at[sidx.at[pl.ds(b * K, K)]], rows.at[b],
                             sem_g[b])

        if compute_cnt:
            for j in range(CPT // 16):
                cbuf[pl.ds(j * 16, 16)] = jnp.zeros((16,), jnp.float32)
            pltpu.sync_copy(cbuf, cnt.at[pl.ds(sid * CPT, CPT)])
            for j in range(K // 16):
                ones[pl.ds(j * 16, 16)] = jnp.ones((16,), jnp.float32)

        init_cp.wait()
        plsc.subcore_barrier()

        def issue_gather(g, b):
            pltpu.async_copy(h_hbm.at[sidx.at[pl.ds(g * K, K)]], rows.at[b],
                             sem_g[b])

        def step(g, j):
            b = j % NBUF
            d = j % NDX
            d4 = (j + 4) % NDX
            b1 = (j + NBUF - 1) % NBUF
            b2 = (j + 2) % NBUF
            pltpu.make_async_copy(h_hbm.at[sidx.at[pl.ds(g * K, K)]],
                                  rows.at[b], sem_g[b]).wait()
            pltpu.make_async_copy(dst_hbm.at[wid, g], didx.at[pl.ds(d, 1)],
                                  sem_d[d]).wait()
            pltpu.async_copy(rows.at[b], acc.at[didx.at[d]], sem_s[b],
                             add=True)
            if compute_cnt:
                @pl.when(g >= 2)
                def _():
                    pltpu.make_async_copy(ones, cnt.at[didx.at[d]],
                                          sem_c).wait()
                pltpu.async_copy(ones, cnt.at[didx.at[d]], sem_c, add=True)

            @pl.when(g + 4 < NB)
            def _():
                pltpu.async_copy(dst_hbm.at[wid, g + 4],
                                 didx.at[pl.ds(d4, 1)], sem_d[d4])

            @pl.when(g >= 1)
            def _():
                pltpu.make_async_copy(rows.at[b1], acc.at[didx.at[d]],
                                      sem_s[b1]).wait()

            @pl.when(g + 2 < NB)
            def _():
                issue_gather(g + 2, b2)

        def round_(q, _):
            for j in range(NDX):
                step(q * NDX + j, j)
            return 0

        lax.fori_loop(0, NQ, round_, 0)
        for r in range(NREM):
            step(NQ * NDX + r, r)

        pltpu.make_async_copy(rows.at[(NB - 1) % NBUF],
                              acc.at[didx.at[0]],
                              sem_s[(NB - 1) % NBUF]).wait()
        if compute_cnt:
            for _ in range(2):
                pltpu.make_async_copy(ones, cnt.at[didx.at[0]], sem_c).wait()

        plsc.subcore_barrier()

        pltpu.sync_copy(acc.at[pl.ds(r0, RPT)], p_hbm.at[cid, pl.ds(r0, RPT)])

        if compute_cnt:
            pltpu.sync_copy(cnt.at[pl.ds(sid * CPT, CPT)], cbuf)
            pltpu.sync_copy(cbuf, c_hbm.at[pl.ds(cid * NP + sid * CPT, CPT)])

    return pl.kernel(body, out_type=tuple(out_type), mesh=_mesh,
                     scratch_types=scratch)


_sc_layer_cnt = _make_sc_layer(True)
_sc_layer = _make_sc_layer(False)


_MMBLK = 1280


def _mm_body(x_ref, w_ref, b_ref, o_ref):
    o_ref[...] = lax.dot_general(
        x_ref[...], w_ref[...], (((1,), (1,)), ((), ())),
        preferred_element_type=jnp.float32) + b_ref[...]


_MMB2 = 1000


def _matmul(x, w, b2):
    return pl.pallas_call(
        _mm_body,
        grid=(N // _MMB2,),
        in_specs=[
            pl.BlockSpec((_MMB2, D), lambda i: (i, 0)),
            pl.BlockSpec((D, D), lambda i: (0, 0)),
            pl.BlockSpec((1, D), lambda i: (0, 0)),
        ],
        out_specs=pl.BlockSpec((_MMB2, D), lambda i: (i, 0)),
        out_shape=jax.ShapeDtypeStruct((NP, D), jnp.float32),
    )(x, w, b2)


def _comb_body(p_ref, h_ref, c_ref, o_ref):
    i = pl.program_id(0)
    c0 = c_ref[pl.ds(i * _MMBLK, _MMBLK)]
    c1 = c_ref[pl.ds(NP + i * _MMBLK, _MMBLK)]
    cnt = jnp.maximum(c0 + c1 + 1.0, 1.0)
    acc = p_ref[0] + p_ref[1] - h_ref[...]
    o_ref[...] = acc / cnt[:, None]


def _combine(p, h, c):
    return pl.pallas_call(
        _comb_body,
        grid=(NP // _MMBLK,),
        in_specs=[
            pl.BlockSpec((NC, _MMBLK, D), lambda i: (0, i, 0)),
            pl.BlockSpec((_MMBLK, D), lambda i: (i, 0)),
            pl.BlockSpec((NC * NP,), lambda i: (0,)),
        ],
        out_specs=pl.BlockSpec((_MMBLK, D), lambda i: (i, 0)),
        out_shape=jax.ShapeDtypeStruct((NP, D), jnp.float32),
    )(p, h, c)


def kernel(x, edge_index, W, b):
    dst = edge_index[0].reshape(NW, NB, 1, K)
    src = edge_index[1].reshape(NW, EPW)
    h0 = _matmul(x, W, b.reshape(1, D))
    p1, c = _sc_layer_cnt(h0, src, dst)
    h1 = _combine(p1, h0, c)
    (p2,) = _sc_layer(h1, src, dst)
    h2 = _combine(p2, h1, c)
    return h2[:N]

# --- scband reference (transcript-rebuilt; emitter-appended) ---
"""Pipeline reference for scband-decoupled-gcn-20675972563382 (READ-ONLY COPY).

The authoritative reference and input builder live on the scoring server;
editing this copy changes nothing except your own understanding.
"""

import jax, jax.numpy as jnp
import numpy as np

N_NODES = 10000
N_EDGES = 320000
D = 128
NUM_LAYERS = 2


def setup_inputs(seed: int = 0) -> dict:
    key = jax.random.key(seed)
    k1, k2, k3, k4 = jax.random.split(key, 4)
    x = jax.random.normal(k1, (N_NODES, D), dtype=jnp.float32)
    edge_index = jax.random.randint(k2, (2, N_EDGES), 0, N_NODES, dtype=jnp.int32)
    # PyG MLP with num_layers=1 is a single Linear(in_dim, out_dim)
    W = jax.random.normal(k3, (D, D), dtype=jnp.float32) * (1.0 / np.sqrt(D))
    b = jax.random.normal(k4, (D,), dtype=jnp.float32) * 0.01
    return {"x": x, "edge_index": edge_index, "W": W, "b": b}


def reference(x, edge_index, W, b):
    # MLP (single linear layer, dropout=0 is a no-op in eval)
    h = x @ W.T + b
    N = h.shape[0]
    # add_self_loops
    loops = jnp.arange(N, dtype=edge_index.dtype)
    ei = jnp.concatenate([edge_index, jnp.stack([loops, loops], axis=0)], axis=1)
    dst = ei[0]
    src = ei[1]
    # degree counts for 'mean' reduce (clamped to >=1, guaranteed by self loops)
    ones = jnp.ones((ei.shape[1],), dtype=h.dtype)
    cnt = jax.ops.segment_sum(ones, dst, num_segments=N)
    cnt = jnp.maximum(cnt, 1.0)[:, None]
    # num_layers-1 intermediate propagations + 1 final = NUM_LAYERS propagations
    for _ in range(NUM_LAYERS - 1):
        h = jax.ops.segment_sum(h[src], dst, num_segments=N) / cnt
    h = jax.ops.segment_sum(h[src], dst, num_segments=N) / cnt
    return h

if __name__ == "__main__":
    import jax
    _d = setup_inputs()
    print(jax.jit(kernel)(*tuple(_d.values())))

</pallas_src>

<mosaic_0001>
#map = affine_map<(d0, d1) -> (0, 0)>
#map1 = affine_map<(d0, d1) -> (0, 0, 0, 0)>
#map2 = affine_map<(d0, d1) -> (0, 0, 0)>
#map3 = affine_map<(d0, d1) -> (0)>
module attributes {stable_mosaic.version = 14 : i64} {
  func.func @body(%arg0: i32, %arg1: i32, %arg2: memref<10240x128xf32, #tpu.memory_space<hbm>>, %arg3: memref<32x10000xi32, #tpu.memory_space<hbm>>, %arg4: memref<32x125x1x80xi32, #tpu.memory_space<hbm>>, %arg5: memref<2x10240x128xf32, #tpu.memory_space<hbm>>, %arg6: memref<20480xf32, #tpu.memory_space<hbm>>, %arg7: memref<10240x128xf32, #tpu.memory_space<vmem_shared>>, %arg8: memref<10000xi32, #tpu.memory_space<vmem>>, %arg9: memref<6x80xi32, #tpu.memory_space<vmem>>, %arg10: memref<3x80x128xf32, #tpu.memory_space<vmem>>, %arg11: memref<!tpu.dma_semaphore, #tpu.memory_space<semaphore_mem>>, %arg12: memref<!tpu.dma_semaphore, #tpu.memory_space<semaphore_mem>>, %arg13: memref<!tpu.dma_semaphore, #tpu.memory_space<semaphore_mem>>, %arg14: memref<!tpu.dma_semaphore, #tpu.memory_space<semaphore_mem>>, %arg15: memref<!tpu.dma_semaphore, #tpu.memory_space<semaphore_mem>>, %arg16: memref<!tpu.dma_semaphore, #tpu.memory_space<semaphore_mem>>, %arg17: memref<!tpu.dma_semaphore, #tpu.memory_space<semaphore_mem>>, %arg18: memref<!tpu.dma_semaphore, #tpu.memory_space<semaphore_mem>>, %arg19: memref<!tpu.dma_semaphore, #tpu.memory_space<semaphore_mem>>, %arg20: memref<!tpu.dma_semaphore, #tpu.memory_space<semaphore_mem>>, %arg21: memref<!tpu.dma_semaphore, #tpu.memory_space<semaphore_mem>>, %arg22: memref<!tpu.dma_semaphore, #tpu.memory_space<semaphore_mem>>, %arg23: memref<!tpu.dma_semaphore, #tpu.memory_space<semaphore_mem>>, %arg24: memref<10240xf32, #tpu.memory_space<vmem_shared>>, %arg25: memref<80xf32, #tpu.memory_space<vmem>>, %arg26: memref<640xf32, #tpu.memory_space<vmem>>, %arg27: memref<!tpu.dma_semaphore, #tpu.memory_space<semaphore_mem>>) attributes {dimension_semantics = [#tpu.dimension_semantics<core_parallel>, #tpu.dimension_semantics<subcore_parallel>], iteration_bounds = array<i64: 2, 16>, scalar_prefetch = 0 : i64, scratch_operands = 21 : i64, tpu.core_type = #tpu.core_type<sc_vector_subcore>, window_params = [{transform_indices = #map}, {transform_indices = #map}, {transform_indices = #map1}, {transform_indices = #map2}, {transform_indices = #map3}]} {
    %mul3A = arith.constant 2 : i32
    %mul3A_0 = arith.muli %arg1, %mul3A : i32
    %add3A = arith.addi %mul3A_0, %arg0 : i32
    %mul3A_1 = arith.constant 640 : i32
    %mul3A_2 = arith.muli %arg1, %mul3A_1 : i32
    %dma_start3A = arith.constant 0 : i32
    %dma_start3A_3 = tpu.memref_slice %arg7[%mul3A_2, %dma_start3A] : memref<10240x128xf32, #tpu.memory_space<vmem_shared>> -> memref<640x128xf32, #tpu.memory_space<vmem_shared>>
    %dma_start3A_4 = arith.constant 0 : i32
    %dma_start3A_5 = tpu.memref_slice %arg2[%mul3A_2, %dma_start3A_4] : memref<10240x128xf32, #tpu.memory_space<hbm>> -> memref<640x128xf32, #tpu.memory_space<hbm>>
    tpu.enqueue_dma source(%dma_start3A_5 : memref<640x128xf32, #tpu.memory_space<hbm>>) target(%dma_start3A_3 : memref<640x128xf32, #tpu.memory_space<vmem_shared>>) target_semaphore(%arg11 : memref<!tpu.dma_semaphore, #tpu.memory_space<semaphore_mem>>)
    "tpu.region"() ({
      %run_scoped3A = tpu.sem_alloc : memref<!tpu.dma_semaphore, #tpu.memory_space<semaphore_mem>>
      %dma_start3A_747 = arith.constant 0 : i32
      %dma_start3A_748 = tpu.memref_slice %arg3[%add3A, %dma_start3A_747] : memref<32x10000xi32, #tpu.memory_space<hbm>> -> memref<1x10000xi32, #tpu.memory_space<hbm>>
      %dma_start3A_749 = tpu.memref_squeeze %dma_start3A_748 : memref<1x10000xi32, #tpu.memory_space<hbm>> -> memref<10000xi32, #tpu.memory_space<hbm>>
      %dma_start3A_750 = arith.constant 0 : i32
      %dma_start3A_751 = tpu.memref_slice %arg3[%add3A, %dma_start3A_750] : memref<32x10000xi32, #tpu.memory_space<hbm>> -> memref<1x10000xi32, #tpu.memory_space<hbm>>
      %dma_start3A_752 = tpu.memref_squeeze %dma_start3A_751 : memref<1x10000xi32, #tpu.memory_space<hbm>> -> memref<10000xi32, #tpu.memory_space<hbm>>
      tpu.enqueue_dma source(%dma_start3A_752 : memref<10000xi32, #tpu.memory_space<hbm>>) target(%arg8 : memref<10000xi32, #tpu.memory_space<vmem>>) target_semaphore(%run_scoped3A : memref<!tpu.dma_semaphore, #tpu.memory_space<semaphore_mem>>)
      %dma_wait3A_753 = arith.constant 0 : i32
      %dma_wait3A_754 = tpu.memref_slice %arg3[%add3A, %dma_wait3A_753] : memref<32x10000xi32, #tpu.memory_space<hbm>> -> memref<1x10000xi32, #tpu.memory_space<hbm>>
      %dma_wait3A_755 = tpu.memref_squeeze %dma_wait3A_754 : memref<1x10000xi32, #tpu.memory_space<hbm>> -> memref<10000xi32, #tpu.memory_space<hbm>>
      %dma_wait3A_756 = arith.constant 0 : i32
      %dma_wait3A_757 = tpu.memref_slice %arg3[%add3A, %dma_wait3A_756] : memref<32x10000xi32, #tpu.memory_space<hbm>> -> memref<1x10000xi32, #tpu.memory_space<hbm>>
      %dma_wait3A_758 = tpu.memref_squeeze %dma_wait3A_757 : memref<1x10000xi32, #tpu.memory_space<hbm>> -> memref<10000xi32, #tpu.memory_space<hbm>>
      tpu.wait_dma2 semaphore(%run_scoped3A : memref<!tpu.dma_semaphore, #tpu.memory_space<semaphore_mem>>) src(%dma_wait3A_758 : memref<10000xi32, #tpu.memory_space<hbm>>) dst(%arg8 : memref<10000xi32, #tpu.memory_space<vmem>>)
      tpu.yield
    }) : () -> ()
    %dma_start3A_6 = arith.constant 0 : i32
    %dma_start3A_7 = arith.constant 0 : i32
    %dma_start3A_8 = arith.constant 0 : i32
    %dma_start3A_9 = tpu.memref_slice %arg9[%dma_start3A_7, %dma_start3A_8] : memref<6x80xi32, #tpu.memory_space<vmem>> -> memref<1x80xi32, #tpu.memory_space<vmem>>
    %dma_start3A_10 = arith.constant 0 : i32
    %dma_start3A_11 = arith.constant 0 : i32
    %dma_start3A_12 = tpu.memref_slice %arg4[%add3A, %dma_start3A_6, %dma_start3A_10, %dma_start3A_11] : memref<32x125x1x80xi32, #tpu.memory_space<hbm>> -> memref<1x1x1x80xi32, #tpu.memory_space<hbm>>
    %dma_start3A_13 = tpu.memref_squeeze %dma_start3A_12 : memref<1x1x1x80xi32, #tpu.memory_space<hbm>> -> memref<1x80xi32, #tpu.memory_space<hbm>>
    %dma_start3A_14 = arith.constant 0 : i32
    %dma_start3A_15 = arith.constant 0 : i32
    %dma_start3A_16 = tpu.memref_slice %arg9[%dma_start3A_14, %dma_start3A_15] : memref<6x80xi32, #tpu.memory_space<vmem>> -> memref<1x80xi32, #tpu.memory_space<vmem>>
    %dma_start3A_17 = arith.constant 0 : i32
    %dma_start3A_18 = arith.constant 0 : i32
    %dma_start3A_19 = tpu.memref_slice %arg4[%add3A, %dma_start3A_6, %dma_start3A_17, %dma_start3A_18] : memref<32x125x1x80xi32, #tpu.memory_space<hbm>> -> memref<1x1x1x80xi32, #tpu.memory_space<hbm>>
    %dma_start3A_20 = tpu.memref_squeeze %dma_start3A_19 : memref<1x1x1x80xi32, #tpu.memory_space<hbm>> -> memref<1x80xi32, #tpu.memory_space<hbm>>
    tpu.enqueue_dma source(%dma_start3A_20 : memref<1x80xi32, #tpu.memory_space<hbm>>) target(%dma_start3A_16 : memref<1x80xi32, #tpu.memory_space<vmem>>) target_semaphore(%arg18 : memref<!tpu.dma_semaphore, #tpu.memory_space<semaphore_mem>>)
    %dma_start3A_21 = arith.constant 1 : i32
    %dma_start3A_22 = arith.constant 1 : i32
    %dma_start3A_23 = arith.constant 0 : i32
    %dma_start3A_24 = tpu.memref_slice %arg9[%dma_start3A_22, %dma_start3A_23] : memref<6x80xi32, #tpu.memory_space<vmem>> -> memref<1x80xi32, #tpu.memory_space<vmem>>
    %dma_start3A_25 = arith.constant 0 : i32
    %dma_start3A_26 = arith.constant 0 : i32
    %dma_start3A_27 = tpu.memref_slice %arg4[%add3A, %dma_start3A_21, %dma_start3A_25, %dma_start3A_26] : memref<32x125x1x80xi32, #tpu.memory_space<hbm>> -> memref<1x1x1x80xi32, #tpu.memory_space<hbm>>
    %dma_start3A_28 = tpu.memref_squeeze %dma_start3A_27 : memref<1x1x1x80xi32, #tpu.memory_space<hbm>> -> memref<1x80xi32, #tpu.memory_space<hbm>>
    %dma_start3A_29 = arith.constant 1 : i32
    %dma_start3A_30 = arith.constant 0 : i32
    %dma_start3A_31 = tpu.memref_slice %arg9[%dma_start3A_29, %dma_start3A_30] : memref<6x80xi32, #tpu.memory_space<vmem>> -> memref<1x80xi32, #tpu.memory_space<vmem>>
    %dma_start3A_32 = arith.constant 0 : i32
    %dma_start3A_33 = arith.constant 0 : i32
    %dma_start3A_34 = tpu.memref_slice %arg4[%add3A, %dma_start3A_21, %dma_start3A_32, %dma_start3A_33] : memref<32x125x1x80xi32, #tpu.memory_space<hbm>> -> memref<1x1x1x80xi32, #tpu.memory_space<hbm>>
    %dma_start3A_35 = tpu.memref_squeeze %dma_start3A_34 : memref<1x1x1x80xi32, #tpu.memory_space<hbm>> -> memref<1x80xi32, #tpu.memory_space<hbm>>
    tpu.enqueue_dma source(%dma_start3A_35 : memref<1x80xi32, #tpu.memory_space<hbm>>) target(%dma_start3A_31 : memref<1x80xi32, #tpu.memory_space<vmem>>) target_semaphore(%arg19 : memref<!tpu.dma_semaphore, #tpu.memory_space<semaphore_mem>>)
    %dma_start3A_36 = arith.constant 2 : i32
    %dma_start3A_37 = arith.constant 2 : i32
    %dma_start3A_38 = arith.constant 0 : i32
    %dma_start3A_39 = tpu.memref_slice %arg9[%dma_start3A_37, %dma_start3A_38] : memref<6x80xi32, #tpu.memory_space<vmem>> -> memref<1x80xi32, #tpu.memory_space<vmem>>
    %dma_start3A_40 = arith.constant 0 : i32
    %dma_start3A_41 = arith.constant 0 : i32
    %dma_start3A_42 = tpu.memref_slice %arg4[%add3A, %dma_start3A_36, %dma_start3A_40, %dma_start3A_41] : memref<32x125x1x80xi32, #tpu.memory_space<hbm>> -> memref<1x1x1x80xi32, #tpu.memory_space<hbm>>
    %dma_start3A_43 = tpu.memref_squeeze %dma_start3A_42 : memref<1x1x1x80xi32, #tpu.memory_space<hbm>> -> memref<1x80xi32, #tpu.memory_space<hbm>>
    %dma_start3A_44 = arith.constant 2 : i32
    %dma_start3A_45 = arith.constant 0 : i32
    %dma_start3A_46 = tpu.memref_slice %arg9[%dma_start3A_44, %dma_start3A_45] : memref<6x80xi32, #tpu.memory_space<vmem>> -> memref<1x80xi32, #tpu.memory_space<vmem>>
    %dma_start3A_47 = arith.constant 0 : i32
    %dma_start3A_48 = arith.constant 0 : i32
    %dma_start3A_49 = tpu.memref_slice %arg4[%add3A, %dma_start3A_36, %dma_start3A_47, %dma_start3A_48] : memref<32x125x1x80xi32, #tpu.memory_space<hbm>> -> memref<1x1x1x80xi32, #tpu.memory_space<hbm>>
    %dma_start3A_50 = tpu.memref_squeeze %dma_start3A_49 : memref<1x1x1x80xi32, #tpu.memory_space<hbm>> -> memref<1x80xi32, #tpu.memory_space<hbm>>
    tpu.enqueue_dma source(%dma_start3A_50 : memref<1x80xi32, #tpu.memory_space<hbm>>) target(%dma_start3A_46 : memref<1x80xi32, #tpu.memory_space<vmem>>) target_semaphore(%arg20 : memref<!tpu.dma_semaphore, #tpu.memory_space<semaphore_mem>>)
    %dma_start3A_51 = arith.constant 3 : i32
    %dma_start3A_52 = arith.constant 3 : i32
    %dma_start3A_53 = arith.constant 0 : i32
    %dma_start3A_54 = tpu.memref_slice %arg9[%dma_start3A_52, %dma_start3A_53] : memref<6x80xi32, #tpu.memory_space<vmem>> -> memref<1x80xi32, #tpu.memory_space<vmem>>
    %dma_start3A_55 = arith.constant 0 : i32
    %dma_start3A_56 = arith.constant 0 : i32
    %dma_start3A_57 = tpu.memref_slice %arg4[%add3A, %dma_start3A_51, %dma_start3A_55, %dma_start3A_56] : memref<32x125x1x80xi32, #tpu.memory_space<hbm>> -> memref<1x1x1x80xi32, #tpu.memory_space<hbm>>
    %dma_start3A_58 = tpu.memref_squeeze %dma_start3A_57 : memref<1x1x1x80xi32, #tpu.memory_space<hbm>> -> memref<1x80xi32, #tpu.memory_space<hbm>>
    %dma_start3A_59 = arith.constant 3 : i32
    %dma_start3A_60 = arith.constant 0 : i32
    %dma_start3A_61 = tpu.memref_slice %arg9[%dma_start3A_59, %dma_start3A_60] : memref<6x80xi32, #tpu.memory_space<vmem>> -> memref<1x80xi32, #tpu.memory_space<vmem>>
    %dma_start3A_62 = arith.constant 0 : i32
    %dma_start3A_63 = arith.constant 0 : i32
    %dma_start3A_64 = tpu.memref_slice %arg4[%add3A, %dma_start3A_51, %dma_start3A_62, %dma_start3A_63] : memref<32x125x1x80xi32, #tpu.memory_space<hbm>> -> memref<1x1x1x80xi32, #tpu.memory_space<hbm>>
    %dma_start3A_65 = tpu.memref_squeeze %dma_start3A_64 : memref<1x1x1x80xi32, #tpu.memory_space<hbm>> -> memref<1x80xi32, #tpu.memory_space<hbm>>
    tpu.enqueue_dma source(%dma_start3A_65 : memref<1x80xi32, #tpu.memory_space<hbm>>) target(%dma_start3A_61 : memref<1x80xi32, #tpu.memory_space<vmem>>) target_semaphore(%arg21 : memref<!tpu.dma_semaphore, #tpu.memory_space<semaphore_mem>>)
    %dma_start3A_66 = arith.constant 0 : i32
    %dma_start3A_67 = arith.constant 0 : i32
    %dma_start3A_68 = arith.constant 0 : i32
    %dma_start3A_69 = tpu.memref_slice %arg10[%dma_start3A_66, %dma_start3A_67, %dma_start3A_68] : memref<3x80x128xf32, #tpu.memory_space<vmem>> -> memref<1x80x128xf32, #tpu.memory_space<vmem>>
    %dma_start3A_70 = tpu.memref_squeeze %dma_start3A_69 : memref<1x80x128xf32, #tpu.memory_space<vmem>> -> memref<80x128xf32, #tpu.memory_space<vmem>>
    %dma_start3A_71 = arith.constant 0 : i32
    %dma_start3A_72 = tpu.memref_slice %arg8[%dma_start3A_71] : memref<10000xi32, #tpu.memory_space<vmem>> -> memref<80xi32, #tpu.memory_space<vmem>>
    %dma_start3A_73 = arith.constant 0 : i32
    %dma_start3A_74 = arith.constant 0 : i32
    %dma_start3A_75 = tpu.memref_slice %arg2[%dma_start3A_73, %dma_start3A_74] : memref<10240x128xf32, #tpu.memory_space<hbm>> -> memref<10240x128xf32, #tpu.memory_space<hbm>>
    tpu.enqueue_indirect_dma source(%dma_start3A_75 : memref<10240x128xf32, #tpu.memory_space<hbm>>) target(%dma_start3A_70 : memref<80x128xf32, #tpu.memory_space<vmem>>) offsets(%dma_start3A_72 : memref<80xi32, #tpu.memory_space<vmem>>) semaphore(%arg12 : memref<!tpu.dma_semaphore, #tpu.memory_space<semaphore_mem>>)
    %dma_start3A_76 = arith.constant 1 : i32
    %dma_start3A_77 = arith.constant 0 : i32
    %dma_start3A_78 = arith.constant 0 : i32
    %dma_start3A_79 = tpu.memref_slice %arg10[%dma_start3A_76, %dma_start3A_77, %dma_start3A_78] : memref<3x80x128xf32, #tpu.memory_space<vmem>> -> memref<1x80x128xf32, #tpu.memory_space<vmem>>
    %dma_start3A_80 = tpu.memref_squeeze %dma_start3A_79 : memref<1x80x128xf32, #tpu.memory_space<vmem>> -> memref<80x128xf32, #tpu.memory_space<vmem>>
    %dma_start3A_81 = arith.constant 80 : i32
    %dma_start3A_82 = tpu.memref_slice %arg8[%dma_start3A_81] : memref<10000xi32, #tpu.memory_space<vmem>> -> memref<80xi32, #tpu.memory_space<vmem>>
    %dma_start3A_83 = arith.constant 0 : i32
    %dma_start3A_84 = arith.constant 0 : i32
    %dma_start3A_85 = tpu.memref_slice %arg2[%dma_start3A_83, %dma_start3A_84] : memref<10240x128xf32, #tpu.memory_space<hbm>> -> memref<10240x128xf32, #tpu.memory_space<hbm>>
    tpu.enqueue_indirect_dma source(%dma_start3A_85 : memref<10240x128xf32, #tpu.memory_space<hbm>>) target(%dma_start3A_80 : memref<80x128xf32, #tpu.memory_space<vmem>>) offsets(%dma_start3A_82 : memref<80xi32, #tpu.memory_space<vmem>>) semaphore(%arg13 : memref<!tpu.dma_semaphore, #tpu.memory_space<semaphore_mem>>)
    %broadcast_in_dim3A = arith.constant 0.000000e+00 : f32
    %broadcast_in_dim3A_86 = vector.broadcast %broadcast_in_dim3A : f32 to vector<16xf32>
    %swap3A = arith.constant 0 : index
    %swap3A_87 = tpu.vector_load %arg26[%swap3A] {strides = array<i32>} : memref<640xf32, #tpu.memory_space<vmem>>, vector<16xf32>,
    %swap3A_88 = vector.shape_cast %swap3A_87 : vector<16xf32> to vector<16xf32>
    %swap3A_89 = vector.shape_cast %broadcast_in_dim3A_86 : vector<16xf32> to vector<16xf32>
    tpu.vector_store %arg26[%swap3A], %swap3A_89 {strides = array<i32>} : memref<640xf32, #tpu.memory_space<vmem>>, vector<16xf32>,
    %broadcast_in_dim3A_90 = arith.constant 0.000000e+00 : f32
    %broadcast_in_dim3A_91 = vector.broadcast %broadcast_in_dim3A_90 : f32 to vector<16xf32>
    %swap3A_92 = arith.constant 16 : index
    %swap3A_93 = tpu.vector_load %arg26[%swap3A_92] {strides = array<i32>} : memref<640xf32, #tpu.memory_space<vmem>>, vector<16xf32>,
    %swap3A_94 = vector.shape_cast %swap3A_93 : vector<16xf32> to vector<16xf32>
    %swap3A_95 = vector.shape_cast %broadcast_in_dim3A_91 : vector<16xf32> to vector<16xf32>
    tpu.vector_store %arg26[%swap3A_92], %swap3A_95 {strides = array<i32>} : memref<640xf32, #tpu.memory_space<vmem>>, vector<16xf32>,
    %broadcast_in_dim3A_96 = arith.constant 0.000000e+00 : f32
    %broadcast_in_dim3A_97 = vector.broadcast %broadcast_in_dim3A_96 : f32 to vector<16xf32>
    %swap3A_98 = arith.constant 32 : index
    %swap3A_99 = tpu.vector_load %arg26[%swap3A_98] {strides = array<i32>} : memref<640xf32, #tpu.memory_space<vmem>>, vector<16xf32>,
    %swap3A_100 = vector.shape_cast %swap3A_99 : vector<16xf32> to vector<16xf32>
    %swap3A_101 = vector.shape_cast %broadcast_in_dim3A_97 : vector<16xf32> to vector<16xf32>
    tpu.vector_store %arg26[%swap3A_98], %swap3A_101 {strides = array<i32>} : memref<640xf32, #tpu.memory_space<vmem>>, vector<16xf32>,
    %broadcast_in_dim3A_102 = arith.constant 0.000000e+00 : f32
    %broadcast_in_dim3A_103 = vector.broadcast %broadcast_in_dim3A_102 : f32 to vector<16xf32>
    %swap3A_104 = arith.constant 48 : index
    %swap3A_105 = tpu.vector_load %arg26[%swap3A_104] {strides = array<i32>} : memref<640xf32, #tpu.memory_space<vmem>>, vector<16xf32>,
    %swap3A_106 = vector.shape_cast %swap3A_105 : vector<16xf32> to vector<16xf32>
    %swap3A_107 = vector.shape_cast %broadcast_in_dim3A_103 : vector<16xf32> to vector<16xf32>
    tpu.vector_store %arg26[%swap3A_104], %swap3A_107 {strides = array<i32>} : memref<640xf32, #tpu.memory_space<vmem>>, vector<16xf32>,
    %broadcast_in_dim3A_108 = arith.constant 0.000000e+00 : f32
    %broadcast_in_dim3A_109 = vector.broadcast %broadcast_in_dim3A_108 : f32 to vector<16xf32>
    %swap3A_110 = arith.constant 64 : index
    %swap3A_111 = tpu.vector_load %arg26[%swap3A_110] {strides = array<i32>} : memref<640xf32, #tpu.memory_space<vmem>>, vector<16xf32>,
    %swap3A_112 = vector.shape_cast %swap3A_111 : vector<16xf32> to vector<16xf32>
    %swap3A_113 = vector.shape_cast %broadcast_in_dim3A_109 : vector<16xf32> to vector<16xf32>
    tpu.vector_store %arg26[%swap3A_110], %swap3A_113 {strides = array<i32>} : memref<640xf32, #tpu.memory_space<vmem>>, vector<16xf32>,
    %broadcast_in_dim3A_114 = arith.constant 0.000000e+00 : f32
    %broadcast_in_dim3A_115 = vector.broadcast %broadcast_in_dim3A_114 : f32 to vector<16xf32>
    %swap3A_116 = arith.constant 80 : index
    %swap3A_117 = tpu.vector_load %arg26[%swap3A_116] {strides = array<i32>} : memref<640xf32, #tpu.memory_space<vmem>>, vector<16xf32>,
    %swap3A_118 = vector.shape_cast %swap3A_117 : vector<16xf32> to vector<16xf32>
    %swap3A_119 = vector.shape_cast %broadcast_in_dim3A_115 : vector<16xf32> to vector<16xf32>
    tpu.vector_store %arg26[%swap3A_116], %swap3A_119 {strides = array<i32>} : memref<640xf32, #tpu.memory_space<vmem>>, vector<16xf32>,
    %broadcast_in_dim3A_120 = arith.constant 0.000000e+00 : f32
    %broadcast_in_dim3A_121 = vector.broadcast %broadcast_in_dim3A_120 : f32 to vector<16xf32>
    %swap3A_122 = arith.constant 96 : index
    %swap3A_123 = tpu.vector_load %arg26[%swap3A_122] {strides = array<i32>} : memref<640xf32, #tpu.memory_space<vmem>>, vector<16xf32>,
    %swap3A_124 = vector.shape_cast %swap3A_123 : vector<16xf32> to vector<16xf32>
    %swap3A_125 = vector.shape_cast %broadcast_in_dim3A_121 : vector<16xf32> to vector<16xf32>
    tpu.vector_store %arg26[%swap3A_122], %swap3A_125 {strides = array<i32>} : memref<640xf32, #tpu.memory_space<vmem>>, vector<16xf32>,
    %broadcast_in_dim3A_126 = arith.constant 0.000000e+00 : f32
    %broadcast_in_dim3A_127 = vector.broadcast %broadcast_in_dim3A_126 : f32 to vector<16xf32>
    %swap3A_128 = arith.constant 112 : index
    %swap3A_129 = tpu.vector_load %arg26[%swap3A_128] {strides = array<i32>} : memref<640xf32, #tpu.memory_space<vmem>>, vector<16xf32>,
    %swap3A_130 = vector.shape_cast %swap3A_129 : vector<16xf32> to vector<16xf32>
    %swap3A_131 = vector.shape_cast %broadcast_in_dim3A_127 : vector<16xf32> to vector<16xf32>
    tpu.vector_store %arg26[%swap3A_128], %swap3A_131 {strides = array<i32>} : memref<640xf32, #tpu.memory_space<vmem>>, vector<16xf32>,
    %broadcast_in_dim3A_132 = arith.constant 0.000000e+00 : f32
    %broadcast_in_dim3A_133 = vector.broadcast %broadcast_in_dim3A_132 : f32 to vector<16xf32>
    %swap3A_134 = arith.constant 128 : index
    %swap3A_135 = tpu.vector_load %arg26[%swap3A_134] {strides = array<i32>} : memref<640xf32, #tpu.memory_space<vmem>>, vector<16xf32>,
    %swap3A_136 = vector.shape_cast %swap3A_135 : vector<16xf32> to vector<16xf32>
    %swap3A_137 = vector.shape_cast %broadcast_in_dim3A_133 : vector<16xf32> to vector<16xf32>
    tpu.vector_store %arg26[%swap3A_134], %swap3A_137 {strides = array<i32>} : memref<640xf32, #tpu.memory_space<vmem>>, vector<16xf32>,
    %broadcast_in_dim3A_138 = arith.constant 0.000000e+00 : f32
    %broadcast_in_dim3A_139 = vector.broadcast %broadcast_in_dim3A_138 : f32 to vector<16xf32>
    %swap3A_140 = arith.constant 144 : index
    %swap3A_141 = tpu.vector_load %arg26[%swap3A_140] {strides = array<i32>} : memref<640xf32, #tpu.memory_space<vmem>>, vector<16xf32>,
    %swap3A_142 = vector.shape_cast %swap3A_141 : vector<16xf32> to vector<16xf32>
    %swap3A_143 = vector.shape_cast %broadcast_in_dim3A_139 : vector<16xf32> to vector<16xf32>
    tpu.vector_store %arg26[%swap3A_140], %swap3A_143 {strides = array<i32>} : memref<640xf32, #tpu.memory_space<vmem>>, vector<16xf32>,
    %broadcast_in_dim3A_144 = arith.constant 0.000000e+00 : f32
    %broadcast_in_dim3A_145 = vector.broadcast %broadcast_in_dim3A_144 : f32 to vector<16xf32>
    %swap3A_146 = arith.constant 160 : index
    %swap3A_147 = tpu.vector_load %arg26[%swap3A_146] {strides = array<i32>} : memref<640xf32, #tpu.memory_space<vmem>>, vector<16xf32>,
    %swap3A_148 = vector.shape_cast %swap3A_147 : vector<16xf32> to vector<16xf32>
    %swap3A_149 = vector.shape_cast %broadcast_in_dim3A_145 : vector<16xf32> to vector<16xf32>
    tpu.vector_store %arg26[%swap3A_146], %swap3A_149 {strides = array<i32>} : memref<640xf32, #tpu.memory_space<vmem>>, vector<16xf32>,
    %broadcast_in_dim3A_150 = arith.constant 0.000000e+00 : f32
    %broadcast_in_dim3A_151 = vector.broadcast %broadcast_in_dim3A_150 : f32 to vector<16xf32>
    %swap3A_152 = arith.constant 176 : index
    %swap3A_153 = tpu.vector_load %arg26[%swap3A_152] {strides = array<i32>} : memref<640xf32, #tpu.memory_space<vmem>>, vector<16xf32>,
    %swap3A_154 = vector.shape_cast %swap3A_153 : vector<16xf32> to vector<16xf32>
    %swap3A_155 = vector.shape_cast %broadcast_in_dim3A_151 : vector<16xf32> to vector<16xf32>
    tpu.vector_store %arg26[%swap3A_152], %swap3A_155 {strides = array<i32>} : memref<640xf32, #tpu.memory_space<vmem>>, vector<16xf32>,
    %broadcast_in_dim3A_156 = arith.constant 0.000000e+00 : f32
    %broadcast_in_dim3A_157 = vector.broadcast %broadcast_in_dim3A_156 : f32 to vector<16xf32>
    %swap3A_158 = arith.constant 192 : index
    %swap3A_159 = tpu.vector_load %arg26[%swap3A_158] {strides = array<i32>} : memref<640xf32, #tpu.memory_space<vmem>>, vector<16xf32>,
    %swap3A_160 = vector.shape_cast %swap3A_159 : vector<16xf32> to vector<16xf32>
    %swap3A_161 = vector.shape_cast %broadcast_in_dim3A_157 : vector<16xf32> to vector<16xf32>
    tpu.vector_store %arg26[%swap3A_158], %swap3A_161 {strides = array<i32>} : memref<640xf32, #tpu.memory_space<vmem>>, vector<16xf32>,
    %broadcast_in_dim3A_162 = arith.constant 0.000000e+00 : f32
    %broadcast_in_dim3A_163 = vector.broadcast %broadcast_in_dim3A_162 : f32 to vector<16xf32>
    %swap3A_164 = arith.constant 208 : index
    %swap3A_165 = tpu.vector_load %arg26[%swap3A_164] {strides = array<i32>} : memref<640xf32, #tpu.memory_space<vmem>>, vector<16xf32>,
    %swap3A_166 = vector.shape_cast %swap3A_165 : vector<16xf32> to vector<16xf32>
    %swap3A_167 = vector.shape_cast %broadcast_in_dim3A_163 : vector<16xf32> to vector<16xf32>
    tpu.vector_store %arg26[%swap3A_164], %swap3A_167 {strides = array<i32>} : memref<640xf32, #tpu.memory_space<vmem>>, vector<16xf32>,
    %broadcast_in_dim3A_168 = arith.constant 0.000000e+00 : f32
    %broadcast_in_dim3A_169 = vector.broadcast %broadcast_in_dim3A_168 : f32 to vector<16xf32>
    %swap3A_170 = arith.constant 224 : index
    %swap3A_171 = tpu.vector_load %arg26[%swap3A_170] {strides = array<i32>} : memref<640xf32, #tpu.memory_space<vmem>>, vector<16xf32>,
    %swap3A_172 = vector.shape_cast %swap3A_171 : vector<16xf32> to vector<16xf32>
    %swap3A_173 = vector.shape_cast %broadcast_in_dim3A_169 : vector<16xf32> to vector<16xf32>
    tpu.vector_store %arg26[%swap3A_170], %swap3A_173 {strides = array<i32>} : memref<640xf32, #tpu.memory_space<vmem>>, vector<16xf32>,
    %broadcast_in_dim3A_174 = arith.constant 0.000000e+00 : f32
    %broadcast_in_dim3A_175 = vector.broadcast %broadcast_in_dim3A_174 : f32 to vector<16xf32>
    %swap3A_176 = arith.constant 240 : index
    %swap3A_177 = tpu.vector_load %arg26[%swap3A_176] {strides = array<i32>} : memref<640xf32, #tpu.memory_space<vmem>>, vector<16xf32>,
    %swap3A_178 = vector.shape_cast %swap3A_177 : vector<16xf32> to vector<16xf32>
    %swap3A_179 = vector.shape_cast %broadcast_in_dim3A_175 : vector<16xf32> to vector<16xf32>
    tpu.vector_store %arg26[%swap3A_176], %swap3A_179 {strides = array<i32>} : memref<640xf32, #tpu.memory_space<vmem>>, vector<16xf32>,
    %broadcast_in_dim3A_180 = arith.constant 0.000000e+00 : f32
    %broadcast_in_dim3A_181 = vector.broadcast %broadcast_in_dim3A_180 : f32 to vector<16xf32>
    %swap3A_182 = arith.constant 256 : index
    %swap3A_183 = tpu.vector_load %arg26[%swap3A_182] {strides = array<i32>} : memref<640xf32, #tpu.memory_space<vmem>>, vector<16xf32>,
    %swap3A_184 = vector.shape_cast %swap3A_183 : vector<16xf32> to vector<16xf32>
    %swap3A_185 = vector.shape_cast %broadcast_in_dim3A_181 : vector<16xf32> to vector<16xf32>
    tpu.vector_store %arg26[%swap3A_182], %swap3A_185 {strides = array<i32>} : memref<640xf32, #tpu.memory_space<vmem>>, vector<16xf32>,
    %broadcast_in_dim3A_186 = arith.constant 0.000000e+00 : f32
    %broadcast_in_dim3A_187 = vector.broadcast %broadcast_in_dim3A_186 : f32 to vector<16xf32>
    %swap3A_188 = arith.constant 272 : index
    %swap3A_189 = tpu.vector_load %arg26[%swap3A_188] {strides = array<i32>} : memref<640xf32, #tpu.memory_space<vmem>>, vector<16xf32>,
    %swap3A_190 = vector.shape_cast %swap3A_189 : vector<16xf32> to vector<16xf32>
    %swap3A_191 = vector.shape_cast %broadcast_in_dim3A_187 : vector<16xf32> to vector<16xf32>
    tpu.vector_store %arg26[%swap3A_188], %swap3A_191 {strides = array<i32>} : memref<640xf32, #tpu.memory_space<vmem>>, vector<16xf32>,
    %broadcast_in_dim3A_192 = arith.constant 0.000000e+00 : f32
    %broadcast_in_dim3A_193 = vector.broadcast %broadcast_in_dim3A_192 : f32 to vector<16xf32>
    %swap3A_194 = arith.constant 288 : index
    %swap3A_195 = tpu.vector_load %arg26[%swap3A_194] {strides = array<i32>} : memref<640xf32, #tpu.memory_space<vmem>>, vector<16xf32>,
    %swap3A_196 = vector.shape_cast %swap3A_195 : vector<16xf32> to vector<16xf32>
    %swap3A_197 = vector.shape_cast %broadcast_in_dim3A_193 : vector<16xf32> to vector<16xf32>
    tpu.vector_store %arg26[%swap3A_194], %swap3A_197 {strides = array<i32>} : memref<640xf32, #tpu.memory_space<vmem>>, vector<16xf32>,
    %broadcast_in_dim3A_198 = arith.constant 0.000000e+00 : f32
    %broadcast_in_dim3A_199 = vector.broadcast %broadcast_in_dim3A_198 : f32 to vector<16xf32>
    %swap3A_200 = arith.constant 304 : index
    %swap3A_201 = tpu.vector_load %arg26[%swap3A_200] {strides = array<i32>} : memref<640xf32, #tpu.memory_space<vmem>>, vector<16xf32>,
    %swap3A_202 = vector.shape_cast %swap3A_201 : vector<16xf32> to vector<16xf32>
    %swap3A_203 = vector.shape_cast %broadcast_in_dim3A_199 : vector<16xf32> to vector<16xf32>
    tpu.vector_store %arg26[%swap3A_200], %swap3A_203 {strides = array<i32>} : memref<640xf32, #tpu.memory_space<vmem>>, vector<16xf32>,
    %broadcast_in_dim3A_204 = arith.constant 0.000000e+00 : f32
    %broadcast_in_dim3A_205 = vector.broadcast %broadcast_in_dim3A_204 : f32 to vector<16xf32>
    %swap3A_206 = arith.constant 320 : index
    %swap3A_207 = tpu.vector_load %arg26[%swap3A_206] {strides = array<i32>} : memref<640xf32, #tpu.memory_space<vmem>>, vector<16xf32>,
    %swap3A_208 = vector.shape_cast %swap3A_207 : vector<16xf32> to vector<16xf32>
    %swap3A_209 = vector.shape_cast %broadcast_in_dim3A_205 : vector<16xf32> to vector<16xf32>
    tpu.vector_store %arg26[%swap3A_206], %swap3A_209 {strides = array<i32>} : memref<640xf32, #tpu.memory_space<vmem>>, vector<16xf32>,
    %broadcast_in_dim3A_210 = arith.constant 0.000000e+00 : f32
    %broadcast_in_dim3A_211 = vector.broadcast %broadcast_in_dim3A_210 : f32 to vector<16xf32>
    %swap3A_212 = arith.constant 336 : index
    %swap3A_213 = tpu.vector_load %arg26[%swap3A_212] {strides = array<i32>} : memref<640xf32, #tpu.memory_space<vmem>>, vector<16xf32>,
    %swap3A_214 = vector.shape_cast %swap3A_213 : vector<16xf32> to vector<16xf32>
    %swap3A_215 = vector.shape_cast %broadcast_in_dim3A_211 : vector<16xf32> to vector<16xf32>
    tpu.vector_store %arg26[%swap3A_212], %swap3A_215 {strides = array<i32>} : memref<640xf32, #tpu.memory_space<vmem>>, vector<16xf32>,
    %broadcast_in_dim3A_216 = arith.constant 0.000000e+00 : f32
    %broadcast_in_dim3A_217 = vector.broadcast %broadcast_in_dim3A_216 : f32 to vector<16xf32>
    %swap3A_218 = arith.constant 352 : index
    %swap3A_219 = tpu.vector_load %arg26[%swap3A_218] {strides = array<i32>} : memref<640xf32, #tpu.memory_space<vmem>>, vector<16xf32>,
    %swap3A_220 = vector.shape_cast %swap3A_219 : vector<16xf32> to vector<16xf32>
    %swap3A_221 = vector.shape_cast %broadcast_in_dim3A_217 : vector<16xf32> to vector<16xf32>
    tpu.vector_store %arg26[%swap3A_218], %swap3A_221 {strides = array<i32>} : memref<640xf32, #tpu.memory_space<vmem>>, vector<16xf32>,
    %broadcast_in_dim3A_222 = arith.constant 0.000000e+00 : f32
    %broadcast_in_dim3A_223 = vector.broadcast %broadcast_in_dim3A_222 : f32 to vector<16xf32>
    %swap3A_224 = arith.constant 368 : index
    %swap3A_225 = tpu.vector_load %arg26[%swap3A_224] {strides = array<i32>} : memref<640xf32, #tpu.memory_space<vmem>>, vector<16xf32>,
    %swap3A_226 = vector.shape_cast %swap3A_225 : vector<16xf32> to vector<16xf32>
    %swap3A_227 = vector.shape_cast %broadcast_in_dim3A_223 : vector<16xf32> to vector<16xf32>
    tpu.vector_store %arg26[%swap3A_224], %swap3A_227 {strides = array<i32>} : memref<640xf32, #tpu.memory_space<vmem>>, vector<16xf32>,
    %broadcast_in_dim3A_228 = arith.constant 0.000000e+00 : f32
    %broadcast_in_dim3A_229 = vector.broadcast %broadcast_in_dim3A_228 : f32 to vector<16xf32>
    %swap3A_230 = arith.constant 384 : index
    %swap3A_231 = tpu.vector_load %arg26[%swap3A_230] {strides = array<i32>} : memref<640xf32, #tpu.memory_space<vmem>>, vector<16xf32>,
    %swap3A_232 = vector.shape_cast %swap3A_231 : vector<16xf32> to vector<16xf32>
    %swap3A_233 = vector.shape_cast %broadcast_in_dim3A_229 : vector<16xf32> to vector<16xf32>
    tpu.vector_store %arg26[%swap3A_230], %swap3A_233 {strides = array<i32>} : memref<640xf32, #tpu.memory_space<vmem>>, vector<16xf32>,
    %broadcast_in_dim3A_234 = arith.constant 0.000000e+00 : f32
    %broadcast_in_dim3A_235 = vector.broadcast %broadcast_in_dim3A_234 : f32 to vector<16xf32>
    %swap3A_236 = arith.constant 400 : index
    %swap3A_237 = tpu.vector_load %arg26[%swap3A_236] {strides = array<i32>} : memref<640xf32, #tpu.memory_space<vmem>>, vector<16xf32>,
    %swap3A_238 = vector.shape_cast %swap3A_237 : vector<16xf32> to vector<16xf32>
    %swap3A_239 = vector.shape_cast %broadcast_in_dim3A_235 : vector<16xf32> to vector<16xf32>
    tpu.vector_store %arg26[%swap3A_236], %swap3A_239 {strides = array<i32>} : memref<640xf32, #tpu.memory_space<vmem>>, vector<16xf32>,
    %broadcast_in_dim3A_240 = arith.constant 0.000000e+00 : f32
    %broadcast_in_dim3A_241 = vector.broadcast %broadcast_in_dim3A_240 : f32 to vector<16xf32>
    %swap3A_242 = arith.constant 416 : index
    %swap3A_243 = tpu.vector_load %arg26[%swap3A_242] {strides = array<i32>} : memref<640xf32, #tpu.memory_space<vmem>>, vector<16xf32>,
    %swap3A_244 = vector.shape_cast %swap3A_243 : vector<16xf32> to vector<16xf32>
    %swap3A_245 = vector.shape_cast %broadcast_in_dim3A_241 : vector<16xf32> to vector<16xf32>
    tpu.vector_store %arg26[%swap3A_242], %swap3A_245 {strides = array<i32>} : memref<640xf32, #tpu.memory_space<vmem>>, vector<16xf32>,
    %broadcast_in_dim3A_246 = arith.constant 0.000000e+00 : f32
    %broadcast_in_dim3A_247 = vector.broadcast %broadcast_in_dim3A_246 : f32 to vector<16xf32>
    %swap3A_248 = arith.constant 432 : index
    %swap3A_249 = tpu.vector_load %arg26[%swap3A_248] {strides = array<i32>} : memref<640xf32, #tpu.memory_space<vmem>>, vector<16xf32>,
    %swap3A_250 = vector.shape_cast %swap3A_249 : vector<16xf32> to vector<16xf32>
    %swap3A_251 = vector.shape_cast %broadcast_in_dim3A_247 : vector<16xf32> to vector<16xf32>
    tpu.vector_store %arg26[%swap3A_248], %swap3A_251 {strides = array<i32>} : memref<640xf32, #tpu.memory_space<vmem>>, vector<16xf32>,
    %broadcast_in_dim3A_252 = arith.constant 0.000000e+00 : f32
    %broadcast_in_dim3A_253 = vector.broadcast %broadcast_in_dim3A_252 : f32 to vector<16xf32>
    %swap3A_254 = arith.constant 448 : index
    %swap3A_255 = tpu.vector_load %arg26[%swap3A_254] {strides = array<i32>} : memref<640xf32, #tpu.memory_space<vmem>>, vector<16xf32>,
    %swap3A_256 = vector.shape_cast %swap3A_255 : vector<16xf32> to vector<16xf32>
    %swap3A_257 = vector.shape_cast %broadcast_in_dim3A_253 : vector<16xf32> to vector<16xf32>
    tpu.vector_store %arg26[%swap3A_254], %swap3A_257 {strides = array<i32>} : memref<640xf32, #tpu.memory_space<vmem>>, vector<16xf32>,
    %broadcast_in_dim3A_258 = arith.constant 0.000000e+00 : f32
    %broadcast_in_dim3A_259 = vector.broadcast %broadcast_in_dim3A_258 : f32 to vector<16xf32>
    %swap3A_260 = arith.constant 464 : index
    %swap3A_261 = tpu.vector_load %arg26[%swap3A_260] {strides = array<i32>} : memref<640xf32, #tpu.memory_space<vmem>>, vector<16xf32>,
    %swap3A_262 = vector.shape_cast %swap3A_261 : vector<16xf32> to vector<16xf32>
    %swap3A_263 = vector.shape_cast %broadcast_in_dim3A_259 : vector<16xf32> to vector<16xf32>
    tpu.vector_store %arg26[%swap3A_260], %swap3A_263 {strides = array<i32>} : memref<640xf32, #tpu.memory_space<vmem>>, vector<16xf32>,
    %broadcast_in_dim3A_264 = arith.constant 0.000000e+00 : f32
    %broadcast_in_dim3A_265 = vector.broadcast %broadcast_in_dim3A_264 : f32 to vector<16xf32>
    %swap3A_266 = arith.constant 480 : index
    %swap3A_267 = tpu.vector_load %arg26[%swap3A_266] {strides = array<i32>} : memref<640xf32, #tpu.memory_space<vmem>>, vector<16xf32>,
    %swap3A_268 = vector.shape_cast %swap3A_267 : vector<16xf32> to vector<16xf32>
    %swap3A_269 = vector.shape_cast %broadcast_in_dim3A_265 : vector<16xf32> to vector<16xf32>
    tpu.vector_store %arg26[%swap3A_266], %swap3A_269 {strides = array<i32>} : memref<640xf32, #tpu.memory_space<vmem>>, vector<16xf32>,
    %broadcast_in_dim3A_270 = arith.constant 0.000000e+00 : f32
    %broadcast_in_dim3A_271 = vector.broadcast %broadcast_in_dim3A_270 : f32 to vector<16xf32>
    %swap3A_272 = arith.constant 496 : index
    %swap3A_273 = tpu.vector_load %arg26[%swap3A_272] {strides = array<i32>} : memref<640xf32, #tpu.memory_space<vmem>>, vector<16xf32>,
    %swap3A_274 = vector.shape_cast %swap3A_273 : vector<16xf32> to vector<16xf32>
    %swap3A_275 = vector.shape_cast %broadcast_in_dim3A_271 : vector<16xf32> to vector<16xf32>
    tpu.vector_store %arg26[%swap3A_272], %swap3A_275 {strides = array<i32>} : memref<640xf32, #tpu.memory_space<vmem>>, vector<16xf32>,
    %broadcast_in_dim3A_276 = arith.constant 0.000000e+00 : f32
    %broadcast_in_dim3A_277 = vector.broadcast %broadcast_in_dim3A_276 : f32 to vector<16xf32>
    %swap3A_278 = arith.constant 512 : index
    %swap3A_279 = tpu.vector_load %arg26[%swap3A_278] {strides = array<i32>} : memref<640xf32, #tpu.memory_space<vmem>>, vector<16xf32>,
    %swap3A_280 = vector.shape_cast %swap3A_279 : vector<16xf32> to vector<16xf32>
    %swap3A_281 = vector.shape_cast %broadcast_in_dim3A_277 : vector<16xf32> to vector<16xf32>
    tpu.vector_store %arg26[%swap3A_278], %swap3A_281 {strides = array<i32>} : memref<640xf32, #tpu.memory_space<vmem>>, vector<16xf32>,
    %broadcast_in_dim3A_282 = arith.constant 0.000000e+00 : f32
    %broadcast_in_dim3A_283 = vector.broadcast %broadcast_in_dim3A_282 : f32 to vector<16xf32>
    %swap3A_284 = arith.constant 528 : index
    %swap3A_285 = tpu.vector_load %arg26[%swap3A_284] {strides = array<i32>} : memref<640xf32, #tpu.memory_space<vmem>>, vector<16xf32>,
    %swap3A_286 = vector.shape_cast %swap3A_285 : vector<16xf32> to vector<16xf32>
    %swap3A_287 = vector.shape_cast %broadcast_in_dim3A_283 : vector<16xf32> to vector<16xf32>
    tpu.vector_store %arg26[%swap3A_284], %swap3A_287 {strides = array<i32>} : memref<640xf32, #tpu.memory_space<vmem>>, vector<16xf32>,
    %broadcast_in_dim3A_288 = arith.constant 0.000000e+00 : f32
    %broadcast_in_dim3A_289 = vector.broadcast %broadcast_in_dim3A_288 : f32 to vector<16xf32>
    %swap3A_290 = arith.constant 544 : index
    %swap3A_291 = tpu.vector_load %arg26[%swap3A_290] {strides = array<i32>} : memref<640xf32, #tpu.memory_space<vmem>>, vector<16xf32>,
    %swap3A_292 = vector.shape_cast %swap3A_291 : vector<16xf32> to vector<16xf32>
    %swap3A_293 = vector.shape_cast %broadcast_in_dim3A_289 : vector<16xf32> to vector<16xf32>
    tpu.vector_store %arg26[%swap3A_290], %swap3A_293 {strides = array<i32>} : memref<640xf32, #tpu.memory_space<vmem>>, vector<16xf32>,
    %broadcast_in_dim3A_294 = arith.constant 0.000000e+00 : f32
    %broadcast_in_dim3A_295 = vector.broadcast %broadcast_in_dim3A_294 : f32 to vector<16xf32>
    %swap3A_296 = arith.constant 560 : index
    %swap3A_297 = tpu.vector_load %arg26[%swap3A_296] {strides = array<i32>} : memref<640xf32, #tpu.memory_space<vmem>>, vector<16xf32>,
    %swap3A_298 = vector.shape_cast %swap3A_297 : vector<16xf32> to vector<16xf32>
    %swap3A_299 = vector.shape_cast %broadcast_in_dim3A_295 : vector<16xf32> to vector<16xf32>
    tpu.vector_store %arg26[%swap3A_296], %swap3A_299 {strides = array<i32>} : memref<640xf32, #tpu.memory_space<vmem>>, vector<16xf32>,
    %broadcast_in_dim3A_300 = arith.constant 0.000000e+00 : f32
    %broadcast_in_dim3A_301 = vector.broadcast %broadcast_in_dim3A_300 : f32 to vector<16xf32>
    %swap3A_302 = arith.constant 576 : index
    %swap3A_303 = tpu.vector_load %arg26[%swap3A_302] {strides = array<i32>} : memref<640xf32, #tpu.memory_space<vmem>>, vector<16xf32>,
    %swap3A_304 = vector.shape_cast %swap3A_303 : vector<16xf32> to vector<16xf32>
    %swap3A_305 = vector.shape_cast %broadcast_in_dim3A_301 : vector<16xf32> to vector<16xf32>
    tpu.vector_store %arg26[%swap3A_302], %swap3A_305 {strides = array<i32>} : memref<640xf32, #tpu.memory_space<vmem>>, vector<16xf32>,
    %broadcast_in_dim3A_306 = arith.constant 0.000000e+00 : f32
    %broadcast_in_dim3A_307 = vector.broadcast %broadcast_in_dim3A_306 : f32 to vector<16xf32>
    %swap3A_308 = arith.constant 592 : index
    %swap3A_309 = tpu.vector_load %arg26[%swap3A_308] {strides = array<i32>} : memref<640xf32, #tpu.memory_space<vmem>>, vector<16xf32>,
    %swap3A_310 = vector.shape_cast %swap3A_309 : vector<16xf32> to vector<16xf32>
    %swap3A_311 = vector.shape_cast %broadcast_in_dim3A_307 : vector<16xf32> to vector<16xf32>
    tpu.vector_store %arg26[%swap3A_308], %swap3A_311 {strides = array<i32>} : memref<640xf32, #tpu.memory_space<vmem>>, vector<16xf32>,
    %broadcast_in_dim3A_312 = arith.constant 0.000000e+00 : f32
    %broadcast_in_dim3A_313 = vector.broadcast %broadcast_in_dim3A_312 : f32 to vector<16xf32>
    %swap3A_314 = arith.constant 608 : index
    %swap3A_315 = tpu.vector_load %arg26[%swap3A_314] {strides = array<i32>} : memref<640xf32, #tpu.memory_space<vmem>>, vector<16xf32>,
    %swap3A_316 = vector.shape_cast %swap3A_315 : vector<16xf32> to vector<16xf32>
    %swap3A_317 = vector.shape_cast %broadcast_in_dim3A_313 : vector<16xf32> to vector<16xf32>
    tpu.vector_store %arg26[%swap3A_314], %swap3A_317 {strides = array<i32>} : memref<640xf32, #tpu.memory_space<vmem>>, vector<16xf32>,
    %broadcast_in_dim3A_318 = arith.constant 0.000000e+00 : f32
    %broadcast_in_dim3A_319 = vector.broadcast %broadcast_in_dim3A_318 : f32 to vector<16xf32>
    %swap3A_320 = arith.constant 624 : index
    %swap3A_321 = tpu.vector_load %arg26[%swap3A_320] {strides = array<i32>} : memref<640xf32, #tpu.memory_space<vmem>>, vector<16xf32>,
    %swap3A_322 = vector.shape_cast %swap3A_321 : vector<16xf32> to vector<16xf32>
    %swap3A_323 = vector.shape_cast %broadcast_in_dim3A_319 : vector<16xf32> to vector<16xf32>
    tpu.vector_store %arg26[%swap3A_320], %swap3A_323 {strides = array<i32>} : memref<640xf32, #tpu.memory_space<vmem>>, vector<16xf32>,
    %mul3A_324 = arith.constant 640 : i32
    %mul3A_325 = arith.muli %arg1, %mul3A_324 : i32
    "tpu.region"() ({
      %run_scoped3A = tpu.sem_alloc : memref<!tpu.dma_semaphore, #tpu.memory_space<semaphore_mem>>
      %dma_start3A_747 = tpu.memref_slice %arg24[%mul3A_325] : memref<10240xf32, #tpu.memory_space<vmem_shared>> -> memref<640xf32, #tpu.memory_space<vmem_shared>>
      %dma_start3A_748 = tpu.memref_slice %arg24[%mul3A_325] : memref<10240xf32, #tpu.memory_space<vmem_shared>> -> memref<640xf32, #tpu.memory_space<vmem_shared>>
      tpu.enqueue_dma source(%arg26 : memref<640xf32, #tpu.memory_space<vmem>>) target(%dma_start3A_748 : memref<640xf32, #tpu.memory_space<vmem_shared>>) target_semaphore(%run_scoped3A : memref<!tpu.dma_semaphore, #tpu.memory_space<semaphore_mem>>)
      %dma_wait3A_749 = tpu.memref_slice %arg24[%mul3A_325] : memref<10240xf32, #tpu.memory_space<vmem_shared>> -> memref<640xf32, #tpu.memory_space<vmem_shared>>
      %dma_wait3A_750 = tpu.memref_slice %arg24[%mul3A_325] : memref<10240xf32, #tpu.memory_space<vmem_shared>> -> memref<640xf32, #tpu.memory_space<vmem_shared>>
      tpu.wait_dma2 semaphore(%run_scoped3A : memref<!tpu.dma_semaphore, #tpu.memory_space<semaphore_mem>>) src(%arg26 : memref<640xf32, #tpu.memory_space<vmem>>) dst(%dma_wait3A_750 : memref<640xf32, #tpu.memory_space<vmem_shared>>)
      tpu.yield
    }) : () -> ()
    %broadcast_in_dim3A_326 = arith.constant 1.000000e+00 : f32
    %broadcast_in_dim3A_327 = vector.broadcast %broadcast_in_dim3A_326 : f32 to vector<16xf32>
    %swap3A_328 = arith.constant 0 : index
    %swap3A_329 = tpu.vector_load %arg25[%swap3A_328] {strides = array<i32>} : memref<80xf32, #tpu.memory_space<vmem>>, vector<16xf32>,
    %swap3A_330 = vector.shape_cast %swap3A_329 : vector<16xf32> to vector<16xf32>
    %swap3A_331 = vector.shape_cast %broadcast_in_dim3A_327 : vector<16xf32> to vector<16xf32>
    tpu.vector_store %arg25[%swap3A_328], %swap3A_331 {strides = array<i32>} : memref<80xf32, #tpu.memory_space<vmem>>, vector<16xf32>,
    %broadcast_in_dim3A_332 = arith.constant 1.000000e+00 : f32
    %broadcast_in_dim3A_333 = vector.broadcast %broadcast_in_dim3A_332 : f32 to vector<16xf32>
    %swap3A_334 = arith.constant 16 : index
    %swap3A_335 = tpu.vector_load %arg25[%swap3A_334] {strides = array<i32>} : memref<80xf32, #tpu.memory_space<vmem>>, vector<16xf32>,
    %swap3A_336 = vector.shape_cast %swap3A_335 : vector<16xf32> to vector<16xf32>
    %swap3A_337 = vector.shape_cast %broadcast_in_dim3A_333 : vector<16xf32> to vector<16xf32>
    tpu.vector_store %arg25[%swap3A_334], %swap3A_337 {strides = array<i32>} : memref<80xf32, #tpu.memory_space<vmem>>, vector<16xf32>,
    %broadcast_in_dim3A_338 = arith.constant 1.000000e+00 : f32
    %broadcast_in_dim3A_339 = vector.broadcast %broadcast_in_dim3A_338 : f32 to vector<16xf32>
    %swap3A_340 = arith.constant 32 : index
    %swap3A_341 = tpu.vector_load %arg25[%swap3A_340] {strides = array<i32>} : memref<80xf32, #tpu.memory_space<vmem>>, vector<16xf32>,
    %swap3A_342 = vector.shape_cast %swap3A_341 : vector<16xf32> to vector<16xf32>
    %swap3A_343 = vector.shape_cast %broadcast_in_dim3A_339 : vector<16xf32> to vector<16xf32>
    tpu.vector_store %arg25[%swap3A_340], %swap3A_343 {strides = array<i32>} : memref<80xf32, #tpu.memory_space<vmem>>, vector<16xf32>,
    %broadcast_in_dim3A_344 = arith.constant 1.000000e+00 : f32
    %broadcast_in_dim3A_345 = vector.broadcast %broadcast_in_dim3A_344 : f32 to vector<16xf32>
    %swap3A_346 = arith.constant 48 : index
    %swap3A_347 = tpu.vector_load %arg25[%swap3A_346] {strides = array<i32>} : memref<80xf32, #tpu.memory_space<vmem>>, vector<16xf32>,
    %swap3A_348 = vector.shape_cast %swap3A_347 : vector<16xf32> to vector<16xf32>
    %swap3A_349 = vector.shape_cast %broadcast_in_dim3A_345 : vector<16xf32> to vector<16xf32>
    tpu.vector_store %arg25[%swap3A_346], %swap3A_349 {strides = array<i32>} : memref<80xf32, #tpu.memory_space<vmem>>, vector<16xf32>,
    %broadcast_in_dim3A_350 = arith.constant 1.000000e+00 : f32
    %broadcast_in_dim3A_351 = vector.broadcast %broadcast_in_dim3A_350 : f32 to vector<16xf32>
    %swap3A_352 = arith.constant 64 : index
    %swap3A_353 = tpu.vector_load %arg25[%swap3A_352] {strides = array<i32>} : memref<80xf32, #tpu.memory_space<vmem>>, vector<16xf32>,
    %swap3A_354 = vector.shape_cast %swap3A_353 : vector<16xf32> to vector<16xf32>
    %swap3A_355 = vector.shape_cast %broadcast_in_dim3A_351 : vector<16xf32> to vector<16xf32>
    tpu.vector_store %arg25[%swap3A_352], %swap3A_355 {strides = array<i32>} : memref<80xf32, #tpu.memory_space<vmem>>, vector<16xf32>,
    %dma_wait3A = arith.constant 0 : i32
    %dma_wait3A_356 = tpu.memref_slice %arg7[%mul3A_2, %dma_wait3A] : memref<10240x128xf32, #tpu.memory_space<vmem_shared>> -> memref<640x128xf32, #tpu.memory_space<vmem_shared>>
    %dma_wait3A_357 = arith.constant 0 : i32
    %dma_wait3A_358 = tpu.memref_slice %arg2[%mul3A_2, %dma_wait3A_357] : memref<10240x128xf32, #tpu.memory_space<hbm>> -> memref<640x128xf32, #tpu.memory_space<hbm>>
    tpu.wait_dma2 semaphore(%arg11 : memref<!tpu.dma_semaphore, #tpu.memory_space<semaphore_mem>>) src(%dma_wait3A_358 : memref<640x128xf32, #tpu.memory_space<hbm>>) dst(%dma_wait3A_356 : memref<640x128xf32, #tpu.memory_space<vmem_shared>>)
    %barrier3A = arith.constant 0 : index
    tpu.barrier barrier_id(%barrier3A)
    %scan3A = arith.constant 0 : i32
    %scan3A_359 = arith.constant 0 : i32
    %scan3A_360 = arith.constant 20 : i32
    %scan3A_361 = arith.addi %scan3A_359, %scan3A_360 : i32
    %scan3A_362 = arith.constant 1 : i32
    %scan3A_363 = scf.for %scan3A_747 = %scan3A_359 to %scan3A_361 step %scan3A_362 iter_args(%scan3A_748 = %scan3A) -> (i32)  : i32 {
      %mul3A_749 = arith.constant 6 : i32
      %mul3A_750 = arith.muli %scan3A_747, %mul3A_749 : i32
      %add3A_751 = arith.constant 0 : i32
      %add3A_752 = arith.addi %mul3A_750, %add3A_751 : i32
      %mul3A_753 = arith.constant 80 : i32
      %mul3A_754 = arith.muli %add3A_752, %mul3A_753 : i32
      %dma_wait3A_755 = arith.constant 0 : i32
      %dma_wait3A_756 = arith.constant 0 : i32
      %dma_wait3A_757 = arith.constant 0 : i32
      %dma_wait3A_758 = tpu.memref_slice %arg10[%dma_wait3A_755, %dma_wait3A_756, %dma_wait3A_757] : memref<3x80x128xf32, #tpu.memory_space<vmem>> -> memref<1x80x128xf32, #tpu.memory_space<vmem>>
      %dma_wait3A_759 = tpu.memref_squeeze %dma_wait3A_758 : memref<1x80x128xf32, #tpu.memory_space<vmem>> -> memref<80x128xf32, #tpu.memory_space<vmem>>
      %dma_wait3A_760 = tpu.memref_slice %arg8[%mul3A_754] : memref<10000xi32, #tpu.memory_space<vmem>> -> memref<80xi32, #tpu.memory_space<vmem>>
      %dma_wait3A_761 = arith.constant 0 : i32
      %dma_wait3A_762 = arith.constant 0 : i32
      %dma_wait3A_763 = tpu.memref_slice %arg2[%dma_wait3A_761, %dma_wait3A_762] : memref<10240x128xf32, #tpu.memory_space<hbm>> -> memref<10240x128xf32, #tpu.memory_space<hbm>>
      tpu.wait_indirect_dma semaphore(%arg12 : memref<!tpu.dma_semaphore, #tpu.memory_space<semaphore_mem>>) src(%dma_wait3A_763 : memref<10240x128xf32, #tpu.memory_space<hbm>>) dst(%dma_wait3A_759 : memref<80x128xf32, #tpu.memory_space<vmem>>)
      %dma_wait3A_764 = arith.constant 0 : i32
      %dma_wait3A_765 = arith.constant 0 : i32
      %dma_wait3A_766 = tpu.memref_slice %arg9[%dma_wait3A_764, %dma_wait3A_765] : memref<6x80xi32, #tpu.memory_space<vmem>> -> memref<1x80xi32, #tpu.memory_space<vmem>>
      %dma_wait3A_767 = arith.constant 0 : i32
      %dma_wait3A_768 = arith.constant 0 : i32
      %dma_wait3A_769 = tpu.memref_slice %arg4[%add3A, %add3A_752, %dma_wait3A_767, %dma_wait3A_768] : memref<32x125x1x80xi32, #tpu.memory_space<hbm>> -> memref<1x1x1x80xi32, #tpu.memory_space<hbm>>
      %dma_wait3A_770 = tpu.memref_squeeze %dma_wait3A_769 : memref<1x1x1x80xi32, #tpu.memory_space<hbm>> -> memref<1x80xi32, #tpu.memory_space<hbm>>
      %dma_wait3A_771 = arith.constant 0 : i32
      %dma_wait3A_772 = arith.constant 0 : i32
      %dma_wait3A_773 = tpu.memref_slice %arg9[%dma_wait3A_771, %dma_wait3A_772] : memref<6x80xi32, #tpu.memory_space<vmem>> -> memref<1x80xi32, #tpu.memory_space<vmem>>
      %dma_wait3A_774 = arith.constant 0 : i32
      %dma_wait3A_775 = arith.constant 0 : i32
      %dma_wait3A_776 = tpu.memref_slice %arg4[%add3A, %add3A_752, %dma_wait3A_774, %dma_wait3A_775] : memref<32x125x1x80xi32, #tpu.memory_space<hbm>> -> memref<1x1x1x80xi32, #tpu.memory_space<hbm>>
      %dma_wait3A_777 = tpu.memref_squeeze %dma_wait3A_776 : memref<1x1x1x80xi32, #tpu.memory_space<hbm>> -> memref<1x80xi32, #tpu.memory_space<hbm>>
      tpu.wait_dma2 semaphore(%arg18 : memref<!tpu.dma_semaphore, #tpu.memory_space<semaphore_mem>>) src(%dma_wait3A_777 : memref<1x80xi32, #tpu.memory_space<hbm>>) dst(%dma_wait3A_773 : memref<1x80xi32, #tpu.memory_space<vmem>>)
      %dma_start3A_778 = arith.constant 0 : i32
      %dma_start3A_779 = arith.constant 0 : i32
      %dma_start3A_780 = arith.constant 0 : i32
      %dma_start3A_781 = arith.constant 0 : i32
      %dma_start3A_782 = tpu.memref_slice %arg10[%dma_start3A_778, %dma_start3A_780, %dma_start3A_781] : memref<3x80x128xf32, #tpu.memory_space<vmem>> -> memref<1x80x128xf32, #tpu.memory_space<vmem>>
      %dma_start3A_783 = tpu.memref_squeeze %dma_start3A_782 : memref<1x80x128xf32, #tpu.memory_space<vmem>> -> memref<80x128xf32, #tpu.memory_space<vmem>>
      %dma_start3A_784 = arith.constant 0 : i32
      %dma_start3A_785 = tpu.memref_slice %arg9[%dma_start3A_779, %dma_start3A_784] : memref<6x80xi32, #tpu.memory_space<vmem>> -> memref<1x80xi32, #tpu.memory_space<vmem>>
      %dma_start3A_786 = tpu.memref_squeeze %dma_start3A_785 : memref<1x80xi32, #tpu.memory_space<vmem>> -> memref<80xi32, #tpu.memory_space<vmem>>
      %dma_start3A_787 = arith.constant 0 : i32
      %dma_start3A_788 = arith.constant 0 : i32
      %dma_start3A_789 = tpu.memref_slice %arg7[%dma_start3A_787, %dma_start3A_788] : memref<10240x128xf32, #tpu.memory_space<vmem_shared>> -> memref<10240x128xf32, #tpu.memory_space<vmem_shared>>
      tpu.enqueue_indirect_dma source(%dma_start3A_783 : memref<80x128xf32, #tpu.memory_space<vmem>>) target(%dma_start3A_789 : memref<10240x128xf32, #tpu.memory_space<vmem_shared>>) offsets(%dma_start3A_786 : memref<80xi32, #tpu.memory_space<vmem>>) semaphore(%arg15 : memref<!tpu.dma_semaphore, #tpu.memory_space<semaphore_mem>>) {add = true}
      %ge3A = arith.constant 2 : i32
      %ge3A_790 = arith.cmpi sge, %add3A_752, %ge3A : i32
      %convert_element_type3A = arith.extui %ge3A_790 : i1 to i32
      %cond3A = arith.constant 0 : i32
      %cond3A_791 = arith.cmpi ne, %convert_element_type3A, %cond3A : i32
      scf.if %cond3A_791 {
        %dma_wait3A_1172 = arith.constant 0 : i32
        %dma_wait3A_1173 = arith.constant 0 : i32
        %dma_wait3A_1174 = tpu.memref_slice %arg9[%dma_wait3A_1172, %dma_wait3A_1173] : memref<6x80xi32, #tpu.memory_space<vmem>> -> memref<1x80xi32, #tpu.memory_space<vmem>>
        %dma_wait3A_1175 = tpu.memref_squeeze %dma_wait3A_1174 : memref<1x80xi32, #tpu.memory_space<vmem>> -> memref<80xi32, #tpu.memory_space<vmem>>
        %dma_wait3A_1176 = arith.constant 0 : i32
        %dma_wait3A_1177 = tpu.memref_slice %arg24[%dma_wait3A_1176] : memref<10240xf32, #tpu.memory_space<vmem_shared>> -> memref<10240xf32, #tpu.memory_space<vmem_shared>>
        tpu.wait_indirect_dma semaphore(%arg27 : memref<!tpu.dma_semaphore, #tpu.memory_space<semaphore_mem>>) src(%arg25 : memref<80xf32, #tpu.memory_space<vmem>>) dst(%dma_wait3A_1177 : memref<10240xf32, #tpu.memory_space<vmem_shared>>)
      } else {
      }
      %dma_start3A_792 = arith.constant 0 : i32
      %dma_start3A_793 = arith.constant 0 : i32
      %dma_start3A_794 = tpu.memref_slice %arg9[%dma_start3A_792, %dma_start3A_793] : memref<6x80xi32, #tpu.memory_space<vmem>> -> memref<1x80xi32, #tpu.memory_space<vmem>>
      %dma_start3A_795 = tpu.memref_squeeze %dma_start3A_794 : memref<1x80xi32, #tpu.memory_space<vmem>> -> memref<80xi32, #tpu.memory_space<vmem>>
      %dma_start3A_796 = arith.constant 0 : i32
      %dma_start3A_797 = tpu.memref_slice %arg24[%dma_start3A_796] : memref<10240xf32, #tpu.memory_space<vmem_shared>> -> memref<10240xf32, #tpu.memory_space<vmem_shared>>
      tpu.enqueue_indirect_dma source(%arg25 : memref<80xf32, #tpu.memory_space<vmem>>) target(%dma_start3A_797 : memref<10240xf32, #tpu.memory_space<vmem_shared>>) offsets(%dma_start3A_795 : memref<80xi32, #tpu.memory_space<vmem>>) semaphore(%arg27 : memref<!tpu.dma_semaphore, #tpu.memory_space<semaphore_mem>>) {add = true}
      %add3A_798 = arith.constant 4 : i32
      %add3A_799 = arith.addi %add3A_752, %add3A_798 : i32
      %lt3A = arith.constant 125 : i32
      %lt3A_800 = arith.cmpi slt, %add3A_799, %lt3A : i32
      %convert_element_type3A_801 = arith.extui %lt3A_800 : i1 to i32
      %cond3A_802 = arith.constant 0 : i32
      %cond3A_803 = arith.cmpi ne, %convert_element_type3A_801, %cond3A_802 : i32
      scf.if %cond3A_803 {
        %add3A_1172 = arith.constant 4 : i32
        %add3A_1173 = arith.addi %add3A_752, %add3A_1172 : i32
        %dma_start3A_1174 = arith.constant 4 : i32
        %dma_start3A_1175 = arith.constant 0 : i32
        %dma_start3A_1176 = tpu.memref_slice %arg9[%dma_start3A_1174, %dma_start3A_1175] : memref<6x80xi32, #tpu.memory_space<vmem>> -> memref<1x80xi32, #tpu.memory_space<vmem>>
        %dma_start3A_1177 = arith.constant 0 : i32
        %dma_start3A_1178 = arith.constant 0 : i32
        %dma_start3A_1179 = tpu.memref_slice %arg4[%add3A, %add3A_1173, %dma_start3A_1177, %dma_start3A_1178] : memref<32x125x1x80xi32, #tpu.memory_space<hbm>> -> memref<1x1x1x80xi32, #tpu.memory_space<hbm>>
        %dma_start3A_1180 = tpu.memref_squeeze %dma_start3A_1179 : memref<1x1x1x80xi32, #tpu.memory_space<hbm>> -> memref<1x80xi32, #tpu.memory_space<hbm>>
        %dma_start3A_1181 = arith.constant 4 : i32
        %dma_start3A_1182 = arith.constant 0 : i32
        %dma_start3A_1183 = tpu.memref_slice %arg9[%dma_start3A_1181, %dma_start3A_1182] : memref<6x80xi32, #tpu.memory_space<vmem>> -> memref<1x80xi32, #tpu.memory_space<vmem>>
        %dma_start3A_1184 = arith.constant 0 : i32
        %dma_start3A_1185 = arith.constant 0 : i32
        %dma_start3A_1186 = tpu.memref_slice %arg4[%add3A, %add3A_1173, %dma_start3A_1184, %dma_start3A_1185] : memref<32x125x1x80xi32, #tpu.memory_space<hbm>> -> memref<1x1x1x80xi32, #tpu.memory_space<hbm>>
        %dma_start3A_1187 = tpu.memref_squeeze %dma_start3A_1186 : memref<1x1x1x80xi32, #tpu.memory_space<hbm>> -> memref<1x80xi32, #tpu.memory_space<hbm>>
        tpu.enqueue_dma source(%dma_start3A_1187 : memref<1x80xi32, #tpu.memory_space<hbm>>) target(%dma_start3A_1183 : memref<1x80xi32, #tpu.memory_space<vmem>>) target_semaphore(%arg22 : memref<!tpu.dma_semaphore, #tpu.memory_space<semaphore_mem>>)
      } else {
      }
      %ge3A_804 = arith.constant 1 : i32
      %ge3A_805 = arith.cmpi sge, %add3A_752, %ge3A_804 : i32
      %convert_element_type3A_806 = arith.extui %ge3A_805 : i1 to i32
      %cond3A_807 = arith.constant 0 : i32
      %cond3A_808 = arith.cmpi ne, %convert_element_type3A_806, %cond3A_807 : i32
      scf.if %cond3A_808 {
        %dma_wait3A_1172 = arith.constant 2 : i32
        %dma_wait3A_1173 = arith.constant 0 : i32
        %dma_wait3A_1174 = arith.constant 0 : i32
        %dma_wait3A_1175 = arith.constant 0 : i32
        %dma_wait3A_1176 = tpu.memref_slice %arg10[%dma_wait3A_1172, %dma_wait3A_1174, %dma_wait3A_1175] : memref<3x80x128xf32, #tpu.memory_space<vmem>> -> memref<1x80x128xf32, #tpu.memory_space<vmem>>
        %dma_wait3A_1177 = tpu.memref_squeeze %dma_wait3A_1176 : memref<1x80x128xf32, #tpu.memory_space<vmem>> -> memref<80x128xf32, #tpu.memory_space<vmem>>
        %dma_wait3A_1178 = arith.constant 0 : i32
        %dma_wait3A_1179 = tpu.memref_slice %arg9[%dma_wait3A_1173, %dma_wait3A_1178] : memref<6x80xi32, #tpu.memory_space<vmem>> -> memref<1x80xi32, #tpu.memory_space<vmem>>
        %dma_wait3A_1180 = tpu.memref_squeeze %dma_wait3A_1179 : memref<1x80xi32, #tpu.memory_space<vmem>> -> memref<80xi32, #tpu.memory_space<vmem>>
        %dma_wait3A_1181 = arith.constant 0 : i32
        %dma_wait3A_1182 = arith.constant 0 : i32
        %dma_wait3A_1183 = tpu.memref_slice %arg7[%dma_wait3A_1181, %dma_wait3A_1182] : memref<10240x128xf32, #tpu.memory_space<vmem_shared>> -> memref<10240x128xf32, #tpu.memory_space<vmem_shared>>
        tpu.wait_indirect_dma semaphore(%arg17 : memref<!tpu.dma_semaphore, #tpu.memory_space<semaphore_mem>>) src(%dma_wait3A_1177 : memref<80x128xf32, #tpu.memory_space<vmem>>) dst(%dma_wait3A_1183 : memref<10240x128xf32, #tpu.memory_space<vmem_shared>>)
      } else {
      }
      %add3A_809 = arith.constant 2 : i32
      %add3A_810 = arith.addi %add3A_752, %add3A_809 : i32
      %lt3A_811 = arith.constant 125 : i32
      %lt3A_812 = arith.cmpi slt, %add3A_810, %lt3A_811 : i32
      %convert_element_type3A_813 = arith.extui %lt3A_812 : i1 to i32
      %cond3A_814 = arith.constant 0 : i32
      %cond3A_815 = arith.cmpi ne, %convert_element_type3A_813, %cond3A_814 : i32
      scf.if %cond3A_815 {
        %add3A_1172 = arith.constant 2 : i32
        %add3A_1173 = arith.addi %add3A_752, %add3A_1172 : i32
        %mul3A_1174 = arith.constant 80 : i32
        %mul3A_1175 = arith.muli %add3A_1173, %mul3A_1174 : i32
        %dma_start3A_1176 = arith.constant 2 : i32
        %dma_start3A_1177 = arith.constant 0 : i32
        %dma_start3A_1178 = arith.constant 0 : i32
        %dma_start3A_1179 = tpu.memref_slice %arg10[%dma_start3A_1176, %dma_start3A_1177, %dma_start3A_1178] : memref<3x80x128xf32, #tpu.memory_space<vmem>> -> memref<1x80x128xf32, #tpu.memory_space<vmem>>
        %dma_start3A_1180 = tpu.memref_squeeze %dma_start3A_1179 : memref<1x80x128xf32, #tpu.memory_space<vmem>> -> memref<80x128xf32, #tpu.memory_space<vmem>>
        %dma_start3A_1181 = tpu.memref_slice %arg8[%mul3A_1175] : memref<10000xi32, #tpu.memory_space<vmem>> -> memref<80xi32, #tpu.memory_space<vmem>>
        %dma_start3A_1182 = arith.constant 0 : i32
        %dma_start3A_1183 = arith.constant 0 : i32
        %dma_start3A_1184 = tpu.memref_slice %arg2[%dma_start3A_1182, %dma_start3A_1183] : memref<10240x128xf32, #tpu.memory_space<hbm>> -> memref<10240x128xf32, #tpu.memory_space<hbm>>
        tpu.enqueue_indirect_dma source(%dma_start3A_1184 : memref<10240x128xf32, #tpu.memory_space<hbm>>) target(%dma_start3A_1180 : memref<80x128xf32, #tpu.memory_space<vmem>>) offsets(%dma_start3A_1181 : memref<80xi32, #tpu.memory_space<vmem>>) semaphore(%arg14 : memref<!tpu.dma_semaphore, #tpu.memory_space<semaphore_mem>>)
      } else {
      }
      %mul3A_816 = arith.constant 6 : i32
      %mul3A_817 = arith.muli %scan3A_747, %mul3A_816 : i32
      %add3A_818 = arith.constant 1 : i32
      %add3A_819 = arith.addi %mul3A_817, %add3A_818 : i32
      %mul3A_820 = arith.constant 80 : i32
      %mul3A_821 = arith.muli %add3A_819, %mul3A_820 : i32
      %dma_wait3A_822 = arith.constant 1 : i32
      %dma_wait3A_823 = arith.constant 0 : i32
      %dma_wait3A_824 = arith.constant 0 : i32
      %dma_wait3A_825 = tpu.memref_slice %arg10[%dma_wait3A_822, %dma_wait3A_823, %dma_wait3A_824] : memref<3x80x128xf32, #tpu.memory_space<vmem>> -> memref<1x80x128xf32, #tpu.memory_space<vmem>>
      %dma_wait3A_826 = tpu.memref_squeeze %dma_wait3A_825 : memref<1x80x128xf32, #tpu.memory_space<vmem>> -> memref<80x128xf32, #tpu.memory_space<vmem>>
      %dma_wait3A_827 = tpu.memref_slice %arg8[%mul3A_821] : memref<10000xi32, #tpu.memory_space<vmem>> -> memref<80xi32, #tpu.memory_space<vmem>>
      %dma_wait3A_828 = arith.constant 0 : i32
      %dma_wait3A_829 = arith.constant 0 : i32
      %dma_wait3A_830 = tpu.memref_slice %arg2[%dma_wait3A_828, %dma_wait3A_829] : memref<10240x128xf32, #tpu.memory_space<hbm>> -> memref<10240x128xf32, #tpu.memory_space<hbm>>
      tpu.wait_indirect_dma semaphore(%arg13 : memref<!tpu.dma_semaphore, #tpu.memory_space<semaphore_mem>>) src(%dma_wait3A_830 : memref<10240x128xf32, #tpu.memory_space<hbm>>) dst(%dma_wait3A_826 : memref<80x128xf32, #tpu.memory_space<vmem>>)
      %dma_wait3A_831 = arith.constant 1 : i32
      %dma_wait3A_832 = arith.constant 0 : i32
      %dma_wait3A_833 = tpu.memref_slice %arg9[%dma_wait3A_831, %dma_wait3A_832] : memref<6x80xi32, #tpu.memory_space<vmem>> -> memref<1x80xi32, #tpu.memory_space<vmem>>
      %dma_wait3A_834 = arith.constant 0 : i32
      %dma_wait3A_835 = arith.constant 0 : i32
      %dma_wait3A_836 = tpu.memref_slice %arg4[%add3A, %add3A_819, %dma_wait3A_834, %dma_wait3A_835] : memref<32x125x1x80xi32, #tpu.memory_space<hbm>> -> memref<1x1x1x80xi32, #tpu.memory_space<hbm>>
      %dma_wait3A_837 = tpu.memref_squeeze %dma_wait3A_836 : memref<1x1x1x80xi32, #tpu.memory_space<hbm>> -> memref<1x80xi32, #tpu.memory_space<hbm>>
      %dma_wait3A_838 = arith.constant 1 : i32
      %dma_wait3A_839 = arith.constant 0 : i32
      %dma_wait3A_840 = tpu.memref_slice %arg9[%dma_wait3A_838, %dma_wait3A_839] : memref<6x80xi32, #tpu.memory_space<vmem>> -> memref<1x80xi32, #tpu.memory_space<vmem>>
      %dma_wait3A_841 = arith.constant 0 : i32
      %dma_wait3A_842 = arith.constant 0 : i32
      %dma_wait3A_843 = tpu.memref_slice %arg4[%add3A, %add3A_819, %dma_wait3A_841, %dma_wait3A_842] : memref<32x125x1x80xi32, #tpu.memory_space<hbm>> -> memref<1x1x1x80xi32, #tpu.memory_space<hbm>>
      %dma_wait3A_844 = tpu.memref_squeeze %dma_wait3A_843 : memref<1x1x1x80xi32, #tpu.memory_space<hbm>> -> memref<1x80xi32, #tpu.memory_space<hbm>>
      tpu.wait_dma2 semaphore(%arg19 : memref<!tpu.dma_semaphore, #tpu.memory_space<semaphore_mem>>) src(%dma_wait3A_844 : memref<1x80xi32, #tpu.memory_space<hbm>>) dst(%dma_wait3A_840 : memref<1x80xi32, #tpu.memory_space<vmem>>)
      %dma_start3A_845 = arith.constant 1 : i32
      %dma_start3A_846 = arith.constant 1 : i32
      %dma_start3A_847 = arith.constant 0 : i32
      %dma_start3A_848 = arith.constant 0 : i32
      %dma_start3A_849 = tpu.memref_slice %arg10[%dma_start3A_845, %dma_start3A_847, %dma_start3A_848] : memref<3x80x128xf32, #tpu.memory_space<vmem>> -> memref<1x80x128xf32, #tpu.memory_space<vmem>>
      %dma_start3A_850 = tpu.memref_squeeze %dma_start3A_849 : memref<1x80x128xf32, #tpu.memory_space<vmem>> -> memref<80x128xf32, #tpu.memory_space<vmem>>
      %dma_start3A_851 = arith.constant 0 : i32
      %dma_start3A_852 = tpu.memref_slice %arg9[%dma_start3A_846, %dma_start3A_851] : memref<6x80xi32, #tpu.memory_space<vmem>> -> memref<1x80xi32, #tpu.memory_space<vmem>>
      %dma_start3A_853 = tpu.memref_squeeze %dma_start3A_852 : memref<1x80xi32, #tpu.memory_space<vmem>> -> memref<80xi32, #tpu.memory_space<vmem>>
      %dma_start3A_854 = arith.constant 0 : i32
      %dma_start3A_855 = arith.constant 0 : i32
      %dma_start3A_856 = tpu.memref_slice %arg7[%dma_start3A_854, %dma_start3A_855] : memref<10240x128xf32, #tpu.memory_space<vmem_shared>> -> memref<10240x128xf32, #tpu.memory_space<vmem_shared>>
      tpu.enqueue_indirect_dma source(%dma_start3A_850 : memref<80x128xf32, #tpu.memory_space<vmem>>) target(%dma_start3A_856 : memref<10240x128xf32, #tpu.memory_space<vmem_shared>>) offsets(%dma_start3A_853 : memref<80xi32, #tpu.memory_space<vmem>>) semaphore(%arg16 : memref<!tpu.dma_semaphore, #tpu.memory_space<semaphore_mem>>) {add = true}
      %ge3A_857 = arith.constant 2 : i32
      %ge3A_858 = arith.cmpi sge, %add3A_819, %ge3A_857 : i32
      %convert_element_type3A_859 = arith.extui %ge3A_858 : i1 to i32
      %cond3A_860 = arith.constant 0 : i32
      %cond3A_861 = arith.cmpi ne, %convert_element_type3A_859, %cond3A_860 : i32
      scf.if %cond3A_861 {
        %dma_wait3A_1172 = arith.constant 1 : i32
        %dma_wait3A_1173 = arith.constant 0 : i32
        %dma_wait3A_1174 = tpu.memref_slice %arg9[%dma_wait3A_1172, %dma_wait3A_1173] : memref<6x80xi32, #tpu.memory_space<vmem>> -> memref<1x80xi32, #tpu.memory_space<vmem>>
        %dma_wait3A_1175 = tpu.memref_squeeze %dma_wait3A_1174 : memref<1x80xi32, #tpu.memory_space<vmem>> -> memref<80xi32, #tpu.memory_space<vmem>>
        %dma_wait3A_1176 = arith.constant 0 : i32
        %dma_wait3A_1177 = tpu.memref_slice %arg24[%dma_wait3A_1176] : memref<10240xf32, #tpu.memory_space<vmem_shared>> -> memref<10240xf32, #tpu.memory_space<vmem_shared>>
        tpu.wait_indirect_dma semaphore(%arg27 : memref<!tpu.dma_semaphore, #tpu.memory_space<semaphore_mem>>) src(%arg25 : memref<80xf32, #tpu.memory_space<vmem>>) dst(%dma_wait3A_1177 : memref<10240xf32, #tpu.memory_space<vmem_shared>>)
      } else {
      }
      %dma_start3A_862 = arith.constant 1 : i32
      %dma_start3A_863 = arith.constant 0 : i32
      %dma_start3A_864 = tpu.memref_slice %arg9[%dma_start3A_862, %dma_start3A_863] : memref<6x80xi32, #tpu.memory_space<vmem>> -> memref<1x80xi32, #tpu.memory_space<vmem>>
      %dma_start3A_865 = tpu.memref_squeeze %dma_start3A_864 : memref<1x80xi32, #tpu.memory_space<vmem>> -> memref<80xi32, #tpu.memory_space<vmem>>
      %dma_start3A_866 = arith.constant 0 : i32
      %dma_start3A_867 = tpu.memref_slice %arg24[%dma_start3A_866] : memref<10240xf32, #tpu.memory_space<vmem_shared>> -> memref<10240xf32, #tpu.memory_space<vmem_shared>>
      tpu.enqueue_indirect_dma source(%arg25 : memref<80xf32, #tpu.memory_space<vmem>>) target(%dma_start3A_867 : memref<10240xf32, #tpu.memory_space<vmem_shared>>) offsets(%dma_start3A_865 : memref<80xi32, #tpu.memory_space<vmem>>) semaphore(%arg27 : memref<!tpu.dma_semaphore, #tpu.memory_space<semaphore_mem>>) {add = true}
      %add3A_868 = arith.constant 4 : i32
      %add3A_869 = arith.addi %add3A_819, %add3A_868 : i32
      %lt3A_870 = arith.constant 125 : i32
      %lt3A_871 = arith.cmpi slt, %add3A_869, %lt3A_870 : i32
      %convert_element_type3A_872 = arith.extui %lt3A_871 : i1 to i32
      %cond3A_873 = arith.constant 0 : i32
      %cond3A_874 = arith.cmpi ne, %convert_element_type3A_872, %cond3A_873 : i32
      scf.if %cond3A_874 {
        %add3A_1172 = arith.constant 4 : i32
        %add3A_1173 = arith.addi %add3A_819, %add3A_1172 : i32
        %dma_start3A_1174 = arith.constant 5 : i32
        %dma_start3A_1175 = arith.constant 0 : i32
        %dma_start3A_1176 = tpu.memref_slice %arg9[%dma_start3A_1174, %dma_start3A_1175] : memref<6x80xi32, #tpu.memory_space<vmem>> -> memref<1x80xi32, #tpu.memory_space<vmem>>
        %dma_start3A_1177 = arith.constant 0 : i32
        %dma_start3A_1178 = arith.constant 0 : i32
        %dma_start3A_1179 = tpu.memref_slice %arg4[%add3A, %add3A_1173, %dma_start3A_1177, %dma_start3A_1178] : memref<32x125x1x80xi32, #tpu.memory_space<hbm>> -> memref<1x1x1x80xi32, #tpu.memory_space<hbm>>
        %dma_start3A_1180 = tpu.memref_squeeze %dma_start3A_1179 : memref<1x1x1x80xi32, #tpu.memory_space<hbm>> -> memref<1x80xi32, #tpu.memory_space<hbm>>
        %dma_start3A_1181 = arith.constant 5 : i32
        %dma_start3A_1182 = arith.constant 0 : i32
        %dma_start3A_1183 = tpu.memref_slice %arg9[%dma_start3A_1181, %dma_start3A_1182] : memref<6x80xi32, #tpu.memory_space<vmem>> -> memref<1x80xi32, #tpu.memory_space<vmem>>
        %dma_start3A_1184 = arith.constant 0 : i32
        %dma_start3A_1185 = arith.constant 0 : i32
        %dma_start3A_1186 = tpu.memref_slice %arg4[%add3A, %add3A_1173, %dma_start3A_1184, %dma_start3A_1185] : memref<32x125x1x80xi32, #tpu.memory_space<hbm>> -> memref<1x1x1x80xi32, #tpu.memory_space<hbm>>
        %dma_start3A_1187 = tpu.memref_squeeze %dma_start3A_1186 : memref<1x1x1x80xi32, #tpu.memory_space<hbm>> -> memref<1x80xi32, #tpu.memory_space<hbm>>
        tpu.enqueue_dma source(%dma_start3A_1187 : memref<1x80xi32, #tpu.memory_space<hbm>>) target(%dma_start3A_1183 : memref<1x80xi32, #tpu.memory_space<vmem>>) target_semaphore(%arg23 : memref<!tpu.dma_semaphore, #tpu.memory_space<semaphore_mem>>)
      } else {
      }
      %ge3A_875 = arith.constant 1 : i32
      %ge3A_876 = arith.cmpi sge, %add3A_819, %ge3A_875 : i32
      %convert_element_type3A_877 = arith.extui %ge3A_876 : i1 to i32
      %cond3A_878 = arith.constant 0 : i32
      %cond3A_879 = arith.cmpi ne, %convert_element_type3A_877, %cond3A_878 : i32
      scf.if %cond3A_879 {
        %dma_wait3A_1172 = arith.constant 0 : i32
        %dma_wait3A_1173 = arith.constant 1 : i32
        %dma_wait3A_1174 = arith.constant 0 : i32
        %dma_wait3A_1175 = arith.constant 0 : i32
        %dma_wait3A_1176 = tpu.memref_slice %arg10[%dma_wait3A_1172, %dma_wait3A_1174, %dma_wait3A_1175] : memref<3x80x128xf32, #tpu.memory_space<vmem>> -> memref<1x80x128xf32, #tpu.memory_space<vmem>>
        %dma_wait3A_1177 = tpu.memref_squeeze %dma_wait3A_1176 : memref<1x80x128xf32, #tpu.memory_space<vmem>> -> memref<80x128xf32, #tpu.memory_space<vmem>>
        %dma_wait3A_1178 = arith.constant 0 : i32
        %dma_wait3A_1179 = tpu.memref_slice %arg9[%dma_wait3A_1173, %dma_wait3A_1178] : memref<6x80xi32, #tpu.memory_space<vmem>> -> memref<1x80xi32, #tpu.memory_space<vmem>>
        %dma_wait3A_1180 = tpu.memref_squeeze %dma_wait3A_1179 : memref<1x80xi32, #tpu.memory_space<vmem>> -> memref<80xi32, #tpu.memory_space<vmem>>
        %dma_wait3A_1181 = arith.constant 0 : i32
        %dma_wait3A_1182 = arith.constant 0 : i32
        %dma_wait3A_1183 = tpu.memref_slice %arg7[%dma_wait3A_1181, %dma_wait3A_1182] : memref<10240x128xf32, #tpu.memory_space<vmem_shared>> -> memref<10240x128xf32, #tpu.memory_space<vmem_shared>>
        tpu.wait_indirect_dma semaphore(%arg15 : memref<!tpu.dma_semaphore, #tpu.memory_space<semaphore_mem>>) src(%dma_wait3A_1177 : memref<80x128xf32, #tpu.memory_space<vmem>>) dst(%dma_wait3A_1183 : memref<10240x128xf32, #tpu.memory_space<vmem_shared>>)
      } else {
      }
      %add3A_880 = arith.constant 2 : i32
      %add3A_881 = arith.addi %add3A_819, %add3A_880 : i32
      %lt3A_882 = arith.constant 125 : i32
      %lt3A_883 = arith.cmpi slt, %add3A_881, %lt3A_882 : i32
      %convert_element_type3A_884 = arith.extui %lt3A_883 : i1 to i32
      %cond3A_885 = arith.constant 0 : i32
      %cond3A_886 = arith.cmpi ne, %convert_element_type3A_884, %cond3A_885 : i32
      scf.if %cond3A_886 {
        %add3A_1172 = arith.constant 2 : i32
        %add3A_1173 = arith.addi %add3A_819, %add3A_1172 : i32
        %mul3A_1174 = arith.constant 80 : i32
        %mul3A_1175 = arith.muli %add3A_1173, %mul3A_1174 : i32
        %dma_start3A_1176 = arith.constant 0 : i32
        %dma_start3A_1177 = arith.constant 0 : i32
        %dma_start3A_1178 = arith.constant 0 : i32
        %dma_start3A_1179 = tpu.memref_slice %arg10[%dma_start3A_1176, %dma_start3A_1177, %dma_start3A_1178] : memref<3x80x128xf32, #tpu.memory_space<vmem>> -> memref<1x80x128xf32, #tpu.memory_space<vmem>>
        %dma_start3A_1180 = tpu.memref_squeeze %dma_start3A_1179 : memref<1x80x128xf32, #tpu.memory_space<vmem>> -> memref<80x128xf32, #tpu.memory_space<vmem>>
        %dma_start3A_1181 = tpu.memref_slice %arg8[%mul3A_1175] : memref<10000xi32, #tpu.memory_space<vmem>> -> memref<80xi32, #tpu.memory_space<vmem>>
        %dma_start3A_1182 = arith.constant 0 : i32
        %dma_start3A_1183 = arith.constant 0 : i32
        %dma_start3A_1184 = tpu.memref_slice %arg2[%dma_start3A_1182, %dma_start3A_1183] : memref<10240x128xf32, #tpu.memory_space<hbm>> -> memref<10240x128xf32, #tpu.memory_space<hbm>>
        tpu.enqueue_indirect_dma source(%dma_start3A_1184 : memref<10240x128xf32, #tpu.memory_space<hbm>>) target(%dma_start3A_1180 : memref<80x128xf32, #tpu.memory_space<vmem>>) offsets(%dma_start3A_1181 : memref<80xi32, #tpu.memory_space<vmem>>) semaphore(%arg12 : memref<!tpu.dma_semaphore, #tpu.memory_space<semaphore_mem>>)
      } else {
      }
      %mul3A_887 = arith.constant 6 : i32
      %mul3A_888 = arith.muli %scan3A_747, %mul3A_887 : i32
      %add3A_889 = arith.constant 2 : i32
      %add3A_890 = arith.addi %mul3A_888, %add3A_889 : i32
      %mul3A_891 = arith.constant 80 : i32
      %mul3A_892 = arith.muli %add3A_890, %mul3A_891 : i32
      %dma_wait3A_893 = arith.constant 2 : i32
      %dma_wait3A_894 = arith.constant 0 : i32
      %dma_wait3A_895 = arith.constant 0 : i32
      %dma_wait3A_896 = tpu.memref_slice %arg10[%dma_wait3A_893, %dma_wait3A_894, %dma_wait3A_895] : memref<3x80x128xf32, #tpu.memory_space<vmem>> -> memref<1x80x128xf32, #tpu.memory_space<vmem>>
      %dma_wait3A_897 = tpu.memref_squeeze %dma_wait3A_896 : memref<1x80x128xf32, #tpu.memory_space<vmem>> -> memref<80x128xf32, #tpu.memory_space<vmem>>
      %dma_wait3A_898 = tpu.memref_slice %arg8[%mul3A_892] : memref<10000xi32, #tpu.memory_space<vmem>> -> memref<80xi32, #tpu.memory_space<vmem>>
      %dma_wait3A_899 = arith.constant 0 : i32
      %dma_wait3A_900 = arith.constant 0 : i32
      %dma_wait3A_901 = tpu.memref_slice %arg2[%dma_wait3A_899, %dma_wait3A_900] : memref<10240x128xf32, #tpu.memory_space<hbm>> -> memref<10240x128xf32, #tpu.memory_space<hbm>>
      tpu.wait_indirect_dma semaphore(%arg14 : memref<!tpu.dma_semaphore, #tpu.memory_space<semaphore_mem>>) src(%dma_wait3A_901 : memref<10240x128xf32, #tpu.memory_space<hbm>>) dst(%dma_wait3A_897 : memref<80x128xf32, #tpu.memory_space<vmem>>)
      %dma_wait3A_902 = arith.constant 2 : i32
      %dma_wait3A_903 = arith.constant 0 : i32
      %dma_wait3A_904 = tpu.memref_slice %arg9[%dma_wait3A_902, %dma_wait3A_903] : memref<6x80xi32, #tpu.memory_space<vmem>> -> memref<1x80xi32, #tpu.memory_space<vmem>>
      %dma_wait3A_905 = arith.constant 0 : i32
      %dma_wait3A_906 = arith.constant 0 : i32
      %dma_wait3A_907 = tpu.memref_slice %arg4[%add3A, %add3A_890, %dma_wait3A_905, %dma_wait3A_906] : memref<32x125x1x80xi32, #tpu.memory_space<hbm>> -> memref<1x1x1x80xi32, #tpu.memory_space<hbm>>
      %dma_wait3A_908 = tpu.memref_squeeze %dma_wait3A_907 : memref<1x1x1x80xi32, #tpu.memory_space<hbm>> -> memref<1x80xi32, #tpu.memory_space<hbm>>
      %dma_wait3A_909 = arith.constant 2 : i32
      %dma_wait3A_910 = arith.constant 0 : i32
      %dma_wait3A_911 = tpu.memref_slice %arg9[%dma_wait3A_909, %dma_wait3A_910] : memref<6x80xi32, #tpu.memory_space<vmem>> -> memref<1x80xi32, #tpu.memory_space<vmem>>
      %dma_wait3A_912 = arith.constant 0 : i32
      %dma_wait3A_913 = arith.constant 0 : i32
      %dma_wait3A_914 = tpu.memref_slice %arg4[%add3A, %add3A_890, %dma_wait3A_912, %dma_wait3A_913] : memref<32x125x1x80xi32, #tpu.memory_space<hbm>> -> memref<1x1x1x80xi32, #tpu.memory_space<hbm>>
      %dma_wait3A_915 = tpu.memref_squeeze %dma_wait3A_914 : memref<1x1x1x80xi32, #tpu.memory_space<hbm>> -> memref<1x80xi32, #tpu.memory_space<hbm>>
      tpu.wait_dma2 semaphore(%arg20 : memref<!tpu.dma_semaphore, #tpu.memory_space<semaphore_mem>>) src(%dma_wait3A_915 : memref<1x80xi32, #tpu.memory_space<hbm>>) dst(%dma_wait3A_911 : memref<1x80xi32, #tpu.memory_space<vmem>>)
      %dma_start3A_916 = arith.constant 2 : i32
      %dma_start3A_917 = arith.constant 2 : i32
      %dma_start3A_918 = arith.constant 0 : i32
      %dma_start3A_919 = arith.constant 0 : i32
      %dma_start3A_920 = tpu.memref_slice %arg10[%dma_start3A_916, %dma_start3A_918, %dma_start3A_919] : memref<3x80x128xf32, #tpu.memory_space<vmem>> -> memref<1x80x128xf32, #tpu.memory_space<vmem>>
      %dma_start3A_921 = tpu.memref_squeeze %dma_start3A_920 : memref<1x80x128xf32, #tpu.memory_space<vmem>> -> memref<80x128xf32, #tpu.memory_space<vmem>>
      %dma_start3A_922 = arith.constant 0 : i32
      %dma_start3A_923 = tpu.memref_slice %arg9[%dma_start3A_917, %dma_start3A_922] : memref<6x80xi32, #tpu.memory_space<vmem>> -> memref<1x80xi32, #tpu.memory_space<vmem>>
      %dma_start3A_924 = tpu.memref_squeeze %dma_start3A_923 : memref<1x80xi32, #tpu.memory_space<vmem>> -> memref<80xi32, #tpu.memory_space<vmem>>
      %dma_start3A_925 = arith.constant 0 : i32
      %dma_start3A_926 = arith.constant 0 : i32
      %dma_start3A_927 = tpu.memref_slice %arg7[%dma_start3A_925, %dma_start3A_926] : memref<10240x128xf32, #tpu.memory_space<vmem_shared>> -> memref<10240x128xf32, #tpu.memory_space<vmem_shared>>
      tpu.enqueue_indirect_dma source(%dma_start3A_921 : memref<80x128xf32, #tpu.memory_space<vmem>>) target(%dma_start3A_927 : memref<10240x128xf32, #tpu.memory_space<vmem_shared>>) offsets(%dma_start3A_924 : memref<80xi32, #tpu.memory_space<vmem>>) semaphore(%arg17 : memref<!tpu.dma_semaphore, #tpu.memory_space<semaphore_mem>>) {add = true}
      %ge3A_928 = arith.constant 2 : i32
      %ge3A_929 = arith.cmpi sge, %add3A_890, %ge3A_928 : i32
      %convert_element_type3A_930 = arith.extui %ge3A_929 : i1 to i32
      %cond3A_931 = arith.constant 0 : i32
      %cond3A_932 = arith.cmpi ne, %convert_element_type3A_930, %cond3A_931 : i32
      scf.if %cond3A_932 {
        %dma_wait3A_1172 = arith.constant 2 : i32
        %dma_wait3A_1173 = arith.constant 0 : i32
        %dma_wait3A_1174 = tpu.memref_slice %arg9[%dma_wait3A_1172, %dma_wait3A_1173] : memref<6x80xi32, #tpu.memory_space<vmem>> -> memref<1x80xi32, #tpu.memory_space<vmem>>
        %dma_wait3A_1175 = tpu.memref_squeeze %dma_wait3A_1174 : memref<1x80xi32, #tpu.memory_space<vmem>> -> memref<80xi32, #tpu.memory_space<vmem>>
        %dma_wait3A_1176 = arith.constant 0 : i32
        %dma_wait3A_1177 = tpu.memref_slice %arg24[%dma_wait3A_1176] : memref<10240xf32, #tpu.memory_space<vmem_shared>> -> memref<10240xf32, #tpu.memory_space<vmem_shared>>
        tpu.wait_indirect_dma semaphore(%arg27 : memref<!tpu.dma_semaphore, #tpu.memory_space<semaphore_mem>>) src(%arg25 : memref<80xf32, #tpu.memory_space<vmem>>) dst(%dma_wait3A_1177 : memref<10240xf32, #tpu.memory_space<vmem_shared>>)
      } else {
      }
      %dma_start3A_933 = arith.constant 2 : i32
      %dma_start3A_934 = arith.constant 0 : i32
      %dma_start3A_935 = tpu.memref_slice %arg9[%dma_start3A_933, %dma_start3A_934] : memref<6x80xi32, #tpu.memory_space<vmem>> -> memref<1x80xi32, #tpu.memory_space<vmem>>
      %dma_start3A_936 = tpu.memref_squeeze %dma_start3A_935 : memref<1x80xi32, #tpu.memory_space<vmem>> -> memref<80xi32, #tpu.memory_space<vmem>>
      %dma_start3A_937 = arith.constant 0 : i32
      %dma_start3A_938 = tpu.memref_slice %arg24[%dma_start3A_937] : memref<10240xf32, #tpu.memory_space<vmem_shared>> -> memref<10240xf32, #tpu.memory_space<vmem_shared>>
      tpu.enqueue_indirect_dma source(%arg25 : memref<80xf32, #tpu.memory_space<vmem>>) target(%dma_start3A_938 : memref<10240xf32, #tpu.memory_space<vmem_shared>>) offsets(%dma_start3A_936 : memref<80xi32, #tpu.memory_space<vmem>>) semaphore(%arg27 : memref<!tpu.dma_semaphore, #tpu.memory_space<semaphore_mem>>) {add = true}
      %add3A_939 = arith.constant 4 : i32
      %add3A_940 = arith.addi %add3A_890, %add3A_939 : i32
      %lt3A_941 = arith.constant 125 : i32
      %lt3A_942 = arith.cmpi slt, %add3A_940, %lt3A_941 : i32
      %convert_element_type3A_943 = arith.extui %lt3A_942 : i1 to i32
      %cond3A_944 = arith.constant 0 : i32
      %cond3A_945 = arith.cmpi ne, %convert_element_type3A_943, %cond3A_944 : i32
      scf.if %cond3A_945 {
        %add3A_1172 = arith.constant 4 : i32
        %add3A_1173 = arith.addi %add3A_890, %add3A_1172 : i32
        %dma_start3A_1174 = arith.constant 0 : i32
        %dma_start3A_1175 = arith.constant 0 : i32
        %dma_start3A_1176 = tpu.memref_slice %arg9[%dma_start3A_1174, %dma_start3A_1175] : memref<6x80xi32, #tpu.memory_space<vmem>> -> memref<1x80xi32, #tpu.memory_space<vmem>>
        %dma_start3A_1177 = arith.constant 0 : i32
        %dma_start3A_1178 = arith.constant 0 : i32
        %dma_start3A_1179 = tpu.memref_slice %arg4[%add3A, %add3A_1173, %dma_start3A_1177, %dma_start3A_1178] : memref<32x125x1x80xi32, #tpu.memory_space<hbm>> -> memref<1x1x1x80xi32, #tpu.memory_space<hbm>>
        %dma_start3A_1180 = tpu.memref_squeeze %dma_start3A_1179 : memref<1x1x1x80xi32, #tpu.memory_space<hbm>> -> memref<1x80xi32, #tpu.memory_space<hbm>>
        %dma_start3A_1181 = arith.constant 0 : i32
        %dma_start3A_1182 = arith.constant 0 : i32
        %dma_start3A_1183 = tpu.memref_slice %arg9[%dma_start3A_1181, %dma_start3A_1182] : memref<6x80xi32, #tpu.memory_space<vmem>> -> memref<1x80xi32, #tpu.memory_space<vmem>>
        %dma_start3A_1184 = arith.constant 0 : i32
        %dma_start3A_1185 = arith.constant 0 : i32
        %dma_start3A_1186 = tpu.memref_slice %arg4[%add3A, %add3A_1173, %dma_start3A_1184, %dma_start3A_1185] : memref<32x125x1x80xi32, #tpu.memory_space<hbm>> -> memref<1x1x1x80xi32, #tpu.memory_space<hbm>>
        %dma_start3A_1187 = tpu.memref_squeeze %dma_start3A_1186 : memref<1x1x1x80xi32, #tpu.memory_space<hbm>> -> memref<1x80xi32, #tpu.memory_space<hbm>>
        tpu.enqueue_dma source(%dma_start3A_1187 : memref<1x80xi32, #tpu.memory_space<hbm>>) target(%dma_start3A_1183 : memref<1x80xi32, #tpu.memory_space<vmem>>) target_semaphore(%arg18 : memref<!tpu.dma_semaphore, #tpu.memory_space<semaphore_mem>>)
      } else {
      }
      %ge3A_946 = arith.constant 1 : i32
      %ge3A_947 = arith.cmpi sge, %add3A_890, %ge3A_946 : i32
      %convert_element_type3A_948 = arith.extui %ge3A_947 : i1 to i32
      %cond3A_949 = arith.constant 0 : i32
      %cond3A_950 = arith.cmpi ne, %convert_element_type3A_948, %cond3A_949 : i32
      scf.if %cond3A_950 {
        %dma_wait3A_1172 = arith.constant 1 : i32
        %dma_wait3A_1173 = arith.constant 2 : i32
        %dma_wait3A_1174 = arith.constant 0 : i32
        %dma_wait3A_1175 = arith.constant 0 : i32
        %dma_wait3A_1176 = tpu.memref_slice %arg10[%dma_wait3A_1172, %dma_wait3A_1174, %dma_wait3A_1175] : memref<3x80x128xf32, #tpu.memory_space<vmem>> -> memref<1x80x128xf32, #tpu.memory_space<vmem>>
        %dma_wait3A_1177 = tpu.memref_squeeze %dma_wait3A_1176 : memref<1x80x128xf32, #tpu.memory_space<vmem>> -> memref<80x128xf32, #tpu.memory_space<vmem>>
        %dma_wait3A_1178 = arith.constant 0 : i32
        %dma_wait3A_1179 = tpu.memref_slice %arg9[%dma_wait3A_1173, %dma_wait3A_1178] : memref<6x80xi32, #tpu.memory_space<vmem>> -> memref<1x80xi32, #tpu.memory_space<vmem>>
        %dma_wait3A_1180 = tpu.memref_squeeze %dma_wait3A_1179 : memref<1x80xi32, #tpu.memory_space<vmem>> -> memref<80xi32, #tpu.memory_space<vmem>>
        %dma_wait3A_1181 = arith.constant 0 : i32
        %dma_wait3A_1182 = arith.constant 0 : i32
        %dma_wait3A_1183 = tpu.memref_slice %arg7[%dma_wait3A_1181, %dma_wait3A_1182] : memref<10240x128xf32, #tpu.memory_space<vmem_shared>> -> memref<10240x128xf32, #tpu.memory_space<vmem_shared>>
        tpu.wait_indirect_dma semaphore(%arg16 : memref<!tpu.dma_semaphore, #tpu.memory_space<semaphore_mem>>) src(%dma_wait3A_1177 : memref<80x128xf32, #tpu.memory_space<vmem>>) dst(%dma_wait3A_1183 : memref<10240x128xf32, #tpu.memory_space<vmem_shared>>)
      } else {
      }
      %add3A_951 = arith.constant 2 : i32
      %add3A_952 = arith.addi %add3A_890, %add3A_951 : i32
      %lt3A_953 = arith.constant 125 : i32
      %lt3A_954 = arith.cmpi slt, %add3A_952, %lt3A_953 : i32
      %convert_element_type3A_955 = arith.extui %lt3A_954 : i1 to i32
      %cond3A_956 = arith.constant 0 : i32
      %cond3A_957 = arith.cmpi ne, %convert_element_type3A_955, %cond3A_956 : i32
      scf.if %cond3A_957 {
        %add3A_1172 = arith.constant 2 : i32
        %add3A_1173 = arith.addi %add3A_890, %add3A_1172 : i32
        %mul3A_1174 = arith.constant 80 : i32
        %mul3A_1175 = arith.muli %add3A_1173, %mul3A_1174 : i32
        %dma_start3A_1176 = arith.constant 1 : i32
        %dma_start3A_1177 = arith.constant 0 : i32
        %dma_start3A_1178 = arith.constant 0 : i32
        %dma_start3A_1179 = tpu.memref_slice %arg10[%dma_start3A_1176, %dma_start3A_1177, %dma_start3A_1178] : memref<3x80x128xf32, #tpu.memory_space<vmem>> -> memref<1x80x128xf32, #tpu.memory_space<vmem>>
        %dma_start3A_1180 = tpu.memref_squeeze %dma_start3A_1179 : memref<1x80x128xf32, #tpu.memory_space<vmem>> -> memref<80x128xf32, #tpu.memory_space<vmem>>
        %dma_start3A_1181 = tpu.memref_slice %arg8[%mul3A_1175] : memref<10000xi32, #tpu.memory_space<vmem>> -> memref<80xi32, #tpu.memory_space<vmem>>
        %dma_start3A_1182 = arith.constant 0 : i32
        %dma_start3A_1183 = arith.constant 0 : i32
        %dma_start3A_1184 = tpu.memref_slice %arg2[%dma_start3A_1182, %dma_start3A_1183] : memref<10240x128xf32, #tpu.memory_space<hbm>> -> memref<10240x128xf32, #tpu.memory_space<hbm>>
        tpu.enqueue_indirect_dma source(%dma_start3A_1184 : memref<10240x128xf32, #tpu.memory_space<hbm>>) target(%dma_start3A_1180 : memref<80x128xf32, #tpu.memory_space<vmem>>) offsets(%dma_start3A_1181 : memref<80xi32, #tpu.memory_space<vmem>>) semaphore(%arg13 : memref<!tpu.dma_semaphore, #tpu.memory_space<semaphore_mem>>)
      } else {
      }
      %mul3A_958 = arith.constant 6 : i32
      %mul3A_959 = arith.muli %scan3A_747, %mul3A_958 : i32
      %add3A_960 = arith.constant 3 : i32
      %add3A_961 = arith.addi %mul3A_959, %add3A_960 : i32
      %mul3A_962 = arith.constant 80 : i32
      %mul3A_963 = arith.muli %add3A_961, %mul3A_962 : i32
      %dma_wait3A_964 = arith.constant 0 : i32
      %dma_wait3A_965 = arith.constant 0 : i32
      %dma_wait3A_966 = arith.constant 0 : i32
      %dma_wait3A_967 = tpu.memref_slice %arg10[%dma_wait3A_964, %dma_wait3A_965, %dma_wait3A_966] : memref<3x80x128xf32, #tpu.memory_space<vmem>> -> memref<1x80x128xf32, #tpu.memory_space<vmem>>
      %dma_wait3A_968 = tpu.memref_squeeze %dma_wait3A_967 : memref<1x80x128xf32, #tpu.memory_space<vmem>> -> memref<80x128xf32, #tpu.memory_space<vmem>>
      %dma_wait3A_969 = tpu.memref_slice %arg8[%mul3A_963] : memref<10000xi32, #tpu.memory_space<vmem>> -> memref<80xi32, #tpu.memory_space<vmem>>
      %dma_wait3A_970 = arith.constant 0 : i32
      %dma_wait3A_971 = arith.constant 0 : i32
      %dma_wait3A_972 = tpu.memref_slice %arg2[%dma_wait3A_970, %dma_wait3A_971] : memref<10240x128xf32, #tpu.memory_space<hbm>> -> memref<10240x128xf32, #tpu.memory_space<hbm>>
      tpu.wait_indirect_dma semaphore(%arg12 : memref<!tpu.dma_semaphore, #tpu.memory_space<semaphore_mem>>) src(%dma_wait3A_972 : memref<10240x128xf32, #tpu.memory_space<hbm>>) dst(%dma_wait3A_968 : memref<80x128xf32, #tpu.memory_space<vmem>>)
      %dma_wait3A_973 = arith.constant 3 : i32
      %dma_wait3A_974 = arith.constant 0 : i32
      %dma_wait3A_975 = tpu.memref_slice %arg9[%dma_wait3A_973, %dma_wait3A_974] : memref<6x80xi32, #tpu.memory_space<vmem>> -> memref<1x80xi32, #tpu.memory_space<vmem>>
      %dma_wait3A_976 = arith.constant 0 : i32
      %dma_wait3A_977 = arith.constant 0 : i32
      %dma_wait3A_978 = tpu.memref_slice %arg4[%add3A, %add3A_961, %dma_wait3A_976, %dma_wait3A_977] : memref<32x125x1x80xi32, #tpu.memory_space<hbm>> -> memref<1x1x1x80xi32, #tpu.memory_space<hbm>>
      %dma_wait3A_979 = tpu.memref_squeeze %dma_wait3A_978 : memref<1x1x1x80xi32, #tpu.memory_space<hbm>> -> memref<1x80xi32, #tpu.memory_space<hbm>>
      %dma_wait3A_980 = arith.constant 3 : i32
      %dma_wait3A_981 = arith.constant 0 : i32
      %dma_wait3A_982 = tpu.memref_slice %arg9[%dma_wait3A_980, %dma_wait3A_981] : memref<6x80xi32, #tpu.memory_space<vmem>> -> memref<1x80xi32, #tpu.memory_space<vmem>>
      %dma_wait3A_983 = arith.constant 0 : i32
      %dma_wait3A_984 = arith.constant 0 : i32
      %dma_wait3A_985 = tpu.memref_slice %arg4[%add3A, %add3A_961, %dma_wait3A_983, %dma_wait3A_984] : memref<32x125x1x80xi32, #tpu.memory_space<hbm>> -> memref<1x1x1x80xi32, #tpu.memory_space<hbm>>
      %dma_wait3A_986 = tpu.memref_squeeze %dma_wait3A_985 : memref<1x1x1x80xi32, #tpu.memory_space<hbm>> -> memref<1x80xi32, #tpu.memory_space<hbm>>
      tpu.wait_dma2 semaphore(%arg21 : memref<!tpu.dma_semaphore, #tpu.memory_space<semaphore_mem>>) src(%dma_wait3A_986 : memref<1x80xi32, #tpu.memory_space<hbm>>) dst(%dma_wait3A_982 : memref<1x80xi32, #tpu.memory_space<vmem>>)
      %dma_start3A_987 = arith.constant 0 : i32
      %dma_start3A_988 = arith.constant 3 : i32
      %dma_start3A_989 = arith.constant 0 : i32
      %dma_start3A_990 = arith.constant 0 : i32
      %dma_start3A_991 = tpu.memref_slice %arg10[%dma_start3A_987, %dma_start3A_989, %dma_start3A_990] : memref<3x80x128xf32, #tpu.memory_space<vmem>> -> memref<1x80x128xf32, #tpu.memory_space<vmem>>
      %dma_start3A_992 = tpu.memref_squeeze %dma_start3A_991 : memref<1x80x128xf32, #tpu.memory_space<vmem>> -> memref<80x128xf32, #tpu.memory_space<vmem>>
      %dma_start3A_993 = arith.constant 0 : i32
      %dma_start3A_994 = tpu.memref_slice %arg9[%dma_start3A_988, %dma_start3A_993] : memref<6x80xi32, #tpu.memory_space<vmem>> -> memref<1x80xi32, #tpu.memory_space<vmem>>
      %dma_start3A_995 = tpu.memref_squeeze %dma_start3A_994 : memref<1x80xi32, #tpu.memory_space<vmem>> -> memref<80xi32, #tpu.memory_space<vmem>>
      %dma_start3A_996 = arith.constant 0 : i32
      %dma_start3A_997 = arith.constant 0 : i32
      %dma_start3A_998 = tpu.memref_slice %arg7[%dma_start3A_996, %dma_start3A_997] : memref<10240x128xf32, #tpu.memory_space<vmem_shared>> -> memref<10240x128xf32, #tpu.memory_space<vmem_shared>>
      tpu.enqueue_indirect_dma source(%dma_start3A_992 : memref<80x128xf32, #tpu.memory_space<vmem>>) target(%dma_start3A_998 : memref<10240x128xf32, #tpu.memory_space<vmem_shared>>) offsets(%dma_start3A_995 : memref<80xi32, #tpu.memory_space<vmem>>) semaphore(%arg15 : memref<!tpu.dma_semaphore, #tpu.memory_space<semaphore_mem>>) {add = true}
      %ge3A_999 = arith.constant 2 : i32
      %ge3A_1000 = arith.cmpi sge, %add3A_961, %ge3A_999 : i32
      %convert_element_type3A_1001 = arith.extui %ge3A_1000 : i1 to i32
      %cond3A_1002 = arith.constant 0 : i32
      %cond3A_1003 = arith.cmpi ne, %convert_element_type3A_1001, %cond3A_1002 : i32
      scf.if %cond3A_1003 {
        %dma_wait3A_1172 = arith.constant 3 : i32
        %dma_wait3A_1173 = arith.constant 0 : i32
        %dma_wait3A_1174 = tpu.memref_slice %arg9[%dma_wait3A_1172, %dma_wait3A_1173] : memref<6x80xi32, #tpu.memory_space<vmem>> -> memref<1x80xi32, #tpu.memory_space<vmem>>
        %dma_wait3A_1175 = tpu.memref_squeeze %dma_wait3A_1174 : memref<1x80xi32, #tpu.memory_space<vmem>> -> memref<80xi32, #tpu.memory_space<vmem>>
        %dma_wait3A_1176 = arith.constant 0 : i32
        %dma_wait3A_1177 = tpu.memref_slice %arg24[%dma_wait3A_1176] : memref<10240xf32, #tpu.memory_space<vmem_shared>> -> memref<10240xf32, #tpu.memory_space<vmem_shared>>
        tpu.wait_indirect_dma semaphore(%arg27 : memref<!tpu.dma_semaphore, #tpu.memory_space<semaphore_mem>>) src(%arg25 : memref<80xf32, #tpu.memory_space<vmem>>) dst(%dma_wait3A_1177 : memref<10240xf32, #tpu.memory_space<vmem_shared>>)
      } else {
      }
      %dma_start3A_1004 = arith.constant 3 : i32
      %dma_start3A_1005 = arith.constant 0 : i32
      %dma_start3A_1006 = tpu.memref_slice %arg9[%dma_start3A_1004, %dma_start3A_1005] : memref<6x80xi32, #tpu.memory_space<vmem>> -> memref<1x80xi32, #tpu.memory_space<vmem>>
      %dma_start3A_1007 = tpu.memref_squeeze %dma_start3A_1006 : memref<1x80xi32, #tpu.memory_space<vmem>> -> memref<80xi32, #tpu.memory_space<vmem>>
      %dma_start3A_1008 = arith.constant 0 : i32
      %dma_start3A_1009 = tpu.memref_slice %arg24[%dma_start3A_1008] : memref<10240xf32, #tpu.memory_space<vmem_shared>> -> memref<10240xf32, #tpu.memory_space<vmem_shared>>
      tpu.enqueue_indirect_dma source(%arg25 : memref<80xf32, #tpu.memory_space<vmem>>) target(%dma_start3A_1009 : memref<10240xf32, #tpu.memory_space<vmem_shared>>) offsets(%dma_start3A_1007 : memref<80xi32, #tpu.memory_space<vmem>>) semaphore(%arg27 : memref<!tpu.dma_semaphore, #tpu.memory_space<semaphore_mem>>) {add = true}
      %add3A_1010 = arith.constant 4 : i32
      %add3A_1011 = arith.addi %add3A_961, %add3A_1010 : i32
      %lt3A_1012 = arith.constant 125 : i32
      %lt3A_1013 = arith.cmpi slt, %add3A_1011, %lt3A_1012 : i32
      %convert_element_type3A_1014 = arith.extui %lt3A_1013 : i1 to i32
      %cond3A_1015 = arith.constant 0 : i32
      %cond3A_1016 = arith.cmpi ne, %convert_element_type3A_1014, %cond3A_1015 : i32
      scf.if %cond3A_1016 {
        %add3A_1172 = arith.constant 4 : i32
        %add3A_1173 = arith.addi %add3A_961, %add3A_1172 : i32
        %dma_start3A_1174 = arith.constant 1 : i32
        %dma_start3A_1175 = arith.constant 0 : i32
        %dma_start3A_1176 = tpu.memref_slice %arg9[%dma_start3A_1174, %dma_start3A_1175] : memref<6x80xi32, #tpu.memory_space<vmem>> -> memref<1x80xi32, #tpu.memory_space<vmem>>
        %dma_start3A_1177 = arith.constant 0 : i32
        %dma_start3A_1178 = arith.constant 0 : i32
        %dma_start3A_1179 = tpu.memref_slice %arg4[%add3A, %add3A_1173, %dma_start3A_1177, %dma_start3A_1178] : memref<32x125x1x80xi32, #tpu.memory_space<hbm>> -> memref<1x1x1x80xi32, #tpu.memory_space<hbm>>
        %dma_start3A_1180 = tpu.memref_squeeze %dma_start3A_1179 : memref<1x1x1x80xi32, #tpu.memory_space<hbm>> -> memref<1x80xi32, #tpu.memory_space<hbm>>
        %dma_start3A_1181 = arith.constant 1 : i32
        %dma_start3A_1182 = arith.constant 0 : i32
        %dma_start3A_1183 = tpu.memref_slice %arg9[%dma_start3A_1181, %dma_start3A_1182] : memref<6x80xi32, #tpu.memory_space<vmem>> -> memref<1x80xi32, #tpu.memory_space<vmem>>
        %dma_start3A_1184 = arith.constant 0 : i32
        %dma_start3A_1185 = arith.constant 0 : i32
        %dma_start3A_1186 = tpu.memref_slice %arg4[%add3A, %add3A_1173, %dma_start3A_1184, %dma_start3A_1185] : memref<32x125x1x80xi32, #tpu.memory_space<hbm>> -> memref<1x1x1x80xi32, #tpu.memory_space<hbm>>
        %dma_start3A_1187 = tpu.memref_squeeze %dma_start3A_1186 : memref<1x1x1x80xi32, #tpu.memory_space<hbm>> -> memref<1x80xi32, #tpu.memory_space<hbm>>
        tpu.enqueue_dma source(%dma_start3A_1187 : memref<1x80xi32, #tpu.memory_space<hbm>>) target(%dma_start3A_1183 : memref<1x80xi32, #tpu.memory_space<vmem>>) target_semaphore(%arg19 : memref<!tpu.dma_semaphore, #tpu.memory_space<semaphore_mem>>)
      } else {
      }
      %ge3A_1017 = arith.constant 1 : i32
      %ge3A_1018 = arith.cmpi sge, %add3A_961, %ge3A_1017 : i32
      %convert_element_type3A_1019 = arith.extui %ge3A_1018 : i1 to i32
      %cond3A_1020 = arith.constant 0 : i32
      %cond3A_1021 = arith.cmpi ne, %convert_element_type3A_1019, %cond3A_1020 : i32
      scf.if %cond3A_1021 {
        %dma_wait3A_1172 = arith.constant 2 : i32
        %dma_wait3A_1173 = arith.constant 3 : i32
        %dma_wait3A_1174 = arith.constant 0 : i32
        %dma_wait3A_1175 = arith.constant 0 : i32
        %dma_wait3A_1176 = tpu.memref_slice %arg10[%dma_wait3A_1172, %dma_wait3A_1174, %dma_wait3A_1175] : memref<3x80x128xf32, #tpu.memory_space<vmem>> -> memref<1x80x128xf32, #tpu.memory_space<vmem>>
        %dma_wait3A_1177 = tpu.memref_squeeze %dma_wait3A_1176 : memref<1x80x128xf32, #tpu.memory_space<vmem>> -> memref<80x128xf32, #tpu.memory_space<vmem>>
        %dma_wait3A_1178 = arith.constant 0 : i32
        %dma_wait3A_1179 = tpu.memref_slice %arg9[%dma_wait3A_1173, %dma_wait3A_1178] : memref<6x80xi32, #tpu.memory_space<vmem>> -> memref<1x80xi32, #tpu.memory_space<vmem>>
        %dma_wait3A_1180 = tpu.memref_squeeze %dma_wait3A_1179 : memref<1x80xi32, #tpu.memory_space<vmem>> -> memref<80xi32, #tpu.memory_space<vmem>>
        %dma_wait3A_1181 = arith.constant 0 : i32
        %dma_wait3A_1182 = arith.constant 0 : i32
        %dma_wait3A_1183 = tpu.memref_slice %arg7[%dma_wait3A_1181, %dma_wait3A_1182] : memref<10240x128xf32, #tpu.memory_space<vmem_shared>> -> memref<10240x128xf32, #tpu.memory_space<vmem_shared>>
        tpu.wait_indirect_dma semaphore(%arg17 : memref<!tpu.dma_semaphore, #tpu.memory_space<semaphore_mem>>) src(%dma_wait3A_1177 : memref<80x128xf32, #tpu.memory_space<vmem>>) dst(%dma_wait3A_1183 : memref<10240x128xf32, #tpu.memory_space<vmem_shared>>)
      } else {
      }
      %add3A_1022 = arith.constant 2 : i32
      %add3A_1023 = arith.addi %add3A_961, %add3A_1022 : i32
      %lt3A_1024 = arith.constant 125 : i32
      %lt3A_1025 = arith.cmpi slt, %add3A_1023, %lt3A_1024 : i32
      %convert_element_type3A_1026 = arith.extui %lt3A_1025 : i1 to i32
      %cond3A_1027 = arith.constant 0 : i32
      %cond3A_1028 = arith.cmpi ne, %convert_element_type3A_1026, %cond3A_1027 : i32
      scf.if %cond3A_1028 {
        %add3A_1172 = arith.constant 2 : i32
        %add3A_1173 = arith.addi %add3A_961, %add3A_1172 : i32
        %mul3A_1174 = arith.constant 80 : i32
        %mul3A_1175 = arith.muli %add3A_1173, %mul3A_1174 : i32
        %dma_start3A_1176 = arith.constant 2 : i32
        %dma_start3A_1177 = arith.constant 0 : i32
        %dma_start3A_1178 = arith.constant 0 : i32
        %dma_start3A_1179 = tpu.memref_slice %arg10[%dma_start3A_1176, %dma_start3A_1177, %dma_start3A_1178] : memref<3x80x128xf32, #tpu.memory_space<vmem>> -> memref<1x80x128xf32, #tpu.memory_space<vmem>>
        %dma_start3A_1180 = tpu.memref_squeeze %dma_start3A_1179 : memref<1x80x128xf32, #tpu.memory_space<vmem>> -> memref<80x128xf32, #tpu.memory_space<vmem>>
        %dma_start3A_1181 = tpu.memref_slice %arg8[%mul3A_1175] : memref<10000xi32, #tpu.memory_space<vmem>> -> memref<80xi32, #tpu.memory_space<vmem>>
        %dma_start3A_1182 = arith.constant 0 : i32
        %dma_start3A_1183 = arith.constant 0 : i32
        %dma_start3A_1184 = tpu.memref_slice %arg2[%dma_start3A_1182, %dma_start3A_1183] : memref<10240x128xf32, #tpu.memory_space<hbm>> -> memref<10240x128xf32, #tpu.memory_space<hbm>>
        tpu.enqueue_indirect_dma source(%dma_start3A_1184 : memref<10240x128xf32, #tpu.memory_space<hbm>>) target(%dma_start3A_1180 : memref<80x128xf32, #tpu.memory_space<vmem>>) offsets(%dma_start3A_1181 : memref<80xi32, #tpu.memory_space<vmem>>) semaphore(%arg14 : memref<!tpu.dma_semaphore, #tpu.memory_space<semaphore_mem>>)
      } else {
      }
      %mul3A_1029 = arith.constant 6 : i32
      %mul3A_1030 = arith.muli %scan3A_747, %mul3A_1029 : i32
      %add3A_1031 = arith.constant 4 : i32
      %add3A_1032 = arith.addi %mul3A_1030, %add3A_1031 : i32
      %mul3A_1033 = arith.constant 80 : i32
      %mul3A_1034 = arith.muli %add3A_1032, %mul3A_1033 : i32
      %dma_wait3A_1035 = arith.constant 1 : i32
      %dma_wait3A_1036 = arith.constant 0 : i32
      %dma_wait3A_1037 = arith.constant 0 : i32
      %dma_wait3A_1038 = tpu.memref_slice %arg10[%dma_wait3A_1035, %dma_wait3A_1036, %dma_wait3A_1037] : memref<3x80x128xf32, #tpu.memory_space<vmem>> -> memref<1x80x128xf32, #tpu.memory_space<vmem>>
      %dma_wait3A_1039 = tpu.memref_squeeze %dma_wait3A_1038 : memref<1x80x128xf32, #tpu.memory_space<vmem>> -> memref<80x128xf32, #tpu.memory_space<vmem>>
      %dma_wait3A_1040 = tpu.memref_slice %arg8[%mul3A_1034] : memref<10000xi32, #tpu.memory_space<vmem>> -> memref<80xi32, #tpu.memory_space<vmem>>
      %dma_wait3A_1041 = arith.constant 0 : i32
      %dma_wait3A_1042 = arith.constant 0 : i32
      %dma_wait3A_1043 = tpu.memref_slice %arg2[%dma_wait3A_1041, %dma_wait3A_1042] : memref<10240x128xf32, #tpu.memory_space<hbm>> -> memref<10240x128xf32, #tpu.memory_space<hbm>>
      tpu.wait_indirect_dma semaphore(%arg13 : memref<!tpu.dma_semaphore, #tpu.memory_space<semaphore_mem>>) src(%dma_wait3A_1043 : memref<10240x128xf32, #tpu.memory_space<hbm>>) dst(%dma_wait3A_1039 : memref<80x128xf32, #tpu.memory_space<vmem>>)
      %dma_wait3A_1044 = arith.constant 4 : i32
      %dma_wait3A_1045 = arith.constant 0 : i32
      %dma_wait3A_1046 = tpu.memref_slice %arg9[%dma_wait3A_1044, %dma_wait3A_1045] : memref<6x80xi32, #tpu.memory_space<vmem>> -> memref<1x80xi32, #tpu.memory_space<vmem>>
      %dma_wait3A_1047 = arith.constant 0 : i32
      %dma_wait3A_1048 = arith.constant 0 : i32
      %dma_wait3A_1049 = tpu.memref_slice %arg4[%add3A, %add3A_1032, %dma_wait3A_1047, %dma_wait3A_1048] : memref<32x125x1x80xi32, #tpu.memory_space<hbm>> -> memref<1x1x1x80xi32, #tpu.memory_space<hbm>>
      %dma_wait3A_1050 = tpu.memref_squeeze %dma_wait3A_1049 : memref<1x1x1x80xi32, #tpu.memory_space<hbm>> -> memref<1x80xi32, #tpu.memory_space<hbm>>
      %dma_wait3A_1051 = arith.constant 4 : i32
      %dma_wait3A_1052 = arith.constant 0 : i32
      %dma_wait3A_1053 = tpu.memref_slice %arg9[%dma_wait3A_1051, %dma_wait3A_1052] : memref<6x80xi32, #tpu.memory_space<vmem>> -> memref<1x80xi32, #tpu.memory_space<vmem>>
      %dma_wait3A_1054 = arith.constant 0 : i32
      %dma_wait3A_1055 = arith.constant 0 : i32
      %dma_wait3A_1056 = tpu.memref_slice %arg4[%add3A, %add3A_1032, %dma_wait3A_1054, %dma_wait3A_1055] : memref<32x125x1x80xi32, #tpu.memory_space<hbm>> -> memref<1x1x1x80xi32, #tpu.memory_space<hbm>>
      %dma_wait3A_1057 = tpu.memref_squeeze %dma_wait3A_1056 : memref<1x1x1x80xi32, #tpu.memory_space<hbm>> -> memref<1x80xi32, #tpu.memory_space<hbm>>
      tpu.wait_dma2 semaphore(%arg22 : memref<!tpu.dma_semaphore, #tpu.memory_space<semaphore_mem>>) src(%dma_wait3A_1057 : memref<1x80xi32, #tpu.memory_space<hbm>>) dst(%dma_wait3A_1053 : memref<1x80xi32, #tpu.memory_space<vmem>>)
      %dma_start3A_1058 = arith.constant 1 : i32
      %dma_start3A_1059 = arith.constant 4 : i32
      %dma_start3A_1060 = arith.constant 0 : i32
      %dma_start3A_1061 = arith.constant 0 : i32
      %dma_start3A_1062 = tpu.memref_slice %arg10[%dma_start3A_1058, %dma_start3A_1060, %dma_start3A_1061] : memref<3x80x128xf32, #tpu.memory_space<vmem>> -> memref<1x80x128xf32, #tpu.memory_space<vmem>>
      %dma_start3A_1063 = tpu.memref_squeeze %dma_start3A_1062 : memref<1x80x128xf32, #tpu.memory_space<vmem>> -> memref<80x128xf32, #tpu.memory_space<vmem>>
      %dma_start3A_1064 = arith.constant 0 : i32
      %dma_start3A_1065 = tpu.memref_slice %arg9[%dma_start3A_1059, %dma_start3A_1064] : memref<6x80xi32, #tpu.memory_space<vmem>> -> memref<1x80xi32, #tpu.memory_space<vmem>>
      %dma_start3A_1066 = tpu.memref_squeeze %dma_start3A_1065 : memref<1x80xi32, #tpu.memory_space<vmem>> -> memref<80xi32, #tpu.memory_space<vmem>>
      %dma_start3A_1067 = arith.constant 0 : i32
      %dma_start3A_1068 = arith.constant 0 : i32
      %dma_start3A_1069 = tpu.memref_slice %arg7[%dma_start3A_1067, %dma_start3A_1068] : memref<10240x128xf32, #tpu.memory_space<vmem_shared>> -> memref<10240x128xf32, #tpu.memory_space<vmem_shared>>
      tpu.enqueue_indirect_dma source(%dma_start3A_1063 : memref<80x128xf32, #tpu.memory_space<vmem>>) target(%dma_start3A_1069 : memref<10240x128xf32, #tpu.memory_space<vmem_shared>>) offsets(%dma_start3A_1066 : memref<80xi32, #tpu.memory_space<vmem>>) semaphore(%arg16 : memref<!tpu.dma_semaphore, #tpu.memory_space<semaphore_mem>>) {add = true}
      %ge3A_1070 = arith.constant 2 : i32
      %ge3A_1071 = arith.cmpi sge, %add3A_1032, %ge3A_1070 : i32
      %convert_element_type3A_1072 = arith.extui %ge3A_1071 : i1 to i32
      %cond3A_1073 = arith.constant 0 : i32
      %cond3A_1074 = arith.cmpi ne, %convert_element_type3A_1072, %cond3A_1073 : i32
      scf.if %cond3A_1074 {
        %dma_wait3A_1172 = arith.constant 4 : i32
        %dma_wait3A_1173 = arith.constant 0 : i32
        %dma_wait3A_1174 = tpu.memref_slice %arg9[%dma_wait3A_1172, %dma_wait3A_1173] : memref<6x80xi32, #tpu.memory_space<vmem>> -> memref<1x80xi32, #tpu.memory_space<vmem>>
        %dma_wait3A_1175 = tpu.memref_squeeze %dma_wait3A_1174 : memref<1x80xi32, #tpu.memory_space<vmem>> -> memref<80xi32, #tpu.memory_space<vmem>>
        %dma_wait3A_1176 = arith.constant 0 : i32
        %dma_wait3A_1177 = tpu.memref_slice %arg24[%dma_wait3A_1176] : memref<10240xf32, #tpu.memory_space<vmem_shared>> -> memref<10240xf32, #tpu.memory_space<vmem_shared>>
        tpu.wait_indirect_dma semaphore(%arg27 : memref<!tpu.dma_semaphore, #tpu.memory_space<semaphore_mem>>) src(%arg25 : memref<80xf32, #tpu.memory_space<vmem>>) dst(%dma_wait3A_1177 : memref<10240xf32, #tpu.memory_space<vmem_shared>>)
      } else {
      }
      %dma_start3A_1075 = arith.constant 4 : i32
      %dma_start3A_1076 = arith.constant 0 : i32
      %dma_start3A_1077 = tpu.memref_slice %arg9[%dma_start3A_1075, %dma_start3A_1076] : memref<6x80xi32, #tpu.memory_space<vmem>> -> memref<1x80xi32, #tpu.memory_space<vmem>>
      %dma_start3A_1078 = tpu.memref_squeeze %dma_start3A_1077 : memref<1x80xi32, #tpu.memory_space<vmem>> -> memref<80xi32, #tpu.memory_space<vmem>>
      %dma_start3A_1079 = arith.constant 0 : i32
      %dma_start3A_1080 = tpu.memref_slice %arg24[%dma_start3A_1079] : memref<10240xf32, #tpu.memory_space<vmem_shared>> -> memref<10240xf32, #tpu.memory_space<vmem_shared>>
      tpu.enqueue_indirect_dma source(%arg25 : memref<80xf32, #tpu.memory_space<vmem>>) target(%dma_start3A_1080 : memref<10240xf32, #tpu.memory_space<vmem_shared>>) offsets(%dma_start3A_1078 : memref<80xi32, #tpu.memory_space<vmem>>) semaphore(%arg27 : memref<!tpu.dma_semaphore, #tpu.memory_space<semaphore_mem>>) {add = true}
      %add3A_1081 = arith.constant 4 : i32
      %add3A_1082 = arith.addi %add3A_1032, %add3A_1081 : i32
      %lt3A_1083 = arith.constant 125 : i32
      %lt3A_1084 = arith.cmpi slt, %add3A_1082, %lt3A_1083 : i32
      %convert_element_type3A_1085 = arith.extui %lt3A_1084 : i1 to i32
      %cond3A_1086 = arith.constant 0 : i32
      %cond3A_1087 = arith.cmpi ne, %convert_element_type3A_1085, %cond3A_1086 : i32
      scf.if %cond3A_1087 {
        %add3A_1172 = arith.constant 4 : i32
        %add3A_1173 = arith.addi %add3A_1032, %add3A_1172 : i32
        %dma_start3A_1174 = arith.constant 2 : i32
        %dma_start3A_1175 = arith.constant 0 : i32
        %dma_start3A_1176 = tpu.memref_slice %arg9[%dma_start3A_1174, %dma_start3A_1175] : memref<6x80xi32, #tpu.memory_space<vmem>> -> memref<1x80xi32, #tpu.memory_space<vmem>>
        %dma_start3A_1177 = arith.constant 0 : i32
        %dma_start3A_1178 = arith.constant 0 : i32
        %dma_start3A_1179 = tpu.memref_slice %arg4[%add3A, %add3A_1173, %dma_start3A_1177, %dma_start3A_1178] : memref<32x125x1x80xi32, #tpu.memory_space<hbm>> -> memref<1x1x1x80xi32, #tpu.memory_space<hbm>>
        %dma_start3A_1180 = tpu.memref_squeeze %dma_start3A_1179 : memref<1x1x1x80xi32, #tpu.memory_space<hbm>> -> memref<1x80xi32, #tpu.memory_space<hbm>>
        %dma_start3A_1181 = arith.constant 2 : i32
        %dma_start3A_1182 = arith.constant 0 : i32
        %dma_start3A_1183 = tpu.memref_slice %arg9[%dma_start3A_1181, %dma_start3A_1182] : memref<6x80xi32, #tpu.memory_space<vmem>> -> memref<1x80xi32, #tpu.memory_space<vmem>>
        %dma_start3A_1184 = arith.constant 0 : i32
        %dma_start3A_1185 = arith.constant 0 : i32
        %dma_start3A_1186 = tpu.memref_slice %arg4[%add3A, %add3A_1173, %dma_start3A_1184, %dma_start3A_1185] : memref<32x125x1x80xi32, #tpu.memory_space<hbm>> -> memref<1x1x1x80xi32, #tpu.memory_space<hbm>>
        %dma_start3A_1187 = tpu.memref_squeeze %dma_start3A_1186 : memref<1x1x1x80xi32, #tpu.memory_space<hbm>> -> memref<1x80xi32, #tpu.memory_space<hbm>>
        tpu.enqueue_dma source(%dma_start3A_1187 : memref<1x80xi32, #tpu.memory_space<hbm>>) target(%dma_start3A_1183 : memref<1x80xi32, #tpu.memory_space<vmem>>) target_semaphore(%arg20 : memref<!tpu.dma_semaphore, #tpu.memory_space<semaphore_mem>>)
      } else {
      }
      %ge3A_1088 = arith.constant 1 : i32
      %ge3A_1089 = arith.cmpi sge, %add3A_1032, %ge3A_1088 : i32
      %convert_element_type3A_1090 = arith.extui %ge3A_1089 : i1 to i32
      %cond3A_1091 = arith.constant 0 : i32
      %cond3A_1092 = arith.cmpi ne, %convert_element_type3A_1090, %cond3A_1091 : i32
      scf.if %cond3A_1092 {
        %dma_wait3A_1172 = arith.constant 0 : i32
        %dma_wait3A_1173 = arith.constant 4 : i32
        %dma_wait3A_1174 = arith.constant 0 : i32
        %dma_wait3A_1175 = arith.constant 0 : i32
        %dma_wait3A_1176 = tpu.memref_slice %arg10[%dma_wait3A_1172, %dma_wait3A_1174, %dma_wait3A_1175] : memref<3x80x128xf32, #tpu.memory_space<vmem>> -> memref<1x80x128xf32, #tpu.memory_space<vmem>>
        %dma_wait3A_1177 = tpu.memref_squeeze %dma_wait3A_1176 : memref<1x80x128xf32, #tpu.memory_space<vmem>> -> memref<80x128xf32, #tpu.memory_space<vmem>>
        %dma_wait3A_1178 = arith.constant 0 : i32
        %dma_wait3A_1179 = tpu.memref_slice %arg9[%dma_wait3A_1173, %dma_wait3A_1178] : memref<6x80xi32, #tpu.memory_space<vmem>> -> memref<1x80xi32, #tpu.memory_space<vmem>>
        %dma_wait3A_1180 = tpu.memref_squeeze %dma_wait3A_1179 : memref<1x80xi32, #tpu.memory_space<vmem>> -> memref<80xi32, #tpu.memory_space<vmem>>
        %dma_wait3A_1181 = arith.constant 0 : i32
        %dma_wait3A_1182 = arith.constant 0 : i32
        %dma_wait3A_1183 = tpu.memref_slice %arg7[%dma_wait3A_1181, %dma_wait3A_1182] : memref<10240x128xf32, #tpu.memory_space<vmem_shared>> -> memref<10240x128xf32, #tpu.memory_space<vmem_shared>>
        tpu.wait_indirect_dma semaphore(%arg15 : memref<!tpu.dma_semaphore, #tpu.memory_space<semaphore_mem>>) src(%dma_wait3A_1177 : memref<80x128xf32, #tpu.memory_space<vmem>>) dst(%dma_wait3A_1183 : memref<10240x128xf32, #tpu.memory_space<vmem_shared>>)
      } else {
      }
      %add3A_1093 = arith.constant 2 : i32
      %add3A_1094 = arith.addi %add3A_1032, %add3A_1093 : i32
      %lt3A_1095 = arith.constant 125 : i32
      %lt3A_1096 = arith.cmpi slt, %add3A_1094, %lt3A_1095 : i32
      %convert_element_type3A_1097 = arith.extui %lt3A_1096 : i1 to i32
      %cond3A_1098 = arith.constant 0 : i32
      %cond3A_1099 = arith.cmpi ne, %convert_element_type3A_1097, %cond3A_1098 : i32
      scf.if %cond3A_1099 {
        %add3A_1172 = arith.constant 2 : i32
        %add3A_1173 = arith.addi %add3A_1032, %add3A_1172 : i32
        %mul3A_1174 = arith.constant 80 : i32
        %mul3A_1175 = arith.muli %add3A_1173, %mul3A_1174 : i32
        %dma_start3A_1176 = arith.constant 0 : i32
        %dma_start3A_1177 = arith.constant 0 : i32
        %dma_start3A_1178 = arith.constant 0 : i32
        %dma_start3A_1179 = tpu.memref_slice %arg10[%dma_start3A_1176, %dma_start3A_1177, %dma_start3A_1178] : memref<3x80x128xf32, #tpu.memory_space<vmem>> -> memref<1x80x128xf32, #tpu.memory_space<vmem>>
        %dma_start3A_1180 = tpu.memref_squeeze %dma_start3A_1179 : memref<1x80x128xf32, #tpu.memory_space<vmem>> -> memref<80x128xf32, #tpu.memory_space<vmem>>
        %dma_start3A_1181 = tpu.memref_slice %arg8[%mul3A_1175] : memref<10000xi32, #tpu.memory_space<vmem>> -> memref<80xi32, #tpu.memory_space<vmem>>
        %dma_start3A_1182 = arith.constant 0 : i32
        %dma_start3A_1183 = arith.constant 0 : i32
        %dma_start3A_1184 = tpu.memref_slice %arg2[%dma_start3A_1182, %dma_start3A_1183] : memref<10240x128xf32, #tpu.memory_space<hbm>> -> memref<10240x128xf32, #tpu.memory_space<hbm>>
        tpu.enqueue_indirect_dma source(%dma_start3A_1184 : memref<10240x128xf32, #tpu.memory_space<hbm>>) target(%dma_start3A_1180 : memref<80x128xf32, #tpu.memory_space<vmem>>) offsets(%dma_start3A_1181 : memref<80xi32, #tpu.memory_space<vmem>>) semaphore(%arg12 : memref<!tpu.dma_semaphore, #tpu.memory_space<semaphore_mem>>)
      } else {
      }
      %mul3A_1100 = arith.constant 6 : i32
      %mul3A_1101 = arith.muli %scan3A_747, %mul3A_1100 : i32
      %add3A_1102 = arith.constant 5 : i32
      %add3A_1103 = arith.addi %mul3A_1101, %add3A_1102 : i32
      %mul3A_1104 = arith.constant 80 : i32
      %mul3A_1105 = arith.muli %add3A_1103, %mul3A_1104 : i32
      %dma_wait3A_1106 = arith.constant 2 : i32
      %dma_wait3A_1107 = arith.constant 0 : i32
      %dma_wait3A_1108 = arith.constant 0 : i32
      %dma_wait3A_1109 = tpu.memref_slice %arg10[%dma_wait3A_1106, %dma_wait3A_1107, %dma_wait3A_1108] : memref<3x80x128xf32, #tpu.memory_space<vmem>> -> memref<1x80x128xf32, #tpu.memory_space<vmem>>
      %dma_wait3A_1110 = tpu.memref_squeeze %dma_wait3A_1109 : memref<1x80x128xf32, #tpu.memory_space<vmem>> -> memref<80x128xf32, #tpu.memory_space<vmem>>
      %dma_wait3A_1111 = tpu.memref_slice %arg8[%mul3A_1105] : memref<10000xi32, #tpu.memory_space<vmem>> -> memref<80xi32, #tpu.memory_space<vmem>>
      %dma_wait3A_1112 = arith.constant 0 : i32
      %dma_wait3A_1113 = arith.constant 0 : i32
      %dma_wait3A_1114 = tpu.memref_slice %arg2[%dma_wait3A_1112, %dma_wait3A_1113] : memref<10240x128xf32, #tpu.memory_space<hbm>> -> memref<10240x128xf32, #tpu.memory_space<hbm>>
      tpu.wait_indirect_dma semaphore(%arg14 : memref<!tpu.dma_semaphore, #tpu.memory_space<semaphore_mem>>) src(%dma_wait3A_1114 : memref<10240x128xf32, #tpu.memory_space<hbm>>) dst(%dma_wait3A_1110 : memref<80x128xf32, #tpu.memory_space<vmem>>)
      %dma_wait3A_1115 = arith.constant 5 : i32
      %dma_wait3A_1116 = arith.constant 0 : i32
      %dma_wait3A_1117 = tpu.memref_slice %arg9[%dma_wait3A_1115, %dma_wait3A_1116] : memref<6x80xi32, #tpu.memory_space<vmem>> -> memref<1x80xi32, #tpu.memory_space<vmem>>
      %dma_wait3A_1118 = arith.constant 0 : i32
      %dma_wait3A_1119 = arith.constant 0 : i32
      %dma_wait3A_1120 = tpu.memref_slice %arg4[%add3A, %add3A_1103, %dma_wait3A_1118, %dma_wait3A_1119] : memref<32x125x1x80xi32, #tpu.memory_space<hbm>> -> memref<1x1x1x80xi32, #tpu.memory_space<hbm>>
      %dma_wait3A_1121 = tpu.memref_squeeze %dma_wait3A_1120 : memref<1x1x1x80xi32, #tpu.memory_space<hbm>> -> memref<1x80xi32, #tpu.memory_space<hbm>>
      %dma_wait3A_1122 = arith.constant 5 : i32
      %dma_wait3A_1123 = arith.constant 0 : i32
      %dma_wait3A_1124 = tpu.memref_slice %arg9[%dma_wait3A_1122, %dma_wait3A_1123] : memref<6x80xi32, #tpu.memory_space<vmem>> -> memref<1x80xi32, #tpu.memory_space<vmem>>
      %dma_wait3A_1125 = arith.constant 0 : i32
      %dma_wait3A_1126 = arith.constant 0 : i32
      %dma_wait3A_1127 = tpu.memref_slice %arg4[%add3A, %add3A_1103, %dma_wait3A_1125, %dma_wait3A_1126] : memref<32x125x1x80xi32, #tpu.memory_space<hbm>> -> memref<1x1x1x80xi32, #tpu.memory_space<hbm>>
      %dma_wait3A_1128 = tpu.memref_squeeze %dma_wait3A_1127 : memref<1x1x1x80xi32, #tpu.memory_space<hbm>> -> memref<1x80xi32, #tpu.memory_space<hbm>>
      tpu.wait_dma2 semaphore(%arg23 : memref<!tpu.dma_semaphore, #tpu.memory_space<semaphore_mem>>) src(%dma_wait3A_1128 : memref<1x80xi32, #tpu.memory_space<hbm>>) dst(%dma_wait3A_1124 : memref<1x80xi32, #tpu.memory_space<vmem>>)
      %dma_start3A_1129 = arith.constant 2 : i32
      %dma_start3A_1130 = arith.constant 5 : i32
      %dma_start3A_1131 = arith.constant 0 : i32
      %dma_start3A_1132 = arith.constant 0 : i32
      %dma_start3A_1133 = tpu.memref_slice %arg10[%dma_start3A_1129, %dma_start3A_1131, %dma_start3A_1132] : memref<3x80x128xf32, #tpu.memory_space<vmem>> -> memref<1x80x128xf32, #tpu.memory_space<vmem>>
      %dma_start3A_1134 = tpu.memref_squeeze %dma_start3A_1133 : memref<1x80x128xf32, #tpu.memory_space<vmem>> -> memref<80x128xf32, #tpu.memory_space<vmem>>
      %dma_start3A_1135 = arith.constant 0 : i32
      %dma_start3A_1136 = tpu.memref_slice %arg9[%dma_start3A_1130, %dma_start3A_1135] : memref<6x80xi32, #tpu.memory_space<vmem>> -> memref<1x80xi32, #tpu.memory_space<vmem>>
      %dma_start3A_1137 = tpu.memref_squeeze %dma_start3A_1136 : memref<1x80xi32, #tpu.memory_space<vmem>> -> memref<80xi32, #tpu.memory_space<vmem>>
      %dma_start3A_1138 = arith.constant 0 : i32
      %dma_start3A_1139 = arith.constant 0 : i32
      %dma_start3A_1140 = tpu.memref_slice %arg7[%dma_start3A_1138, %dma_start3A_1139] : memref<10240x128xf32, #tpu.memory_space<vmem_shared>> -> memref<10240x128xf32, #tpu.memory_space<vmem_shared>>
      tpu.enqueue_indirect_dma source(%dma_start3A_1134 : memref<80x128xf32, #tpu.memory_space<vmem>>) target(%dma_start3A_1140 : memref<10240x128xf32, #tpu.memory_space<vmem_shared>>) offsets(%dma_start3A_1137 : memref<80xi32, #tpu.memory_space<vmem>>) semaphore(%arg17 : memref<!tpu.dma_semaphore, #tpu.memory_space<semaphore_mem>>) {add = true}
      %ge3A_1141 = arith.constant 2 : i32
      %ge3A_1142 = arith.cmpi sge, %add3A_1103, %ge3A_1141 : i32
      %convert_element_type3A_1143 = arith.extui %ge3A_1142 : i1 to i32
      %cond3A_1144 = arith.constant 0 : i32
      %cond3A_1145 = arith.cmpi ne, %convert_element_type3A_1143, %cond3A_1144 : i32
      scf.if %cond3A_1145 {
        %dma_wait3A_1172 = arith.constant 5 : i32
        %dma_wait3A_1173 = arith.constant 0 : i32
        %dma_wait3A_1174 = tpu.memref_slice %arg9[%dma_wait3A_1172, %dma_wait3A_1173] : memref<6x80xi32, #tpu.memory_space<vmem>> -> memref<1x80xi32, #tpu.memory_space<vmem>>
        %dma_wait3A_1175 = tpu.memref_squeeze %dma_wait3A_1174 : memref<1x80xi32, #tpu.memory_space<vmem>> -> memref<80xi32, #tpu.memory_space<vmem>>
        %dma_wait3A_1176 = arith.constant 0 : i32
        %dma_wait3A_1177 = tpu.memref_slice %arg24[%dma_wait3A_1176] : memref<10240xf32, #tpu.memory_space<vmem_shared>> -> memref<10240xf32, #tpu.memory_space<vmem_shared>>
        tpu.wait_indirect_dma semaphore(%arg27 : memref<!tpu.dma_semaphore, #tpu.memory_space<semaphore_mem>>) src(%arg25 : memref<80xf32, #tpu.memory_space<vmem>>) dst(%dma_wait3A_1177 : memref<10240xf32, #tpu.memory_space<vmem_shared>>)
      } else {
      }
      %dma_start3A_1146 = arith.constant 5 : i32
      %dma_start3A_1147 = arith.constant 0 : i32
      %dma_start3A_1148 = tpu.memref_slice %arg9[%dma_start3A_1146, %dma_start3A_1147] : memref<6x80xi32, #tpu.memory_space<vmem>> -> memref<1x80xi32, #tpu.memory_space<vmem>>
      %dma_start3A_1149 = tpu.memref_squeeze %dma_start3A_1148 : memref<1x80xi32, #tpu.memory_space<vmem>> -> memref<80xi32, #tpu.memory_space<vmem>>
      %dma_start3A_1150 = arith.constant 0 : i32
      %dma_start3A_1151 = tpu.memref_slice %arg24[%dma_start3A_1150] : memref<10240xf32, #tpu.memory_space<vmem_shared>> -> memref<10240xf32, #tpu.memory_space<vmem_shared>>
      tpu.enqueue_indirect_dma source(%arg25 : memref<80xf32, #tpu.memory_space<vmem>>) target(%dma_start3A_1151 : memref<10240xf32, #tpu.memory_space<vmem_shared>>) offsets(%dma_start3A_1149 : memref<80xi32, #tpu.memory_space<vmem>>) semaphore(%arg27 : memref<!tpu.dma_semaphore, #tpu.memory_space<semaphore_mem>>) {add = true}
      %add3A_1152 = arith.constant 4 : i32
      %add3A_1153 = arith.addi %add3A_1103, %add3A_1152 : i32
      %lt3A_1154 = arith.constant 125 : i32
      %lt3A_1155 = arith.cmpi slt, %add3A_1153, %lt3A_1154 : i32
      %convert_element_type3A_1156 = arith.extui %lt3A_1155 : i1 to i32
      %cond3A_1157 = arith.constant 0 : i32
      %cond3A_1158 = arith.cmpi ne, %convert_element_type3A_1156, %cond3A_1157 : i32
      scf.if %cond3A_1158 {
        %add3A_1172 = arith.constant 4 : i32
        %add3A_1173 = arith.addi %add3A_1103, %add3A_1172 : i32
        %dma_start3A_1174 = arith.constant 3 : i32
        %dma_start3A_1175 = arith.constant 0 : i32
        %dma_start3A_1176 = tpu.memref_slice %arg9[%dma_start3A_1174, %dma_start3A_1175] : memref<6x80xi32, #tpu.memory_space<vmem>> -> memref<1x80xi32, #tpu.memory_space<vmem>>
        %dma_start3A_1177 = arith.constant 0 : i32
        %dma_start3A_1178 = arith.constant 0 : i32
        %dma_start3A_1179 = tpu.memref_slice %arg4[%add3A, %add3A_1173, %dma_start3A_1177, %dma_start3A_1178] : memref<32x125x1x80xi32, #tpu.memory_space<hbm>> -> memref<1x1x1x80xi32, #tpu.memory_space<hbm>>
        %dma_start3A_1180 = tpu.memref_squeeze %dma_start3A_1179 : memref<1x1x1x80xi32, #tpu.memory_space<hbm>> -> memref<1x80xi32, #tpu.memory_space<hbm>>
        %dma_start3A_1181 = arith.constant 3 : i32
        %dma_start3A_1182 = arith.constant 0 : i32
        %dma_start3A_1183 = tpu.memref_slice %arg9[%dma_start3A_1181, %dma_start3A_1182] : memref<6x80xi32, #tpu.memory_space<vmem>> -> memref<1x80xi32, #tpu.memory_space<vmem>>
        %dma_start3A_1184 = arith.constant 0 : i32
        %dma_start3A_1185 = arith.constant 0 : i32
        %dma_start3A_1186 = tpu.memref_slice %arg4[%add3A, %add3A_1173, %dma_start3A_1184, %dma_start3A_1185] : memref<32x125x1x80xi32, #tpu.memory_space<hbm>> -> memref<1x1x1x80xi32, #tpu.memory_space<hbm>>
        %dma_start3A_1187 = tpu.memref_squeeze %dma_start3A_1186 : memref<1x1x1x80xi32, #tpu.memory_space<hbm>> -> memref<1x80xi32, #tpu.memory_space<hbm>>
        tpu.enqueue_dma source(%dma_start3A_1187 : memref<1x80xi32, #tpu.memory_space<hbm>>) target(%dma_start3A_1183 : memref<1x80xi32, #tpu.memory_space<vmem>>) target_semaphore(%arg21 : memref<!tpu.dma_semaphore, #tpu.memory_space<semaphore_mem>>)
      } else {
      }
      %ge3A_1159 = arith.constant 1 : i32
      %ge3A_1160 = arith.cmpi sge, %add3A_1103, %ge3A_1159 : i32
      %convert_element_type3A_1161 = arith.extui %ge3A_1160 : i1 to i32
      %cond3A_1162 = arith.constant 0 : i32
      %cond3A_1163 = arith.cmpi ne, %convert_element_type3A_1161, %cond3A_1162 : i32
      scf.if %cond3A_1163 {
        %dma_wait3A_1172 = arith.constant 1 : i32
        %dma_wait3A_1173 = arith.constant 5 : i32
        %dma_wait3A_1174 = arith.constant 0 : i32
        %dma_wait3A_1175 = arith.constant 0 : i32
        %dma_wait3A_1176 = tpu.memref_slice %arg10[%dma_wait3A_1172, %dma_wait3A_1174, %dma_wait3A_1175] : memref<3x80x128xf32, #tpu.memory_space<vmem>> -> memref<1x80x128xf32, #tpu.memory_space<vmem>>
        %dma_wait3A_1177 = tpu.memref_squeeze %dma_wait3A_1176 : memref<1x80x128xf32, #tpu.memory_space<vmem>> -> memref<80x128xf32, #tpu.memory_space<vmem>>
        %dma_wait3A_1178 = arith.constant 0 : i32
        %dma_wait3A_1179 = tpu.memref_slice %arg9[%dma_wait3A_1173, %dma_wait3A_1178] : memref<6x80xi32, #tpu.memory_space<vmem>> -> memref<1x80xi32, #tpu.memory_space<vmem>>
        %dma_wait3A_1180 = tpu.memref_squeeze %dma_wait3A_1179 : memref<1x80xi32, #tpu.memory_space<vmem>> -> memref<80xi32, #tpu.memory_space<vmem>>
        %dma_wait3A_1181 = arith.constant 0 : i32
        %dma_wait3A_1182 = arith.constant 0 : i32
        %dma_wait3A_1183 = tpu.memref_slice %arg7[%dma_wait3A_1181, %dma_wait3A_1182] : memref<10240x128xf32, #tpu.memory_space<vmem_shared>> -> memref<10240x128xf32, #tpu.memory_space<vmem_shared>>
        tpu.wait_indirect_dma semaphore(%arg16 : memref<!tpu.dma_semaphore, #tpu.memory_space<semaphore_mem>>) src(%dma_wait3A_1177 : memref<80x128xf32, #tpu.memory_space<vmem>>) dst(%dma_wait3A_1183 : memref<10240x128xf32, #tpu.memory_space<vmem_shared>>)
      } else {
      }
      %add3A_1164 = arith.constant 2 : i32
      %add3A_1165 = arith.addi %add3A_1103, %add3A_1164 : i32
      %lt3A_1166 = arith.constant 125 : i32
      %lt3A_1167 = arith.cmpi slt, %add3A_1165, %lt3A_1166 : i32
      %convert_element_type3A_1168 = arith.extui %lt3A_1167 : i1 to i32
      %cond3A_1169 = arith.constant 0 : i32
      %cond3A_1170 = arith.cmpi ne, %convert_element_type3A_1168, %cond3A_1169 : i32
      scf.if %cond3A_1170 {
        %add3A_1172 = arith.constant 2 : i32
        %add3A_1173 = arith.addi %add3A_1103, %add3A_1172 : i32
        %mul3A_1174 = arith.constant 80 : i32
        %mul3A_1175 = arith.muli %add3A_1173, %mul3A_1174 : i32
        %dma_start3A_1176 = arith.constant 1 : i32
        %dma_start3A_1177 = arith.constant 0 : i32
        %dma_start3A_1178 = arith.constant 0 : i32
        %dma_start3A_1179 = tpu.memref_slice %arg10[%dma_start3A_1176, %dma_start3A_1177, %dma_start3A_1178] : memref<3x80x128xf32, #tpu.memory_space<vmem>> -> memref<1x80x128xf32, #tpu.memory_space<vmem>>
        %dma_start3A_1180 = tpu.memref_squeeze %dma_start3A_1179 : memref<1x80x128xf32, #tpu.memory_space<vmem>> -> memref<80x128xf32, #tpu.memory_space<vmem>>
        %dma_start3A_1181 = tpu.memref_slice %arg8[%mul3A_1175] : memref<10000xi32, #tpu.memory_space<vmem>> -> memref<80xi32, #tpu.memory_space<vmem>>
        %dma_start3A_1182 = arith.constant 0 : i32
        %dma_start3A_1183 = arith.constant 0 : i32
        %dma_start3A_1184 = tpu.memref_slice %arg2[%dma_start3A_1182, %dma_start3A_1183] : memref<10240x128xf32, #tpu.memory_space<hbm>> -> memref<10240x128xf32, #tpu.memory_space<hbm>>
        tpu.enqueue_indirect_dma source(%dma_start3A_1184 : memref<10240x128xf32, #tpu.memory_space<hbm>>) target(%dma_start3A_1180 : memref<80x128xf32, #tpu.memory_space<vmem>>) offsets(%dma_start3A_1181 : memref<80xi32, #tpu.memory_space<vmem>>) semaphore(%arg13 : memref<!tpu.dma_semaphore, #tpu.memory_space<semaphore_mem>>)
      } else {
      }
      %scan3A_1171 = arith.constant 0 : i32
      scf.yield %scan3A_1171 : i32
    }
    %scan3A_364 = arith.constant 20 : i32
    %dma_wait3A_365 = arith.constant 0 : i32
    %dma_wait3A_366 = arith.constant 0 : i32
    %dma_wait3A_367 = arith.constant 0 : i32
    %dma_wait3A_368 = tpu.memref_slice %arg10[%dma_wait3A_365, %dma_wait3A_366, %dma_wait3A_367] : memref<3x80x128xf32, #tpu.memory_space<vmem>> -> memref<1x80x128xf32, #tpu.memory_space<vmem>>
    %dma_wait3A_369 = tpu.memref_squeeze %dma_wait3A_368 : memref<1x80x128xf32, #tpu.memory_space<vmem>> -> memref<80x128xf32, #tpu.memory_space<vmem>>
    %dma_wait3A_370 = arith.constant 9600 : i32
    %dma_wait3A_371 = tpu.memref_slice %arg8[%dma_wait3A_370] : memref<10000xi32, #tpu.memory_space<vmem>> -> memref<80xi32, #tpu.memory_space<vmem>>
    %dma_wait3A_372 = arith.constant 0 : i32
    %dma_wait3A_373 = arith.constant 0 : i32
    %dma_wait3A_374 = tpu.memref_slice %arg2[%dma_wait3A_372, %dma_wait3A_373] : memref<10240x128xf32, #tpu.memory_space<hbm>> -> memref<10240x128xf32, #tpu.memory_space<hbm>>
    tpu.wait_indirect_dma semaphore(%arg12 : memref<!tpu.dma_semaphore, #tpu.memory_space<semaphore_mem>>) src(%dma_wait3A_374 : memref<10240x128xf32, #tpu.memory_space<hbm>>) dst(%dma_wait3A_369 : memref<80x128xf32, #tpu.memory_space<vmem>>)
    %dma_wait3A_375 = arith.constant 120 : i32
    %dma_wait3A_376 = arith.constant 0 : i32
    %dma_wait3A_377 = arith.constant 0 : i32
    %dma_wait3A_378 = tpu.memref_slice %arg9[%dma_wait3A_376, %dma_wait3A_377] : memref<6x80xi32, #tpu.memory_space<vmem>> -> memref<1x80xi32, #tpu.memory_space<vmem>>
    %dma_wait3A_379 = arith.constant 0 : i32
    %dma_wait3A_380 = arith.constant 0 : i32
    %dma_wait3A_381 = tpu.memref_slice %arg4[%add3A, %dma_wait3A_375, %dma_wait3A_379, %dma_wait3A_380] : memref<32x125x1x80xi32, #tpu.memory_space<hbm>> -> memref<1x1x1x80xi32, #tpu.memory_space<hbm>>
    %dma_wait3A_382 = tpu.memref_squeeze %dma_wait3A_381 : memref<1x1x1x80xi32, #tpu.memory_space<hbm>> -> memref<1x80xi32, #tpu.memory_space<hbm>>
    %dma_wait3A_383 = arith.constant 0 : i32
    %dma_wait3A_384 = arith.constant 0 : i32
    %dma_wait3A_385 = tpu.memref_slice %arg9[%dma_wait3A_383, %dma_wait3A_384] : memref<6x80xi32, #tpu.memory_space<vmem>> -> memref<1x80xi32, #tpu.memory_space<vmem>>
    %dma_wait3A_386 = arith.constant 0 : i32
    %dma_wait3A_387 = arith.constant 0 : i32
    %dma_wait3A_388 = tpu.memref_slice %arg4[%add3A, %dma_wait3A_375, %dma_wait3A_386, %dma_wait3A_387] : memref<32x125x1x80xi32, #tpu.memory_space<hbm>> -> memref<1x1x1x80xi32, #tpu.memory_space<hbm>>
    %dma_wait3A_389 = tpu.memref_squeeze %dma_wait3A_388 : memref<1x1x1x80xi32, #tpu.memory_space<hbm>> -> memref<1x80xi32, #tpu.memory_space<hbm>>
    tpu.wait_dma2 semaphore(%arg18 : memref<!tpu.dma_semaphore, #tpu.memory_space<semaphore_mem>>) src(%dma_wait3A_389 : memref<1x80xi32, #tpu.memory_space<hbm>>) dst(%dma_wait3A_385 : memref<1x80xi32, #tpu.memory_space<vmem>>)
    %dma_start3A_390 = arith.constant 0 : i32
    %dma_start3A_391 = arith.constant 0 : i32
    %dma_start3A_392 = arith.constant 0 : i32
    %dma_start3A_393 = arith.constant 0 : i32
    %dma_start3A_394 = tpu.memref_slice %arg10[%dma_start3A_390, %dma_start3A_392, %dma_start3A_393] : memref<3x80x128xf32, #tpu.memory_space<vmem>> -> memref<1x80x128xf32, #tpu.memory_space<vmem>>
    %dma_start3A_395 = tpu.memref_squeeze %dma_start3A_394 : memref<1x80x128xf32, #tpu.memory_space<vmem>> -> memref<80x128xf32, #tpu.memory_space<vmem>>
    %dma_start3A_396 = arith.constant 0 : i32
    %dma_start3A_397 = tpu.memref_slice %arg9[%dma_start3A_391, %dma_start3A_396] : memref<6x80xi32, #tpu.memory_space<vmem>> -> memref<1x80xi32, #tpu.memory_space<vmem>>
    %dma_start3A_398 = tpu.memref_squeeze %dma_start3A_397 : memref<1x80xi32, #tpu.memory_space<vmem>> -> memref<80xi32, #tpu.memory_space<vmem>>
    %dma_start3A_399 = arith.constant 0 : i32
    %dma_start3A_400 = arith.constant 0 : i32
    %dma_start3A_401 = tpu.memref_slice %arg7[%dma_start3A_399, %dma_start3A_400] : memref<10240x128xf32, #tpu.memory_space<vmem_shared>> -> memref<10240x128xf32, #tpu.memory_space<vmem_shared>>
    tpu.enqueue_indirect_dma source(%dma_start3A_395 : memref<80x128xf32, #tpu.memory_space<vmem>>) target(%dma_start3A_401 : memref<10240x128xf32, #tpu.memory_space<vmem_shared>>) offsets(%dma_start3A_398 : memref<80xi32, #tpu.memory_space<vmem>>) semaphore(%arg15 : memref<!tpu.dma_semaphore, #tpu.memory_space<semaphore_mem>>) {add = true}
    %dma_wait3A_402 = arith.constant 0 : i32
    %dma_wait3A_403 = arith.constant 0 : i32
    %dma_wait3A_404 = tpu.memref_slice %arg9[%dma_wait3A_402, %dma_wait3A_403] : memref<6x80xi32, #tpu.memory_space<vmem>> -> memref<1x80xi32, #tpu.memory_space<vmem>>
    %dma_wait3A_405 = tpu.memref_squeeze %dma_wait3A_404 : memref<1x80xi32, #tpu.memory_space<vmem>> -> memref<80xi32, #tpu.memory_space<vmem>>
    %dma_wait3A_406 = arith.constant 0 : i32
    %dma_wait3A_407 = tpu.memref_slice %arg24[%dma_wait3A_406] : memref<10240xf32, #tpu.memory_space<vmem_shared>> -> memref<10240xf32, #tpu.memory_space<vmem_shared>>
    tpu.wait_indirect_dma semaphore(%arg27 : memref<!tpu.dma_semaphore, #tpu.memory_space<semaphore_mem>>) src(%arg25 : memref<80xf32, #tpu.memory_space<vmem>>) dst(%dma_wait3A_407 : memref<10240xf32, #tpu.memory_space<vmem_shared>>)
    %dma_start3A_408 = arith.constant 0 : i32
    %dma_start3A_409 = arith.constant 0 : i32
    %dma_start3A_410 = tpu.memref_slice %arg9[%dma_start3A_408, %dma_start3A_409] : memref<6x80xi32, #tpu.memory_space<vmem>> -> memref<1x80xi32, #tpu.memory_space<vmem>>
    %dma_start3A_411 = tpu.memref_squeeze %dma_start3A_410 : memref<1x80xi32, #tpu.memory_space<vmem>> -> memref<80xi32, #tpu.memory_space<vmem>>
    %dma_start3A_412 = arith.constant 0 : i32
    %dma_start3A_413 = tpu.memref_slice %arg24[%dma_start3A_412] : memref<10240xf32, #tpu.memory_space<vmem_shared>> -> memref<10240xf32, #tpu.memory_space<vmem_shared>>
    tpu.enqueue_indirect_dma source(%arg25 : memref<80xf32, #tpu.memory_space<vmem>>) target(%dma_start3A_413 : memref<10240xf32, #tpu.memory_space<vmem_shared>>) offsets(%dma_start3A_411 : memref<80xi32, #tpu.memory_space<vmem>>) semaphore(%arg27 : memref<!tpu.dma_semaphore, #tpu.memory_space<semaphore_mem>>) {add = true}
    %dma_start3A_414 = arith.constant 124 : i32
    %dma_start3A_415 = arith.constant 4 : i32
    %dma_start3A_416 = arith.constant 0 : i32
    %dma_start3A_417 = tpu.memref_slice %arg9[%dma_start3A_415, %dma_start3A_416] : memref<6x80xi32, #tpu.memory_space<vmem>> -> memref<1x80xi32, #tpu.memory_space<vmem>>
    %dma_start3A_418 = arith.constant 0 : i32
    %dma_start3A_419 = arith.constant 0 : i32
    %dma_start3A_420 = tpu.memref_slice %arg4[%add3A, %dma_start3A_414, %dma_start3A_418, %dma_start3A_419] : memref<32x125x1x80xi32, #tpu.memory_space<hbm>> -> memref<1x1x1x80xi32, #tpu.memory_space<hbm>>
    %dma_start3A_421 = tpu.memref_squeeze %dma_start3A_420 : memref<1x1x1x80xi32, #tpu.memory_space<hbm>> -> memref<1x80xi32, #tpu.memory_space<hbm>>
    %dma_start3A_422 = arith.constant 4 : i32
    %dma_start3A_423 = arith.constant 0 : i32
    %dma_start3A_424 = tpu.memref_slice %arg9[%dma_start3A_422, %dma_start3A_423] : memref<6x80xi32, #tpu.memory_space<vmem>> -> memref<1x80xi32, #tpu.memory_space<vmem>>
    %dma_start3A_425 = arith.constant 0 : i32
    %dma_start3A_426 = arith.constant 0 : i32
    %dma_start3A_427 = tpu.memref_slice %arg4[%add3A, %dma_start3A_414, %dma_start3A_425, %dma_start3A_426] : memref<32x125x1x80xi32, #tpu.memory_space<hbm>> -> memref<1x1x1x80xi32, #tpu.memory_space<hbm>>
    %dma_start3A_428 = tpu.memref_squeeze %dma_start3A_427 : memref<1x1x1x80xi32, #tpu.memory_space<hbm>> -> memref<1x80xi32, #tpu.memory_space<hbm>>
    tpu.enqueue_dma source(%dma_start3A_428 : memref<1x80xi32, #tpu.memory_space<hbm>>) target(%dma_start3A_424 : memref<1x80xi32, #tpu.memory_space<vmem>>) target_semaphore(%arg22 : memref<!tpu.dma_semaphore, #tpu.memory_space<semaphore_mem>>)
    %dma_wait3A_429 = arith.constant 2 : i32
    %dma_wait3A_430 = arith.constant 0 : i32
    %dma_wait3A_431 = arith.constant 0 : i32
    %dma_wait3A_432 = arith.constant 0 : i32
    %dma_wait3A_433 = tpu.memref_slice %arg10[%dma_wait3A_429, %dma_wait3A_431, %dma_wait3A_432] : memref<3x80x128xf32, #tpu.memory_space<vmem>> -> memref<1x80x128xf32, #tpu.memory_space<vmem>>
    %dma_wait3A_434 = tpu.memref_squeeze %dma_wait3A_433 : memref<1x80x128xf32, #tpu.memory_space<vmem>> -> memref<80x128xf32, #tpu.memory_space<vmem>>
    %dma_wait3A_435 = arith.constant 0 : i32
    %dma_wait3A_436 = tpu.memref_slice %arg9[%dma_wait3A_430, %dma_wait3A_435] : memref<6x80xi32, #tpu.memory_space<vmem>> -> memref<1x80xi32, #tpu.memory_space<vmem>>
    %dma_wait3A_437 = tpu.memref_squeeze %dma_wait3A_436 : memref<1x80xi32, #tpu.memory_space<vmem>> -> memref<80xi32, #tpu.memory_space<vmem>>
    %dma_wait3A_438 = arith.constant 0 : i32
    %dma_wait3A_439 = arith.constant 0 : i32
    %dma_wait3A_440 = tpu.memref_slice %arg7[%dma_wait3A_438, %dma_wait3A_439] : memref<10240x128xf32, #tpu.memory_space<vmem_shared>> -> memref<10240x128xf32, #tpu.memory_space<vmem_shared>>
    tpu.wait_indirect_dma semaphore(%arg17 : memref<!tpu.dma_semaphore, #tpu.memory_space<semaphore_mem>>) src(%dma_wait3A_434 : memref<80x128xf32, #tpu.memory_space<vmem>>) dst(%dma_wait3A_440 : memref<10240x128xf32, #tpu.memory_space<vmem_shared>>)
    %dma_start3A_441 = arith.constant 2 : i32
    %dma_start3A_442 = arith.constant 0 : i32
    %dma_start3A_443 = arith.constant 0 : i32
    %dma_start3A_444 = tpu.memref_slice %arg10[%dma_start3A_441, %dma_start3A_442, %dma_start3A_443] : memref<3x80x128xf32, #tpu.memory_space<vmem>> -> memref<1x80x128xf32, #tpu.memory_space<vmem>>
    %dma_start3A_445 = tpu.memref_squeeze %dma_start3A_444 : memref<1x80x128xf32, #tpu.memory_space<vmem>> -> memref<80x128xf32, #tpu.memory_space<vmem>>
    %dma_start3A_446 = arith.constant 9760 : i32
    %dma_start3A_447 = tpu.memref_slice %arg8[%dma_start3A_446] : memref<10000xi32, #tpu.memory_space<vmem>> -> memref<80xi32, #tpu.memory_space<vmem>>
    %dma_start3A_448 = arith.constant 0 : i32
    %dma_start3A_449 = arith.constant 0 : i32
    %dma_start3A_450 = tpu.memref_slice %arg2[%dma_start3A_448, %dma_start3A_449] : memref<10240x128xf32, #tpu.memory_space<hbm>> -> memref<10240x128xf32, #tpu.memory_space<hbm>>
    tpu.enqueue_indirect_dma source(%dma_start3A_450 : memref<10240x128xf32, #tpu.memory_space<hbm>>) target(%dma_start3A_445 : memref<80x128xf32, #tpu.memory_space<vmem>>) offsets(%dma_start3A_447 : memref<80xi32, #tpu.memory_space<vmem>>) semaphore(%arg14 : memref<!tpu.dma_semaphore, #tpu.memory_space<semaphore_mem>>)
    %dma_wait3A_451 = arith.constant 1 : i32
    %dma_wait3A_452 = arith.constant 0 : i32
    %dma_wait3A_453 = arith.constant 0 : i32
    %dma_wait3A_454 = tpu.memref_slice %arg10[%dma_wait3A_451, %dma_wait3A_452, %dma_wait3A_453] : memref<3x80x128xf32, #tpu.memory_space<vmem>> -> memref<1x80x128xf32, #tpu.memory_space<vmem>>
    %dma_wait3A_455 = tpu.memref_squeeze %dma_wait3A_454 : memref<1x80x128xf32, #tpu.memory_space<vmem>> -> memref<80x128xf32, #tpu.memory_space<vmem>>
    %dma_wait3A_456 = arith.constant 9680 : i32
    %dma_wait3A_457 = tpu.memref_slice %arg8[%dma_wait3A_456] : memref<10000xi32, #tpu.memory_space<vmem>> -> memref<80xi32, #tpu.memory_space<vmem>>
    %dma_wait3A_458 = arith.constant 0 : i32
    %dma_wait3A_459 = arith.constant 0 : i32
    %dma_wait3A_460 = tpu.memref_slice %arg2[%dma_wait3A_458, %dma_wait3A_459] : memref<10240x128xf32, #tpu.memory_space<hbm>> -> memref<10240x128xf32, #tpu.memory_space<hbm>>
    tpu.wait_indirect_dma semaphore(%arg13 : memref<!tpu.dma_semaphore, #tpu.memory_space<semaphore_mem>>) src(%dma_wait3A_460 : memref<10240x128xf32, #tpu.memory_space<hbm>>) dst(%dma_wait3A_455 : memref<80x128xf32, #tpu.memory_space<vmem>>)
    %dma_wait3A_461 = arith.constant 121 : i32
    %dma_wait3A_462 = arith.constant 1 : i32
    %dma_wait3A_463 = arith.constant 0 : i32
    %dma_wait3A_464 = tpu.memref_slice %arg9[%dma_wait3A_462, %dma_wait3A_463] : memref<6x80xi32, #tpu.memory_space<vmem>> -> memref<1x80xi32, #tpu.memory_space<vmem>>
    %dma_wait3A_465 = arith.constant 0 : i32
    %dma_wait3A_466 = arith.constant 0 : i32
    %dma_wait3A_467 = tpu.memref_slice %arg4[%add3A, %dma_wait3A_461, %dma_wait3A_465, %dma_wait3A_466] : memref<32x125x1x80xi32, #tpu.memory_space<hbm>> -> memref<1x1x1x80xi32, #tpu.memory_space<hbm>>
    %dma_wait3A_468 = tpu.memref_squeeze %dma_wait3A_467 : memref<1x1x1x80xi32, #tpu.memory_space<hbm>> -> memref<1x80xi32, #tpu.memory_space<hbm>>
    %dma_wait3A_469 = arith.constant 1 : i32
    %dma_wait3A_470 = arith.constant 0 : i32
    %dma_wait3A_471 = tpu.memref_slice %arg9[%dma_wait3A_469, %dma_wait3A_470] : memref<6x80xi32, #tpu.memory_space<vmem>> -> memref<1x80xi32, #tpu.memory_space<vmem>>
    %dma_wait3A_472 = arith.constant 0 : i32
    %dma_wait3A_473 = arith.constant 0 : i32
    %dma_wait3A_474 = tpu.memref_slice %arg4[%add3A, %dma_wait3A_461, %dma_wait3A_472, %dma_wait3A_473] : memref<32x125x1x80xi32, #tpu.memory_space<hbm>> -> memref<1x1x1x80xi32, #tpu.memory_space<hbm>>
    %dma_wait3A_475 = tpu.memref_squeeze %dma_wait3A_474 : memref<1x1x1x80xi32, #tpu.memory_space<hbm>> -> memref<1x80xi32, #tpu.memory_space<hbm>>
    tpu.wait_dma2 semaphore(%arg19 : memref<!tpu.dma_semaphore, #tpu.memory_space<semaphore_mem>>) src(%dma_wait3A_475 : memref<1x80xi32, #tpu.memory_space<hbm>>) dst(%dma_wait3A_471 : memref<1x80xi32, #tpu.memory_space<vmem>>)
    %dma_start3A_476 = arith.constant 1 : i32
    %dma_start3A_477 = arith.constant 1 : i32
    %dma_start3A_478 = arith.constant 0 : i32
    %dma_start3A_479 = arith.constant 0 : i32
    %dma_start3A_480 = tpu.memref_slice %arg10[%dma_start3A_476, %dma_start3A_478, %dma_start3A_479] : memref<3x80x128xf32, #tpu.memory_space<vmem>> -> memref<1x80x128xf32, #tpu.memory_space<vmem>>
    %dma_start3A_481 = tpu.memref_squeeze %dma_start3A_480 : memref<1x80x128xf32, #tpu.memory_space<vmem>> -> memref<80x128xf32, #tpu.memory_space<vmem>>
    %dma_start3A_482 = arith.constant 0 : i32
    %dma_start3A_483 = tpu.memref_slice %arg9[%dma_start3A_477, %dma_start3A_482] : memref<6x80xi32, #tpu.memory_space<vmem>> -> memref<1x80xi32, #tpu.memory_space<vmem>>
    %dma_start3A_484 = tpu.memref_squeeze %dma_start3A_483 : memref<1x80xi32, #tpu.memory_space<vmem>> -> memref<80xi32, #tpu.memory_space<vmem>>
    %dma_start3A_485 = arith.constant 0 : i32
    %dma_start3A_486 = arith.constant 0 : i32
    %dma_start3A_487 = tpu.memref_slice %arg7[%dma_start3A_485, %dma_start3A_486] : memref<10240x128xf32, #tpu.memory_space<vmem_shared>> -> memref<10240x128xf32, #tpu.memory_space<vmem_shared>>
    tpu.enqueue_indirect_dma source(%dma_start3A_481 : memref<80x128xf32, #tpu.memory_space<vmem>>) target(%dma_start3A_487 : memref<10240x128xf32, #tpu.memory_space<vmem_shared>>) offsets(%dma_start3A_484 : memref<80xi32, #tpu.memory_space<vmem>>) semaphore(%arg16 : memref<!tpu.dma_semaphore, #tpu.memory_space<semaphore_mem>>) {add = true}
    %dma_wait3A_488 = arith.constant 1 : i32
    %dma_wait3A_489 = arith.constant 0 : i32
    %dma_wait3A_490 = tpu.memref_slice %arg9[%dma_wait3A_488, %dma_wait3A_489] : memref<6x80xi32, #tpu.memory_space<vmem>> -> memref<1x80xi32, #tpu.memory_space<vmem>>
    %dma_wait3A_491 = tpu.memref_squeeze %dma_wait3A_490 : memref<1x80xi32, #tpu.memory_space<vmem>> -> memref<80xi32, #tpu.memory_space<vmem>>
    %dma_wait3A_492 = arith.constant 0 : i32
    %dma_wait3A_493 = tpu.memref_slice %arg24[%dma_wait3A_492] : memref<10240xf32, #tpu.memory_space<vmem_shared>> -> memref<10240xf32, #tpu.memory_space<vmem_shared>>
    tpu.wait_indirect_dma semaphore(%arg27 : memref<!tpu.dma_semaphore, #tpu.memory_space<semaphore_mem>>) src(%arg25 : memref<80xf32, #tpu.memory_space<vmem>>) dst(%dma_wait3A_493 : memref<10240xf32, #tpu.memory_space<vmem_shared>>)
    %dma_start3A_494 = arith.constant 1 : i32
    %dma_start3A_495 = arith.constant 0 : i32
    %dma_start3A_496 = tpu.memref_slice %arg9[%dma_start3A_494, %dma_start3A_495] : memref<6x80xi32, #tpu.memory_space<vmem>> -> memref<1x80xi32, #tpu.memory_space<vmem>>
    %dma_start3A_497 = tpu.memref_squeeze %dma_start3A_496 : memref<1x80xi32, #tpu.memory_space<vmem>> -> memref<80xi32, #tpu.memory_space<vmem>>
    %dma_start3A_498 = arith.constant 0 : i32
    %dma_start3A_499 = tpu.memref_slice %arg24[%dma_start3A_498] : memref<10240xf32, #tpu.memory_space<vmem_shared>> -> memref<10240xf32, #tpu.memory_space<vmem_shared>>
    tpu.enqueue_indirect_dma source(%arg25 : memref<80xf32, #tpu.memory_space<vmem>>) target(%dma_start3A_499 : memref<10240xf32, #tpu.memory_space<vmem_shared>>) offsets(%dma_start3A_497 : memref<80xi32, #tpu.memory_space<vmem>>) semaphore(%arg27 : memref<!tpu.dma_semaphore, #tpu.memory_space<semaphore_mem>>) {add = true}
    %dma_wait3A_500 = arith.constant 0 : i32
    %dma_wait3A_501 = arith.constant 1 : i32
    %dma_wait3A_502 = arith.constant 0 : i32
    %dma_wait3A_503 = arith.constant 0 : i32
    %dma_wait3A_504 = tpu.memref_slice %arg10[%dma_wait3A_500, %dma_wait3A_502, %dma_wait3A_503] : memref<3x80x128xf32, #tpu.memory_space<vmem>> -> memref<1x80x128xf32, #tpu.memory_space<vmem>>
    %dma_wait3A_505 = tpu.memref_squeeze %dma_wait3A_504 : memref<1x80x128xf32, #tpu.memory_space<vmem>> -> memref<80x128xf32, #tpu.memory_space<vmem>>
    %dma_wait3A_506 = arith.constant 0 : i32
    %dma_wait3A_507 = tpu.memref_slice %arg9[%dma_wait3A_501, %dma_wait3A_506] : memref<6x80xi32, #tpu.memory_space<vmem>> -> memref<1x80xi32, #tpu.memory_space<vmem>>
    %dma_wait3A_508 = tpu.memref_squeeze %dma_wait3A_507 : memref<1x80xi32, #tpu.memory_space<vmem>> -> memref<80xi32, #tpu.memory_space<vmem>>
    %dma_wait3A_509 = arith.constant 0 : i32
    %dma_wait3A_510 = arith.constant 0 : i32
    %dma_wait3A_511 = tpu.memref_slice %arg7[%dma_wait3A_509, %dma_wait3A_510] : memref<10240x128xf32, #tpu.memory_space<vmem_shared>> -> memref<10240x128xf32, #tpu.memory_space<vmem_shared>>
    tpu.wait_indirect_dma semaphore(%arg15 : memref<!tpu.dma_semaphore, #tpu.memory_space<semaphore_mem>>) src(%dma_wait3A_505 : memref<80x128xf32, #tpu.memory_space<vmem>>) dst(%dma_wait3A_511 : memref<10240x128xf32, #tpu.memory_space<vmem_shared>>)
    %dma_start3A_512 = arith.constant 0 : i32
    %dma_start3A_513 = arith.constant 0 : i32
    %dma_start3A_514 = arith.constant 0 : i32
    %dma_start3A_515 = tpu.memref_slice %arg10[%dma_start3A_512, %dma_start3A_513, %dma_start3A_514] : memref<3x80x128xf32, #tpu.memory_space<vmem>> -> memref<1x80x128xf32, #tpu.memory_space<vmem>>
    %dma_start3A_516 = tpu.memref_squeeze %dma_start3A_515 : memref<1x80x128xf32, #tpu.memory_space<vmem>> -> memref<80x128xf32, #tpu.memory_space<vmem>>
    %dma_start3A_517 = arith.constant 9840 : i32
    %dma_start3A_518 = tpu.memref_slice %arg8[%dma_start3A_517] : memref<10000xi32, #tpu.memory_space<vmem>> -> memref<80xi32, #tpu.memory_space<vmem>>
    %dma_start3A_519 = arith.constant 0 : i32
    %dma_start3A_520 = arith.constant 0 : i32
    %dma_start3A_521 = tpu.memref_slice %arg2[%dma_start3A_519, %dma_start3A_520] : memref<10240x128xf32, #tpu.memory_space<hbm>> -> memref<10240x128xf32, #tpu.memory_space<hbm>>
    tpu.enqueue_indirect_dma source(%dma_start3A_521 : memref<10240x128xf32, #tpu.memory_space<hbm>>) target(%dma_start3A_516 : memref<80x128xf32, #tpu.memory_space<vmem>>) offsets(%dma_start3A_518 : memref<80xi32, #tpu.memory_space<vmem>>) semaphore(%arg12 : memref<!tpu.dma_semaphore, #tpu.memory_space<semaphore_mem>>)
    %dma_wait3A_522 = arith.constant 2 : i32
    %dma_wait3A_523 = arith.constant 0 : i32
    %dma_wait3A_524 = arith.constant 0 : i32
    %dma_wait3A_525 = tpu.memref_slice %arg10[%dma_wait3A_522, %dma_wait3A_523, %dma_wait3A_524] : memref<3x80x128xf32, #tpu.memory_space<vmem>> -> memref<1x80x128xf32, #tpu.memory_space<vmem>>
    %dma_wait3A_526 = tpu.memref_squeeze %dma_wait3A_525 : memref<1x80x128xf32, #tpu.memory_space<vmem>> -> memref<80x128xf32, #tpu.memory_space<vmem>>
    %dma_wait3A_527 = arith.constant 9760 : i32
    %dma_wait3A_528 = tpu.memref_slice %arg8[%dma_wait3A_527] : memref<10000xi32, #tpu.memory_space<vmem>> -> memref<80xi32, #tpu.memory_space<vmem>>
    %dma_wait3A_529 = arith.constant 0 : i32
    %dma_wait3A_530 = arith.constant 0 : i32
    %dma_wait3A_531 = tpu.memref_slice %arg2[%dma_wait3A_529, %dma_wait3A_530] : memref<10240x128xf32, #tpu.memory_space<hbm>> -> memref<10240x128xf32, #tpu.memory_space<hbm>>
    tpu.wait_indirect_dma semaphore(%arg14 : memref<!tpu.dma_semaphore, #tpu.memory_space<semaphore_mem>>) src(%dma_wait3A_531 : memref<10240x128xf32, #tpu.memory_space<hbm>>) dst(%dma_wait3A_526 : memref<80x128xf32, #tpu.memory_space<vmem>>)
    %dma_wait3A_532 = arith.constant 122 : i32
    %dma_wait3A_533 = arith.constant 2 : i32
    %dma_wait3A_534 = arith.constant 0 : i32
    %dma_wait3A_535 = tpu.memref_slice %arg9[%dma_wait3A_533, %dma_wait3A_534] : memref<6x80xi32, #tpu.memory_space<vmem>> -> memref<1x80xi32, #tpu.memory_space<vmem>>
    %dma_wait3A_536 = arith.constant 0 : i32
    %dma_wait3A_537 = arith.constant 0 : i32
    %dma_wait3A_538 = tpu.memref_slice %arg4[%add3A, %dma_wait3A_532, %dma_wait3A_536, %dma_wait3A_537] : memref<32x125x1x80xi32, #tpu.memory_space<hbm>> -> memref<1x1x1x80xi32, #tpu.memory_space<hbm>>
    %dma_wait3A_539 = tpu.memref_squeeze %dma_wait3A_538 : memref<1x1x1x80xi32, #tpu.memory_space<hbm>> -> memref<1x80xi32, #tpu.memory_space<hbm>>
    %dma_wait3A_540 = arith.constant 2 : i32
    %dma_wait3A_541 = arith.constant 0 : i32
    %dma_wait3A_542 = tpu.memref_slice %arg9[%dma_wait3A_540, %dma_wait3A_541] : memref<6x80xi32, #tpu.memory_space<vmem>> -> memref<1x80xi32, #tpu.memory_space<vmem>>
    %dma_wait3A_543 = arith.constant 0 : i32
    %dma_wait3A_544 = arith.constant 0 : i32
    %dma_wait3A_545 = tpu.memref_slice %arg4[%add3A, %dma_wait3A_532, %dma_wait3A_543, %dma_wait3A_544] : memref<32x125x1x80xi32, #tpu.memory_space<hbm>> -> memref<1x1x1x80xi32, #tpu.memory_space<hbm>>
    %dma_wait3A_546 = tpu.memref_squeeze %dma_wait3A_545 : memref<1x1x1x80xi32, #tpu.memory_space<hbm>> -> memref<1x80xi32, #tpu.memory_space<hbm>>
    tpu.wait_dma2 semaphore(%arg20 : memref<!tpu.dma_semaphore, #tpu.memory_space<semaphore_mem>>) src(%dma_wait3A_546 : memref<1x80xi32, #tpu.memory_space<hbm>>) dst(%dma_wait3A_542 : memref<1x80xi32, #tpu.memory_space<vmem>>)
    %dma_start3A_547 = arith.constant 2 : i32
    %dma_start3A_548 = arith.constant 2 : i32
    %dma_start3A_549 = arith.constant 0 : i32
    %dma_start3A_550 = arith.constant 0 : i32
    %dma_start3A_551 = tpu.memref_slice %arg10[%dma_start3A_547, %dma_start3A_549, %dma_start3A_550] : memref<3x80x128xf32, #tpu.memory_space<vmem>> -> memref<1x80x128xf32, #tpu.memory_space<vmem>>
    %dma_start3A_552 = tpu.memref_squeeze %dma_start3A_551 : memref<1x80x128xf32, #tpu.memory_space<vmem>> -> memref<80x128xf32, #tpu.memory_space<vmem>>
    %dma_start3A_553 = arith.constant 0 : i32
    %dma_start3A_554 = tpu.memref_slice %arg9[%dma_start3A_548, %dma_start3A_553] : memref<6x80xi32, #tpu.memory_space<vmem>> -> memref<1x80xi32, #tpu.memory_space<vmem>>
    %dma_start3A_555 = tpu.memref_squeeze %dma_start3A_554 : memref<1x80xi32, #tpu.memory_space<vmem>> -> memref<80xi32, #tpu.memory_space<vmem>>
    %dma_start3A_556 = arith.constant 0 : i32
    %dma_start3A_557 = arith.constant 0 : i32
    %dma_start3A_558 = tpu.memref_slice %arg7[%dma_start3A_556, %dma_start3A_557] : memref<10240x128xf32, #tpu.memory_space<vmem_shared>> -> memref<10240x128xf32, #tpu.memory_space<vmem_shared>>
    tpu.enqueue_indirect_dma source(%dma_start3A_552 : memref<80x128xf32, #tpu.memory_space<vmem>>) target(%dma_start3A_558 : memref<10240x128xf32, #tpu.memory_space<vmem_shared>>) offsets(%dma_start3A_555 : memref<80xi32, #tpu.memory_space<vmem>>) semaphore(%arg17 : memref<!tpu.dma_semaphore, #tpu.memory_space<semaphore_mem>>) {add = true}
    %dma_wait3A_559 = arith.constant 2 : i32
    %dma_wait3A_560 = arith.constant 0 : i32
    %dma_wait3A_561 = tpu.memref_slice %arg9[%dma_wait3A_559, %dma_wait3A_560] : memref<6x80xi32, #tpu.memory_space<vmem>> -> memref<1x80xi32, #tpu.memory_space<vmem>>
    %dma_wait3A_562 = tpu.memref_squeeze %dma_wait3A_561 : memref<1x80xi32, #tpu.memory_space<vmem>> -> memref<80xi32, #tpu.memory_space<vmem>>
    %dma_wait3A_563 = arith.constant 0 : i32
    %dma_wait3A_564 = tpu.memref_slice %arg24[%dma_wait3A_563] : memref<10240xf32, #tpu.memory_space<vmem_shared>> -> memref<10240xf32, #tpu.memory_space<vmem_shared>>
    tpu.wait_indirect_dma semaphore(%arg27 : memref<!tpu.dma_semaphore, #tpu.memory_space<semaphore_mem>>) src(%arg25 : memref<80xf32, #tpu.memory_space<vmem>>) dst(%dma_wait3A_564 : memref<10240xf32, #tpu.memory_space<vmem_shared>>)
    %dma_start3A_565 = arith.constant 2 : i32
    %dma_start3A_566 = arith.constant 0 : i32
    %dma_start3A_567 = tpu.memref_slice %arg9[%dma_start3A_565, %dma_start3A_566] : memref<6x80xi32, #tpu.memory_space<vmem>> -> memref<1x80xi32, #tpu.memory_space<vmem>>
    %dma_start3A_568 = tpu.memref_squeeze %dma_start3A_567 : memref<1x80xi32, #tpu.memory_space<vmem>> -> memref<80xi32, #tpu.memory_space<vmem>>
    %dma_start3A_569 = arith.constant 0 : i32
    %dma_start3A_570 = tpu.memref_slice %arg24[%dma_start3A_569] : memref<10240xf32, #tpu.memory_space<vmem_shared>> -> memref<10240xf32, #tpu.memory_space<vmem_shared>>
    tpu.enqueue_indirect_dma source(%arg25 : memref<80xf32, #tpu.memory_space<vmem>>) target(%dma_start3A_570 : memref<10240xf32, #tpu.memory_space<vmem_shared>>) offsets(%dma_start3A_568 : memref<80xi32, #tpu.memory_space<vmem>>) semaphore(%arg27 : memref<!tpu.dma_semaphore, #tpu.memory_space<semaphore_mem>>) {add = true}
    %dma_wait3A_571 = arith.constant 1 : i32
    %dma_wait3A_572 = arith.constant 2 : i32
    %dma_wait3A_573 = arith.constant 0 : i32
    %dma_wait3A_574 = arith.constant 0 : i32
    %dma_wait3A_575 = tpu.memref_slice %arg10[%dma_wait3A_571, %dma_wait3A_573, %dma_wait3A_574] : memref<3x80x128xf32, #tpu.memory_space<vmem>> -> memref<1x80x128xf32, #tpu.memory_space<vmem>>
    %dma_wait3A_576 = tpu.memref_squeeze %dma_wait3A_575 : memref<1x80x128xf32, #tpu.memory_space<vmem>> -> memref<80x128xf32, #tpu.memory_space<vmem>>
    %dma_wait3A_577 = arith.constant 0 : i32
    %dma_wait3A_578 = tpu.memref_slice %arg9[%dma_wait3A_572, %dma_wait3A_577] : memref<6x80xi32, #tpu.memory_space<vmem>> -> memref<1x80xi32, #tpu.memory_space<vmem>>
    %dma_wait3A_579 = tpu.memref_squeeze %dma_wait3A_578 : memref<1x80xi32, #tpu.memory_space<vmem>> -> memref<80xi32, #tpu.memory_space<vmem>>
    %dma_wait3A_580 = arith.constant 0 : i32
    %dma_wait3A_581 = arith.constant 0 : i32
    %dma_wait3A_582 = tpu.memref_slice %arg7[%dma_wait3A_580, %dma_wait3A_581] : memref<10240x128xf32, #tpu.memory_space<vmem_shared>> -> memref<10240x128xf32, #tpu.memory_space<vmem_shared>>
    tpu.wait_indirect_dma semaphore(%arg16 : memref<!tpu.dma_semaphore, #tpu.memory_space<semaphore_mem>>) src(%dma_wait3A_576 : memref<80x128xf32, #tpu.memory_space<vmem>>) dst(%dma_wait3A_582 : memref<10240x128xf32, #tpu.memory_space<vmem_shared>>)
    %dma_start3A_583 = arith.constant 1 : i32
    %dma_start3A_584 = arith.constant 0 : i32
    %dma_start3A_585 = arith.constant 0 : i32
    %dma_start3A_586 = tpu.memref_slice %arg10[%dma_start3A_583, %dma_start3A_584, %dma_start3A_585] : memref<3x80x128xf32, #tpu.memory_space<vmem>> -> memref<1x80x128xf32, #tpu.memory_space<vmem>>
    %dma_start3A_587 = tpu.memref_squeeze %dma_start3A_586 : memref<1x80x128xf32, #tpu.memory_space<vmem>> -> memref<80x128xf32, #tpu.memory_space<vmem>>
    %dma_start3A_588 = arith.constant 9920 : i32
    %dma_start3A_589 = tpu.memref_slice %arg8[%dma_start3A_588] : memref<10000xi32, #tpu.memory_space<vmem>> -> memref<80xi32, #tpu.memory_space<vmem>>
    %dma_start3A_590 = arith.constant 0 : i32
    %dma_start3A_591 = arith.constant 0 : i32
    %dma_start3A_592 = tpu.memref_slice %arg2[%dma_start3A_590, %dma_start3A_591] : memref<10240x128xf32, #tpu.memory_space<hbm>> -> memref<10240x128xf32, #tpu.memory_space<hbm>>
    tpu.enqueue_indirect_dma source(%dma_start3A_592 : memref<10240x128xf32, #tpu.memory_space<hbm>>) target(%dma_start3A_587 : memref<80x128xf32, #tpu.memory_space<vmem>>) offsets(%dma_start3A_589 : memref<80xi32, #tpu.memory_space<vmem>>) semaphore(%arg13 : memref<!tpu.dma_semaphore, #tpu.memory_space<semaphore_mem>>)
    %dma_wait3A_593 = arith.constant 0 : i32
    %dma_wait3A_594 = arith.constant 0 : i32
    %dma_wait3A_595 = arith.constant 0 : i32
    %dma_wait3A_596 = tpu.memref_slice %arg10[%dma_wait3A_593, %dma_wait3A_594, %dma_wait3A_595] : memref<3x80x128xf32, #tpu.memory_space<vmem>> -> memref<1x80x128xf32, #tpu.memory_space<vmem>>
    %dma_wait3A_597 = tpu.memref_squeeze %dma_wait3A_596 : memref<1x80x128xf32, #tpu.memory_space<vmem>> -> memref<80x128xf32, #tpu.memory_space<vmem>>
    %dma_wait3A_598 = arith.constant 9840 : i32
    %dma_wait3A_599 = tpu.memref_slice %arg8[%dma_wait3A_598] : memref<10000xi32, #tpu.memory_space<vmem>> -> memref<80xi32, #tpu.memory_space<vmem>>
    %dma_wait3A_600 = arith.constant 0 : i32
    %dma_wait3A_601 = arith.constant 0 : i32
    %dma_wait3A_602 = tpu.memref_slice %arg2[%dma_wait3A_600, %dma_wait3A_601] : memref<10240x128xf32, #tpu.memory_space<hbm>> -> memref<10240x128xf32, #tpu.memory_space<hbm>>
    tpu.wait_indirect_dma semaphore(%arg12 : memref<!tpu.dma_semaphore, #tpu.memory_space<semaphore_mem>>) src(%dma_wait3A_602 : memref<10240x128xf32, #tpu.memory_space<hbm>>) dst(%dma_wait3A_597 : memref<80x128xf32, #tpu.memory_space<vmem>>)
    %dma_wait3A_603 = arith.constant 123 : i32
    %dma_wait3A_604 = arith.constant 3 : i32
    %dma_wait3A_605 = arith.constant 0 : i32
    %dma_wait3A_606 = tpu.memref_slice %arg9[%dma_wait3A_604, %dma_wait3A_605] : memref<6x80xi32, #tpu.memory_space<vmem>> -> memref<1x80xi32, #tpu.memory_space<vmem>>
    %dma_wait3A_607 = arith.constant 0 : i32
    %dma_wait3A_608 = arith.constant 0 : i32
    %dma_wait3A_609 = tpu.memref_slice %arg4[%add3A, %dma_wait3A_603, %dma_wait3A_607, %dma_wait3A_608] : memref<32x125x1x80xi32, #tpu.memory_space<hbm>> -> memref<1x1x1x80xi32, #tpu.memory_space<hbm>>
    %dma_wait3A_610 = tpu.memref_squeeze %dma_wait3A_609 : memref<1x1x1x80xi32, #tpu.memory_space<hbm>> -> memref<1x80xi32, #tpu.memory_space<hbm>>
    %dma_wait3A_611 = arith.constant 3 : i32
    %dma_wait3A_612 = arith.constant 0 : i32
    %dma_wait3A_613 = tpu.memref_slice %arg9[%dma_wait3A_611, %dma_wait3A_612] : memref<6x80xi32, #tpu.memory_space<vmem>> -> memref<1x80xi32, #tpu.memory_space<vmem>>
    %dma_wait3A_614 = arith.constant 0 : i32
    %dma_wait3A_615 = arith.constant 0 : i32
    %dma_wait3A_616 = tpu.memref_slice %arg4[%add3A, %dma_wait3A_603, %dma_wait3A_614, %dma_wait3A_615] : memref<32x125x1x80xi32, #tpu.memory_space<hbm>> -> memref<1x1x1x80xi32, #tpu.memory_space<hbm>>
    %dma_wait3A_617 = tpu.memref_squeeze %dma_wait3A_616 : memref<1x1x1x80xi32, #tpu.memory_space<hbm>> -> memref<1x80xi32, #tpu.memory_space<hbm>>
    tpu.wait_dma2 semaphore(%arg21 : memref<!tpu.dma_semaphore, #tpu.memory_space<semaphore_mem>>) src(%dma_wait3A_617 : memref<1x80xi32, #tpu.memory_space<hbm>>) dst(%dma_wait3A_613 : memref<1x80xi32, #tpu.memory_space<vmem>>)
    %dma_start3A_618 = arith.constant 0 : i32
    %dma_start3A_619 = arith.constant 3 : i32
    %dma_start3A_620 = arith.constant 0 : i32
    %dma_start3A_621 = arith.constant 0 : i32
    %dma_start3A_622 = tpu.memref_slice %arg10[%dma_start3A_618, %dma_start3A_620, %dma_start3A_621] : memref<3x80x128xf32, #tpu.memory_space<vmem>> -> memref<1x80x128xf32, #tpu.memory_space<vmem>>
    %dma_start3A_623 = tpu.memref_squeeze %dma_start3A_622 : memref<1x80x128xf32, #tpu.memory_space<vmem>> -> memref<80x128xf32, #tpu.memory_space<vmem>>
    %dma_start3A_624 = arith.constant 0 : i32
    %dma_start3A_625 = tpu.memref_slice %arg9[%dma_start3A_619, %dma_start3A_624] : memref<6x80xi32, #tpu.memory_space<vmem>> -> memref<1x80xi32, #tpu.memory_space<vmem>>
    %dma_start3A_626 = tpu.memref_squeeze %dma_start3A_625 : memref<1x80xi32, #tpu.memory_space<vmem>> -> memref<80xi32, #tpu.memory_space<vmem>>
    %dma_start3A_627 = arith.constant 0 : i32
    %dma_start3A_628 = arith.constant 0 : i32
    %dma_start3A_629 = tpu.memref_slice %arg7[%dma_start3A_627, %dma_start3A_628] : memref<10240x128xf32, #tpu.memory_space<vmem_shared>> -> memref<10240x128xf32, #tpu.memory_space<vmem_shared>>
    tpu.enqueue_indirect_dma source(%dma_start3A_623 : memref<80x128xf32, #tpu.memory_space<vmem>>) target(%dma_start3A_629 : memref<10240x128xf32, #tpu.memory_space<vmem_shared>>) offsets(%dma_start3A_626 : memref<80xi32, #tpu.memory_space<vmem>>) semaphore(%arg15 : memref<!tpu.dma_semaphore, #tpu.memory_space<semaphore_mem>>) {add = true}
    %dma_wait3A_630 = arith.constant 3 : i32
    %dma_wait3A_631 = arith.constant 0 : i32
    %dma_wait3A_632 = tpu.memref_slice %arg9[%dma_wait3A_630, %dma_wait3A_631] : memref<6x80xi32, #tpu.memory_space<vmem>> -> memref<1x80xi32, #tpu.memory_space<vmem>>
    %dma_wait3A_633 = tpu.memref_squeeze %dma_wait3A_632 : memref<1x80xi32, #tpu.memory_space<vmem>> -> memref<80xi32, #tpu.memory_space<vmem>>
    %dma_wait3A_634 = arith.constant 0 : i32
    %dma_wait3A_635 = tpu.memref_slice %arg24[%dma_wait3A_634] : memref<10240xf32, #tpu.memory_space<vmem_shared>> -> memref<10240xf32, #tpu.memory_space<vmem_shared>>
    tpu.wait_indirect_dma semaphore(%arg27 : memref<!tpu.dma_semaphore, #tpu.memory_space<semaphore_mem>>) src(%arg25 : memref<80xf32, #tpu.memory_space<vmem>>) dst(%dma_wait3A_635 : memref<10240xf32, #tpu.memory_space<vmem_shared>>)
    %dma_start3A_636 = arith.constant 3 : i32
    %dma_start3A_637 = arith.constant 0 : i32
    %dma_start3A_638 = tpu.memref_slice %arg9[%dma_start3A_636, %dma_start3A_637] : memref<6x80xi32, #tpu.memory_space<vmem>> -> memref<1x80xi32, #tpu.memory_space<vmem>>
    %dma_start3A_639 = tpu.memref_squeeze %dma_start3A_638 : memref<1x80xi32, #tpu.memory_space<vmem>> -> memref<80xi32, #tpu.memory_space<vmem>>
    %dma_start3A_640 = arith.constant 0 : i32
    %dma_start3A_641 = tpu.memref_slice %arg24[%dma_start3A_640] : memref<10240xf32, #tpu.memory_space<vmem_shared>> -> memref<10240xf32, #tpu.memory_space<vmem_shared>>
    tpu.enqueue_indirect_dma source(%arg25 : memref<80xf32, #tpu.memory_space<vmem>>) target(%dma_start3A_641 : memref<10240xf32, #tpu.memory_space<vmem_shared>>) offsets(%dma_start3A_639 : memref<80xi32, #tpu.memory_space<vmem>>) semaphore(%arg27 : memref<!tpu.dma_semaphore, #tpu.memory_space<semaphore_mem>>) {add = true}
    %dma_wait3A_642 = arith.constant 2 : i32
    %dma_wait3A_643 = arith.constant 3 : i32
    %dma_wait3A_644 = arith.constant 0 : i32
    %dma_wait3A_645 = arith.constant 0 : i32
    %dma_wait3A_646 = tpu.memref_slice %arg10[%dma_wait3A_642, %dma_wait3A_644, %dma_wait3A_645] : memref<3x80x128xf32, #tpu.memory_space<vmem>> -> memref<1x80x128xf32, #tpu.memory_space<vmem>>
    %dma_wait3A_647 = tpu.memref_squeeze %dma_wait3A_646 : memref<1x80x128xf32, #tpu.memory_space<vmem>> -> memref<80x128xf32, #tpu.memory_space<vmem>>
    %dma_wait3A_648 = arith.constant 0 : i32
    %dma_wait3A_649 = tpu.memref_slice %arg9[%dma_wait3A_643, %dma_wait3A_648] : memref<6x80xi32, #tpu.memory_space<vmem>> -> memref<1x80xi32, #tpu.memory_space<vmem>>
    %dma_wait3A_650 = tpu.memref_squeeze %dma_wait3A_649 : memref<1x80xi32, #tpu.memory_space<vmem>> -> memref<80xi32, #tpu.memory_space<vmem>>
    %dma_wait3A_651 = arith.constant 0 : i32
    %dma_wait3A_652 = arith.constant 0 : i32
    %dma_wait3A_653 = tpu.memref_slice %arg7[%dma_wait3A_651, %dma_wait3A_652] : memref<10240x128xf32, #tpu.memory_space<vmem_shared>> -> memref<10240x128xf32, #tpu.memory_space<vmem_shared>>
    tpu.wait_indirect_dma semaphore(%arg17 : memref<!tpu.dma_semaphore, #tpu.memory_space<semaphore_mem>>) src(%dma_wait3A_647 : memref<80x128xf32, #tpu.memory_space<vmem>>) dst(%dma_wait3A_653 : memref<10240x128xf32, #tpu.memory_space<vmem_shared>>)
    %dma_wait3A_654 = arith.constant 1 : i32
    %dma_wait3A_655 = arith.constant 0 : i32
    %dma_wait3A_656 = arith.constant 0 : i32
    %dma_wait3A_657 = tpu.memref_slice %arg10[%dma_wait3A_654, %dma_wait3A_655, %dma_wait3A_656] : memref<3x80x128xf32, #tpu.memory_space<vmem>> -> memref<1x80x128xf32, #tpu.memory_space<vmem>>
    %dma_wait3A_658 = tpu.memref_squeeze %dma_wait3A_657 : memref<1x80x128xf32, #tpu.memory_space<vmem>> -> memref<80x128xf32, #tpu.memory_space<vmem>>
    %dma_wait3A_659 = arith.constant 9920 : i32
    %dma_wait3A_660 = tpu.memref_slice %arg8[%dma_wait3A_659] : memref<10000xi32, #tpu.memory_space<vmem>> -> memref<80xi32, #tpu.memory_space<vmem>>
    %dma_wait3A_661 = arith.constant 0 : i32
    %dma_wait3A_662 = arith.constant 0 : i32
    %dma_wait3A_663 = tpu.memref_slice %arg2[%dma_wait3A_661, %dma_wait3A_662] : memref<10240x128xf32, #tpu.memory_space<hbm>> -> memref<10240x128xf32, #tpu.memory_space<hbm>>
    tpu.wait_indirect_dma semaphore(%arg13 : memref<!tpu.dma_semaphore, #tpu.memory_space<semaphore_mem>>) src(%dma_wait3A_663 : memref<10240x128xf32, #tpu.memory_space<hbm>>) dst(%dma_wait3A_658 : memref<80x128xf32, #tpu.memory_space<vmem>>)
    %dma_wait3A_664 = arith.constant 124 : i32
    %dma_wait3A_665 = arith.constant 4 : i32
    %dma_wait3A_666 = arith.constant 0 : i32
    %dma_wait3A_667 = tpu.memref_slice %arg9[%dma_wait3A_665, %dma_wait3A_666] : memref<6x80xi32, #tpu.memory_space<vmem>> -> memref<1x80xi32, #tpu.memory_space<vmem>>
    %dma_wait3A_668 = arith.constant 0 : i32
    %dma_wait3A_669 = arith.constant 0 : i32
    %dma_wait3A_670 = tpu.memref_slice %arg4[%add3A, %dma_wait3A_664, %dma_wait3A_668, %dma_wait3A_669] : memref<32x125x1x80xi32, #tpu.memory_space<hbm>> -> memref<1x1x1x80xi32, #tpu.memory_space<hbm>>
    %dma_wait3A_671 = tpu.memref_squeeze %dma_wait3A_670 : memref<1x1x1x80xi32, #tpu.memory_space<hbm>> -> memref<1x80xi32, #tpu.memory_space<hbm>>
    %dma_wait3A_672 = arith.constant 4 : i32
    %dma_wait3A_673 = arith.constant 0 : i32
    %dma_wait3A_674 = tpu.memref_slice %arg9[%dma_wait3A_672, %dma_wait3A_673] : memref<6x80xi32, #tpu.memory_space<vmem>> -> memref<1x80xi32, #tpu.memory_space<vmem>>
    %dma_wait3A_675 = arith.constant 0 : i32
    %dma_wait3A_676 = arith.constant 0 : i32
    %dma_wait3A_677 = tpu.memref_slice %arg4[%add3A, %dma_wait3A_664, %dma_wait3A_675, %dma_wait3A_676] : memref<32x125x1x80xi32, #tpu.memory_space<hbm>> -> memref<1x1x1x80xi32, #tpu.memory_space<hbm>>
    %dma_wait3A_678 = tpu.memref_squeeze %dma_wait3A_677 : memref<1x1x1x80xi32, #tpu.memory_space<hbm>> -> memref<1x80xi32, #tpu.memory_space<hbm>>
    tpu.wait_dma2 semaphore(%arg22 : memref<!tpu.dma_semaphore, #tpu.memory_space<semaphore_mem>>) src(%dma_wait3A_678 : memref<1x80xi32, #tpu.memory_space<hbm>>) dst(%dma_wait3A_674 : memref<1x80xi32, #tpu.memory_space<vmem>>)
    %dma_start3A_679 = arith.constant 1 : i32
    %dma_start3A_680 = arith.constant 4 : i32
    %dma_start3A_681 = arith.constant 0 : i32
    %dma_start3A_682 = arith.constant 0 : i32
    %dma_start3A_683 = tpu.memref_slice %arg10[%dma_start3A_679, %dma_start3A_681, %dma_start3A_682] : memref<3x80x128xf32, #tpu.memory_space<vmem>> -> memref<1x80x128xf32, #tpu.memory_space<vmem>>
    %dma_start3A_684 = tpu.memref_squeeze %dma_start3A_683 : memref<1x80x128xf32, #tpu.memory_space<vmem>> -> memref<80x128xf32, #tpu.memory_space<vmem>>
    %dma_start3A_685 = arith.constant 0 : i32
    %dma_start3A_686 = tpu.memref_slice %arg9[%dma_start3A_680, %dma_start3A_685] : memref<6x80xi32, #tpu.memory_space<vmem>> -> memref<1x80xi32, #tpu.memory_space<vmem>>
    %dma_start3A_687 = tpu.memref_squeeze %dma_start3A_686 : memref<1x80xi32, #tpu.memory_space<vmem>> -> memref<80xi32, #tpu.memory_space<vmem>>
    %dma_start3A_688 = arith.constant 0 : i32
    %dma_start3A_689 = arith.constant 0 : i32
    %dma_start3A_690 = tpu.memref_slice %arg7[%dma_start3A_688, %dma_start3A_689] : memref<10240x128xf32, #tpu.memory_space<vmem_shared>> -> memref<10240x128xf32, #tpu.memory_space<vmem_shared>>
    tpu.enqueue_indirect_dma source(%dma_start3A_684 : memref<80x128xf32, #tpu.memory_space<vmem>>) target(%dma_start3A_690 : memref<10240x128xf32, #tpu.memory_space<vmem_shared>>) offsets(%dma_start3A_687 : memref<80xi32, #tpu.memory_space<vmem>>) semaphore(%arg16 : memref<!tpu.dma_semaphore, #tpu.memory_space<semaphore_mem>>) {add = true}
    %dma_wait3A_691 = arith.constant 4 : i32
    %dma_wait3A_692 = arith.constant 0 : i32
    %dma_wait3A_693 = tpu.memref_slice %arg9[%dma_wait3A_691, %dma_wait3A_692] : memref<6x80xi32, #tpu.memory_space<vmem>> -> memref<1x80xi32, #tpu.memory_space<vmem>>
    %dma_wait3A_694 = tpu.memref_squeeze %dma_wait3A_693 : memref<1x80xi32, #tpu.memory_space<vmem>> -> memref<80xi32, #tpu.memory_space<vmem>>
    %dma_wait3A_695 = arith.constant 0 : i32
    %dma_wait3A_696 = tpu.memref_slice %arg24[%dma_wait3A_695] : memref<10240xf32, #tpu.memory_space<vmem_shared>> -> memref<10240xf32, #tpu.memory_space<vmem_shared>>
    tpu.wait_indirect_dma semaphore(%arg27 : memref<!tpu.dma_semaphore, #tpu.memory_space<semaphore_mem>>) src(%arg25 : memref<80xf32, #tpu.memory_space<vmem>>) dst(%dma_wait3A_696 : memref<10240xf32, #tpu.memory_space<vmem_shared>>)
    %dma_start3A_697 = arith.constant 4 : i32
    %dma_start3A_698 = arith.constant 0 : i32
    %dma_start3A_699 = tpu.memref_slice %arg9[%dma_start3A_697, %dma_start3A_698] : memref<6x80xi32, #tpu.memory_space<vmem>> -> memref<1x80xi32, #tpu.memory_space<vmem>>
    %dma_start3A_700 = tpu.memref_squeeze %dma_start3A_699 : memref<1x80xi32, #tpu.memory_space<vmem>> -> memref<80xi32, #tpu.memory_space<vmem>>
    %dma_start3A_701 = arith.constant 0 : i32
    %dma_start3A_702 = tpu.memref_slice %arg24[%dma_start3A_701] : memref<10240xf32, #tpu.memory_space<vmem_shared>> -> memref<10240xf32, #tpu.memory_space<vmem_shared>>
    tpu.enqueue_indirect_dma source(%arg25 : memref<80xf32, #tpu.memory_space<vmem>>) target(%dma_start3A_702 : memref<10240xf32, #tpu.memory_space<vmem_shared>>) offsets(%dma_start3A_700 : memref<80xi32, #tpu.memory_space<vmem>>) semaphore(%arg27 : memref<!tpu.dma_semaphore, #tpu.memory_space<semaphore_mem>>) {add = true}
    %dma_wait3A_703 = arith.constant 0 : i32
    %dma_wait3A_704 = arith.constant 4 : i32
    %dma_wait3A_705 = arith.constant 0 : i32
    %dma_wait3A_706 = arith.constant 0 : i32
    %dma_wait3A_707 = tpu.memref_slice %arg10[%dma_wait3A_703, %dma_wait3A_705, %dma_wait3A_706] : memref<3x80x128xf32, #tpu.memory_space<vmem>> -> memref<1x80x128xf32, #tpu.memory_space<vmem>>
    %dma_wait3A_708 = tpu.memref_squeeze %dma_wait3A_707 : memref<1x80x128xf32, #tpu.memory_space<vmem>> -> memref<80x128xf32, #tpu.memory_space<vmem>>
    %dma_wait3A_709 = arith.constant 0 : i32
    %dma_wait3A_710 = tpu.memref_slice %arg9[%dma_wait3A_704, %dma_wait3A_709] : memref<6x80xi32, #tpu.memory_space<vmem>> -> memref<1x80xi32, #tpu.memory_space<vmem>>
    %dma_wait3A_711 = tpu.memref_squeeze %dma_wait3A_710 : memref<1x80xi32, #tpu.memory_space<vmem>> -> memref<80xi32, #tpu.memory_space<vmem>>
    %dma_wait3A_712 = arith.constant 0 : i32
    %dma_wait3A_713 = arith.constant 0 : i32
    %dma_wait3A_714 = tpu.memref_slice %arg7[%dma_wait3A_712, %dma_wait3A_713] : memref<10240x128xf32, #tpu.memory_space<vmem_shared>> -> memref<10240x128xf32, #tpu.memory_space<vmem_shared>>
    tpu.wait_indirect_dma semaphore(%arg15 : memref<!tpu.dma_semaphore, #tpu.memory_space<semaphore_mem>>) src(%dma_wait3A_708 : memref<80x128xf32, #tpu.memory_space<vmem>>) dst(%dma_wait3A_714 : memref<10240x128xf32, #tpu.memory_space<vmem_shared>>)
    %dma_wait3A_715 = arith.constant 1 : i32
    %dma_wait3A_716 = arith.constant 0 : i32
    %dma_wait3A_717 = arith.constant 0 : i32
    %dma_wait3A_718 = arith.constant 0 : i32
    %dma_wait3A_719 = tpu.memref_slice %arg10[%dma_wait3A_715, %dma_wait3A_717, %dma_wait3A_718] : memref<3x80x128xf32, #tpu.memory_space<vmem>> -> memref<1x80x128xf32, #tpu.memory_space<vmem>>
    %dma_wait3A_720 = tpu.memref_squeeze %dma_wait3A_719 : memref<1x80x128xf32, #tpu.memory_space<vmem>> -> memref<80x128xf32, #tpu.memory_space<vmem>>
    %dma_wait3A_721 = arith.constant 0 : i32
    %dma_wait3A_722 = tpu.memref_slice %arg9[%dma_wait3A_716, %dma_wait3A_721] : memref<6x80xi32, #tpu.memory_space<vmem>> -> memref<1x80xi32, #tpu.memory_space<vmem>>
    %dma_wait3A_723 = tpu.memref_squeeze %dma_wait3A_722 : memref<1x80xi32, #tpu.memory_space<vmem>> -> memref<80xi32, #tpu.memory_space<vmem>>
    %dma_wait3A_724 = arith.constant 0 : i32
    %dma_wait3A_725 = arith.constant 0 : i32
    %dma_wait3A_726 = tpu.memref_slice %arg7[%dma_wait3A_724, %dma_wait3A_725] : memref<10240x128xf32, #tpu.memory_space<vmem_shared>> -> memref<10240x128xf32, #tpu.memory_space<vmem_shared>>
    tpu.wait_indirect_dma semaphore(%arg16 : memref<!tpu.dma_semaphore, #tpu.memory_space<semaphore_mem>>) src(%dma_wait3A_720 : memref<80x128xf32, #tpu.memory_space<vmem>>) dst(%dma_wait3A_726 : memref<10240x128xf32, #tpu.memory_space<vmem_shared>>)
    %dma_wait3A_727 = arith.constant 0 : i32
    %dma_wait3A_728 = arith.constant 0 : i32
    %dma_wait3A_729 = tpu.memref_slice %arg9[%dma_wait3A_727, %dma_wait3A_728] : memref<6x80xi32, #tpu.memory_space<vmem>> -> memref<1x80xi32, #tpu.memory_space<vmem>>
    %dma_wait3A_730 = tpu.memref_squeeze %dma_wait3A_729 : memref<1x80xi32, #tpu.memory_space<vmem>> -> memref<80xi32, #tpu.memory_space<vmem>>
    %dma_wait3A_731 = arith.constant 0 : i32
    %dma_wait3A_732 = tpu.memref_slice %arg24[%dma_wait3A_731] : memref<10240xf32, #tpu.memory_space<vmem_shared>> -> memref<10240xf32, #tpu.memory_space<vmem_shared>>
    tpu.wait_indirect_dma semaphore(%arg27 : memref<!tpu.dma_semaphore, #tpu.memory_space<semaphore_mem>>) src(%arg25 : memref<80xf32, #tpu.memory_space<vmem>>) dst(%dma_wait3A_732 : memref<10240xf32, #tpu.memory_space<vmem_shared>>)
    %dma_wait3A_733 = arith.constant 0 : i32
    %dma_wait3A_734 = arith.constant 0 : i32
    %dma_wait3A_735 = tpu.memref_slice %arg9[%dma_wait3A_733, %dma_wait3A_734] : memref<6x80xi32, #tpu.memory_space<vmem>> -> memref<1x80xi32, #tpu.memory_space<vmem>>
    %dma_wait3A_736 = tpu.memref_squeeze %dma_wait3A_735 : memref<1x80xi32, #tpu.memory_space<vmem>> -> memref<80xi32, #tpu.memory_space<vmem>>
    %dma_wait3A_737 = arith.constant 0 : i32
    %dma_wait3A_738 = tpu.memref_slice %arg24[%dma_wait3A_737] : memref<10240xf32, #tpu.memory_space<vmem_shared>> -> memref<10240xf32, #tpu.memory_space<vmem_shared>>
    tpu.wait_indirect_dma semaphore(%arg27 : memref<!tpu.dma_semaphore, #tpu.memory_space<semaphore_mem>>) src(%arg25 : memref<80xf32, #tpu.memory_space<vmem>>) dst(%dma_wait3A_738 : memref<10240xf32, #tpu.memory_space<vmem_shared>>)
    %barrier3A_739 = arith.constant 0 : index
    tpu.barrier barrier_id(%barrier3A_739)
    "tpu.region"() ({
      %run_scoped3A = tpu.sem_alloc : memref<!tpu.dma_semaphore, #tpu.memory_space<semaphore_mem>>
      %dma_start3A_747 = arith.constant 0 : i32
      %dma_start3A_748 = tpu.memref_slice %arg5[%arg0, %mul3A_2, %dma_start3A_747] : memref<2x10240x128xf32, #tpu.memory_space<hbm>> -> memref<1x640x128xf32, #tpu.memory_space<hbm>>
      %dma_start3A_749 = tpu.memref_squeeze %dma_start3A_748 : memref<1x640x128xf32, #tpu.memory_space<hbm>> -> memref<640x128xf32, #tpu.memory_space<hbm>>
      %dma_start3A_750 = arith.constant 0 : i32
      %dma_start3A_751 = tpu.memref_slice %arg7[%mul3A_2, %dma_start3A_750] : memref<10240x128xf32, #tpu.memory_space<vmem_shared>> -> memref<640x128xf32, #tpu.memory_space<vmem_shared>>
      tpu.enqueue_dma source(%dma_start3A_751 : memref<640x128xf32, #tpu.memory_space<vmem_shared>>) target(%dma_start3A_749 : memref<640x128xf32, #tpu.memory_space<hbm>>) target_semaphore(%run_scoped3A : memref<!tpu.dma_semaphore, #tpu.memory_space<semaphore_mem>>)
      %dma_wait3A_752 = arith.constant 0 : i32
      %dma_wait3A_753 = tpu.memref_slice %arg5[%arg0, %mul3A_2, %dma_wait3A_752] : memref<2x10240x128xf32, #tpu.memory_space<hbm>> -> memref<1x640x128xf32, #tpu.memory_space<hbm>>
      %dma_wait3A_754 = tpu.memref_squeeze %dma_wait3A_753 : memref<1x640x128xf32, #tpu.memory_space<hbm>> -> memref<640x128xf32, #tpu.memory_space<hbm>>
      %dma_wait3A_755 = arith.constant 0 : i32
      %dma_wait3A_756 = tpu.memref_slice %arg7[%mul3A_2, %dma_wait3A_755] : memref<10240x128xf32, #tpu.memory_space<vmem_shared>> -> memref<640x128xf32, #tpu.memory_space<vmem_shared>>
      tpu.wait_dma2 semaphore(%run_scoped3A : memref<!tpu.dma_semaphore, #tpu.memory_space<semaphore_mem>>) src(%dma_wait3A_756 : memref<640x128xf32, #tpu.memory_space<vmem_shared>>) dst(%dma_wait3A_754 : memref<640x128xf32, #tpu.memory_space<hbm>>)
      tpu.yield
    }) : () -> ()
    %mul3A_740 = arith.constant 640 : i32
    %mul3A_741 = arith.muli %arg1, %mul3A_740 : i32
    "tpu.region"() ({
      %run_scoped3A = tpu.sem_alloc : memref<!tpu.dma_semaphore, #tpu.memory_space<semaphore_mem>>
      %dma_start3A_747 = tpu.memref_slice %arg24[%mul3A_741] : memref<10240xf32, #tpu.memory_space<vmem_shared>> -> memref<640xf32, #tpu.memory_space<vmem_shared>>
      %dma_start3A_748 = tpu.memref_slice %arg24[%mul3A_741] : memref<10240xf32, #tpu.memory_space<vmem_shared>> -> memref<640xf32, #tpu.memory_space<vmem_shared>>
      tpu.enqueue_dma source(%dma_start3A_748 : memref<640xf32, #tpu.memory_space<vmem_shared>>) target(%arg26 : memref<640xf32, #tpu.memory_space<vmem>>) target_semaphore(%run_scoped3A : memref<!tpu.dma_semaphore, #tpu.memory_space<semaphore_mem>>)
      %dma_wait3A_749 = tpu.memref_slice %arg24[%mul3A_741] : memref<10240xf32, #tpu.memory_space<vmem_shared>> -> memref<640xf32, #tpu.memory_space<vmem_shared>>
      %dma_wait3A_750 = tpu.memref_slice %arg24[%mul3A_741] : memref<10240xf32, #tpu.memory_space<vmem_shared>> -> memref<640xf32, #tpu.memory_space<vmem_shared>>
      tpu.wait_dma2 semaphore(%run_scoped3A : memref<!tpu.dma_semaphore, #tpu.memory_space<semaphore_mem>>) src(%dma_wait3A_750 : memref<640xf32, #tpu.memory_space<vmem_shared>>) dst(%arg26 : memref<640xf32, #tpu.memory_space<vmem>>)
      tpu.yield
    }) : () -> ()
    %mul3A_742 = arith.constant 10240 : i32
    %mul3A_743 = arith.muli %arg0, %mul3A_742 : i32
    %mul3A_744 = arith.constant 640 : i32
    %mul3A_745 = arith.muli %arg1, %mul3A_744 : i32
    %add3A_746 = arith.addi %mul3A_743, %mul3A_745 : i32
    "tpu.region"() ({
      %run_scoped3A = tpu.sem_alloc : memref<!tpu.dma_semaphore, #tpu.memory_space<semaphore_mem>>
      %dma_start3A_747 = tpu.memref_slice %arg6[%add3A_746] : memref<20480xf32, #tpu.memory_space<hbm>> -> memref<640xf32, #tpu.memory_space<hbm>>
      %dma_start3A_748 = tpu.memref_slice %arg6[%add3A_746] : memref<20480xf32, #tpu.memory_space<hbm>> -> memref<640xf32, #tpu.memory_space<hbm>>
      tpu.enqueue_dma source(%arg26 : memref<640xf32, #tpu.memory_space<vmem>>) target(%dma_start3A_748 : memref<640xf32, #tpu.memory_space<hbm>>) target_semaphore(%run_scoped3A : memref<!tpu.dma_semaphore, #tpu.memory_space<semaphore_mem>>)
      %dma_wait3A_749 = tpu.memref_slice %arg6[%add3A_746] : memref<20480xf32, #tpu.memory_space<hbm>> -> memref<640xf32, #tpu.memory_space<hbm>>
      %dma_wait3A_750 = tpu.memref_slice %arg6[%add3A_746] : memref<20480xf32, #tpu.memory_space<hbm>> -> memref<640xf32, #tpu.memory_space<hbm>>
      tpu.wait_dma2 semaphore(%run_scoped3A : memref<!tpu.dma_semaphore, #tpu.memory_space<semaphore_mem>>) src(%arg26 : memref<640xf32, #tpu.memory_space<vmem>>) dst(%dma_wait3A_750 : memref<640xf32, #tpu.memory_space<hbm>>)
      tpu.yield
    }) : () -> ()
    return
  }
}

#map = affine_map<(d0, d1) -> (0, 0)>
#map1 = affine_map<(d0, d1) -> (0, 0, 0, 0)>
#map2 = affine_map<(d0, d1) -> (0, 0, 0)>
module attributes {stable_mosaic.version = 14 : i64} {
  func.func @body(%arg0: i32, %arg1: i32, %arg2: memref<10240x128xf32, #tpu.memory_space<hbm>>, %arg3: memref<32x10000xi32, #tpu.memory_space<hbm>>, %arg4: memref<32x125x1x80xi32, #tpu.memory_space<hbm>>, %arg5: memref<2x10240x128xf32, #tpu.memory_space<hbm>>, %arg6: memref<10240x128xf32, #tpu.memory_space<vmem_shared>>, %arg7: memref<10000xi32, #tpu.memory_space<vmem>>, %arg8: memref<6x80xi32, #tpu.memory_space<vmem>>, %arg9: memref<3x80x128xf32, #tpu.memory_space<vmem>>, %arg10: memref<!tpu.dma_semaphore, #tpu.memory_space<semaphore_mem>>, %arg11: memref<!tpu.dma_semaphore, #tpu.memory_space<semaphore_mem>>, %arg12: memref<!tpu.dma_semaphore, #tpu.memory_space<semaphore_mem>>, %arg13: memref<!tpu.dma_semaphore, #tpu.memory_space<semaphore_mem>>, %arg14: memref<!tpu.dma_semaphore, #tpu.memory_space<semaphore_mem>>, %arg15: memref<!tpu.dma_semaphore, #tpu.memory_space<semaphore_mem>>, %arg16: memref<!tpu.dma_semaphore, #tpu.memory_space<semaphore_mem>>, %arg17: memref<!tpu.dma_semaphore, #tpu.memory_space<semaphore_mem>>, %arg18: memref<!tpu.dma_semaphore, #tpu.memory_space<semaphore_mem>>, %arg19: memref<!tpu.dma_semaphore, #tpu.memory_space<semaphore_mem>>, %arg20: memref<!tpu.dma_semaphore, #tpu.memory_space<semaphore_mem>>, %arg21: memref<!tpu.dma_semaphore, #tpu.memory_space<semaphore_mem>>, %arg22: memref<!tpu.dma_semaphore, #tpu.memory_space<semaphore_mem>>) attributes {dimension_semantics = [#tpu.dimension_semantics<core_parallel>, #tpu.dimension_semantics<subcore_parallel>], iteration_bounds = array<i64: 2, 16>, scalar_prefetch = 0 : i64, scratch_operands = 17 : i64, tpu.core_type = #tpu.core_type<sc_vector_subcore>, window_params = [{transform_indices = #map}, {transform_indices = #map}, {transform_indices = #map1}, {transform_indices = #map2}]} {
    %mul3A = arith.constant 2 : i32
    %mul3A_0 = arith.muli %arg1, %mul3A : i32
    %add3A = arith.addi %mul3A_0, %arg0 : i32
    %mul3A_1 = arith.constant 640 : i32
    %mul3A_2 = arith.muli %arg1, %mul3A_1 : i32
    %dma_start3A = arith.constant 0 : i32
    %dma_start3A_3 = tpu.memref_slice %arg6[%mul3A_2, %dma_start3A] : memref<10240x128xf32, #tpu.memory_space<vmem_shared>> -> memref<640x128xf32, #tpu.memory_space<vmem_shared>>
    %dma_start3A_4 = arith.constant 0 : i32
    %dma_start3A_5 = tpu.memref_slice %arg2[%mul3A_2, %dma_start3A_4] : memref<10240x128xf32, #tpu.memory_space<hbm>> -> memref<640x128xf32, #tpu.memory_space<hbm>>
    tpu.enqueue_dma source(%dma_start3A_5 : memref<640x128xf32, #tpu.memory_space<hbm>>) target(%dma_start3A_3 : memref<640x128xf32, #tpu.memory_space<vmem_shared>>) target_semaphore(%arg10 : memref<!tpu.dma_semaphore, #tpu.memory_space<semaphore_mem>>)
    "tpu.region"() ({
      %run_scoped3A = tpu.sem_alloc : memref<!tpu.dma_semaphore, #tpu.memory_space<semaphore_mem>>
      %dma_start3A_398 = arith.constant 0 : i32
      %dma_start3A_399 = tpu.memref_slice %arg3[%add3A, %dma_start3A_398] : memref<32x10000xi32, #tpu.memory_space<hbm>> -> memref<1x10000xi32, #tpu.memory_space<hbm>>
      %dma_start3A_400 = tpu.memref_squeeze %dma_start3A_399 : memref<1x10000xi32, #tpu.memory_space<hbm>> -> memref<10000xi32, #tpu.memory_space<hbm>>
      %dma_start3A_401 = arith.constant 0 : i32
      %dma_start3A_402 = tpu.memref_slice %arg3[%add3A, %dma_start3A_401] : memref<32x10000xi32, #tpu.memory_space<hbm>> -> memref<1x10000xi32, #tpu.memory_space<hbm>>
      %dma_start3A_403 = tpu.memref_squeeze %dma_start3A_402 : memref<1x10000xi32, #tpu.memory_space<hbm>> -> memref<10000xi32, #tpu.memory_space<hbm>>
      tpu.enqueue_dma source(%dma_start3A_403 : memref<10000xi32, #tpu.memory_space<hbm>>) target(%arg7 : memref<10000xi32, #tpu.memory_space<vmem>>) target_semaphore(%run_scoped3A : memref<!tpu.dma_semaphore, #tpu.memory_space<semaphore_mem>>)
      %dma_wait3A_404 = arith.constant 0 : i32
      %dma_wait3A_405 = tpu.memref_slice %arg3[%add3A, %dma_wait3A_404] : memref<32x10000xi32, #tpu.memory_space<hbm>> -> memref<1x10000xi32, #tpu.memory_space<hbm>>
      %dma_wait3A_406 = tpu.memref_squeeze %dma_wait3A_405 : memref<1x10000xi32, #tpu.memory_space<hbm>> -> memref<10000xi32, #tpu.memory_space<hbm>>
      %dma_wait3A_407 = arith.constant 0 : i32
      %dma_wait3A_408 = tpu.memref_slice %arg3[%add3A, %dma_wait3A_407] : memref<32x10000xi32, #tpu.memory_space<hbm>> -> memref<1x10000xi32, #tpu.memory_space<hbm>>
      %dma_wait3A_409 = tpu.memref_squeeze %dma_wait3A_408 : memref<1x10000xi32, #tpu.memory_space<hbm>> -> memref<10000xi32, #tpu.memory_space<hbm>>
      tpu.wait_dma2 semaphore(%run_scoped3A : memref<!tpu.dma_semaphore, #tpu.memory_space<semaphore_mem>>) src(%dma_wait3A_409 : memref<10000xi32, #tpu.memory_space<hbm>>) dst(%arg7 : memref<10000xi32, #tpu.memory_space<vmem>>)
      tpu.yield
    }) : () -> ()
    %dma_start3A_6 = arith.constant 0 : i32
    %dma_start3A_7 = arith.constant 0 : i32
    %dma_start3A_8 = arith.constant 0 : i32
    %dma_start3A_9 = tpu.memref_slice %arg8[%dma_start3A_7, %dma_start3A_8] : memref<6x80xi32, #tpu.memory_space<vmem>> -> memref<1x80xi32, #tpu.memory_space<vmem>>
    %dma_start3A_10 = arith.constant 0 : i32
    %dma_start3A_11 = arith.constant 0 : i32
    %dma_start3A_12 = tpu.memref_slice %arg4[%add3A, %dma_start3A_6, %dma_start3A_10, %dma_start3A_11] : memref<32x125x1x80xi32, #tpu.memory_space<hbm>> -> memref<1x1x1x80xi32, #tpu.memory_space<hbm>>
    %dma_start3A_13 = tpu.memref_squeeze %dma_start3A_12 : memref<1x1x1x80xi32, #tpu.memory_space<hbm>> -> memref<1x80xi32, #tpu.memory_space<hbm>>
    %dma_start3A_14 = arith.constant 0 : i32
    %dma_start3A_15 = arith.constant 0 : i32
    %dma_start3A_16 = tpu.memref_slice %arg8[%dma_start3A_14, %dma_start3A_15] : memref<6x80xi32, #tpu.memory_space<vmem>> -> memref<1x80xi32, #tpu.memory_space<vmem>>
    %dma_start3A_17 = arith.constant 0 : i32
    %dma_start3A_18 = arith.constant 0 : i32
    %dma_start3A_19 = tpu.memref_slice %arg4[%add3A, %dma_start3A_6, %dma_start3A_17, %dma_start3A_18] : memref<32x125x1x80xi32, #tpu.memory_space<hbm>> -> memref<1x1x1x80xi32, #tpu.memory_space<hbm>>
    %dma_start3A_20 = tpu.memref_squeeze %dma_start3A_19 : memref<1x1x1x80xi32, #tpu.memory_space<hbm>> -> memref<1x80xi32, #tpu.memory_space<hbm>>
    tpu.enqueue_dma source(%dma_start3A_20 : memref<1x80xi32, #tpu.memory_space<hbm>>) target(%dma_start3A_16 : memref<1x80xi32, #tpu.memory_space<vmem>>) target_semaphore(%arg17 : memref<!tpu.dma_semaphore, #tpu.memory_space<semaphore_mem>>)
    %dma_start3A_21 = arith.constant 1 : i32
    %dma_start3A_22 = arith.constant 1 : i32
    %dma_start3A_23 = arith.constant 0 : i32
    %dma_start3A_24 = tpu.memref_slice %arg8[%dma_start3A_22, %dma_start3A_23] : memref<6x80xi32, #tpu.memory_space<vmem>> -> memref<1x80xi32, #tpu.memory_space<vmem>>
    %dma_start3A_25 = arith.constant 0 : i32
    %dma_start3A_26 = arith.constant 0 : i32
    %dma_start3A_27 = tpu.memref_slice %arg4[%add3A, %dma_start3A_21, %dma_start3A_25, %dma_start3A_26] : memref<32x125x1x80xi32, #tpu.memory_space<hbm>> -> memref<1x1x1x80xi32, #tpu.memory_space<hbm>>
    %dma_start3A_28 = tpu.memref_squeeze %dma_start3A_27 : memref<1x1x1x80xi32, #tpu.memory_space<hbm>> -> memref<1x80xi32, #tpu.memory_space<hbm>>
    %dma_start3A_29 = arith.constant 1 : i32
    %dma_start3A_30 = arith.constant 0 : i32
    %dma_start3A_31 = tpu.memref_slice %arg8[%dma_start3A_29, %dma_start3A_30] : memref<6x80xi32, #tpu.memory_space<vmem>> -> memref<1x80xi32, #tpu.memory_space<vmem>>
    %dma_start3A_32 = arith.constant 0 : i32
    %dma_start3A_33 = arith.constant 0 : i32
    %dma_start3A_34 = tpu.memref_slice %arg4[%add3A, %dma_start3A_21, %dma_start3A_32, %dma_start3A_33] : memref<32x125x1x80xi32, #tpu.memory_space<hbm>> -> memref<1x1x1x80xi32, #tpu.memory_space<hbm>>
    %dma_start3A_35 = tpu.memref_squeeze %dma_start3A_34 : memref<1x1x1x80xi32, #tpu.memory_space<hbm>> -> memref<1x80xi32, #tpu.memory_space<hbm>>
    tpu.enqueue_dma source(%dma_start3A_35 : memref<1x80xi32, #tpu.memory_space<hbm>>) target(%dma_start3A_31 : memref<1x80xi32, #tpu.memory_space<vmem>>) target_semaphore(%arg18 : memref<!tpu.dma_semaphore, #tpu.memory_space<semaphore_mem>>)
    %dma_start3A_36 = arith.constant 2 : i32
    %dma_start3A_37 = arith.constant 2 : i32
    %dma_start3A_38 = arith.constant 0 : i32
    %dma_start3A_39 = tpu.memref_slice %arg8[%dma_start3A_37, %dma_start3A_38] : memref<6x80xi32, #tpu.memory_space<vmem>> -> memref<1x80xi32, #tpu.memory_space<vmem>>
    %dma_start3A_40 = arith.constant 0 : i32
    %dma_start3A_41 = arith.constant 0 : i32
    %dma_start3A_42 = tpu.memref_slice %arg4[%add3A, %dma_start3A_36, %dma_start3A_40, %dma_start3A_41] : memref<32x125x1x80xi32, #tpu.memory_space<hbm>> -> memref<1x1x1x80xi32, #tpu.memory_space<hbm>>
    %dma_start3A_43 = tpu.memref_squeeze %dma_start3A_42 : memref<1x1x1x80xi32, #tpu.memory_space<hbm>> -> memref<1x80xi32, #tpu.memory_space<hbm>>
    %dma_start3A_44 = arith.constant 2 : i32
    %dma_start3A_45 = arith.constant 0 : i32
    %dma_start3A_46 = tpu.memref_slice %arg8[%dma_start3A_44, %dma_start3A_45] : memref<6x80xi32, #tpu.memory_space<vmem>> -> memref<1x80xi32, #tpu.memory_space<vmem>>
    %dma_start3A_47 = arith.constant 0 : i32
    %dma_start3A_48 = arith.constant 0 : i32
    %dma_start3A_49 = tpu.memref_slice %arg4[%add3A, %dma_start3A_36, %dma_start3A_47, %dma_start3A_48] : memref<32x125x1x80xi32, #tpu.memory_space<hbm>> -> memref<1x1x1x80xi32, #tpu.memory_space<hbm>>
    %dma_start3A_50 = tpu.memref_squeeze %dma_start3A_49 : memref<1x1x1x80xi32, #tpu.memory_space<hbm>> -> memref<1x80xi32, #tpu.memory_space<hbm>>
    tpu.enqueue_dma source(%dma_start3A_50 : memref<1x80xi32, #tpu.memory_space<hbm>>) target(%dma_start3A_46 : memref<1x80xi32, #tpu.memory_space<vmem>>) target_semaphore(%arg19 : memref<!tpu.dma_semaphore, #tpu.memory_space<semaphore_mem>>)
    %dma_start3A_51 = arith.constant 3 : i32
    %dma_start3A_52 = arith.constant 3 : i32
    %dma_start3A_53 = arith.constant 0 : i32
    %dma_start3A_54 = tpu.memref_slice %arg8[%dma_start3A_52, %dma_start3A_53] : memref<6x80xi32, #tpu.memory_space<vmem>> -> memref<1x80xi32, #tpu.memory_space<vmem>>
    %dma_start3A_55 = arith.constant 0 : i32
    %dma_start3A_56 = arith.constant 0 : i32
    %dma_start3A_57 = tpu.memref_slice %arg4[%add3A, %dma_start3A_51, %dma_start3A_55, %dma_start3A_56] : memref<32x125x1x80xi32, #tpu.memory_space<hbm>> -> memref<1x1x1x80xi32, #tpu.memory_space<hbm>>
    %dma_start3A_58 = tpu.memref_squeeze %dma_start3A_57 : memref<1x1x1x80xi32, #tpu.memory_space<hbm>> -> memref<1x80xi32, #tpu.memory_space<hbm>>
    %dma_start3A_59 = arith.constant 3 : i32
    %dma_start3A_60 = arith.constant 0 : i32
    %dma_start3A_61 = tpu.memref_slice %arg8[%dma_start3A_59, %dma_start3A_60] : memref<6x80xi32, #tpu.memory_space<vmem>> -> memref<1x80xi32, #tpu.memory_space<vmem>>
    %dma_start3A_62 = arith.constant 0 : i32
    %dma_start3A_63 = arith.constant 0 : i32
    %dma_start3A_64 = tpu.memref_slice %arg4[%add3A, %dma_start3A_51, %dma_start3A_62, %dma_start3A_63] : memref<32x125x1x80xi32, #tpu.memory_space<hbm>> -> memref<1x1x1x80xi32, #tpu.memory_space<hbm>>
    %dma_start3A_65 = tpu.memref_squeeze %dma_start3A_64 : memref<1x1x1x80xi32, #tpu.memory_space<hbm>> -> memref<1x80xi32, #tpu.memory_space<hbm>>
    tpu.enqueue_dma source(%dma_start3A_65 : memref<1x80xi32, #tpu.memory_space<hbm>>) target(%dma_start3A_61 : memref<1x80xi32, #tpu.memory_space<vmem>>) target_semaphore(%arg20 : memref<!tpu.dma_semaphore, #tpu.memory_space<semaphore_mem>>)
    %dma_start3A_66 = arith.constant 0 : i32
    %dma_start3A_67 = arith.constant 0 : i32
    %dma_start3A_68 = arith.constant 0 : i32
    %dma_start3A_69 = tpu.memref_slice %arg9[%dma_start3A_66, %dma_start3A_67, %dma_start3A_68] : memref<3x80x128xf32, #tpu.memory_space<vmem>> -> memref<1x80x128xf32, #tpu.memory_space<vmem>>
    %dma_start3A_70 = tpu.memref_squeeze %dma_start3A_69 : memref<1x80x128xf32, #tpu.memory_space<vmem>> -> memref<80x128xf32, #tpu.memory_space<vmem>>
    %dma_start3A_71 = arith.constant 0 : i32
    %dma_start3A_72 = tpu.memref_slice %arg7[%dma_start3A_71] : memref<10000xi32, #tpu.memory_space<vmem>> -> memref<80xi32, #tpu.memory_space<vmem>>
    %dma_start3A_73 = arith.constant 0 : i32
    %dma_start3A_74 = arith.constant 0 : i32
    %dma_start3A_75 = tpu.memref_slice %arg2[%dma_start3A_73, %dma_start3A_74] : memref<10240x128xf32, #tpu.memory_space<hbm>> -> memref<10240x128xf32, #tpu.memory_space<hbm>>
    tpu.enqueue_indirect_dma source(%dma_start3A_75 : memref<10240x128xf32, #tpu.memory_space<hbm>>) target(%dma_start3A_70 : memref<80x128xf32, #tpu.memory_space<vmem>>) offsets(%dma_start3A_72 : memref<80xi32, #tpu.memory_space<vmem>>) semaphore(%arg11 : memref<!tpu.dma_semaphore, #tpu.memory_space<semaphore_mem>>)
    %dma_start3A_76 = arith.constant 1 : i32
    %dma_start3A_77 = arith.constant 0 : i32
    %dma_start3A_78 = arith.constant 0 : i32
    %dma_start3A_79 = tpu.memref_slice %arg9[%dma_start3A_76, %dma_start3A_77, %dma_start3A_78] : memref<3x80x128xf32, #tpu.memory_space<vmem>> -> memref<1x80x128xf32, #tpu.memory_space<vmem>>
    %dma_start3A_80 = tpu.memref_squeeze %dma_start3A_79 : memref<1x80x128xf32, #tpu.memory_space<vmem>> -> memref<80x128xf32, #tpu.memory_space<vmem>>
    %dma_start3A_81 = arith.constant 80 : i32
    %dma_start3A_82 = tpu.memref_slice %arg7[%dma_start3A_81] : memref<10000xi32, #tpu.memory_space<vmem>> -> memref<80xi32, #tpu.memory_space<vmem>>
    %dma_start3A_83 = arith.constant 0 : i32
    %dma_start3A_84 = arith.constant 0 : i32
    %dma_start3A_85 = tpu.memref_slice %arg2[%dma_start3A_83, %dma_start3A_84] : memref<10240x128xf32, #tpu.memory_space<hbm>> -> memref<10240x128xf32, #tpu.memory_space<hbm>>
    tpu.enqueue_indirect_dma source(%dma_start3A_85 : memref<10240x128xf32, #tpu.memory_space<hbm>>) target(%dma_start3A_80 : memref<80x128xf32, #tpu.memory_space<vmem>>) offsets(%dma_start3A_82 : memref<80xi32, #tpu.memory_space<vmem>>) semaphore(%arg12 : memref<!tpu.dma_semaphore, #tpu.memory_space<semaphore_mem>>)
    %dma_wait3A = arith.constant 0 : i32
    %dma_wait3A_86 = tpu.memref_slice %arg6[%mul3A_2, %dma_wait3A] : memref<10240x128xf32, #tpu.memory_space<vmem_shared>> -> memref<640x128xf32, #tpu.memory_space<vmem_shared>>
    %dma_wait3A_87 = arith.constant 0 : i32
    %dma_wait3A_88 = tpu.memref_slice %arg2[%mul3A_2, %dma_wait3A_87] : memref<10240x128xf32, #tpu.memory_space<hbm>> -> memref<640x128xf32, #tpu.memory_space<hbm>>
    tpu.wait_dma2 semaphore(%arg10 : memref<!tpu.dma_semaphore, #tpu.memory_space<semaphore_mem>>) src(%dma_wait3A_88 : memref<640x128xf32, #tpu.memory_space<hbm>>) dst(%dma_wait3A_86 : memref<640x128xf32, #tpu.memory_space<vmem_shared>>)
    %barrier3A = arith.constant 0 : index
    tpu.barrier barrier_id(%barrier3A)
    %scan3A = arith.constant 0 : i32
    %scan3A_89 = arith.constant 0 : i32
    %scan3A_90 = arith.constant 20 : i32
    %scan3A_91 = arith.addi %scan3A_89, %scan3A_90 : i32
    %scan3A_92 = arith.constant 1 : i32
    %scan3A_93 = scf.for %scan3A_398 = %scan3A_89 to %scan3A_91 step %scan3A_92 iter_args(%scan3A_399 = %scan3A) -> (i32)  : i32 {
      %mul3A_400 = arith.constant 6 : i32
      %mul3A_401 = arith.muli %scan3A_398, %mul3A_400 : i32
      %add3A_402 = arith.constant 0 : i32
      %add3A_403 = arith.addi %mul3A_401, %add3A_402 : i32
      %mul3A_404 = arith.constant 80 : i32
      %mul3A_405 = arith.muli %add3A_403, %mul3A_404 : i32
      %dma_wait3A_406 = arith.constant 0 : i32
      %dma_wait3A_407 = arith.constant 0 : i32
      %dma_wait3A_408 = arith.constant 0 : i32
      %dma_wait3A_409 = tpu.memref_slice %arg9[%dma_wait3A_406, %dma_wait3A_407, %dma_wait3A_408] : memref<3x80x128xf32, #tpu.memory_space<vmem>> -> memref<1x80x128xf32, #tpu.memory_space<vmem>>
      %dma_wait3A_410 = tpu.memref_squeeze %dma_wait3A_409 : memref<1x80x128xf32, #tpu.memory_space<vmem>> -> memref<80x128xf32, #tpu.memory_space<vmem>>
      %dma_wait3A_411 = tpu.memref_slice %arg7[%mul3A_405] : memref<10000xi32, #tpu.memory_space<vmem>> -> memref<80xi32, #tpu.memory_space<vmem>>
      %dma_wait3A_412 = arith.constant 0 : i32
      %dma_wait3A_413 = arith.constant 0 : i32
      %dma_wait3A_414 = tpu.memref_slice %arg2[%dma_wait3A_412, %dma_wait3A_413] : memref<10240x128xf32, #tpu.memory_space<hbm>> -> memref<10240x128xf32, #tpu.memory_space<hbm>>
      tpu.wait_indirect_dma semaphore(%arg11 : memref<!tpu.dma_semaphore, #tpu.memory_space<semaphore_mem>>) src(%dma_wait3A_414 : memref<10240x128xf32, #tpu.memory_space<hbm>>) dst(%dma_wait3A_410 : memref<80x128xf32, #tpu.memory_space<vmem>>)
      %dma_wait3A_415 = arith.constant 0 : i32
      %dma_wait3A_416 = arith.constant 0 : i32
      %dma_wait3A_417 = tpu.memref_slice %arg8[%dma_wait3A_415, %dma_wait3A_416] : memref<6x80xi32, #tpu.memory_space<vmem>> -> memref<1x80xi32, #tpu.memory_space<vmem>>
      %dma_wait3A_418 = arith.constant 0 : i32
      %dma_wait3A_419 = arith.constant 0 : i32
      %dma_wait3A_420 = tpu.memref_slice %arg4[%add3A, %add3A_403, %dma_wait3A_418, %dma_wait3A_419] : memref<32x125x1x80xi32, #tpu.memory_space<hbm>> -> memref<1x1x1x80xi32, #tpu.memory_space<hbm>>
      %dma_wait3A_421 = tpu.memref_squeeze %dma_wait3A_420 : memref<1x1x1x80xi32, #tpu.memory_space<hbm>> -> memref<1x80xi32, #tpu.memory_space<hbm>>
      %dma_wait3A_422 = arith.constant 0 : i32
      %dma_wait3A_423 = arith.constant 0 : i32
      %dma_wait3A_424 = tpu.memref_slice %arg8[%dma_wait3A_422, %dma_wait3A_423] : memref<6x80xi32, #tpu.memory_space<vmem>> -> memref<1x80xi32, #tpu.memory_space<vmem>>
      %dma_wait3A_425 = arith.constant 0 : i32
      %dma_wait3A_426 = arith.constant 0 : i32
      %dma_wait3A_427 = tpu.memref_slice %arg4[%add3A, %add3A_403, %dma_wait3A_425, %dma_wait3A_426] : memref<32x125x1x80xi32, #tpu.memory_space<hbm>> -> memref<1x1x1x80xi32, #tpu.memory_space<hbm>>
      %dma_wait3A_428 = tpu.memref_squeeze %dma_wait3A_427 : memref<1x1x1x80xi32, #tpu.memory_space<hbm>> -> memref<1x80xi32, #tpu.memory_space<hbm>>
      tpu.wait_dma2 semaphore(%arg17 : memref<!tpu.dma_semaphore, #tpu.memory_space<semaphore_mem>>) src(%dma_wait3A_428 : memref<1x80xi32, #tpu.memory_space<hbm>>) dst(%dma_wait3A_424 : memref<1x80xi32, #tpu.memory_space<vmem>>)
      %dma_start3A_429 = arith.constant 0 : i32
      %dma_start3A_430 = arith.constant 0 : i32
      %dma_start3A_431 = arith.constant 0 : i32
      %dma_start3A_432 = arith.constant 0 : i32
      %dma_start3A_433 = tpu.memref_slice %arg9[%dma_start3A_429, %dma_start3A_431, %dma_start3A_432] : memref<3x80x128xf32, #tpu.memory_space<vmem>> -> memref<1x80x128xf32, #tpu.memory_space<vmem>>
      %dma_start3A_434 = tpu.memref_squeeze %dma_start3A_433 : memref<1x80x128xf32, #tpu.memory_space<vmem>> -> memref<80x128xf32, #tpu.memory_space<vmem>>
      %dma_start3A_435 = arith.constant 0 : i32
      %dma_start3A_436 = tpu.memref_slice %arg8[%dma_start3A_430, %dma_start3A_435] : memref<6x80xi32, #tpu.memory_space<vmem>> -> memref<1x80xi32, #tpu.memory_space<vmem>>
      %dma_start3A_437 = tpu.memref_squeeze %dma_start3A_436 : memref<1x80xi32, #tpu.memory_space<vmem>> -> memref<80xi32, #tpu.memory_space<vmem>>
      %dma_start3A_438 = arith.constant 0 : i32
      %dma_start3A_439 = arith.constant 0 : i32
      %dma_start3A_440 = tpu.memref_slice %arg6[%dma_start3A_438, %dma_start3A_439] : memref<10240x128xf32, #tpu.memory_space<vmem_shared>> -> memref<10240x128xf32, #tpu.memory_space<vmem_shared>>
      tpu.enqueue_indirect_dma source(%dma_start3A_434 : memref<80x128xf32, #tpu.memory_space<vmem>>) target(%dma_start3A_440 : memref<10240x128xf32, #tpu.memory_space<vmem_shared>>) offsets(%dma_start3A_437 : memref<80xi32, #tpu.memory_space<vmem>>) semaphore(%arg14 : memref<!tpu.dma_semaphore, #tpu.memory_space<semaphore_mem>>) {add = true}
      %add3A_441 = arith.constant 4 : i32
      %add3A_442 = arith.addi %add3A_403, %add3A_441 : i32
      %lt3A = arith.constant 125 : i32
      %lt3A_443 = arith.cmpi slt, %add3A_442, %lt3A : i32
      %convert_element_type3A = arith.extui %lt3A_443 : i1 to i32
      %cond3A = arith.constant 0 : i32
      %cond3A_444 = arith.cmpi ne, %convert_element_type3A, %cond3A : i32
      scf.if %cond3A_444 {
        %add3A_757 = arith.constant 4 : i32
        %add3A_758 = arith.addi %add3A_403, %add3A_757 : i32
        %dma_start3A_759 = arith.constant 4 : i32
        %dma_start3A_760 = arith.constant 0 : i32
        %dma_start3A_761 = tpu.memref_slice %arg8[%dma_start3A_759, %dma_start3A_760] : memref<6x80xi32, #tpu.memory_space<vmem>> -> memref<1x80xi32, #tpu.memory_space<vmem>>
        %dma_start3A_762 = arith.constant 0 : i32
        %dma_start3A_763 = arith.constant 0 : i32
        %dma_start3A_764 = tpu.memref_slice %arg4[%add3A, %add3A_758, %dma_start3A_762, %dma_start3A_763] : memref<32x125x1x80xi32, #tpu.memory_space<hbm>> -> memref<1x1x1x80xi32, #tpu.memory_space<hbm>>
        %dma_start3A_765 = tpu.memref_squeeze %dma_start3A_764 : memref<1x1x1x80xi32, #tpu.memory_space<hbm>> -> memref<1x80xi32, #tpu.memory_space<hbm>>
        %dma_start3A_766 = arith.constant 4 : i32
        %dma_start3A_767 = arith.constant 0 : i32
        %dma_start3A_768 = tpu.memref_slice %arg8[%dma_start3A_766, %dma_start3A_767] : memref<6x80xi32, #tpu.memory_space<vmem>> -> memref<1x80xi32, #tpu.memory_space<vmem>>
        %dma_start3A_769 = arith.constant 0 : i32
        %dma_start3A_770 = arith.constant 0 : i32
        %dma_start3A_771 = tpu.memref_slice %arg4[%add3A, %add3A_758, %dma_start3A_769, %dma_start3A_770] : memref<32x125x1x80xi32, #tpu.memory_space<hbm>> -> memref<1x1x1x80xi32, #tpu.memory_space<hbm>>
        %dma_start3A_772 = tpu.memref_squeeze %dma_start3A_771 : memref<1x1x1x80xi32, #tpu.memory_space<hbm>> -> memref<1x80xi32, #tpu.memory_space<hbm>>
        tpu.enqueue_dma source(%dma_start3A_772 : memref<1x80xi32, #tpu.memory_space<hbm>>) target(%dma_start3A_768 : memref<1x80xi32, #tpu.memory_space<vmem>>) target_semaphore(%arg21 : memref<!tpu.dma_semaphore, #tpu.memory_space<semaphore_mem>>)
      } else {
      }
      %ge3A = arith.constant 1 : i32
      %ge3A_445 = arith.cmpi sge, %add3A_403, %ge3A : i32
      %convert_element_type3A_446 = arith.extui %ge3A_445 : i1 to i32
      %cond3A_447 = arith.constant 0 : i32
      %cond3A_448 = arith.cmpi ne, %convert_element_type3A_446, %cond3A_447 : i32
      scf.if %cond3A_448 {
        %dma_wait3A_757 = arith.constant 2 : i32
        %dma_wait3A_758 = arith.constant 0 : i32
        %dma_wait3A_759 = arith.constant 0 : i32
        %dma_wait3A_760 = arith.constant 0 : i32
        %dma_wait3A_761 = tpu.memref_slice %arg9[%dma_wait3A_757, %dma_wait3A_759, %dma_wait3A_760] : memref<3x80x128xf32, #tpu.memory_space<vmem>> -> memref<1x80x128xf32, #tpu.memory_space<vmem>>
        %dma_wait3A_762 = tpu.memref_squeeze %dma_wait3A_761 : memref<1x80x128xf32, #tpu.memory_space<vmem>> -> memref<80x128xf32, #tpu.memory_space<vmem>>
        %dma_wait3A_763 = arith.constant 0 : i32
        %dma_wait3A_764 = tpu.memref_slice %arg8[%dma_wait3A_758, %dma_wait3A_763] : memref<6x80xi32, #tpu.memory_space<vmem>> -> memref<1x80xi32, #tpu.memory_space<vmem>>
        %dma_wait3A_765 = tpu.memref_squeeze %dma_wait3A_764 : memref<1x80xi32, #tpu.memory_space<vmem>> -> memref<80xi32, #tpu.memory_space<vmem>>
        %dma_wait3A_766 = arith.constant 0 : i32
        %dma_wait3A_767 = arith.constant 0 : i32
        %dma_wait3A_768 = tpu.memref_slice %arg6[%dma_wait3A_766, %dma_wait3A_767] : memref<10240x128xf32, #tpu.memory_space<vmem_shared>> -> memref<10240x128xf32, #tpu.memory_space<vmem_shared>>
        tpu.wait_indirect_dma semaphore(%arg16 : memref<!tpu.dma_semaphore, #tpu.memory_space<semaphore_mem>>) src(%dma_wait3A_762 : memref<80x128xf32, #tpu.memory_space<vmem>>) dst(%dma_wait3A_768 : memref<10240x128xf32, #tpu.memory_space<vmem_shared>>)
      } else {
      }
      %add3A_449 = arith.constant 2 : i32
      %add3A_450 = arith.addi %add3A_403, %add3A_449 : i32
      %lt3A_451 = arith.constant 125 : i32
      %lt3A_452 = arith.cmpi slt, %add3A_450, %lt3A_451 : i32
      %convert_element_type3A_453 = arith.extui %lt3A_452 : i1 to i32
      %cond3A_454 = arith.constant 0 : i32
      %cond3A_455 = arith.cmpi ne, %convert_element_type3A_453, %cond3A_454 : i32
      scf.if %cond3A_455 {
        %add3A_757 = arith.constant 2 : i32
        %add3A_758 = arith.addi %add3A_403, %add3A_757 : i32
        %mul3A_759 = arith.constant 80 : i32
        %mul3A_760 = arith.muli %add3A_758, %mul3A_759 : i32
        %dma_start3A_761 = arith.constant 2 : i32
        %dma_start3A_762 = arith.constant 0 : i32
        %dma_start3A_763 = arith.constant 0 : i32
        %dma_start3A_764 = tpu.memref_slice %arg9[%dma_start3A_761, %dma_start3A_762, %dma_start3A_763] : memref<3x80x128xf32, #tpu.memory_space<vmem>> -> memref<1x80x128xf32, #tpu.memory_space<vmem>>
        %dma_start3A_765 = tpu.memref_squeeze %dma_start3A_764 : memref<1x80x128xf32, #tpu.memory_space<vmem>> -> memref<80x128xf32, #tpu.memory_space<vmem>>
        %dma_start3A_766 = tpu.memref_slice %arg7[%mul3A_760] : memref<10000xi32, #tpu.memory_space<vmem>> -> memref<80xi32, #tpu.memory_space<vmem>>
        %dma_start3A_767 = arith.constant 0 : i32
        %dma_start3A_768 = arith.constant 0 : i32
        %dma_start3A_769 = tpu.memref_slice %arg2[%dma_start3A_767, %dma_start3A_768] : memref<10240x128xf32, #tpu.memory_space<hbm>> -> memref<10240x128xf32, #tpu.memory_space<hbm>>
        tpu.enqueue_indirect_dma source(%dma_start3A_769 : memref<10240x128xf32, #tpu.memory_space<hbm>>) target(%dma_start3A_765 : memref<80x128xf32, #tpu.memory_space<vmem>>) offsets(%dma_start3A_766 : memref<80xi32, #tpu.memory_space<vmem>>) semaphore(%arg13 : memref<!tpu.dma_semaphore, #tpu.memory_space<semaphore_mem>>)
      } else {
      }
      %mul3A_456 = arith.constant 6 : i32
      %mul3A_457 = arith.muli %scan3A_398, %mul3A_456 : i32
      %add3A_458 = arith.constant 1 : i32
      %add3A_459 = arith.addi %mul3A_457, %add3A_458 : i32
      %mul3A_460 = arith.constant 80 : i32
      %mul3A_461 = arith.muli %add3A_459, %mul3A_460 : i32
      %dma_wait3A_462 = arith.constant 1 : i32
      %dma_wait3A_463 = arith.constant 0 : i32
      %dma_wait3A_464 = arith.constant 0 : i32
      %dma_wait3A_465 = tpu.memref_slice %arg9[%dma_wait3A_462, %dma_wait3A_463, %dma_wait3A_464] : memref<3x80x128xf32, #tpu.memory_space<vmem>> -> memref<1x80x128xf32, #tpu.memory_space<vmem>>
      %dma_wait3A_466 = tpu.memref_squeeze %dma_wait3A_465 : memref<1x80x128xf32, #tpu.memory_space<vmem>> -> memref<80x128xf32, #tpu.memory_space<vmem>>
      %dma_wait3A_467 = tpu.memref_slice %arg7[%mul3A_461] : memref<10000xi32, #tpu.memory_space<vmem>> -> memref<80xi32, #tpu.memory_space<vmem>>
      %dma_wait3A_468 = arith.constant 0 : i32
      %dma_wait3A_469 = arith.constant 0 : i32
      %dma_wait3A_470 = tpu.memref_slice %arg2[%dma_wait3A_468, %dma_wait3A_469] : memref<10240x128xf32, #tpu.memory_space<hbm>> -> memref<10240x128xf32, #tpu.memory_space<hbm>>
      tpu.wait_indirect_dma semaphore(%arg12 : memref<!tpu.dma_semaphore, #tpu.memory_space<semaphore_mem>>) src(%dma_wait3A_470 : memref<10240x128xf32, #tpu.memory_space<hbm>>) dst(%dma_wait3A_466 : memref<80x128xf32, #tpu.memory_space<vmem>>)
      %dma_wait3A_471 = arith.constant 1 : i32
      %dma_wait3A_472 = arith.constant 0 : i32
      %dma_wait3A_473 = tpu.memref_slice %arg8[%dma_wait3A_471, %dma_wait3A_472] : memref<6x80xi32, #tpu.memory_space<vmem>> -> memref<1x80xi32, #tpu.memory_space<vmem>>
      %dma_wait3A_474 = arith.constant 0 : i32
      %dma_wait3A_475 = arith.constant 0 : i32
      %dma_wait3A_476 = tpu.memref_slice %arg4[%add3A, %add3A_459, %dma_wait3A_474, %dma_wait3A_475] : memref<32x125x1x80xi32, #tpu.memory_space<hbm>> -> memref<1x1x1x80xi32, #tpu.memory_space<hbm>>
      %dma_wait3A_477 = tpu.memref_squeeze %dma_wait3A_476 : memref<1x1x1x80xi32, #tpu.memory_space<hbm>> -> memref<1x80xi32, #tpu.memory_space<hbm>>
      %dma_wait3A_478 = arith.constant 1 : i32
      %dma_wait3A_479 = arith.constant 0 : i32
      %dma_wait3A_480 = tpu.memref_slice %arg8[%dma_wait3A_478, %dma_wait3A_479] : memref<6x80xi32, #tpu.memory_space<vmem>> -> memref<1x80xi32, #tpu.memory_space<vmem>>
      %dma_wait3A_481 = arith.constant 0 : i32
      %dma_wait3A_482 = arith.constant 0 : i32
      %dma_wait3A_483 = tpu.memref_slice %arg4[%add3A, %add3A_459, %dma_wait3A_481, %dma_wait3A_482] : memref<32x125x1x80xi32, #tpu.memory_space<hbm>> -> memref<1x1x1x80xi32, #tpu.memory_space<hbm>>
      %dma_wait3A_484 = tpu.memref_squeeze %dma_wait3A_483 : memref<1x1x1x80xi32, #tpu.memory_space<hbm>> -> memref<1x80xi32, #tpu.memory_space<hbm>>
      tpu.wait_dma2 semaphore(%arg18 : memref<!tpu.dma_semaphore, #tpu.memory_space<semaphore_mem>>) src(%dma_wait3A_484 : memref<1x80xi32, #tpu.memory_space<hbm>>) dst(%dma_wait3A_480 : memref<1x80xi32, #tpu.memory_space<vmem>>)
      %dma_start3A_485 = arith.constant 1 : i32
      %dma_start3A_486 = arith.constant 1 : i32
      %dma_start3A_487 = arith.constant 0 : i32
      %dma_start3A_488 = arith.constant 0 : i32
      %dma_start3A_489 = tpu.memref_slice %arg9[%dma_start3A_485, %dma_start3A_487, %dma_start3A_488] : memref<3x80x128xf32, #tpu.memory_space<vmem>> -> memref<1x80x128xf32, #tpu.memory_space<vmem>>
      %dma_start3A_490 = tpu.memref_squeeze %dma_start3A_489 : memref<1x80x128xf32, #tpu.memory_space<vmem>> -> memref<80x128xf32, #tpu.memory_space<vmem>>
      %dma_start3A_491 = arith.constant 0 : i32
      %dma_start3A_492 = tpu.memref_slice %arg8[%dma_start3A_486, %dma_start3A_491] : memref<6x80xi32, #tpu.memory_space<vmem>> -> memref<1x80xi32, #tpu.memory_space<vmem>>
      %dma_start3A_493 = tpu.memref_squeeze %dma_start3A_492 : memref<1x80xi32, #tpu.memory_space<vmem>> -> memref<80xi32, #tpu.memory_space<vmem>>
      %dma_start3A_494 = arith.constant 0 : i32
      %dma_start3A_495 = arith.constant 0 : i32
      %dma_start3A_496 = tpu.memref_slice %arg6[%dma_start3A_494, %dma_start3A_495] : memref<10240x128xf32, #tpu.memory_space<vmem_shared>> -> memref<10240x128xf32, #tpu.memory_space<vmem_shared>>
      tpu.enqueue_indirect_dma source(%dma_start3A_490 : memref<80x128xf32, #tpu.memory_space<vmem>>) target(%dma_start3A_496 : memref<10240x128xf32, #tpu.memory_space<vmem_shared>>) offsets(%dma_start3A_493 : memref<80xi32, #tpu.memory_space<vmem>>) semaphore(%arg15 : memref<!tpu.dma_semaphore, #tpu.memory_space<semaphore_mem>>) {add = true}
      %add3A_497 = arith.constant 4 : i32
      %add3A_498 = arith.addi %add3A_459, %add3A_497 : i32
      %lt3A_499 = arith.constant 125 : i32
      %lt3A_500 = arith.cmpi slt, %add3A_498, %lt3A_499 : i32
      %convert_element_type3A_501 = arith.extui %lt3A_500 : i1 to i32
      %cond3A_502 = arith.constant 0 : i32
      %cond3A_503 = arith.cmpi ne, %convert_element_type3A_501, %cond3A_502 : i32
      scf.if %cond3A_503 {
        %add3A_757 = arith.constant 4 : i32
        %add3A_758 = arith.addi %add3A_459, %add3A_757 : i32
        %dma_start3A_759 = arith.constant 5 : i32
        %dma_start3A_760 = arith.constant 0 : i32
        %dma_start3A_761 = tpu.memref_slice %arg8[%dma_start3A_759, %dma_start3A_760] : memref<6x80xi32, #tpu.memory_space<vmem>> -> memref<1x80xi32, #tpu.memory_space<vmem>>
        %dma_start3A_762 = arith.constant 0 : i32
        %dma_start3A_763 = arith.constant 0 : i32
        %dma_start3A_764 = tpu.memref_slice %arg4[%add3A, %add3A_758, %dma_start3A_762, %dma_start3A_763] : memref<32x125x1x80xi32, #tpu.memory_space<hbm>> -> memref<1x1x1x80xi32, #tpu.memory_space<hbm>>
        %dma_start3A_765 = tpu.memref_squeeze %dma_start3A_764 : memref<1x1x1x80xi32, #tpu.memory_space<hbm>> -> memref<1x80xi32, #tpu.memory_space<hbm>>
        %dma_start3A_766 = arith.constant 5 : i32
        %dma_start3A_767 = arith.constant 0 : i32
        %dma_start3A_768 = tpu.memref_slice %arg8[%dma_start3A_766, %dma_start3A_767] : memref<6x80xi32, #tpu.memory_space<vmem>> -> memref<1x80xi32, #tpu.memory_space<vmem>>
        %dma_start3A_769 = arith.constant 0 : i32
        %dma_start3A_770 = arith.constant 0 : i32
        %dma_start3A_771 = tpu.memref_slice %arg4[%add3A, %add3A_758, %dma_start3A_769, %dma_start3A_770] : memref<32x125x1x80xi32, #tpu.memory_space<hbm>> -> memref<1x1x1x80xi32, #tpu.memory_space<hbm>>
        %dma_start3A_772 = tpu.memref_squeeze %dma_start3A_771 : memref<1x1x1x80xi32, #tpu.memory_space<hbm>> -> memref<1x80xi32, #tpu.memory_space<hbm>>
        tpu.enqueue_dma source(%dma_start3A_772 : memref<1x80xi32, #tpu.memory_space<hbm>>) target(%dma_start3A_768 : memref<1x80xi32, #tpu.memory_space<vmem>>) target_semaphore(%arg22 : memref<!tpu.dma_semaphore, #tpu.memory_space<semaphore_mem>>)
      } else {
      }
      %ge3A_504 = arith.constant 1 : i32
      %ge3A_505 = arith.cmpi sge, %add3A_459, %ge3A_504 : i32
      %convert_element_type3A_506 = arith.extui %ge3A_505 : i1 to i32
      %cond3A_507 = arith.constant 0 : i32
      %cond3A_508 = arith.cmpi ne, %convert_element_type3A_506, %cond3A_507 : i32
      scf.if %cond3A_508 {
        %dma_wait3A_757 = arith.constant 0 : i32
        %dma_wait3A_758 = arith.constant 1 : i32
        %dma_wait3A_759 = arith.constant 0 : i32
        %dma_wait3A_760 = arith.constant 0 : i32
        %dma_wait3A_761 = tpu.memref_slice %arg9[%dma_wait3A_757, %dma_wait3A_759, %dma_wait3A_760] : memref<3x80x128xf32, #tpu.memory_space<vmem>> -> memref<1x80x128xf32, #tpu.memory_space<vmem>>
        %dma_wait3A_762 = tpu.memref_squeeze %dma_wait3A_761 : memref<1x80x128xf32, #tpu.memory_space<vmem>> -> memref<80x128xf32, #tpu.memory_space<vmem>>
        %dma_wait3A_763 = arith.constant 0 : i32
        %dma_wait3A_764 = tpu.memref_slice %arg8[%dma_wait3A_758, %dma_wait3A_763] : memref<6x80xi32, #tpu.memory_space<vmem>> -> memref<1x80xi32, #tpu.memory_space<vmem>>
        %dma_wait3A_765 = tpu.memref_squeeze %dma_wait3A_764 : memref<1x80xi32, #tpu.memory_space<vmem>> -> memref<80xi32, #tpu.memory_space<vmem>>
        %dma_wait3A_766 = arith.constant 0 : i32
        %dma_wait3A_767 = arith.constant 0 : i32
        %dma_wait3A_768 = tpu.memref_slice %arg6[%dma_wait3A_766, %dma_wait3A_767] : memref<10240x128xf32, #tpu.memory_space<vmem_shared>> -> memref<10240x128xf32, #tpu.memory_space<vmem_shared>>
        tpu.wait_indirect_dma semaphore(%arg14 : memref<!tpu.dma_semaphore, #tpu.memory_space<semaphore_mem>>) src(%dma_wait3A_762 : memref<80x128xf32, #tpu.memory_space<vmem>>) dst(%dma_wait3A_768 : memref<10240x128xf32, #tpu.memory_space<vmem_shared>>)
      } else {
      }
      %add3A_509 = arith.constant 2 : i32
      %add3A_510 = arith.addi %add3A_459, %add3A_509 : i32
      %lt3A_511 = arith.constant 125 : i32
      %lt3A_512 = arith.cmpi slt, %add3A_510, %lt3A_511 : i32
      %convert_element_type3A_513 = arith.extui %lt3A_512 : i1 to i32
      %cond3A_514 = arith.constant 0 : i32
      %cond3A_515 = arith.cmpi ne, %convert_element_type3A_513, %cond3A_514 : i32
      scf.if %cond3A_515 {
        %add3A_757 = arith.constant 2 : i32
        %add3A_758 = arith.addi %add3A_459, %add3A_757 : i32
        %mul3A_759 = arith.constant 80 : i32
        %mul3A_760 = arith.muli %add3A_758, %mul3A_759 : i32
        %dma_start3A_761 = arith.constant 0 : i32
        %dma_start3A_762 = arith.constant 0 : i32
        %dma_start3A_763 = arith.constant 0 : i32
        %dma_start3A_764 = tpu.memref_slice %arg9[%dma_start3A_761, %dma_start3A_762, %dma_start3A_763] : memref<3x80x128xf32, #tpu.memory_space<vmem>> -> memref<1x80x128xf32, #tpu.memory_space<vmem>>
        %dma_start3A_765 = tpu.memref_squeeze %dma_start3A_764 : memref<1x80x128xf32, #tpu.memory_space<vmem>> -> memref<80x128xf32, #tpu.memory_space<vmem>>
        %dma_start3A_766 = tpu.memref_slice %arg7[%mul3A_760] : memref<10000xi32, #tpu.memory_space<vmem>> -> memref<80xi32, #tpu.memory_space<vmem>>
        %dma_start3A_767 = arith.constant 0 : i32
        %dma_start3A_768 = arith.constant 0 : i32
        %dma_start3A_769 = tpu.memref_slice %arg2[%dma_start3A_767, %dma_start3A_768] : memref<10240x128xf32, #tpu.memory_space<hbm>> -> memref<10240x128xf32, #tpu.memory_space<hbm>>
        tpu.enqueue_indirect_dma source(%dma_start3A_769 : memref<10240x128xf32, #tpu.memory_space<hbm>>) target(%dma_start3A_765 : memref<80x128xf32, #tpu.memory_space<vmem>>) offsets(%dma_start3A_766 : memref<80xi32, #tpu.memory_space<vmem>>) semaphore(%arg11 : memref<!tpu.dma_semaphore, #tpu.memory_space<semaphore_mem>>)
      } else {
      }
      %mul3A_516 = arith.constant 6 : i32
      %mul3A_517 = arith.muli %scan3A_398, %mul3A_516 : i32
      %add3A_518 = arith.constant 2 : i32
      %add3A_519 = arith.addi %mul3A_517, %add3A_518 : i32
      %mul3A_520 = arith.constant 80 : i32
      %mul3A_521 = arith.muli %add3A_519, %mul3A_520 : i32
      %dma_wait3A_522 = arith.constant 2 : i32
      %dma_wait3A_523 = arith.constant 0 : i32
      %dma_wait3A_524 = arith.constant 0 : i32
      %dma_wait3A_525 = tpu.memref_slice %arg9[%dma_wait3A_522, %dma_wait3A_523, %dma_wait3A_524] : memref<3x80x128xf32, #tpu.memory_space<vmem>> -> memref<1x80x128xf32, #tpu.memory_space<vmem>>
      %dma_wait3A_526 = tpu.memref_squeeze %dma_wait3A_525 : memref<1x80x128xf32, #tpu.memory_space<vmem>> -> memref<80x128xf32, #tpu.memory_space<vmem>>
      %dma_wait3A_527 = tpu.memref_slice %arg7[%mul3A_521] : memref<10000xi32, #tpu.memory_space<vmem>> -> memref<80xi32, #tpu.memory_space<vmem>>
      %dma_wait3A_528 = arith.constant 0 : i32
      %dma_wait3A_529 = arith.constant 0 : i32
      %dma_wait3A_530 = tpu.memref_slice %arg2[%dma_wait3A_528, %dma_wait3A_529] : memref<10240x128xf32, #tpu.memory_space<hbm>> -> memref<10240x128xf32, #tpu.memory_space<hbm>>
      tpu.wait_indirect_dma semaphore(%arg13 : memref<!tpu.dma_semaphore, #tpu.memory_space<semaphore_mem>>) src(%dma_wait3A_530 : memref<10240x128xf32, #tpu.memory_space<hbm>>) dst(%dma_wait3A_526 : memref<80x128xf32, #tpu.memory_space<vmem>>)
      %dma_wait3A_531 = arith.constant 2 : i32
      %dma_wait3A_532 = arith.constant 0 : i32
      %dma_wait3A_533 = tpu.memref_slice %arg8[%dma_wait3A_531, %dma_wait3A_532] : memref<6x80xi32, #tpu.memory_space<vmem>> -> memref<1x80xi32, #tpu.memory_space<vmem>>
      %dma_wait3A_534 = arith.constant 0 : i32
      %dma_wait3A_535 = arith.constant 0 : i32
      %dma_wait3A_536 = tpu.memref_slice %arg4[%add3A, %add3A_519, %dma_wait3A_534, %dma_wait3A_535] : memref<32x125x1x80xi32, #tpu.memory_space<hbm>> -> memref<1x1x1x80xi32, #tpu.memory_space<hbm>>
      %dma_wait3A_537 = tpu.memref_squeeze %dma_wait3A_536 : memref<1x1x1x80xi32, #tpu.memory_space<hbm>> -> memref<1x80xi32, #tpu.memory_space<hbm>>
      %dma_wait3A_538 = arith.constant 2 : i32
      %dma_wait3A_539 = arith.constant 0 : i32
      %dma_wait3A_540 = tpu.memref_slice %arg8[%dma_wait3A_538, %dma_wait3A_539] : memref<6x80xi32, #tpu.memory_space<vmem>> -> memref<1x80xi32, #tpu.memory_space<vmem>>
      %dma_wait3A_541 = arith.constant 0 : i32
      %dma_wait3A_542 = arith.constant 0 : i32
      %dma_wait3A_543 = tpu.memref_slice %arg4[%add3A, %add3A_519, %dma_wait3A_541, %dma_wait3A_542] : memref<32x125x1x80xi32, #tpu.memory_space<hbm>> -> memref<1x1x1x80xi32, #tpu.memory_space<hbm>>
      %dma_wait3A_544 = tpu.memref_squeeze %dma_wait3A_543 : memref<1x1x1x80xi32, #tpu.memory_space<hbm>> -> memref<1x80xi32, #tpu.memory_space<hbm>>
      tpu.wait_dma2 semaphore(%arg19 : memref<!tpu.dma_semaphore, #tpu.memory_space<semaphore_mem>>) src(%dma_wait3A_544 : memref<1x80xi32, #tpu.memory_space<hbm>>) dst(%dma_wait3A_540 : memref<1x80xi32, #tpu.memory_space<vmem>>)
      %dma_start3A_545 = arith.constant 2 : i32
      %dma_start3A_546 = arith.constant 2 : i32
      %dma_start3A_547 = arith.constant 0 : i32
      %dma_start3A_548 = arith.constant 0 : i32
      %dma_start3A_549 = tpu.memref_slice %arg9[%dma_start3A_545, %dma_start3A_547, %dma_start3A_548] : memref<3x80x128xf32, #tpu.memory_space<vmem>> -> memref<1x80x128xf32, #tpu.memory_space<vmem>>
      %dma_start3A_550 = tpu.memref_squeeze %dma_start3A_549 : memref<1x80x128xf32, #tpu.memory_space<vmem>> -> memref<80x128xf32, #tpu.memory_space<vmem>>
      %dma_start3A_551 = arith.constant 0 : i32
      %dma_start3A_552 = tpu.memref_slice %arg8[%dma_start3A_546, %dma_start3A_551] : memref<6x80xi32, #tpu.memory_space<vmem>> -> memref<1x80xi32, #tpu.memory_space<vmem>>
      %dma_start3A_553 = tpu.memref_squeeze %dma_start3A_552 : memref<1x80xi32, #tpu.memory_space<vmem>> -> memref<80xi32, #tpu.memory_space<vmem>>
      %dma_start3A_554 = arith.constant 0 : i32
      %dma_start3A_555 = arith.constant 0 : i32
      %dma_start3A_556 = tpu.memref_slice %arg6[%dma_start3A_554, %dma_start3A_555] : memref<10240x128xf32, #tpu.memory_space<vmem_shared>> -> memref<10240x128xf32, #tpu.memory_space<vmem_shared>>
      tpu.enqueue_indirect_dma source(%dma_start3A_550 : memref<80x128xf32, #tpu.memory_space<vmem>>) target(%dma_start3A_556 : memref<10240x128xf32, #tpu.memory_space<vmem_shared>>) offsets(%dma_start3A_553 : memref<80xi32, #tpu.memory_space<vmem>>) semaphore(%arg16 : memref<!tpu.dma_semaphore, #tpu.memory_space<semaphore_mem>>) {add = true}
      %add3A_557 = arith.constant 4 : i32
      %add3A_558 = arith.addi %add3A_519, %add3A_557 : i32
      %lt3A_559 = arith.constant 125 : i32
      %lt3A_560 = arith.cmpi slt, %add3A_558, %lt3A_559 : i32
      %convert_element_type3A_561 = arith.extui %lt3A_560 : i1 to i32
      %cond3A_562 = arith.constant 0 : i32
      %cond3A_563 = arith.cmpi ne, %convert_element_type3A_561, %cond3A_562 : i32
      scf.if %cond3A_563 {
        %add3A_757 = arith.constant 4 : i32
        %add3A_758 = arith.addi %add3A_519, %add3A_757 : i32
        %dma_start3A_759 = arith.constant 0 : i32
        %dma_start3A_760 = arith.constant 0 : i32
        %dma_start3A_761 = tpu.memref_slice %arg8[%dma_start3A_759, %dma_start3A_760] : memref<6x80xi32, #tpu.memory_space<vmem>> -> memref<1x80xi32, #tpu.memory_space<vmem>>
        %dma_start3A_762 = arith.constant 0 : i32
        %dma_start3A_763 = arith.constant 0 : i32
        %dma_start3A_764 = tpu.memref_slice %arg4[%add3A, %add3A_758, %dma_start3A_762, %dma_start3A_763] : memref<32x125x1x80xi32, #tpu.memory_space<hbm>> -> memref<1x1x1x80xi32, #tpu.memory_space<hbm>>
        %dma_start3A_765 = tpu.memref_squeeze %dma_start3A_764 : memref<1x1x1x80xi32, #tpu.memory_space<hbm>> -> memref<1x80xi32, #tpu.memory_space<hbm>>
        %dma_start3A_766 = arith.constant 0 : i32
        %dma_start3A_767 = arith.constant 0 : i32
        %dma_start3A_768 = tpu.memref_slice %arg8[%dma_start3A_766, %dma_start3A_767] : memref<6x80xi32, #tpu.memory_space<vmem>> -> memref<1x80xi32, #tpu.memory_space<vmem>>
        %dma_start3A_769 = arith.constant 0 : i32
        %dma_start3A_770 = arith.constant 0 : i32
        %dma_start3A_771 = tpu.memref_slice %arg4[%add3A, %add3A_758, %dma_start3A_769, %dma_start3A_770] : memref<32x125x1x80xi32, #tpu.memory_space<hbm>> -> memref<1x1x1x80xi32, #tpu.memory_space<hbm>>
        %dma_start3A_772 = tpu.memref_squeeze %dma_start3A_771 : memref<1x1x1x80xi32, #tpu.memory_space<hbm>> -> memref<1x80xi32, #tpu.memory_space<hbm>>
        tpu.enqueue_dma source(%dma_start3A_772 : memref<1x80xi32, #tpu.memory_space<hbm>>) target(%dma_start3A_768 : memref<1x80xi32, #tpu.memory_space<vmem>>) target_semaphore(%arg17 : memref<!tpu.dma_semaphore, #tpu.memory_space<semaphore_mem>>)
      } else {
      }
      %ge3A_564 = arith.constant 1 : i32
      %ge3A_565 = arith.cmpi sge, %add3A_519, %ge3A_564 : i32
      %convert_element_type3A_566 = arith.extui %ge3A_565 : i1 to i32
      %cond3A_567 = arith.constant 0 : i32
      %cond3A_568 = arith.cmpi ne, %convert_element_type3A_566, %cond3A_567 : i32
      scf.if %cond3A_568 {
        %dma_wait3A_757 = arith.constant 1 : i32
        %dma_wait3A_758 = arith.constant 2 : i32
        %dma_wait3A_759 = arith.constant 0 : i32
        %dma_wait3A_760 = arith.constant 0 : i32
        %dma_wait3A_761 = tpu.memref_slice %arg9[%dma_wait3A_757, %dma_wait3A_759, %dma_wait3A_760] : memref<3x80x128xf32, #tpu.memory_space<vmem>> -> memref<1x80x128xf32, #tpu.memory_space<vmem>>
        %dma_wait3A_762 = tpu.memref_squeeze %dma_wait3A_761 : memref<1x80x128xf32, #tpu.memory_space<vmem>> -> memref<80x128xf32, #tpu.memory_space<vmem>>
        %dma_wait3A_763 = arith.constant 0 : i32
        %dma_wait3A_764 = tpu.memref_slice %arg8[%dma_wait3A_758, %dma_wait3A_763] : memref<6x80xi32, #tpu.memory_space<vmem>> -> memref<1x80xi32, #tpu.memory_space<vmem>>
        %dma_wait3A_765 = tpu.memref_squeeze %dma_wait3A_764 : memref<1x80xi32, #tpu.memory_space<vmem>> -> memref<80xi32, #tpu.memory_space<vmem>>
        %dma_wait3A_766 = arith.constant 0 : i32
        %dma_wait3A_767 = arith.constant 0 : i32
        %dma_wait3A_768 = tpu.memref_slice %arg6[%dma_wait3A_766, %dma_wait3A_767] : memref<10240x128xf32, #tpu.memory_space<vmem_shared>> -> memref<10240x128xf32, #tpu.memory_space<vmem_shared>>
        tpu.wait_indirect_dma semaphore(%arg15 : memref<!tpu.dma_semaphore, #tpu.memory_space<semaphore_mem>>) src(%dma_wait3A_762 : memref<80x128xf32, #tpu.memory_space<vmem>>) dst(%dma_wait3A_768 : memref<10240x128xf32, #tpu.memory_space<vmem_shared>>)
      } else {
      }
      %add3A_569 = arith.constant 2 : i32
      %add3A_570 = arith.addi %add3A_519, %add3A_569 : i32
      %lt3A_571 = arith.constant 125 : i32
      %lt3A_572 = arith.cmpi slt, %add3A_570, %lt3A_571 : i32
      %convert_element_type3A_573 = arith.extui %lt3A_572 : i1 to i32
      %cond3A_574 = arith.constant 0 : i32
      %cond3A_575 = arith.cmpi ne, %convert_element_type3A_573, %cond3A_574 : i32
      scf.if %cond3A_575 {
        %add3A_757 = arith.constant 2 : i32
        %add3A_758 = arith.addi %add3A_519, %add3A_757 : i32
        %mul3A_759 = arith.constant 80 : i32
        %mul3A_760 = arith.muli %add3A_758, %mul3A_759 : i32
        %dma_start3A_761 = arith.constant 1 : i32
        %dma_start3A_762 = arith.constant 0 : i32
        %dma_start3A_763 = arith.constant 0 : i32
        %dma_start3A_764 = tpu.memref_slice %arg9[%dma_start3A_761, %dma_start3A_762, %dma_start3A_763] : memref<3x80x128xf32, #tpu.memory_space<vmem>> -> memref<1x80x128xf32, #tpu.memory_space<vmem>>
        %dma_start3A_765 = tpu.memref_squeeze %dma_start3A_764 : memref<1x80x128xf32, #tpu.memory_space<vmem>> -> memref<80x128xf32, #tpu.memory_space<vmem>>
        %dma_start3A_766 = tpu.memref_slice %arg7[%mul3A_760] : memref<10000xi32, #tpu.memory_space<vmem>> -> memref<80xi32, #tpu.memory_space<vmem>>
        %dma_start3A_767 = arith.constant 0 : i32
        %dma_start3A_768 = arith.constant 0 : i32
        %dma_start3A_769 = tpu.memref_slice %arg2[%dma_start3A_767, %dma_start3A_768] : memref<10240x128xf32, #tpu.memory_space<hbm>> -> memref<10240x128xf32, #tpu.memory_space<hbm>>
        tpu.enqueue_indirect_dma source(%dma_start3A_769 : memref<10240x128xf32, #tpu.memory_space<hbm>>) target(%dma_start3A_765 : memref<80x128xf32, #tpu.memory_space<vmem>>) offsets(%dma_start3A_766 : memref<80xi32, #tpu.memory_space<vmem>>) semaphore(%arg12 : memref<!tpu.dma_semaphore, #tpu.memory_space<semaphore_mem>>)
      } else {
      }
      %mul3A_576 = arith.constant 6 : i32
      %mul3A_577 = arith.muli %scan3A_398, %mul3A_576 : i32
      %add3A_578 = arith.constant 3 : i32
      %add3A_579 = arith.addi %mul3A_577, %add3A_578 : i32
      %mul3A_580 = arith.constant 80 : i32
      %mul3A_581 = arith.muli %add3A_579, %mul3A_580 : i32
      %dma_wait3A_582 = arith.constant 0 : i32
      %dma_wait3A_583 = arith.constant 0 : i32
      %dma_wait3A_584 = arith.constant 0 : i32
      %dma_wait3A_585 = tpu.memref_slice %arg9[%dma_wait3A_582, %dma_wait3A_583, %dma_wait3A_584] : memref<3x80x128xf32, #tpu.memory_space<vmem>> -> memref<1x80x128xf32, #tpu.memory_space<vmem>>
      %dma_wait3A_586 = tpu.memref_squeeze %dma_wait3A_585 : memref<1x80x128xf32, #tpu.memory_space<vmem>> -> memref<80x128xf32, #tpu.memory_space<vmem>>
      %dma_wait3A_587 = tpu.memref_slice %arg7[%mul3A_581] : memref<10000xi32, #tpu.memory_space<vmem>> -> memref<80xi32, #tpu.memory_space<vmem>>
      %dma_wait3A_588 = arith.constant 0 : i32
      %dma_wait3A_589 = arith.constant 0 : i32
      %dma_wait3A_590 = tpu.memref_slice %arg2[%dma_wait3A_588, %dma_wait3A_589] : memref<10240x128xf32, #tpu.memory_space<hbm>> -> memref<10240x128xf32, #tpu.memory_space<hbm>>
      tpu.wait_indirect_dma semaphore(%arg11 : memref<!tpu.dma_semaphore, #tpu.memory_space<semaphore_mem>>) src(%dma_wait3A_590 : memref<10240x128xf32, #tpu.memory_space<hbm>>) dst(%dma_wait3A_586 : memref<80x128xf32, #tpu.memory_space<vmem>>)
      %dma_wait3A_591 = arith.constant 3 : i32
      %dma_wait3A_592 = arith.constant 0 : i32
      %dma_wait3A_593 = tpu.memref_slice %arg8[%dma_wait3A_591, %dma_wait3A_592] : memref<6x80xi32, #tpu.memory_space<vmem>> -> memref<1x80xi32, #tpu.memory_space<vmem>>
      %dma_wait3A_594 = arith.constant 0 : i32
      %dma_wait3A_595 = arith.constant 0 : i32
      %dma_wait3A_596 = tpu.memref_slice %arg4[%add3A, %add3A_579, %dma_wait3A_594, %dma_wait3A_595] : memref<32x125x1x80xi32, #tpu.memory_space<hbm>> -> memref<1x1x1x80xi32, #tpu.memory_space<hbm>>
      %dma_wait3A_597 = tpu.memref_squeeze %dma_wait3A_596 : memref<1x1x1x80xi32, #tpu.memory_space<hbm>> -> memref<1x80xi32, #tpu.memory_space<hbm>>
      %dma_wait3A_598 = arith.constant 3 : i32
      %dma_wait3A_599 = arith.constant 0 : i32
      %dma_wait3A_600 = tpu.memref_slice %arg8[%dma_wait3A_598, %dma_wait3A_599] : memref<6x80xi32, #tpu.memory_space<vmem>> -> memref<1x80xi32, #tpu.memory_space<vmem>>
      %dma_wait3A_601 = arith.constant 0 : i32
      %dma_wait3A_602 = arith.constant 0 : i32
      %dma_wait3A_603 = tpu.memref_slice %arg4[%add3A, %add3A_579, %dma_wait3A_601, %dma_wait3A_602] : memref<32x125x1x80xi32, #tpu.memory_space<hbm>> -> memref<1x1x1x80xi32, #tpu.memory_space<hbm>>
      %dma_wait3A_604 = tpu.memref_squeeze %dma_wait3A_603 : memref<1x1x1x80xi32, #tpu.memory_space<hbm>> -> memref<1x80xi32, #tpu.memory_space<hbm>>
      tpu.wait_dma2 semaphore(%arg20 : memref<!tpu.dma_semaphore, #tpu.memory_space<semaphore_mem>>) src(%dma_wait3A_604 : memref<1x80xi32, #tpu.memory_space<hbm>>) dst(%dma_wait3A_600 : memref<1x80xi32, #tpu.memory_space<vmem>>)
      %dma_start3A_605 = arith.constant 0 : i32
      %dma_start3A_606 = arith.constant 3 : i32
      %dma_start3A_607 = arith.constant 0 : i32
      %dma_start3A_608 = arith.constant 0 : i32
      %dma_start3A_609 = tpu.memref_slice %arg9[%dma_start3A_605, %dma_start3A_607, %dma_start3A_608] : memref<3x80x128xf32, #tpu.memory_space<vmem>> -> memref<1x80x128xf32, #tpu.memory_space<vmem>>
      %dma_start3A_610 = tpu.memref_squeeze %dma_start3A_609 : memref<1x80x128xf32, #tpu.memory_space<vmem>> -> memref<80x128xf32, #tpu.memory_space<vmem>>
      %dma_start3A_611 = arith.constant 0 : i32
      %dma_start3A_612 = tpu.memref_slice %arg8[%dma_start3A_606, %dma_start3A_611] : memref<6x80xi32, #tpu.memory_space<vmem>> -> memref<1x80xi32, #tpu.memory_space<vmem>>
      %dma_start3A_613 = tpu.memref_squeeze %dma_start3A_612 : memref<1x80xi32, #tpu.memory_space<vmem>> -> memref<80xi32, #tpu.memory_space<vmem>>
      %dma_start3A_614 = arith.constant 0 : i32
      %dma_start3A_615 = arith.constant 0 : i32
      %dma_start3A_616 = tpu.memref_slice %arg6[%dma_start3A_614, %dma_start3A_615] : memref<10240x128xf32, #tpu.memory_space<vmem_shared>> -> memref<10240x128xf32, #tpu.memory_space<vmem_shared>>
      tpu.enqueue_indirect_dma source(%dma_start3A_610 : memref<80x128xf32, #tpu.memory_space<vmem>>) target(%dma_start3A_616 : memref<10240x128xf32, #tpu.memory_space<vmem_shared>>) offsets(%dma_start3A_613 : memref<80xi32, #tpu.memory_space<vmem>>) semaphore(%arg14 : memref<!tpu.dma_semaphore, #tpu.memory_space<semaphore_mem>>) {add = true}
      %add3A_617 = arith.constant 4 : i32
      %add3A_618 = arith.addi %add3A_579, %add3A_617 : i32
      %lt3A_619 = arith.constant 125 : i32
      %lt3A_620 = arith.cmpi slt, %add3A_618, %lt3A_619 : i32
      %convert_element_type3A_621 = arith.extui %lt3A_620 : i1 to i32
      %cond3A_622 = arith.constant 0 : i32
      %cond3A_623 = arith.cmpi ne, %convert_element_type3A_621, %cond3A_622 : i32
      scf.if %cond3A_623 {
        %add3A_757 = arith.constant 4 : i32
        %add3A_758 = arith.addi %add3A_579, %add3A_757 : i32
        %dma_start3A_759 = arith.constant 1 : i32
        %dma_start3A_760 = arith.constant 0 : i32
        %dma_start3A_761 = tpu.memref_slice %arg8[%dma_start3A_759, %dma_start3A_760] : memref<6x80xi32, #tpu.memory_space<vmem>> -> memref<1x80xi32, #tpu.memory_space<vmem>>
        %dma_start3A_762 = arith.constant 0 : i32
        %dma_start3A_763 = arith.constant 0 : i32
        %dma_start3A_764 = tpu.memref_slice %arg4[%add3A, %add3A_758, %dma_start3A_762, %dma_start3A_763] : memref<32x125x1x80xi32, #tpu.memory_space<hbm>> -> memref<1x1x1x80xi32, #tpu.memory_space<hbm>>
        %dma_start3A_765 = tpu.memref_squeeze %dma_start3A_764 : memref<1x1x1x80xi32, #tpu.memory_space<hbm>> -> memref<1x80xi32, #tpu.memory_space<hbm>>
        %dma_start3A_766 = arith.constant 1 : i32
        %dma_start3A_767 = arith.constant 0 : i32
        %dma_start3A_768 = tpu.memref_slice %arg8[%dma_start3A_766, %dma_start3A_767] : memref<6x80xi32, #tpu.memory_space<vmem>> -> memref<1x80xi32, #tpu.memory_space<vmem>>
        %dma_start3A_769 = arith.constant 0 : i32
        %dma_start3A_770 = arith.constant 0 : i32
        %dma_start3A_771 = tpu.memref_slice %arg4[%add3A, %add3A_758, %dma_start3A_769, %dma_start3A_770] : memref<32x125x1x80xi32, #tpu.memory_space<hbm>> -> memref<1x1x1x80xi32, #tpu.memory_space<hbm>>
        %dma_start3A_772 = tpu.memref_squeeze %dma_start3A_771 : memref<1x1x1x80xi32, #tpu.memory_space<hbm>> -> memref<1x80xi32, #tpu.memory_space<hbm>>
        tpu.enqueue_dma source(%dma_start3A_772 : memref<1x80xi32, #tpu.memory_space<hbm>>) target(%dma_start3A_768 : memref<1x80xi32, #tpu.memory_space<vmem>>) target_semaphore(%arg18 : memref<!tpu.dma_semaphore, #tpu.memory_space<semaphore_mem>>)
      } else {
      }
      %ge3A_624 = arith.constant 1 : i32
      %ge3A_625 = arith.cmpi sge, %add3A_579, %ge3A_624 : i32
      %convert_element_type3A_626 = arith.extui %ge3A_625 : i1 to i32
      %cond3A_627 = arith.constant 0 : i32
      %cond3A_628 = arith.cmpi ne, %convert_element_type3A_626, %cond3A_627 : i32
      scf.if %cond3A_628 {
        %dma_wait3A_757 = arith.constant 2 : i32
        %dma_wait3A_758 = arith.constant 3 : i32
        %dma_wait3A_759 = arith.constant 0 : i32
        %dma_wait3A_760 = arith.constant 0 : i32
        %dma_wait3A_761 = tpu.memref_slice %arg9[%dma_wait3A_757, %dma_wait3A_759, %dma_wait3A_760] : memref<3x80x128xf32, #tpu.memory_space<vmem>> -> memref<1x80x128xf32, #tpu.memory_space<vmem>>
        %dma_wait3A_762 = tpu.memref_squeeze %dma_wait3A_761 : memref<1x80x128xf32, #tpu.memory_space<vmem>> -> memref<80x128xf32, #tpu.memory_space<vmem>>
        %dma_wait3A_763 = arith.constant 0 : i32
        %dma_wait3A_764 = tpu.memref_slice %arg8[%dma_wait3A_758, %dma_wait3A_763] : memref<6x80xi32, #tpu.memory_space<vmem>> -> memref<1x80xi32, #tpu.memory_space<vmem>>
        %dma_wait3A_765 = tpu.memref_squeeze %dma_wait3A_764 : memref<1x80xi32, #tpu.memory_space<vmem>> -> memref<80xi32, #tpu.memory_space<vmem>>
        %dma_wait3A_766 = arith.constant 0 : i32
        %dma_wait3A_767 = arith.constant 0 : i32
        %dma_wait3A_768 = tpu.memref_slice %arg6[%dma_wait3A_766, %dma_wait3A_767] : memref<10240x128xf32, #tpu.memory_space<vmem_shared>> -> memref<10240x128xf32, #tpu.memory_space<vmem_shared>>
        tpu.wait_indirect_dma semaphore(%arg16 : memref<!tpu.dma_semaphore, #tpu.memory_space<semaphore_mem>>) src(%dma_wait3A_762 : memref<80x128xf32, #tpu.memory_space<vmem>>) dst(%dma_wait3A_768 : memref<10240x128xf32, #tpu.memory_space<vmem_shared>>)
      } else {
      }
      %add3A_629 = arith.constant 2 : i32
      %add3A_630 = arith.addi %add3A_579, %add3A_629 : i32
      %lt3A_631 = arith.constant 125 : i32
      %lt3A_632 = arith.cmpi slt, %add3A_630, %lt3A_631 : i32
      %convert_element_type3A_633 = arith.extui %lt3A_632 : i1 to i32
      %cond3A_634 = arith.constant 0 : i32
      %cond3A_635 = arith.cmpi ne, %convert_element_type3A_633, %cond3A_634 : i32
      scf.if %cond3A_635 {
        %add3A_757 = arith.constant 2 : i32
        %add3A_758 = arith.addi %add3A_579, %add3A_757 : i32
        %mul3A_759 = arith.constant 80 : i32
        %mul3A_760 = arith.muli %add3A_758, %mul3A_759 : i32
        %dma_start3A_761 = arith.constant 2 : i32
        %dma_start3A_762 = arith.constant 0 : i32
        %dma_start3A_763 = arith.constant 0 : i32
        %dma_start3A_764 = tpu.memref_slice %arg9[%dma_start3A_761, %dma_start3A_762, %dma_start3A_763] : memref<3x80x128xf32, #tpu.memory_space<vmem>> -> memref<1x80x128xf32, #tpu.memory_space<vmem>>
        %dma_start3A_765 = tpu.memref_squeeze %dma_start3A_764 : memref<1x80x128xf32, #tpu.memory_space<vmem>> -> memref<80x128xf32, #tpu.memory_space<vmem>>
        %dma_start3A_766 = tpu.memref_slice %arg7[%mul3A_760] : memref<10000xi32, #tpu.memory_space<vmem>> -> memref<80xi32, #tpu.memory_space<vmem>>
        %dma_start3A_767 = arith.constant 0 : i32
        %dma_start3A_768 = arith.constant 0 : i32
        %dma_start3A_769 = tpu.memref_slice %arg2[%dma_start3A_767, %dma_start3A_768] : memref<10240x128xf32, #tpu.memory_space<hbm>> -> memref<10240x128xf32, #tpu.memory_space<hbm>>
        tpu.enqueue_indirect_dma source(%dma_start3A_769 : memref<10240x128xf32, #tpu.memory_space<hbm>>) target(%dma_start3A_765 : memref<80x128xf32, #tpu.memory_space<vmem>>) offsets(%dma_start3A_766 : memref<80xi32, #tpu.memory_space<vmem>>) semaphore(%arg13 : memref<!tpu.dma_semaphore, #tpu.memory_space<semaphore_mem>>)
      } else {
      }
      %mul3A_636 = arith.constant 6 : i32
      %mul3A_637 = arith.muli %scan3A_398, %mul3A_636 : i32
      %add3A_638 = arith.constant 4 : i32
      %add3A_639 = arith.addi %mul3A_637, %add3A_638 : i32
      %mul3A_640 = arith.constant 80 : i32
      %mul3A_641 = arith.muli %add3A_639, %mul3A_640 : i32
      %dma_wait3A_642 = arith.constant 1 : i32
      %dma_wait3A_643 = arith.constant 0 : i32
      %dma_wait3A_644 = arith.constant 0 : i32
      %dma_wait3A_645 = tpu.memref_slice %arg9[%dma_wait3A_642, %dma_wait3A_643, %dma_wait3A_644] : memref<3x80x128xf32, #tpu.memory_space<vmem>> -> memref<1x80x128xf32, #tpu.memory_space<vmem>>
      %dma_wait3A_646 = tpu.memref_squeeze %dma_wait3A_645 : memref<1x80x128xf32, #tpu.memory_space<vmem>> -> memref<80x128xf32, #tpu.memory_space<vmem>>
      %dma_wait3A_647 = tpu.memref_slice %arg7[%mul3A_641] : memref<10000xi32, #tpu.memory_space<vmem>> -> memref<80xi32, #tpu.memory_space<vmem>>
      %dma_wait3A_648 = arith.constant 0 : i32
      %dma_wait3A_649 = arith.constant 0 : i32
      %dma_wait3A_650 = tpu.memref_slice %arg2[%dma_wait3A_648, %dma_wait3A_649] : memref<10240x128xf32, #tpu.memory_space<hbm>> -> memref<10240x128xf32, #tpu.memory_space<hbm>>
      tpu.wait_indirect_dma semaphore(%arg12 : memref<!tpu.dma_semaphore, #tpu.memory_space<semaphore_mem>>) src(%dma_wait3A_650 : memref<10240x128xf32, #tpu.memory_space<hbm>>) dst(%dma_wait3A_646 : memref<80x128xf32, #tpu.memory_space<vmem>>)
      %dma_wait3A_651 = arith.constant 4 : i32
      %dma_wait3A_652 = arith.constant 0 : i32
      %dma_wait3A_653 = tpu.memref_slice %arg8[%dma_wait3A_651, %dma_wait3A_652] : memref<6x80xi32, #tpu.memory_space<vmem>> -> memref<1x80xi32, #tpu.memory_space<vmem>>
      %dma_wait3A_654 = arith.constant 0 : i32
      %dma_wait3A_655 = arith.constant 0 : i32
      %dma_wait3A_656 = tpu.memref_slice %arg4[%add3A, %add3A_639, %dma_wait3A_654, %dma_wait3A_655] : memref<32x125x1x80xi32, #tpu.memory_space<hbm>> -> memref<1x1x1x80xi32, #tpu.memory_space<hbm>>
      %dma_wait3A_657 = tpu.memref_squeeze %dma_wait3A_656 : memref<1x1x1x80xi32, #tpu.memory_space<hbm>> -> memref<1x80xi32, #tpu.memory_space<hbm>>
      %dma_wait3A_658 = arith.constant 4 : i32
      %dma_wait3A_659 = arith.constant 0 : i32
      %dma_wait3A_660 = tpu.memref_slice %arg8[%dma_wait3A_658, %dma_wait3A_659] : memref<6x80xi32, #tpu.memory_space<vmem>> -> memref<1x80xi32, #tpu.memory_space<vmem>>
      %dma_wait3A_661 = arith.constant 0 : i32
      %dma_wait3A_662 = arith.constant 0 : i32
      %dma_wait3A_663 = tpu.memref_slice %arg4[%add3A, %add3A_639, %dma_wait3A_661, %dma_wait3A_662] : memref<32x125x1x80xi32, #tpu.memory_space<hbm>> -> memref<1x1x1x80xi32, #tpu.memory_space<hbm>>
      %dma_wait3A_664 = tpu.memref_squeeze %dma_wait3A_663 : memref<1x1x1x80xi32, #tpu.memory_space<hbm>> -> memref<1x80xi32, #tpu.memory_space<hbm>>
      tpu.wait_dma2 semaphore(%arg21 : memref<!tpu.dma_semaphore, #tpu.memory_space<semaphore_mem>>) src(%dma_wait3A_664 : memref<1x80xi32, #tpu.memory_space<hbm>>) dst(%dma_wait3A_660 : memref<1x80xi32, #tpu.memory_space<vmem>>)
      %dma_start3A_665 = arith.constant 1 : i32
      %dma_start3A_666 = arith.constant 4 : i32
      %dma_start3A_667 = arith.constant 0 : i32
      %dma_start3A_668 = arith.constant 0 : i32
      %dma_start3A_669 = tpu.memref_slice %arg9[%dma_start3A_665, %dma_start3A_667, %dma_start3A_668] : memref<3x80x128xf32, #tpu.memory_space<vmem>> -> memref<1x80x128xf32, #tpu.memory_space<vmem>>
      %dma_start3A_670 = tpu.memref_squeeze %dma_start3A_669 : memref<1x80x128xf32, #tpu.memory_space<vmem>> -> memref<80x128xf32, #tpu.memory_space<vmem>>
      %dma_start3A_671 = arith.constant 0 : i32
      %dma_start3A_672 = tpu.memref_slice %arg8[%dma_start3A_666, %dma_start3A_671] : memref<6x80xi32, #tpu.memory_space<vmem>> -> memref<1x80xi32, #tpu.memory_space<vmem>>
      %dma_start3A_673 = tpu.memref_squeeze %dma_start3A_672 : memref<1x80xi32, #tpu.memory_space<vmem>> -> memref<80xi32, #tpu.memory_space<vmem>>
      %dma_start3A_674 = arith.constant 0 : i32
      %dma_start3A_675 = arith.constant 0 : i32
      %dma_start3A_676 = tpu.memref_slice %arg6[%dma_start3A_674, %dma_start3A_675] : memref<10240x128xf32, #tpu.memory_space<vmem_shared>> -> memref<10240x128xf32, #tpu.memory_space<vmem_shared>>
      tpu.enqueue_indirect_dma source(%dma_start3A_670 : memref<80x128xf32, #tpu.memory_space<vmem>>) target(%dma_start3A_676 : memref<10240x128xf32, #tpu.memory_space<vmem_shared>>) offsets(%dma_start3A_673 : memref<80xi32, #tpu.memory_space<vmem>>) semaphore(%arg15 : memref<!tpu.dma_semaphore, #tpu.memory_space<semaphore_mem>>) {add = true}
      %add3A_677 = arith.constant 4 : i32
      %add3A_678 = arith.addi %add3A_639, %add3A_677 : i32
      %lt3A_679 = arith.constant 125 : i32
      %lt3A_680 = arith.cmpi slt, %add3A_678, %lt3A_679 : i32
      %convert_element_type3A_681 = arith.extui %lt3A_680 : i1 to i32
      %cond3A_682 = arith.constant 0 : i32
      %cond3A_683 = arith.cmpi ne, %convert_element_type3A_681, %cond3A_682 : i32
      scf.if %cond3A_683 {
        %add3A_757 = arith.constant 4 : i32
        %add3A_758 = arith.addi %add3A_639, %add3A_757 : i32
        %dma_start3A_759 = arith.constant 2 : i32
        %dma_start3A_760 = arith.constant 0 : i32
        %dma_start3A_761 = tpu.memref_slice %arg8[%dma_start3A_759, %dma_start3A_760] : memref<6x80xi32, #tpu.memory_space<vmem>> -> memref<1x80xi32, #tpu.memory_space<vmem>>
        %dma_start3A_762 = arith.constant 0 : i32
        %dma_start3A_763 = arith.constant 0 : i32
        %dma_start3A_764 = tpu.memref_slice %arg4[%add3A, %add3A_758, %dma_start3A_762, %dma_start3A_763] : memref<32x125x1x80xi32, #tpu.memory_space<hbm>> -> memref<1x1x1x80xi32, #tpu.memory_space<hbm>>
        %dma_start3A_765 = tpu.memref_squeeze %dma_start3A_764 : memref<1x1x1x80xi32, #tpu.memory_space<hbm>> -> memref<1x80xi32, #tpu.memory_space<hbm>>
        %dma_start3A_766 = arith.constant 2 : i32
        %dma_start3A_767 = arith.constant 0 : i32
        %dma_start3A_768 = tpu.memref_slice %arg8[%dma_start3A_766, %dma_start3A_767] : memref<6x80xi32, #tpu.memory_space<vmem>> -> memref<1x80xi32, #tpu.memory_space<vmem>>
        %dma_start3A_769 = arith.constant 0 : i32
        %dma_start3A_770 = arith.constant 0 : i32
        %dma_start3A_771 = tpu.memref_slice %arg4[%add3A, %add3A_758, %dma_start3A_769, %dma_start3A_770] : memref<32x125x1x80xi32, #tpu.memory_space<hbm>> -> memref<1x1x1x80xi32, #tpu.memory_space<hbm>>
        %dma_start3A_772 = tpu.memref_squeeze %dma_start3A_771 : memref<1x1x1x80xi32, #tpu.memory_space<hbm>> -> memref<1x80xi32, #tpu.memory_space<hbm>>
        tpu.enqueue_dma source(%dma_start3A_772 : memref<1x80xi32, #tpu.memory_space<hbm>>) target(%dma_start3A_768 : memref<1x80xi32, #tpu.memory_space<vmem>>) target_semaphore(%arg19 : memref<!tpu.dma_semaphore, #tpu.memory_space<semaphore_mem>>)
      } else {
      }
      %ge3A_684 = arith.constant 1 : i32
      %ge3A_685 = arith.cmpi sge, %add3A_639, %ge3A_684 : i32
      %convert_element_type3A_686 = arith.extui %ge3A_685 : i1 to i32
      %cond3A_687 = arith.constant 0 : i32
      %cond3A_688 = arith.cmpi ne, %convert_element_type3A_686, %cond3A_687 : i32
      scf.if %cond3A_688 {
        %dma_wait3A_757 = arith.constant 0 : i32
        %dma_wait3A_758 = arith.constant 4 : i32
        %dma_wait3A_759 = arith.constant 0 : i32
        %dma_wait3A_760 = arith.constant 0 : i32
        %dma_wait3A_761 = tpu.memref_slice %arg9[%dma_wait3A_757, %dma_wait3A_759, %dma_wait3A_760] : memref<3x80x128xf32, #tpu.memory_space<vmem>> -> memref<1x80x128xf32, #tpu.memory_space<vmem>>
        %dma_wait3A_762 = tpu.memref_squeeze %dma_wait3A_761 : memref<1x80x128xf32, #tpu.memory_space<vmem>> -> memref<80x128xf32, #tpu.memory_space<vmem>>
        %dma_wait3A_763 = arith.constant 0 : i32
        %dma_wait3A_764 = tpu.memref_slice %arg8[%dma_wait3A_758, %dma_wait3A_763] : memref<6x80xi32, #tpu.memory_space<vmem>> -> memref<1x80xi32, #tpu.memory_space<vmem>>
        %dma_wait3A_765 = tpu.memref_squeeze %dma_wait3A_764 : memref<1x80xi32, #tpu.memory_space<vmem>> -> memref<80xi32, #tpu.memory_space<vmem>>
        %dma_wait3A_766 = arith.constant 0 : i32
        %dma_wait3A_767 = arith.constant 0 : i32
        %dma_wait3A_768 = tpu.memref_slice %arg6[%dma_wait3A_766, %dma_wait3A_767] : memref<10240x128xf32, #tpu.memory_space<vmem_shared>> -> memref<10240x128xf32, #tpu.memory_space<vmem_shared>>
        tpu.wait_indirect_dma semaphore(%arg14 : memref<!tpu.dma_semaphore, #tpu.memory_space<semaphore_mem>>) src(%dma_wait3A_762 : memref<80x128xf32, #tpu.memory_space<vmem>>) dst(%dma_wait3A_768 : memref<10240x128xf32, #tpu.memory_space<vmem_shared>>)
      } else {
      }
      %add3A_689 = arith.constant 2 : i32
      %add3A_690 = arith.addi %add3A_639, %add3A_689 : i32
      %lt3A_691 = arith.constant 125 : i32
      %lt3A_692 = arith.cmpi slt, %add3A_690, %lt3A_691 : i32
      %convert_element_type3A_693 = arith.extui %lt3A_692 : i1 to i32
      %cond3A_694 = arith.constant 0 : i32
      %cond3A_695 = arith.cmpi ne, %convert_element_type3A_693, %cond3A_694 : i32
      scf.if %cond3A_695 {
        %add3A_757 = arith.constant 2 : i32
        %add3A_758 = arith.addi %add3A_639, %add3A_757 : i32
        %mul3A_759 = arith.constant 80 : i32
        %mul3A_760 = arith.muli %add3A_758, %mul3A_759 : i32
        %dma_start3A_761 = arith.constant 0 : i32
        %dma_start3A_762 = arith.constant 0 : i32
        %dma_start3A_763 = arith.constant 0 : i32
        %dma_start3A_764 = tpu.memref_slice %arg9[%dma_start3A_761, %dma_start3A_762, %dma_start3A_763] : memref<3x80x128xf32, #tpu.memory_space<vmem>> -> memref<1x80x128xf32, #tpu.memory_space<vmem>>
        %dma_start3A_765 = tpu.memref_squeeze %dma_start3A_764 : memref<1x80x128xf32, #tpu.memory_space<vmem>> -> memref<80x128xf32, #tpu.memory_space<vmem>>
        %dma_start3A_766 = tpu.memref_slice %arg7[%mul3A_760] : memref<10000xi32, #tpu.memory_space<vmem>> -> memref<80xi32, #tpu.memory_space<vmem>>
        %dma_start3A_767 = arith.constant 0 : i32
        %dma_start3A_768 = arith.constant 0 : i32
        %dma_start3A_769 = tpu.memref_slice %arg2[%dma_start3A_767, %dma_start3A_768] : memref<10240x128xf32, #tpu.memory_space<hbm>> -> memref<10240x128xf32, #tpu.memory_space<hbm>>
        tpu.enqueue_indirect_dma source(%dma_start3A_769 : memref<10240x128xf32, #tpu.memory_space<hbm>>) target(%dma_start3A_765 : memref<80x128xf32, #tpu.memory_space<vmem>>) offsets(%dma_start3A_766 : memref<80xi32, #tpu.memory_space<vmem>>) semaphore(%arg11 : memref<!tpu.dma_semaphore, #tpu.memory_space<semaphore_mem>>)
      } else {
      }
      %mul3A_696 = arith.constant 6 : i32
      %mul3A_697 = arith.muli %scan3A_398, %mul3A_696 : i32
      %add3A_698 = arith.constant 5 : i32
      %add3A_699 = arith.addi %mul3A_697, %add3A_698 : i32
      %mul3A_700 = arith.constant 80 : i32
      %mul3A_701 = arith.muli %add3A_699, %mul3A_700 : i32
      %dma_wait3A_702 = arith.constant 2 : i32
      %dma_wait3A_703 = arith.constant 0 : i32
      %dma_wait3A_704 = arith.constant 0 : i32
      %dma_wait3A_705 = tpu.memref_slice %arg9[%dma_wait3A_702, %dma_wait3A_703, %dma_wait3A_704] : memref<3x80x128xf32, #tpu.memory_space<vmem>> -> memref<1x80x128xf32, #tpu.memory_space<vmem>>
      %dma_wait3A_706 = tpu.memref_squeeze %dma_wait3A_705 : memref<1x80x128xf32, #tpu.memory_space<vmem>> -> memref<80x128xf32, #tpu.memory_space<vmem>>
      %dma_wait3A_707 = tpu.memref_slice %arg7[%mul3A_701] : memref<10000xi32, #tpu.memory_space<vmem>> -> memref<80xi32, #tpu.memory_space<vmem>>
      %dma_wait3A_708 = arith.constant 0 : i32
      %dma_wait3A_709 = arith.constant 0 : i32
      %dma_wait3A_710 = tpu.memref_slice %arg2[%dma_wait3A_708, %dma_wait3A_709] : memref<10240x128xf32, #tpu.memory_space<hbm>> -> memref<10240x128xf32, #tpu.memory_space<hbm>>
      tpu.wait_indirect_dma semaphore(%arg13 : memref<!tpu.dma_semaphore, #tpu.memory_space<semaphore_mem>>) src(%dma_wait3A_710 : memref<10240x128xf32, #tpu.memory_space<hbm>>) dst(%dma_wait3A_706 : memref<80x128xf32, #tpu.memory_space<vmem>>)
      %dma_wait3A_711 = arith.constant 5 : i32
      %dma_wait3A_712 = arith.constant 0 : i32
      %dma_wait3A_713 = tpu.memref_slice %arg8[%dma_wait3A_711, %dma_wait3A_712] : memref<6x80xi32, #tpu.memory_space<vmem>> -> memref<1x80xi32, #tpu.memory_space<vmem>>
      %dma_wait3A_714 = arith.constant 0 : i32
      %dma_wait3A_715 = arith.constant 0 : i32
      %dma_wait3A_716 = tpu.memref_slice %arg4[%add3A, %add3A_699, %dma_wait3A_714, %dma_wait3A_715] : memref<32x125x1x80xi32, #tpu.memory_space<hbm>> -> memref<1x1x1x80xi32, #tpu.memory_space<hbm>>
      %dma_wait3A_717 = tpu.memref_squeeze %dma_wait3A_716 : memref<1x1x1x80xi32, #tpu.memory_space<hbm>> -> memref<1x80xi32, #tpu.memory_space<hbm>>
      %dma_wait3A_718 = arith.constant 5 : i32
      %dma_wait3A_719 = arith.constant 0 : i32
      %dma_wait3A_720 = tpu.memref_slice %arg8[%dma_wait3A_718, %dma_wait3A_719] : memref<6x80xi32, #tpu.memory_space<vmem>> -> memref<1x80xi32, #tpu.memory_space<vmem>>
      %dma_wait3A_721 = arith.constant 0 : i32
      %dma_wait3A_722 = arith.constant 0 : i32
      %dma_wait3A_723 = tpu.memref_slice %arg4[%add3A, %add3A_699, %dma_wait3A_721, %dma_wait3A_722] : memref<32x125x1x80xi32, #tpu.memory_space<hbm>> -> memref<1x1x1x80xi32, #tpu.memory_space<hbm>>
      %dma_wait3A_724 = tpu.memref_squeeze %dma_wait3A_723 : memref<1x1x1x80xi32, #tpu.memory_space<hbm>> -> memref<1x80xi32, #tpu.memory_space<hbm>>
      tpu.wait_dma2 semaphore(%arg22 : memref<!tpu.dma_semaphore, #tpu.memory_space<semaphore_mem>>) src(%dma_wait3A_724 : memref<1x80xi32, #tpu.memory_space<hbm>>) dst(%dma_wait3A_720 : memref<1x80xi32, #tpu.memory_space<vmem>>)
      %dma_start3A_725 = arith.constant 2 : i32
      %dma_start3A_726 = arith.constant 5 : i32
      %dma_start3A_727 = arith.constant 0 : i32
      %dma_start3A_728 = arith.constant 0 : i32
      %dma_start3A_729 = tpu.memref_slice %arg9[%dma_start3A_725, %dma_start3A_727, %dma_start3A_728] : memref<3x80x128xf32, #tpu.memory_space<vmem>> -> memref<1x80x128xf32, #tpu.memory_space<vmem>>
      %dma_start3A_730 = tpu.memref_squeeze %dma_start3A_729 : memref<1x80x128xf32, #tpu.memory_space<vmem>> -> memref<80x128xf32, #tpu.memory_space<vmem>>
      %dma_start3A_731 = arith.constant 0 : i32
      %dma_start3A_732 = tpu.memref_slice %arg8[%dma_start3A_726, %dma_start3A_731] : memref<6x80xi32, #tpu.memory_space<vmem>> -> memref<1x80xi32, #tpu.memory_space<vmem>>
      %dma_start3A_733 = tpu.memref_squeeze %dma_start3A_732 : memref<1x80xi32, #tpu.memory_space<vmem>> -> memref<80xi32, #tpu.memory_space<vmem>>
      %dma_start3A_734 = arith.constant 0 : i32
      %dma_start3A_735 = arith.constant 0 : i32
      %dma_start3A_736 = tpu.memref_slice %arg6[%dma_start3A_734, %dma_start3A_735] : memref<10240x128xf32, #tpu.memory_space<vmem_shared>> -> memref<10240x128xf32, #tpu.memory_space<vmem_shared>>
      tpu.enqueue_indirect_dma source(%dma_start3A_730 : memref<80x128xf32, #tpu.memory_space<vmem>>) target(%dma_start3A_736 : memref<10240x128xf32, #tpu.memory_space<vmem_shared>>) offsets(%dma_start3A_733 : memref<80xi32, #tpu.memory_space<vmem>>) semaphore(%arg16 : memref<!tpu.dma_semaphore, #tpu.memory_space<semaphore_mem>>) {add = true}
      %add3A_737 = arith.constant 4 : i32
      %add3A_738 = arith.addi %add3A_699, %add3A_737 : i32
      %lt3A_739 = arith.constant 125 : i32
      %lt3A_740 = arith.cmpi slt, %add3A_738, %lt3A_739 : i32
      %convert_element_type3A_741 = arith.extui %lt3A_740 : i1 to i32
      %cond3A_742 = arith.constant 0 : i32
      %cond3A_743 = arith.cmpi ne, %convert_element_type3A_741, %cond3A_742 : i32
      scf.if %cond3A_743 {
        %add3A_757 = arith.constant 4 : i32
        %add3A_758 = arith.addi %add3A_699, %add3A_757 : i32
        %dma_start3A_759 = arith.constant 3 : i32
        %dma_start3A_760 = arith.constant 0 : i32
        %dma_start3A_761 = tpu.memref_slice %arg8[%dma_start3A_759, %dma_start3A_760] : memref<6x80xi32, #tpu.memory_space<vmem>> -> memref<1x80xi32, #tpu.memory_space<vmem>>
        %dma_start3A_762 = arith.constant 0 : i32
        %dma_start3A_763 = arith.constant 0 : i32
        %dma_start3A_764 = tpu.memref_slice %arg4[%add3A, %add3A_758, %dma_start3A_762, %dma_start3A_763] : memref<32x125x1x80xi32, #tpu.memory_space<hbm>> -> memref<1x1x1x80xi32, #tpu.memory_space<hbm>>
        %dma_start3A_765 = tpu.memref_squeeze %dma_start3A_764 : memref<1x1x1x80xi32, #tpu.memory_space<hbm>> -> memref<1x80xi32, #tpu.memory_space<hbm>>
        %dma_start3A_766 = arith.constant 3 : i32
        %dma_start3A_767 = arith.constant 0 : i32
        %dma_start3A_768 = tpu.memref_slice %arg8[%dma_start3A_766, %dma_start3A_767] : memref<6x80xi32, #tpu.memory_space<vmem>> -> memref<1x80xi32, #tpu.memory_space<vmem>>
        %dma_start3A_769 = arith.constant 0 : i32
        %dma_start3A_770 = arith.constant 0 : i32
        %dma_start3A_771 = tpu.memref_slice %arg4[%add3A, %add3A_758, %dma_start3A_769, %dma_start3A_770] : memref<32x125x1x80xi32, #tpu.memory_space<hbm>> -> memref<1x1x1x80xi32, #tpu.memory_space<hbm>>
        %dma_start3A_772 = tpu.memref_squeeze %dma_start3A_771 : memref<1x1x1x80xi32, #tpu.memory_space<hbm>> -> memref<1x80xi32, #tpu.memory_space<hbm>>
        tpu.enqueue_dma source(%dma_start3A_772 : memref<1x80xi32, #tpu.memory_space<hbm>>) target(%dma_start3A_768 : memref<1x80xi32, #tpu.memory_space<vmem>>) target_semaphore(%arg20 : memref<!tpu.dma_semaphore, #tpu.memory_space<semaphore_mem>>)
      } else {
      }
      %ge3A_744 = arith.constant 1 : i32
      %ge3A_745 = arith.cmpi sge, %add3A_699, %ge3A_744 : i32
      %convert_element_type3A_746 = arith.extui %ge3A_745 : i1 to i32
      %cond3A_747 = arith.constant 0 : i32
      %cond3A_748 = arith.cmpi ne, %convert_element_type3A_746, %cond3A_747 : i32
      scf.if %cond3A_748 {
        %dma_wait3A_757 = arith.constant 1 : i32
        %dma_wait3A_758 = arith.constant 5 : i32
        %dma_wait3A_759 = arith.constant 0 : i32
        %dma_wait3A_760 = arith.constant 0 : i32
        %dma_wait3A_761 = tpu.memref_slice %arg9[%dma_wait3A_757, %dma_wait3A_759, %dma_wait3A_760] : memref<3x80x128xf32, #tpu.memory_space<vmem>> -> memref<1x80x128xf32, #tpu.memory_space<vmem>>
        %dma_wait3A_762 = tpu.memref_squeeze %dma_wait3A_761 : memref<1x80x128xf32, #tpu.memory_space<vmem>> -> memref<80x128xf32, #tpu.memory_space<vmem>>
        %dma_wait3A_763 = arith.constant 0 : i32
        %dma_wait3A_764 = tpu.memref_slice %arg8[%dma_wait3A_758, %dma_wait3A_763] : memref<6x80xi32, #tpu.memory_space<vmem>> -> memref<1x80xi32, #tpu.memory_space<vmem>>
        %dma_wait3A_765 = tpu.memref_squeeze %dma_wait3A_764 : memref<1x80xi32, #tpu.memory_space<vmem>> -> memref<80xi32, #tpu.memory_space<vmem>>
        %dma_wait3A_766 = arith.constant 0 : i32
        %dma_wait3A_767 = arith.constant 0 : i32
        %dma_wait3A_768 = tpu.memref_slice %arg6[%dma_wait3A_766, %dma_wait3A_767] : memref<10240x128xf32, #tpu.memory_space<vmem_shared>> -> memref<10240x128xf32, #tpu.memory_space<vmem_shared>>
        tpu.wait_indirect_dma semaphore(%arg15 : memref<!tpu.dma_semaphore, #tpu.memory_space<semaphore_mem>>) src(%dma_wait3A_762 : memref<80x128xf32, #tpu.memory_space<vmem>>) dst(%dma_wait3A_768 : memref<10240x128xf32, #tpu.memory_space<vmem_shared>>)
      } else {
      }
      %add3A_749 = arith.constant 2 : i32
      %add3A_750 = arith.addi %add3A_699, %add3A_749 : i32
      %lt3A_751 = arith.constant 125 : i32
      %lt3A_752 = arith.cmpi slt, %add3A_750, %lt3A_751 : i32
      %convert_element_type3A_753 = arith.extui %lt3A_752 : i1 to i32
      %cond3A_754 = arith.constant 0 : i32
      %cond3A_755 = arith.cmpi ne, %convert_element_type3A_753, %cond3A_754 : i32
      scf.if %cond3A_755 {
        %add3A_757 = arith.constant 2 : i32
        %add3A_758 = arith.addi %add3A_699, %add3A_757 : i32
        %mul3A_759 = arith.constant 80 : i32
        %mul3A_760 = arith.muli %add3A_758, %mul3A_759 : i32
        %dma_start3A_761 = arith.constant 1 : i32
        %dma_start3A_762 = arith.constant 0 : i32
        %dma_start3A_763 = arith.constant 0 : i32
        %dma_start3A_764 = tpu.memref_slice %arg9[%dma_start3A_761, %dma_start3A_762, %dma_start3A_763] : memref<3x80x128xf32, #tpu.memory_space<vmem>> -> memref<1x80x128xf32, #tpu.memory_space<vmem>>
        %dma_start3A_765 = tpu.memref_squeeze %dma_start3A_764 : memref<1x80x128xf32, #tpu.memory_space<vmem>> -> memref<80x128xf32, #tpu.memory_space<vmem>>
        %dma_start3A_766 = tpu.memref_slice %arg7[%mul3A_760] : memref<10000xi32, #tpu.memory_space<vmem>> -> memref<80xi32, #tpu.memory_space<vmem>>
        %dma_start3A_767 = arith.constant 0 : i32
        %dma_start3A_768 = arith.constant 0 : i32
        %dma_start3A_769 = tpu.memref_slice %arg2[%dma_start3A_767, %dma_start3A_768] : memref<10240x128xf32, #tpu.memory_space<hbm>> -> memref<10240x128xf32, #tpu.memory_space<hbm>>
        tpu.enqueue_indirect_dma source(%dma_start3A_769 : memref<10240x128xf32, #tpu.memory_space<hbm>>) target(%dma_start3A_765 : memref<80x128xf32, #tpu.memory_space<vmem>>) offsets(%dma_start3A_766 : memref<80xi32, #tpu.memory_space<vmem>>) semaphore(%arg12 : memref<!tpu.dma_semaphore, #tpu.memory_space<semaphore_mem>>)
      } else {
      }
      %scan3A_756 = arith.constant 0 : i32
      scf.yield %scan3A_756 : i32
    }
    %scan3A_94 = arith.constant 20 : i32
    %dma_wait3A_95 = arith.constant 0 : i32
    %dma_wait3A_96 = arith.constant 0 : i32
    %dma_wait3A_97 = arith.constant 0 : i32
    %dma_wait3A_98 = tpu.memref_slice %arg9[%dma_wait3A_95, %dma_wait3A_96, %dma_wait3A_97] : memref<3x80x128xf32, #tpu.memory_space<vmem>> -> memref<1x80x128xf32, #tpu.memory_space<vmem>>
    %dma_wait3A_99 = tpu.memref_squeeze %dma_wait3A_98 : memref<1x80x128xf32, #tpu.memory_space<vmem>> -> memref<80x128xf32, #tpu.memory_space<vmem>>
    %dma_wait3A_100 = arith.constant 9600 : i32
    %dma_wait3A_101 = tpu.memref_slice %arg7[%dma_wait3A_100] : memref<10000xi32, #tpu.memory_space<vmem>> -> memref<80xi32, #tpu.memory_space<vmem>>
    %dma_wait3A_102 = arith.constant 0 : i32
    %dma_wait3A_103 = arith.constant 0 : i32
    %dma_wait3A_104 = tpu.memref_slice %arg2[%dma_wait3A_102, %dma_wait3A_103] : memref<10240x128xf32, #tpu.memory_space<hbm>> -> memref<10240x128xf32, #tpu.memory_space<hbm>>
    tpu.wait_indirect_dma semaphore(%arg11 : memref<!tpu.dma_semaphore, #tpu.memory_space<semaphore_mem>>) src(%dma_wait3A_104 : memref<10240x128xf32, #tpu.memory_space<hbm>>) dst(%dma_wait3A_99 : memref<80x128xf32, #tpu.memory_space<vmem>>)
    %dma_wait3A_105 = arith.constant 120 : i32
    %dma_wait3A_106 = arith.constant 0 : i32
    %dma_wait3A_107 = arith.constant 0 : i32
    %dma_wait3A_108 = tpu.memref_slice %arg8[%dma_wait3A_106, %dma_wait3A_107] : memref<6x80xi32, #tpu.memory_space<vmem>> -> memref<1x80xi32, #tpu.memory_space<vmem>>
    %dma_wait3A_109 = arith.constant 0 : i32
    %dma_wait3A_110 = arith.constant 0 : i32
    %dma_wait3A_111 = tpu.memref_slice %arg4[%add3A, %dma_wait3A_105, %dma_wait3A_109, %dma_wait3A_110] : memref<32x125x1x80xi32, #tpu.memory_space<hbm>> -> memref<1x1x1x80xi32, #tpu.memory_space<hbm>>
    %dma_wait3A_112 = tpu.memref_squeeze %dma_wait3A_111 : memref<1x1x1x80xi32, #tpu.memory_space<hbm>> -> memref<1x80xi32, #tpu.memory_space<hbm>>
    %dma_wait3A_113 = arith.constant 0 : i32
    %dma_wait3A_114 = arith.constant 0 : i32
    %dma_wait3A_115 = tpu.memref_slice %arg8[%dma_wait3A_113, %dma_wait3A_114] : memref<6x80xi32, #tpu.memory_space<vmem>> -> memref<1x80xi32, #tpu.memory_space<vmem>>
    %dma_wait3A_116 = arith.constant 0 : i32
    %dma_wait3A_117 = arith.constant 0 : i32
    %dma_wait3A_118 = tpu.memref_slice %arg4[%add3A, %dma_wait3A_105, %dma_wait3A_116, %dma_wait3A_117] : memref<32x125x1x80xi32, #tpu.memory_space<hbm>> -> memref<1x1x1x80xi32, #tpu.memory_space<hbm>>
    %dma_wait3A_119 = tpu.memref_squeeze %dma_wait3A_118 : memref<1x1x1x80xi32, #tpu.memory_space<hbm>> -> memref<1x80xi32, #tpu.memory_space<hbm>>
    tpu.wait_dma2 semaphore(%arg17 : memref<!tpu.dma_semaphore, #tpu.memory_space<semaphore_mem>>) src(%dma_wait3A_119 : memref<1x80xi32, #tpu.memory_space<hbm>>) dst(%dma_wait3A_115 : memref<1x80xi32, #tpu.memory_space<vmem>>)
    %dma_start3A_120 = arith.constant 0 : i32
    %dma_start3A_121 = arith.constant 0 : i32
    %dma_start3A_122 = arith.constant 0 : i32
    %dma_start3A_123 = arith.constant 0 : i32
    %dma_start3A_124 = tpu.memref_slice %arg9[%dma_start3A_120, %dma_start3A_122, %dma_start3A_123] : memref<3x80x128xf32, #tpu.memory_space<vmem>> -> memref<1x80x128xf32, #tpu.memory_space<vmem>>
    %dma_start3A_125 = tpu.memref_squeeze %dma_start3A_124 : memref<1x80x128xf32, #tpu.memory_space<vmem>> -> memref<80x128xf32, #tpu.memory_space<vmem>>
    %dma_start3A_126 = arith.constant 0 : i32
    %dma_start3A_127 = tpu.memref_slice %arg8[%dma_start3A_121, %dma_start3A_126] : memref<6x80xi32, #tpu.memory_space<vmem>> -> memref<1x80xi32, #tpu.memory_space<vmem>>
    %dma_start3A_128 = tpu.memref_squeeze %dma_start3A_127 : memref<1x80xi32, #tpu.memory_space<vmem>> -> memref<80xi32, #tpu.memory_space<vmem>>
    %dma_start3A_129 = arith.constant 0 : i32
    %dma_start3A_130 = arith.constant 0 : i32
    %dma_start3A_131 = tpu.memref_slice %arg6[%dma_start3A_129, %dma_start3A_130] : memref<10240x128xf32, #tpu.memory_space<vmem_shared>> -> memref<10240x128xf32, #tpu.memory_space<vmem_shared>>
    tpu.enqueue_indirect_dma source(%dma_start3A_125 : memref<80x128xf32, #tpu.memory_space<vmem>>) target(%dma_start3A_131 : memref<10240x128xf32, #tpu.memory_space<vmem_shared>>) offsets(%dma_start3A_128 : memref<80xi32, #tpu.memory_space<vmem>>) semaphore(%arg14 : memref<!tpu.dma_semaphore, #tpu.memory_space<semaphore_mem>>) {add = true}
    %dma_start3A_132 = arith.constant 124 : i32
    %dma_start3A_133 = arith.constant 4 : i32
    %dma_start3A_134 = arith.constant 0 : i32
    %dma_start3A_135 = tpu.memref_slice %arg8[%dma_start3A_133, %dma_start3A_134] : memref<6x80xi32, #tpu.memory_space<vmem>> -> memref<1x80xi32, #tpu.memory_space<vmem>>
    %dma_start3A_136 = arith.constant 0 : i32
    %dma_start3A_137 = arith.constant 0 : i32
    %dma_start3A_138 = tpu.memref_slice %arg4[%add3A, %dma_start3A_132, %dma_start3A_136, %dma_start3A_137] : memref<32x125x1x80xi32, #tpu.memory_space<hbm>> -> memref<1x1x1x80xi32, #tpu.memory_space<hbm>>
    %dma_start3A_139 = tpu.memref_squeeze %dma_start3A_138 : memref<1x1x1x80xi32, #tpu.memory_space<hbm>> -> memref<1x80xi32, #tpu.memory_space<hbm>>
    %dma_start3A_140 = arith.constant 4 : i32
    %dma_start3A_141 = arith.constant 0 : i32
    %dma_start3A_142 = tpu.memref_slice %arg8[%dma_start3A_140, %dma_start3A_141] : memref<6x80xi32, #tpu.memory_space<vmem>> -> memref<1x80xi32, #tpu.memory_space<vmem>>
    %dma_start3A_143 = arith.constant 0 : i32
    %dma_start3A_144 = arith.constant 0 : i32
    %dma_start3A_145 = tpu.memref_slice %arg4[%add3A, %dma_start3A_132, %dma_start3A_143, %dma_start3A_144] : memref<32x125x1x80xi32, #tpu.memory_space<hbm>> -> memref<1x1x1x80xi32, #tpu.memory_space<hbm>>
    %dma_start3A_146 = tpu.memref_squeeze %dma_start3A_145 : memref<1x1x1x80xi32, #tpu.memory_space<hbm>> -> memref<1x80xi32, #tpu.memory_space<hbm>>
    tpu.enqueue_dma source(%dma_start3A_146 : memref<1x80xi32, #tpu.memory_space<hbm>>) target(%dma_start3A_142 : memref<1x80xi32, #tpu.memory_space<vmem>>) target_semaphore(%arg21 : memref<!tpu.dma_semaphore, #tpu.memory_space<semaphore_mem>>)
    %dma_wait3A_147 = arith.constant 2 : i32
    %dma_wait3A_148 = arith.constant 0 : i32
    %dma_wait3A_149 = arith.constant 0 : i32
    %dma_wait3A_150 = arith.constant 0 : i32
    %dma_wait3A_151 = tpu.memref_slice %arg9[%dma_wait3A_147, %dma_wait3A_149, %dma_wait3A_150] : memref<3x80x128xf32, #tpu.memory_space<vmem>> -> memref<1x80x128xf32, #tpu.memory_space<vmem>>
    %dma_wait3A_152 = tpu.memref_squeeze %dma_wait3A_151 : memref<1x80x128xf32, #tpu.memory_space<vmem>> -> memref<80x128xf32, #tpu.memory_space<vmem>>
    %dma_wait3A_153 = arith.constant 0 : i32
    %dma_wait3A_154 = tpu.memref_slice %arg8[%dma_wait3A_148, %dma_wait3A_153] : memref<6x80xi32, #tpu.memory_space<vmem>> -> memref<1x80xi32, #tpu.memory_space<vmem>>
    %dma_wait3A_155 = tpu.memref_squeeze %dma_wait3A_154 : memref<1x80xi32, #tpu.memory_space<vmem>> -> memref<80xi32, #tpu.memory_space<vmem>>
    %dma_wait3A_156 = arith.constant 0 : i32
    %dma_wait3A_157 = arith.constant 0 : i32
    %dma_wait3A_158 = tpu.memref_slice %arg6[%dma_wait3A_156, %dma_wait3A_157] : memref<10240x128xf32, #tpu.memory_space<vmem_shared>> -> memref<10240x128xf32, #tpu.memory_space<vmem_shared>>
    tpu.wait_indirect_dma semaphore(%arg16 : memref<!tpu.dma_semaphore, #tpu.memory_space<semaphore_mem>>) src(%dma_wait3A_152 : memref<80x128xf32, #tpu.memory_space<vmem>>) dst(%dma_wait3A_158 : memref<10240x128xf32, #tpu.memory_space<vmem_shared>>)
    %dma_start3A_159 = arith.constant 2 : i32
    %dma_start3A_160 = arith.constant 0 : i32
    %dma_start3A_161 = arith.constant 0 : i32
    %dma_start3A_162 = tpu.memref_slice %arg9[%dma_start3A_159, %dma_start3A_160, %dma_start3A_161] : memref<3x80x128xf32, #tpu.memory_space<vmem>> -> memref<1x80x128xf32, #tpu.memory_space<vmem>>
    %dma_start3A_163 = tpu.memref_squeeze %dma_start3A_162 : memref<1x80x128xf32, #tpu.memory_space<vmem>> -> memref<80x128xf32, #tpu.memory_space<vmem>>
    %dma_start3A_164 = arith.constant 9760 : i32
    %dma_start3A_165 = tpu.memref_slice %arg7[%dma_start3A_164] : memref<10000xi32, #tpu.memory_space<vmem>> -> memref<80xi32, #tpu.memory_space<vmem>>
    %dma_start3A_166 = arith.constant 0 : i32
    %dma_start3A_167 = arith.constant 0 : i32
    %dma_start3A_168 = tpu.memref_slice %arg2[%dma_start3A_166, %dma_start3A_167] : memref<10240x128xf32, #tpu.memory_space<hbm>> -> memref<10240x128xf32, #tpu.memory_space<hbm>>
    tpu.enqueue_indirect_dma source(%dma_start3A_168 : memref<10240x128xf32, #tpu.memory_space<hbm>>) target(%dma_start3A_163 : memref<80x128xf32, #tpu.memory_space<vmem>>) offsets(%dma_start3A_165 : memref<80xi32, #tpu.memory_space<vmem>>) semaphore(%arg13 : memref<!tpu.dma_semaphore, #tpu.memory_space<semaphore_mem>>)
    %dma_wait3A_169 = arith.constant 1 : i32
    %dma_wait3A_170 = arith.constant 0 : i32
    %dma_wait3A_171 = arith.constant 0 : i32
    %dma_wait3A_172 = tpu.memref_slice %arg9[%dma_wait3A_169, %dma_wait3A_170, %dma_wait3A_171] : memref<3x80x128xf32, #tpu.memory_space<vmem>> -> memref<1x80x128xf32, #tpu.memory_space<vmem>>
    %dma_wait3A_173 = tpu.memref_squeeze %dma_wait3A_172 : memref<1x80x128xf32, #tpu.memory_space<vmem>> -> memref<80x128xf32, #tpu.memory_space<vmem>>
    %dma_wait3A_174 = arith.constant 9680 : i32
    %dma_wait3A_175 = tpu.memref_slice %arg7[%dma_wait3A_174] : memref<10000xi32, #tpu.memory_space<vmem>> -> memref<80xi32, #tpu.memory_space<vmem>>
    %dma_wait3A_176 = arith.constant 0 : i32
    %dma_wait3A_177 = arith.constant 0 : i32
    %dma_wait3A_178 = tpu.memref_slice %arg2[%dma_wait3A_176, %dma_wait3A_177] : memref<10240x128xf32, #tpu.memory_space<hbm>> -> memref<10240x128xf32, #tpu.memory_space<hbm>>
    tpu.wait_indirect_dma semaphore(%arg12 : memref<!tpu.dma_semaphore, #tpu.memory_space<semaphore_mem>>) src(%dma_wait3A_178 : memref<10240x128xf32, #tpu.memory_space<hbm>>) dst(%dma_wait3A_173 : memref<80x128xf32, #tpu.memory_space<vmem>>)
    %dma_wait3A_179 = arith.constant 121 : i32
    %dma_wait3A_180 = arith.constant 1 : i32
    %dma_wait3A_181 = arith.constant 0 : i32
    %dma_wait3A_182 = tpu.memref_slice %arg8[%dma_wait3A_180, %dma_wait3A_181] : memref<6x80xi32, #tpu.memory_space<vmem>> -> memref<1x80xi32, #tpu.memory_space<vmem>>
    %dma_wait3A_183 = arith.constant 0 : i32
    %dma_wait3A_184 = arith.constant 0 : i32
    %dma_wait3A_185 = tpu.memref_slice %arg4[%add3A, %dma_wait3A_179, %dma_wait3A_183, %dma_wait3A_184] : memref<32x125x1x80xi32, #tpu.memory_space<hbm>> -> memref<1x1x1x80xi32, #tpu.memory_space<hbm>>
    %dma_wait3A_186 = tpu.memref_squeeze %dma_wait3A_185 : memref<1x1x1x80xi32, #tpu.memory_space<hbm>> -> memref<1x80xi32, #tpu.memory_space<hbm>>
    %dma_wait3A_187 = arith.constant 1 : i32
    %dma_wait3A_188 = arith.constant 0 : i32
    %dma_wait3A_189 = tpu.memref_slice %arg8[%dma_wait3A_187, %dma_wait3A_188] : memref<6x80xi32, #tpu.memory_space<vmem>> -> memref<1x80xi32, #tpu.memory_space<vmem>>
    %dma_wait3A_190 = arith.constant 0 : i32
    %dma_wait3A_191 = arith.constant 0 : i32
    %dma_wait3A_192 = tpu.memref_slice %arg4[%add3A, %dma_wait3A_179, %dma_wait3A_190, %dma_wait3A_191] : memref<32x125x1x80xi32, #tpu.memory_space<hbm>> -> memref<1x1x1x80xi32, #tpu.memory_space<hbm>>
    %dma_wait3A_193 = tpu.memref_squeeze %dma_wait3A_192 : memref<1x1x1x80xi32, #tpu.memory_space<hbm>> -> memref<1x80xi32, #tpu.memory_space<hbm>>
    tpu.wait_dma2 semaphore(%arg18 : memref<!tpu.dma_semaphore, #tpu.memory_space<semaphore_mem>>) src(%dma_wait3A_193 : memref<1x80xi32, #tpu.memory_space<hbm>>) dst(%dma_wait3A_189 : memref<1x80xi32, #tpu.memory_space<vmem>>)
    %dma_start3A_194 = arith.constant 1 : i32
    %dma_start3A_195 = arith.constant 1 : i32
    %dma_start3A_196 = arith.constant 0 : i32
    %dma_start3A_197 = arith.constant 0 : i32
    %dma_start3A_198 = tpu.memref_slice %arg9[%dma_start3A_194, %dma_start3A_196, %dma_start3A_197] : memref<3x80x128xf32, #tpu.memory_space<vmem>> -> memref<1x80x128xf32, #tpu.memory_space<vmem>>
    %dma_start3A_199 = tpu.memref_squeeze %dma_start3A_198 : memref<1x80x128xf32, #tpu.memory_space<vmem>> -> memref<80x128xf32, #tpu.memory_space<vmem>>
    %dma_start3A_200 = arith.constant 0 : i32
    %dma_start3A_201 = tpu.memref_slice %arg8[%dma_start3A_195, %dma_start3A_200] : memref<6x80xi32, #tpu.memory_space<vmem>> -> memref<1x80xi32, #tpu.memory_space<vmem>>
    %dma_start3A_202 = tpu.memref_squeeze %dma_start3A_201 : memref<1x80xi32, #tpu.memory_space<vmem>> -> memref<80xi32, #tpu.memory_space<vmem>>
    %dma_start3A_203 = arith.constant 0 : i32
    %dma_start3A_204 = arith.constant 0 : i32
    %dma_start3A_205 = tpu.memref_slice %arg6[%dma_start3A_203, %dma_start3A_204] : memref<10240x128xf32, #tpu.memory_space<vmem_shared>> -> memref<10240x128xf32, #tpu.memory_space<vmem_shared>>
    tpu.enqueue_indirect_dma source(%dma_start3A_199 : memref<80x128xf32, #tpu.memory_space<vmem>>) target(%dma_start3A_205 : memref<10240x128xf32, #tpu.memory_space<vmem_shared>>) offsets(%dma_start3A_202 : memref<80xi32, #tpu.memory_space<vmem>>) semaphore(%arg15 : memref<!tpu.dma_semaphore, #tpu.memory_space<semaphore_mem>>) {add = true}
    %dma_wait3A_206 = arith.constant 0 : i32
    %dma_wait3A_207 = arith.constant 1 : i32
    %dma_wait3A_208 = arith.constant 0 : i32
    %dma_wait3A_209 = arith.constant 0 : i32
    %dma_wait3A_210 = tpu.memref_slice %arg9[%dma_wait3A_206, %dma_wait3A_208, %dma_wait3A_209] : memref<3x80x128xf32, #tpu.memory_space<vmem>> -> memref<1x80x128xf32, #tpu.memory_space<vmem>>
    %dma_wait3A_211 = tpu.memref_squeeze %dma_wait3A_210 : memref<1x80x128xf32, #tpu.memory_space<vmem>> -> memref<80x128xf32, #tpu.memory_space<vmem>>
    %dma_wait3A_212 = arith.constant 0 : i32
    %dma_wait3A_213 = tpu.memref_slice %arg8[%dma_wait3A_207, %dma_wait3A_212] : memref<6x80xi32, #tpu.memory_space<vmem>> -> memref<1x80xi32, #tpu.memory_space<vmem>>
    %dma_wait3A_214 = tpu.memref_squeeze %dma_wait3A_213 : memref<1x80xi32, #tpu.memory_space<vmem>> -> memref<80xi32, #tpu.memory_space<vmem>>
    %dma_wait3A_215 = arith.constant 0 : i32
    %dma_wait3A_216 = arith.constant 0 : i32
    %dma_wait3A_217 = tpu.memref_slice %arg6[%dma_wait3A_215, %dma_wait3A_216] : memref<10240x128xf32, #tpu.memory_space<vmem_shared>> -> memref<10240x128xf32, #tpu.memory_space<vmem_shared>>
    tpu.wait_indirect_dma semaphore(%arg14 : memref<!tpu.dma_semaphore, #tpu.memory_space<semaphore_mem>>) src(%dma_wait3A_211 : memref<80x128xf32, #tpu.memory_space<vmem>>) dst(%dma_wait3A_217 : memref<10240x128xf32, #tpu.memory_space<vmem_shared>>)
    %dma_start3A_218 = arith.constant 0 : i32
    %dma_start3A_219 = arith.constant 0 : i32
    %dma_start3A_220 = arith.constant 0 : i32
    %dma_start3A_221 = tpu.memref_slice %arg9[%dma_start3A_218, %dma_start3A_219, %dma_start3A_220] : memref<3x80x128xf32, #tpu.memory_space<vmem>> -> memref<1x80x128xf32, #tpu.memory_space<vmem>>
    %dma_start3A_222 = tpu.memref_squeeze %dma_start3A_221 : memref<1x80x128xf32, #tpu.memory_space<vmem>> -> memref<80x128xf32, #tpu.memory_space<vmem>>
    %dma_start3A_223 = arith.constant 9840 : i32
    %dma_start3A_224 = tpu.memref_slice %arg7[%dma_start3A_223] : memref<10000xi32, #tpu.memory_space<vmem>> -> memref<80xi32, #tpu.memory_space<vmem>>
    %dma_start3A_225 = arith.constant 0 : i32
    %dma_start3A_226 = arith.constant 0 : i32
    %dma_start3A_227 = tpu.memref_slice %arg2[%dma_start3A_225, %dma_start3A_226] : memref<10240x128xf32, #tpu.memory_space<hbm>> -> memref<10240x128xf32, #tpu.memory_space<hbm>>
    tpu.enqueue_indirect_dma source(%dma_start3A_227 : memref<10240x128xf32, #tpu.memory_space<hbm>>) target(%dma_start3A_222 : memref<80x128xf32, #tpu.memory_space<vmem>>) offsets(%dma_start3A_224 : memref<80xi32, #tpu.memory_space<vmem>>) semaphore(%arg11 : memref<!tpu.dma_semaphore, #tpu.memory_space<semaphore_mem>>)
    %dma_wait3A_228 = arith.constant 2 : i32
    %dma_wait3A_229 = arith.constant 0 : i32
    %dma_wait3A_230 = arith.constant 0 : i32
    %dma_wait3A_231 = tpu.memref_slice %arg9[%dma_wait3A_228, %dma_wait3A_229, %dma_wait3A_230] : memref<3x80x128xf32, #tpu.memory_space<vmem>> -> memref<1x80x128xf32, #tpu.memory_space<vmem>>
    %dma_wait3A_232 = tpu.memref_squeeze %dma_wait3A_231 : memref<1x80x128xf32, #tpu.memory_space<vmem>> -> memref<80x128xf32, #tpu.memory_space<vmem>>
    %dma_wait3A_233 = arith.constant 9760 : i32
    %dma_wait3A_234 = tpu.memref_slice %arg7[%dma_wait3A_233] : memref<10000xi32, #tpu.memory_space<vmem>> -> memref<80xi32, #tpu.memory_space<vmem>>
    %dma_wait3A_235 = arith.constant 0 : i32
    %dma_wait3A_236 = arith.constant 0 : i32
    %dma_wait3A_237 = tpu.memref_slice %arg2[%dma_wait3A_235, %dma_wait3A_236] : memref<10240x128xf32, #tpu.memory_space<hbm>> -> memref<10240x128xf32, #tpu.memory_space<hbm>>
    tpu.wait_indirect_dma semaphore(%arg13 : memref<!tpu.dma_semaphore, #tpu.memory_space<semaphore_mem>>) src(%dma_wait3A_237 : memref<10240x128xf32, #tpu.memory_space<hbm>>) dst(%dma_wait3A_232 : memref<80x128xf32, #tpu.memory_space<vmem>>)
    %dma_wait3A_238 = arith.constant 122 : i32
    %dma_wait3A_239 = arith.constant 2 : i32
    %dma_wait3A_240 = arith.constant 0 : i32
    %dma_wait3A_241 = tpu.memref_slice %arg8[%dma_wait3A_239, %dma_wait3A_240] : memref<6x80xi32, #tpu.memory_space<vmem>> -> memref<1x80xi32, #tpu.memory_space<vmem>>
    %dma_wait3A_242 = arith.constant 0 : i32
    %dma_wait3A_243 = arith.constant 0 : i32
    %dma_wait3A_244 = tpu.memref_slice %arg4[%add3A, %dma_wait3A_238, %dma_wait3A_242, %dma_wait3A_243] : memref<32x125x1x80xi32, #tpu.memory_space<hbm>> -> memref<1x1x1x80xi32, #tpu.memory_space<hbm>>
    %dma_wait3A_245 = tpu.memref_squeeze %dma_wait3A_244 : memref<1x1x1x80xi32, #tpu.memory_space<hbm>> -> memref<1x80xi32, #tpu.memory_space<hbm>>
    %dma_wait3A_246 = arith.constant 2 : i32
    %dma_wait3A_247 = arith.constant 0 : i32
    %dma_wait3A_248 = tpu.memref_slice %arg8[%dma_wait3A_246, %dma_wait3A_247] : memref<6x80xi32, #tpu.memory_space<vmem>> -> memref<1x80xi32, #tpu.memory_space<vmem>>
    %dma_wait3A_249 = arith.constant 0 : i32
    %dma_wait3A_250 = arith.constant 0 : i32
    %dma_wait3A_251 = tpu.memref_slice %arg4[%add3A, %dma_wait3A_238, %dma_wait3A_249, %dma_wait3A_250] : memref<32x125x1x80xi32, #tpu.memory_space<hbm>> -> memref<1x1x1x80xi32, #tpu.memory_space<hbm>>
    %dma_wait3A_252 = tpu.memref_squeeze %dma_wait3A_251 : memref<1x1x1x80xi32, #tpu.memory_space<hbm>> -> memref<1x80xi32, #tpu.memory_space<hbm>>
    tpu.wait_dma2 semaphore(%arg19 : memref<!tpu.dma_semaphore, #tpu.memory_space<semaphore_mem>>) src(%dma_wait3A_252 : memref<1x80xi32, #tpu.memory_space<hbm>>) dst(%dma_wait3A_248 : memref<1x80xi32, #tpu.memory_space<vmem>>)
    %dma_start3A_253 = arith.constant 2 : i32
    %dma_start3A_254 = arith.constant 2 : i32
    %dma_start3A_255 = arith.constant 0 : i32
    %dma_start3A_256 = arith.constant 0 : i32
    %dma_start3A_257 = tpu.memref_slice %arg9[%dma_start3A_253, %dma_start3A_255, %dma_start3A_256] : memref<3x80x128xf32, #tpu.memory_space<vmem>> -> memref<1x80x128xf32, #tpu.memory_space<vmem>>
    %dma_start3A_258 = tpu.memref_squeeze %dma_start3A_257 : memref<1x80x128xf32, #tpu.memory_space<vmem>> -> memref<80x128xf32, #tpu.memory_space<vmem>>
    %dma_start3A_259 = arith.constant 0 : i32
    %dma_start3A_260 = tpu.memref_slice %arg8[%dma_start3A_254, %dma_start3A_259] : memref<6x80xi32, #tpu.memory_space<vmem>> -> memref<1x80xi32, #tpu.memory_space<vmem>>
    %dma_start3A_261 = tpu.memref_squeeze %dma_start3A_260 : memref<1x80xi32, #tpu.memory_space<vmem>> -> memref<80xi32, #tpu.memory_space<vmem>>
    %dma_start3A_262 = arith.constant 0 : i32
    %dma_start3A_263 = arith.constant 0 : i32
    %dma_start3A_264 = tpu.memref_slice %arg6[%dma_start3A_262, %dma_start3A_263] : memref<10240x128xf32, #tpu.memory_space<vmem_shared>> -> memref<10240x128xf32, #tpu.memory_space<vmem_shared>>
    tpu.enqueue_indirect_dma source(%dma_start3A_258 : memref<80x128xf32, #tpu.memory_space<vmem>>) target(%dma_start3A_264 : memref<10240x128xf32, #tpu.memory_space<vmem_shared>>) offsets(%dma_start3A_261 : memref<80xi32, #tpu.memory_space<vmem>>) semaphore(%arg16 : memref<!tpu.dma_semaphore, #tpu.memory_space<semaphore_mem>>) {add = true}
    %dma_wait3A_265 = arith.constant 1 : i32
    %dma_wait3A_266 = arith.constant 2 : i32
    %dma_wait3A_267 = arith.constant 0 : i32
    %dma_wait3A_268 = arith.constant 0 : i32
    %dma_wait3A_269 = tpu.memref_slice %arg9[%dma_wait3A_265, %dma_wait3A_267, %dma_wait3A_268] : memref<3x80x128xf32, #tpu.memory_space<vmem>> -> memref<1x80x128xf32, #tpu.memory_space<vmem>>
    %dma_wait3A_270 = tpu.memref_squeeze %dma_wait3A_269 : memref<1x80x128xf32, #tpu.memory_space<vmem>> -> memref<80x128xf32, #tpu.memory_space<vmem>>
    %dma_wait3A_271 = arith.constant 0 : i32
    %dma_wait3A_272 = tpu.memref_slice %arg8[%dma_wait3A_266, %dma_wait3A_271] : memref<6x80xi32, #tpu.memory_space<vmem>> -> memref<1x80xi32, #tpu.memory_space<vmem>>
    %dma_wait3A_273 = tpu.memref_squeeze %dma_wait3A_272 : memref<1x80xi32, #tpu.memory_space<vmem>> -> memref<80xi32, #tpu.memory_space<vmem>>
    %dma_wait3A_274 = arith.constant 0 : i32
    %dma_wait3A_275 = arith.constant 0 : i32
    %dma_wait3A_276 = tpu.memref_slice %arg6[%dma_wait3A_274, %dma_wait3A_275] : memref<10240x128xf32, #tpu.memory_space<vmem_shared>> -> memref<10240x128xf32, #tpu.memory_space<vmem_shared>>
    tpu.wait_indirect_dma semaphore(%arg15 : memref<!tpu.dma_semaphore, #tpu.memory_space<semaphore_mem>>) src(%dma_wait3A_270 : memref<80x128xf32, #tpu.memory_space<vmem>>) dst(%dma_wait3A_276 : memref<10240x128xf32, #tpu.memory_space<vmem_shared>>)
    %dma_start3A_277 = arith.constant 1 : i32
    %dma_start3A_278 = arith.constant 0 : i32
    %dma_start3A_279 = arith.constant 0 : i32
    %dma_start3A_280 = tpu.memref_slice %arg9[%dma_start3A_277, %dma_start3A_278, %dma_start3A_279] : memref<3x80x128xf32, #tpu.memory_space<vmem>> -> memref<1x80x128xf32, #tpu.memory_space<vmem>>
    %dma_start3A_281 = tpu.memref_squeeze %dma_start3A_280 : memref<1x80x128xf32, #tpu.memory_space<vmem>> -> memref<80x128xf32, #tpu.memory_space<vmem>>
    %dma_start3A_282 = arith.constant 9920 : i32
    %dma_start3A_283 = tpu.memref_slice %arg7[%dma_start3A_282] : memref<10000xi32, #tpu.memory_space<vmem>> -> memref<80xi32, #tpu.memory_space<vmem>>
    %dma_start3A_284 = arith.constant 0 : i32
    %dma_start3A_285 = arith.constant 0 : i32
    %dma_start3A_286 = tpu.memref_slice %arg2[%dma_start3A_284, %dma_start3A_285] : memref<10240x128xf32, #tpu.memory_space<hbm>> -> memref<10240x128xf32, #tpu.memory_space<hbm>>
    tpu.enqueue_indirect_dma source(%dma_start3A_286 : memref<10240x128xf32, #tpu.memory_space<hbm>>) target(%dma_start3A_281 : memref<80x128xf32, #tpu.memory_space<vmem>>) offsets(%dma_start3A_283 : memref<80xi32, #tpu.memory_space<vmem>>) semaphore(%arg12 : memref<!tpu.dma_semaphore, #tpu.memory_space<semaphore_mem>>)
    %dma_wait3A_287 = arith.constant 0 : i32
    %dma_wait3A_288 = arith.constant 0 : i32
    %dma_wait3A_289 = arith.constant 0 : i32
    %dma_wait3A_290 = tpu.memref_slice %arg9[%dma_wait3A_287, %dma_wait3A_288, %dma_wait3A_289] : memref<3x80x128xf32, #tpu.memory_space<vmem>> -> memref<1x80x128xf32, #tpu.memory_space<vmem>>
    %dma_wait3A_291 = tpu.memref_squeeze %dma_wait3A_290 : memref<1x80x128xf32, #tpu.memory_space<vmem>> -> memref<80x128xf32, #tpu.memory_space<vmem>>
    %dma_wait3A_292 = arith.constant 9840 : i32
    %dma_wait3A_293 = tpu.memref_slice %arg7[%dma_wait3A_292] : memref<10000xi32, #tpu.memory_space<vmem>> -> memref<80xi32, #tpu.memory_space<vmem>>
    %dma_wait3A_294 = arith.constant 0 : i32
    %dma_wait3A_295 = arith.constant 0 : i32
    %dma_wait3A_296 = tpu.memref_slice %arg2[%dma_wait3A_294, %dma_wait3A_295] : memref<10240x128xf32, #tpu.memory_space<hbm>> -> memref<10240x128xf32, #tpu.memory_space<hbm>>
    tpu.wait_indirect_dma semaphore(%arg11 : memref<!tpu.dma_semaphore, #tpu.memory_space<semaphore_mem>>) src(%dma_wait3A_296 : memref<10240x128xf32, #tpu.memory_space<hbm>>) dst(%dma_wait3A_291 : memref<80x128xf32, #tpu.memory_space<vmem>>)
    %dma_wait3A_297 = arith.constant 123 : i32
    %dma_wait3A_298 = arith.constant 3 : i32
    %dma_wait3A_299 = arith.constant 0 : i32
    %dma_wait3A_300 = tpu.memref_slice %arg8[%dma_wait3A_298, %dma_wait3A_299] : memref<6x80xi32, #tpu.memory_space<vmem>> -> memref<1x80xi32, #tpu.memory_space<vmem>>
    %dma_wait3A_301 = arith.constant 0 : i32
    %dma_wait3A_302 = arith.constant 0 : i32
    %dma_wait3A_303 = tpu.memref_slice %arg4[%add3A, %dma_wait3A_297, %dma_wait3A_301, %dma_wait3A_302] : memref<32x125x1x80xi32, #tpu.memory_space<hbm>> -> memref<1x1x1x80xi32, #tpu.memory_space<hbm>>
    %dma_wait3A_304 = tpu.memref_squeeze %dma_wait3A_303 : memref<1x1x1x80xi32, #tpu.memory_space<hbm>> -> memref<1x80xi32, #tpu.memory_space<hbm>>
    %dma_wait3A_305 = arith.constant 3 : i32
    %dma_wait3A_306 = arith.constant 0 : i32
    %dma_wait3A_307 = tpu.memref_slice %arg8[%dma_wait3A_305, %dma_wait3A_306] : memref<6x80xi32, #tpu.memory_space<vmem>> -> memref<1x80xi32, #tpu.memory_space<vmem>>
    %dma_wait3A_308 = arith.constant 0 : i32
    %dma_wait3A_309 = arith.constant 0 : i32
    %dma_wait3A_310 = tpu.memref_slice %arg4[%add3A, %dma_wait3A_297, %dma_wait3A_308, %dma_wait3A_309] : memref<32x125x1x80xi32, #tpu.memory_space<hbm>> -> memref<1x1x1x80xi32, #tpu.memory_space<hbm>>
    %dma_wait3A_311 = tpu.memref_squeeze %dma_wait3A_310 : memref<1x1x1x80xi32, #tpu.memory_space<hbm>> -> memref<1x80xi32, #tpu.memory_space<hbm>>
    tpu.wait_dma2 semaphore(%arg20 : memref<!tpu.dma_semaphore, #tpu.memory_space<semaphore_mem>>) src(%dma_wait3A_311 : memref<1x80xi32, #tpu.memory_space<hbm>>) dst(%dma_wait3A_307 : memref<1x80xi32, #tpu.memory_space<vmem>>)
    %dma_start3A_312 = arith.constant 0 : i32
    %dma_start3A_313 = arith.constant 3 : i32
    %dma_start3A_314 = arith.constant 0 : i32
    %dma_start3A_315 = arith.constant 0 : i32
    %dma_start3A_316 = tpu.memref_slice %arg9[%dma_start3A_312, %dma_start3A_314, %dma_start3A_315] : memref<3x80x128xf32, #tpu.memory_space<vmem>> -> memref<1x80x128xf32, #tpu.memory_space<vmem>>
    %dma_start3A_317 = tpu.memref_squeeze %dma_start3A_316 : memref<1x80x128xf32, #tpu.memory_space<vmem>> -> memref<80x128xf32, #tpu.memory_space<vmem>>
    %dma_start3A_318 = arith.constant 0 : i32
    %dma_start3A_319 = tpu.memref_slice %arg8[%dma_start3A_313, %dma_start3A_318] : memref<6x80xi32, #tpu.memory_space<vmem>> -> memref<1x80xi32, #tpu.memory_space<vmem>>
    %dma_start3A_320 = tpu.memref_squeeze %dma_start3A_319 : memref<1x80xi32, #tpu.memory_space<vmem>> -> memref<80xi32, #tpu.memory_space<vmem>>
    %dma_start3A_321 = arith.constant 0 : i32
    %dma_start3A_322 = arith.constant 0 : i32
    %dma_start3A_323 = tpu.memref_slice %arg6[%dma_start3A_321, %dma_start3A_322] : memref<10240x128xf32, #tpu.memory_space<vmem_shared>> -> memref<10240x128xf32, #tpu.memory_space<vmem_shared>>
    tpu.enqueue_indirect_dma source(%dma_start3A_317 : memref<80x128xf32, #tpu.memory_space<vmem>>) target(%dma_start3A_323 : memref<10240x128xf32, #tpu.memory_space<vmem_shared>>) offsets(%dma_start3A_320 : memref<80xi32, #tpu.memory_space<vmem>>) semaphore(%arg14 : memref<!tpu.dma_semaphore, #tpu.memory_space<semaphore_mem>>) {add = true}
    %dma_wait3A_324 = arith.constant 2 : i32
    %dma_wait3A_325 = arith.constant 3 : i32
    %dma_wait3A_326 = arith.constant 0 : i32
    %dma_wait3A_327 = arith.constant 0 : i32
    %dma_wait3A_328 = tpu.memref_slice %arg9[%dma_wait3A_324, %dma_wait3A_326, %dma_wait3A_327] : memref<3x80x128xf32, #tpu.memory_space<vmem>> -> memref<1x80x128xf32, #tpu.memory_space<vmem>>
    %dma_wait3A_329 = tpu.memref_squeeze %dma_wait3A_328 : memref<1x80x128xf32, #tpu.memory_space<vmem>> -> memref<80x128xf32, #tpu.memory_space<vmem>>
    %dma_wait3A_330 = arith.constant 0 : i32
    %dma_wait3A_331 = tpu.memref_slice %arg8[%dma_wait3A_325, %dma_wait3A_330] : memref<6x80xi32, #tpu.memory_space<vmem>> -> memref<1x80xi32, #tpu.memory_space<vmem>>
    %dma_wait3A_332 = tpu.memref_squeeze %dma_wait3A_331 : memref<1x80xi32, #tpu.memory_space<vmem>> -> memref<80xi32, #tpu.memory_space<vmem>>
    %dma_wait3A_333 = arith.constant 0 : i32
    %dma_wait3A_334 = arith.constant 0 : i32
    %dma_wait3A_335 = tpu.memref_slice %arg6[%dma_wait3A_333, %dma_wait3A_334] : memref<10240x128xf32, #tpu.memory_space<vmem_shared>> -> memref<10240x128xf32, #tpu.memory_space<vmem_shared>>
    tpu.wait_indirect_dma semaphore(%arg16 : memref<!tpu.dma_semaphore, #tpu.memory_space<semaphore_mem>>) src(%dma_wait3A_329 : memref<80x128xf32, #tpu.memory_space<vmem>>) dst(%dma_wait3A_335 : memref<10240x128xf32, #tpu.memory_space<vmem_shared>>)
    %dma_wait3A_336 = arith.constant 1 : i32
    %dma_wait3A_337 = arith.constant 0 : i32
    %dma_wait3A_338 = arith.constant 0 : i32
    %dma_wait3A_339 = tpu.memref_slice %arg9[%dma_wait3A_336, %dma_wait3A_337, %dma_wait3A_338] : memref<3x80x128xf32, #tpu.memory_space<vmem>> -> memref<1x80x128xf32, #tpu.memory_space<vmem>>
    %dma_wait3A_340 = tpu.memref_squeeze %dma_wait3A_339 : memref<1x80x128xf32, #tpu.memory_space<vmem>> -> memref<80x128xf32, #tpu.memory_space<vmem>>
    %dma_wait3A_341 = arith.constant 9920 : i32
    %dma_wait3A_342 = tpu.memref_slice %arg7[%dma_wait3A_341] : memref<10000xi32, #tpu.memory_space<vmem>> -> memref<80xi32, #tpu.memory_space<vmem>>
    %dma_wait3A_343 = arith.constant 0 : i32
    %dma_wait3A_344 = arith.constant 0 : i32
    %dma_wait3A_345 = tpu.memref_slice %arg2[%dma_wait3A_343, %dma_wait3A_344] : memref<10240x128xf32, #tpu.memory_space<hbm>> -> memref<10240x128xf32, #tpu.memory_space<hbm>>
    tpu.wait_indirect_dma semaphore(%arg12 : memref<!tpu.dma_semaphore, #tpu.memory_space<semaphore_mem>>) src(%dma_wait3A_345 : memref<10240x128xf32, #tpu.memory_space<hbm>>) dst(%dma_wait3A_340 : memref<80x128xf32, #tpu.memory_space<vmem>>)
    %dma_wait3A_346 = arith.constant 124 : i32
    %dma_wait3A_347 = arith.constant 4 : i32
    %dma_wait3A_348 = arith.constant 0 : i32
    %dma_wait3A_349 = tpu.memref_slice %arg8[%dma_wait3A_347, %dma_wait3A_348] : memref<6x80xi32, #tpu.memory_space<vmem>> -> memref<1x80xi32, #tpu.memory_space<vmem>>
    %dma_wait3A_350 = arith.constant 0 : i32
    %dma_wait3A_351 = arith.constant 0 : i32
    %dma_wait3A_352 = tpu.memref_slice %arg4[%add3A, %dma_wait3A_346, %dma_wait3A_350, %dma_wait3A_351] : memref<32x125x1x80xi32, #tpu.memory_space<hbm>> -> memref<1x1x1x80xi32, #tpu.memory_space<hbm>>
    %dma_wait3A_353 = tpu.memref_squeeze %dma_wait3A_352 : memref<1x1x1x80xi32, #tpu.memory_space<hbm>> -> memref<1x80xi32, #tpu.memory_space<hbm>>
    %dma_wait3A_354 = arith.constant 4 : i32
    %dma_wait3A_355 = arith.constant 0 : i32
    %dma_wait3A_356 = tpu.memref_slice %arg8[%dma_wait3A_354, %dma_wait3A_355] : memref<6x80xi32, #tpu.memory_space<vmem>> -> memref<1x80xi32, #tpu.memory_space<vmem>>
    %dma_wait3A_357 = arith.constant 0 : i32
    %dma_wait3A_358 = arith.constant 0 : i32
    %dma_wait3A_359 = tpu.memref_slice %arg4[%add3A, %dma_wait3A_346, %dma_wait3A_357, %dma_wait3A_358] : memref<32x125x1x80xi32, #tpu.memory_space<hbm>> -> memref<1x1x1x80xi32, #tpu.memory_space<hbm>>
    %dma_wait3A_360 = tpu.memref_squeeze %dma_wait3A_359 : memref<1x1x1x80xi32, #tpu.memory_space<hbm>> -> memref<1x80xi32, #tpu.memory_space<hbm>>
    tpu.wait_dma2 semaphore(%arg21 : memref<!tpu.dma_semaphore, #tpu.memory_space<semaphore_mem>>) src(%dma_wait3A_360 : memref<1x80xi32, #tpu.memory_space<hbm>>) dst(%dma_wait3A_356 : memref<1x80xi32, #tpu.memory_space<vmem>>)
    %dma_start3A_361 = arith.constant 1 : i32
    %dma_start3A_362 = arith.constant 4 : i32
    %dma_start3A_363 = arith.constant 0 : i32
    %dma_start3A_364 = arith.constant 0 : i32
    %dma_start3A_365 = tpu.memref_slice %arg9[%dma_start3A_361, %dma_start3A_363, %dma_start3A_364] : memref<3x80x128xf32, #tpu.memory_space<vmem>> -> memref<1x80x128xf32, #tpu.memory_space<vmem>>
    %dma_start3A_366 = tpu.memref_squeeze %dma_start3A_365 : memref<1x80x128xf32, #tpu.memory_space<vmem>> -> memref<80x128xf32, #tpu.memory_space<vmem>>
    %dma_start3A_367 = arith.constant 0 : i32
    %dma_start3A_368 = tpu.memref_slice %arg8[%dma_start3A_362, %dma_start3A_367] : memref<6x80xi32, #tpu.memory_space<vmem>> -> memref<1x80xi32, #tpu.memory_space<vmem>>
    %dma_start3A_369 = tpu.memref_squeeze %dma_start3A_368 : memref<1x80xi32, #tpu.memory_space<vmem>> -> memref<80xi32, #tpu.memory_space<vmem>>
    %dma_start3A_370 = arith.constant 0 : i32
    %dma_start3A_371 = arith.constant 0 : i32
    %dma_start3A_372 = tpu.memref_slice %arg6[%dma_start3A_370, %dma_start3A_371] : memref<10240x128xf32, #tpu.memory_space<vmem_shared>> -> memref<10240x128xf32, #tpu.memory_space<vmem_shared>>
    tpu.enqueue_indirect_dma source(%dma_start3A_366 : memref<80x128xf32, #tpu.memory_space<vmem>>) target(%dma_start3A_372 : memref<10240x128xf32, #tpu.memory_space<vmem_shared>>) offsets(%dma_start3A_369 : memref<80xi32, #tpu.memory_space<vmem>>) semaphore(%arg15 : memref<!tpu.dma_semaphore, #tpu.memory_space<semaphore_mem>>) {add = true}
    %dma_wait3A_373 = arith.constant 0 : i32
    %dma_wait3A_374 = arith.constant 4 : i32
    %dma_wait3A_375 = arith.constant 0 : i32
    %dma_wait3A_376 = arith.constant 0 : i32
    %dma_wait3A_377 = tpu.memref_slice %arg9[%dma_wait3A_373, %dma_wait3A_375, %dma_wait3A_376] : memref<3x80x128xf32, #tpu.memory_space<vmem>> -> memref<1x80x128xf32, #tpu.memory_space<vmem>>
    %dma_wait3A_378 = tpu.memref_squeeze %dma_wait3A_377 : memref<1x80x128xf32, #tpu.memory_space<vmem>> -> memref<80x128xf32, #tpu.memory_space<vmem>>
    %dma_wait3A_379 = arith.constant 0 : i32
    %dma_wait3A_380 = tpu.memref_slice %arg8[%dma_wait3A_374, %dma_wait3A_379] : memref<6x80xi32, #tpu.memory_space<vmem>> -> memref<1x80xi32, #tpu.memory_space<vmem>>
    %dma_wait3A_381 = tpu.memref_squeeze %dma_wait3A_380 : memref<1x80xi32, #tpu.memory_space<vmem>> -> memref<80xi32, #tpu.memory_space<vmem>>
    %dma_wait3A_382 = arith.constant 0 : i32
    %dma_wait3A_383 = arith.constant 0 : i32
    %dma_wait3A_384 = tpu.memref_slice %arg6[%dma_wait3A_382, %dma_wait3A_383] : memref<10240x128xf32, #tpu.memory_space<vmem_shared>> -> memref<10240x128xf32, #tpu.memory_space<vmem_shared>>
    tpu.wait_indirect_dma semaphore(%arg14 : memref<!tpu.dma_semaphore, #tpu.memory_space<semaphore_mem>>) src(%dma_wait3A_378 : memref<80x128xf32, #tpu.memory_space<vmem>>) dst(%dma_wait3A_384 : memref<10240x128xf32, #tpu.memory_space<vmem_shared>>)
    %dma_wait3A_385 = arith.constant 1 : i32
    %dma_wait3A_386 = arith.constant 0 : i32
    %dma_wait3A_387 = arith.constant 0 : i32
    %dma_wait3A_388 = arith.constant 0 : i32
    %dma_wait3A_389 = tpu.memref_slice %arg9[%dma_wait3A_385, %dma_wait3A_387, %dma_wait3A_388] : memref<3x80x128xf32, #tpu.memory_space<vmem>> -> memref<1x80x128xf32, #tpu.memory_space<vmem>>
    %dma_wait3A_390 = tpu.memref_squeeze %dma_wait3A_389 : memref<1x80x128xf32, #tpu.memory_space<vmem>> -> memref<80x128xf32, #tpu.memory_space<vmem>>
    %dma_wait3A_391 = arith.constant 0 : i32
    %dma_wait3A_392 = tpu.memref_slice %arg8[%dma_wait3A_386, %dma_wait3A_391] : memref<6x80xi32, #tpu.memory_space<vmem>> -> memref<1x80xi32, #tpu.memory_space<vmem>>
    %dma_wait3A_393 = tpu.memref_squeeze %dma_wait3A_392 : memref<1x80xi32, #tpu.memory_space<vmem>> -> memref<80xi32, #tpu.memory_space<vmem>>
    %dma_wait3A_394 = arith.constant 0 : i32
    %dma_wait3A_395 = arith.constant 0 : i32
    %dma_wait3A_396 = tpu.memref_slice %arg6[%dma_wait3A_394, %dma_wait3A_395] : memref<10240x128xf32, #tpu.memory_space<vmem_shared>> -> memref<10240x128xf32, #tpu.memory_space<vmem_shared>>
    tpu.wait_indirect_dma semaphore(%arg15 : memref<!tpu.dma_semaphore, #tpu.memory_space<semaphore_mem>>) src(%dma_wait3A_390 : memref<80x128xf32, #tpu.memory_space<vmem>>) dst(%dma_wait3A_396 : memref<10240x128xf32, #tpu.memory_space<vmem_shared>>)
    %barrier3A_397 = arith.constant 0 : index
    tpu.barrier barrier_id(%barrier3A_397)
    "tpu.region"() ({
      %run_scoped3A = tpu.sem_alloc : memref<!tpu.dma_semaphore, #tpu.memory_space<semaphore_mem>>
      %dma_start3A_398 = arith.constant 0 : i32
      %dma_start3A_399 = tpu.memref_slice %arg5[%arg0, %mul3A_2, %dma_start3A_398] : memref<2x10240x128xf32, #tpu.memory_space<hbm>> -> memref<1x640x128xf32, #tpu.memory_space<hbm>>
      %dma_start3A_400 = tpu.memref_squeeze %dma_start3A_399 : memref<1x640x128xf32, #tpu.memory_space<hbm>> -> memref<640x128xf32, #tpu.memory_space<hbm>>
      %dma_start3A_401 = arith.constant 0 : i32
      %dma_start3A_402 = tpu.memref_slice %arg6[%mul3A_2, %dma_start3A_401] : memref<10240x128xf32, #tpu.memory_space<vmem_shared>> -> memref<640x128xf32, #tpu.memory_space<vmem_shared>>
      tpu.enqueue_dma source(%dma_start3A_402 : memref<640x128xf32, #tpu.memory_space<vmem_shared>>) target(%dma_start3A_400 : memref<640x128xf32, #tpu.memory_space<hbm>>) target_semaphore(%run_scoped3A : memref<!tpu.dma_semaphore, #tpu.memory_space<semaphore_mem>>)
      %dma_wait3A_403 = arith.constant 0 : i32
      %dma_wait3A_404 = tpu.memref_slice %arg5[%arg0, %mul3A_2, %dma_wait3A_403] : memref<2x10240x128xf32, #tpu.memory_space<hbm>> -> memref<1x640x128xf32, #tpu.memory_space<hbm>>
      %dma_wait3A_405 = tpu.memref_squeeze %dma_wait3A_404 : memref<1x640x128xf32, #tpu.memory_space<hbm>> -> memref<640x128xf32, #tpu.memory_space<hbm>>
      %dma_wait3A_406 = arith.constant 0 : i32
      %dma_wait3A_407 = tpu.memref_slice %arg6[%mul3A_2, %dma_wait3A_406] : memref<10240x128xf32, #tpu.memory_space<vmem_shared>> -> memref<640x128xf32, #tpu.memory_space<vmem_shared>>
      tpu.wait_dma2 semaphore(%run_scoped3A : memref<!tpu.dma_semaphore, #tpu.memory_space<semaphore_mem>>) src(%dma_wait3A_407 : memref<640x128xf32, #tpu.memory_space<vmem_shared>>) dst(%dma_wait3A_405 : memref<640x128xf32, #tpu.memory_space<hbm>>)
      tpu.yield
    }) : () -> ()
    return
  }
}

module attributes {stable_mosaic.version = 14 : i64} {
  func.func @_mm_body(%arg0: i32, %arg1: memref<1000x128xf32, #tpu.memory_space<vmem>>, %arg2: memref<128x128xf32, #tpu.memory_space<vmem>>, %arg3: memref<1x128xf32, #tpu.memory_space<vmem>>, %arg4: memref<1000x128xf32, #tpu.memory_space<vmem>>) attributes {dimension_semantics = [#tpu.dimension_semantics<arbitrary>], iteration_bounds = array<i64: 10>, scalar_prefetch = 0 : i64, scratch_operands = 0 : i64, tpu.core_type = #tpu.core_type<tc>, window_params = [{transform_indices = @transform_0, window_bounds = array<i64: 1000, 128>}, {pipeline_mode = #tpu.pipeline_mode<synchronous>, transform_indices = @transform_1, window_bounds = array<i64: 128, 128>}, {pipeline_mode = #tpu.pipeline_mode<synchronous>, transform_indices = @transform_2, window_bounds = array<i64: 1, 128>}, {transform_indices = @transform_3, window_bounds = array<i64: 1000, 128>}]} {
    %get3A = arith.constant 0 : index
    %get3A_0 = arith.constant 0 : index
    %get3A_1 = vector.load %arg1[%get3A, %get3A_0] : memref<1000x128xf32, #tpu.memory_space<vmem>>, vector<1000x128xf32>
    %get3A_2 = arith.constant 0 : index
    %get3A_3 = arith.constant 0 : index
    %get3A_4 = vector.load %arg2[%get3A_2, %get3A_3] : memref<128x128xf32, #tpu.memory_space<vmem>>, vector<128x128xf32>
    %dot_general3A = arith.constant dense<0.000000e+00> : vector<1000x128xf32>
    %dot_general3A_5 = tpu.matmul %get3A_1, %get3A_4, %dot_general3A {dimension_numbers = #tpu.dot_dimension_numbers<[1], [1], [0], [0], [0, 0, 1, 0], [], []>, transpose_lhs_hint = false} : vector<1000x128xf32>, vector<128x128xf32>, vector<1000x128xf32> -> vector<1000x128xf32>
    %get3A_6 = arith.constant 0 : index
    %get3A_7 = arith.constant 0 : index
    %get3A_8 = vector.load %arg3[%get3A_6, %get3A_7] : memref<1x128xf32, #tpu.memory_space<vmem>>, vector<1x128xf32>
    %add3A = vector.broadcast %get3A_8 : vector<1x128xf32> to vector<1000x128xf32>
    %add3A_9 = arith.addf %dot_general3A_5, %add3A : vector<1000x128xf32>
    %swap3A = arith.constant 0 : index
    %swap3A_10 = arith.constant 0 : index
    %swap3A_11 = vector.load %arg4[%swap3A, %swap3A_10] : memref<1000x128xf32, #tpu.memory_space<vmem>>, vector<1000x128xf32>
    tpu.vector_store %arg4[%swap3A, %swap3A_10], %add3A_9 {strides = array<i32>} : memref<1000x128xf32, #tpu.memory_space<vmem>>, vector<1000x128xf32>,
    return
  }
  func.func @transform_0(%arg0: i32) -> (i32, i32) {
    %c0_i32 = arith.constant 0 : i32
    %c0_i32_0 = arith.constant 0 : i32
    return %arg0, %c0_i32 : i32, i32
  }
  func.func @transform_1(%arg0: i32) -> (i32, i32) {
    %c0_i32 = arith.constant 0 : i32
    %c0_i32_0 = arith.constant 0 : i32
    %c0_i32_1 = arith.constant 0 : i32
    return %c0_i32, %c0_i32_0 : i32, i32
  }
  func.func @transform_2(%arg0: i32) -> (i32, i32) {
    %c0_i32 = arith.constant 0 : i32
    %c0_i32_0 = arith.constant 0 : i32
    %c0_i32_1 = arith.constant 0 : i32
    return %c0_i32, %c0_i32_0 : i32, i32
  }
  func.func @transform_3(%arg0: i32) -> (i32, i32) {
    %c0_i32 = arith.constant 0 : i32
    %c0_i32_0 = arith.constant 0 : i32
    return %arg0, %c0_i32 : i32, i32
  }
}

module attributes {stable_mosaic.version = 14 : i64} {
  func.func @_comb_body(%arg0: i32, %arg1: memref<2x1280x128xf32, #tpu.memory_space<vmem>>, %arg2: memref<1280x128xf32, #tpu.memory_space<vmem>>, %arg3: memref<20480xf32, #tpu.memory_space<vmem>>, %arg4: memref<1280x128xf32, #tpu.memory_space<vmem>>) attributes {dimension_semantics = [#tpu.dimension_semantics<arbitrary>], iteration_bounds = array<i64: 8>, scalar_prefetch = 0 : i64, scratch_operands = 0 : i64, tpu.core_type = #tpu.core_type<tc>, window_params = [{transform_indices = @transform_0, window_bounds = array<i64: 2, 1280, 128>}, {transform_indices = @transform_1, window_bounds = array<i64: 1280, 128>}, {pipeline_mode = #tpu.pipeline_mode<synchronous>, transform_indices = @transform_2, window_bounds = array<i64: 20480>}, {transform_indices = @transform_3, window_bounds = array<i64: 1280, 128>}]} {
    %mul3A = arith.constant 1280 : i32
    %mul3A_0 = arith.muli %arg0, %mul3A : i32
    %get3A = arith.index_cast %mul3A_0 : i32 to index
    %get3A_1 = vector.load %arg3[%get3A] : memref<20480xf32, #tpu.memory_space<vmem>>, vector<1280xf32>
    %mul3A_2 = arith.constant 1280 : i32
    %mul3A_3 = arith.muli %arg0, %mul3A_2 : i32
    %add3A = arith.constant 10240 : i32
    %add3A_4 = arith.addi %add3A, %mul3A_3 : i32
    %get3A_5 = arith.index_cast %add3A_4 : i32 to index
    %get3A_6 = vector.load %arg3[%get3A_5] : memref<20480xf32, #tpu.memory_space<vmem>>, vector<1280xf32>
    %add3A_7 = arith.addf %get3A_1, %get3A_6 : vector<1280xf32>
    %add3A_8 = arith.constant 1.000000e+00 : f32
    %add3A_9 = vector.broadcast %add3A_8 : f32 to vector<1280xf32>
    %add3A_10 = arith.addf %add3A_7, %add3A_9 : vector<1280xf32>
    %max3A = arith.constant 1.000000e+00 : f32
    %max3A_11 = vector.broadcast %max3A : f32 to vector<1280xf32>
    %max3A_12 = arith.maximumf %add3A_10, %max3A_11 : vector<1280xf32>
    %get3A_13 = arith.constant 0 : index
    %get3A_14 = arith.constant 0 : index
    %get3A_15 = arith.constant 0 : index
    %get3A_16 = vector.load %arg1[%get3A_13, %get3A_14, %get3A_15] : memref<2x1280x128xf32, #tpu.memory_space<vmem>>, vector<1x1280x128xf32>
    %get3A_17 = vector.shape_cast %get3A_16 : vector<1x1280x128xf32> to vector<1280x128xf32>
    %get3A_18 = arith.constant 1 : index
    %get3A_19 = arith.constant 0 : index
    %get3A_20 = arith.constant 0 : index
    %get3A_21 = vector.load %arg1[%get3A_18, %get3A_19, %get3A_20] : memref<2x1280x128xf32, #tpu.memory_space<vmem>>, vector<1x1280x128xf32>
    %get3A_22 = vector.shape_cast %get3A_21 : vector<1x1280x128xf32> to vector<1280x128xf32>
    %add3A_23 = arith.addf %get3A_17, %get3A_22 : vector<1280x128xf32>
    %get3A_24 = arith.constant 0 : index
    %get3A_25 = arith.constant 0 : index
    %get3A_26 = vector.load %arg2[%get3A_24, %get3A_25] : memref<1280x128xf32, #tpu.memory_space<vmem>>, vector<1280x128xf32>
    %sub3A = arith.subf %add3A_23, %get3A_26 : vector<1280x128xf32>
    %broadcast_in_dim3A = vector.shape_cast %max3A_12 : vector<1280xf32> to vector<1280x1xf32>
    %div3A = vector.broadcast %broadcast_in_dim3A : vector<1280x1xf32> to vector<1280x128xf32>
    %div3A_27 = arith.divf %sub3A, %div3A : vector<1280x128xf32>
    %swap3A = arith.constant 0 : index
    %swap3A_28 = arith.constant 0 : index
    %swap3A_29 = vector.load %arg4[%swap3A, %swap3A_28] : memref<1280x128xf32, #tpu.memory_space<vmem>>, vector<1280x128xf32>
    tpu.vector_store %arg4[%swap3A, %swap3A_28], %div3A_27 {strides = array<i32>} : memref<1280x128xf32, #tpu.memory_space<vmem>>, vector<1280x128xf32>,
    return
  }
  func.func @transform_0(%arg0: i32) -> (i32, i32, i32) {
    %c0_i32 = arith.constant 0 : i32
    %c0_i32_0 = arith.constant 0 : i32
    %c0_i32_1 = arith.constant 0 : i32
    return %c0_i32, %arg0, %c0_i32_0 : i32, i32, i32
  }
  func.func @transform_1(%arg0: i32) -> (i32, i32) {
    %c0_i32 = arith.constant 0 : i32
    %c0_i32_0 = arith.constant 0 : i32
    return %arg0, %c0_i32 : i32, i32
  }
  func.func @transform_2(%arg0: i32) -> i32 {
    %c0_i32 = arith.constant 0 : i32
    %c0_i32_0 = arith.constant 0 : i32
    return %c0_i32 : i32
  }
  func.func @transform_3(%arg0: i32) -> (i32, i32) {
    %c0_i32 = arith.constant 0 : i32
    %c0_i32_0 = arith.constant 0 : i32
    return %arg0, %c0_i32 : i32, i32
  }
}

</mosaic_0001>

<sc_bundles>
// kernel: kernel.10.cloned.1.call-start
scs
__scs_entry_jumppad:
0x0: {  	(pc) =	sbr.rel $0x88, $3  }
0x1: {  	(tag) =	ssettag $0x0;
	lr =	simm.s32 $0x1  }
0x2: {  	[smem:$0x3F9D] =	sst lr;
	_ =	strace $0xD0000000  }
0x3: {  	_ = 	snop  }
0x4: {  	_ = 	snop  }
0x5: {  	_ = 	snop  }
0x6: {  	_ = 	snop  }
0x7: {  	_ = 	snop  }
__scs_overlays_trampoline_lowered:
0x8: {  	[smem:$0x3FAC] =	sst s0  }
0x9: {  	[smem:$0x3FAD] =	sst s1  }
0xa: {  	[smem:$0x3FAE] =	sst s2  }
0xb: {  	[smem:$0x3FAF] =	sst s3  }
0xc: {  	[smem:$0x3FB0] =	sst s4  }
0xd: {  	[smem:$0x3FB1] =	sst s5  }
0xe: {  	[smem:$0x3FB2] =	sst s6  }
0xf: {  	[smem:$0x3FB3] =	sst s7  }
0x10: {  	[smem:$0x3FB4] =	sst s8  }
0x11: {  	[smem:$0x3FB5] =	sst s9;
	s0 =	simm.s32 @!p0 $0x0  }
0x12: {  	s1 =	sld [smem:$0x3F9B];
	s0 =	simm.s32 @p0 $0x1  }
0x13: {  	[smem:$0x3FB6] =	sst s0;
	s0 =	simm.s32 @!p1 $0x0  }
0x14: {  	s2 =	sld [smem:$0x3F9A];
	s0 =	simm.s32 @p1 $0x1  }
0x15: {  	[smem:$0x3FB7] =	sst s0;
	s0 =	simm.s32 @!p2 $0x0  }
0x16: {  	s3 =	sld [smem:$0x3FDB];
	s0 =	simm.s32 @p2 $0x1  }
0x17: {  	s4 =	simm.s32 $0x1BF5;
	[smem:$0x3FB9] =	sst s0  }
0x18: {  	s0 =	sld [smem:$0x3F9C];
	_ =	swait.ge [sflag:s4], $0x0  }
0x19: {  	s7 =	sld [smem:$0x3F9D]  }
0x1a: {  	s8 =	sadd.s32 $0xFFFFE003, lr  }
0x1b: {  	s9 =	sadd.s32 $0xFFFFFEF7, lr;
	s5 =	simm.s32 $0xFFFFFFFF;
	p2 =	slt.u32 s8, $0xFFFFF086  }
0x1c: {  	p1 =	slt.u32 s9, $0xF7A;
	s5 =	simm.s32 @!p2 $0x0  }
0x1d: {  	s5 =	simm.s32 @p1 $0x1;
	p0 =	seq.s32 s7, s2  }
0x1e: {  	s7 =	smul.u32 @!p0 $0xF7A, s2;
	p2 =	seq.s32 @!p0 s5, $0x0  }
0x1f: {  	s9 =	smul.u32 $0xF7A, s1;
	s8 =	simm.s32 @!p0 $0x1BF5;
	p2 =	por !p2, p0  }
0x20: {  	[sflag:s8] =	ssyncset.s32 @!p0 $0xFFFFF086;
	s6 =	sadd.s32 @!p0 s3, s7;
	s7 =	simm.s32 @!p0 $0x108  }
0x21: {  	s3 =	sadd.s32 s3, s9;
	s6 =	sadd.s32 @!p0 $0x88, s6;
	s7 =	simm.s32 @p2 $0x1082  }
0x22: {  	[simem:s7], [sflag:s8] =	dma.local @!p0 [hbm:s6], $0xF7A  }
0x23: {  	s9 =	sor.u32 $0xD0000000, s2;
	s6 =	simm.s32 $0x108;
	_ =	swait.ge @!p0 [sflag:s8], $0x0  }
0x24: {  	s3 =	sadd.s32 $0x88, s3;
	s6 =	simm.s32 @!p1 $0x1082;
	[sflag:s4] =	ssyncset.s32 $0xFFFFF086  }
0x25: {  	[simem:s6], [sflag:s4] =	dma.local [hbm:s3], $0xF7A  }
0x26: {  	[smem:$0x3F9D] =	sst s1;
	(tag) =	ssettag s2;
	_ =	strace s9  }
0x27: {  	s1 =	sld [smem:$0x3FAD]  }
0x28: {  	s2 =	sld [smem:$0x3FAE]  }
0x29: {  	s4 =	sld [smem:$0x3FB0]  }
0x2a: {  	p0 =	seq.s32 s5, $0x0;
	s5 =	sld [smem:$0x3FB1]  }
0x2b: {  	s6 =	sld [smem:$0x3FB2]  }
0x2c: {  	s7 =	sld [smem:$0x3FB3]  }
0x2d: {  	s3 =	simm.s32 $0x108;
	s8 =	sld [smem:$0x3FB4]  }
0x2e: {  	s3 =	simm.s32 @!p0 $0x1082;
	s9 =	sld [smem:$0x3FB5]  }
0x2f: {  	lr =	sadd.s32 s0, s3;
	s0 =	sld [smem:$0x3FAC]  }
0x30: {  	s3 =	sld [smem:$0x3FAF]  }
0x31: {  	[smem:$0x3FB8] =	sst s10  }
0x32: {  	s10 =	sld [smem:$0x3FB6];
	_ =	sdelay $0x3  }
0x33: {  	p0 =	seq.s32 s10, $0x1;
	s10 =	sld [smem:$0x3FB8];
	_ =	sdelay $0x3  }
0x34: {  	[smem:$0x3FB8] =	sst s10  }
0x35: {  	s10 =	sld [smem:$0x3FB7];
	_ =	sdelay $0x3  }
0x36: {  	p1 =	seq.s32 s10, $0x1;
	s10 =	sld [smem:$0x3FB8];
	_ =	sdelay $0x3  }
0x37: {  	[smem:$0x3FB8] =	sst s10  }
0x38: {  	s10 =	sld [smem:$0x3FB9]  }
0x39: {  	_ = 	snop;
	(pc) =	sbr.ind lr, $3  }
0x3a: {  	_ = 	snop  }
0x3b: {  	_ = 	snop  }
0x3c: {  	p2 =	seq.s32 s10, $0x1;
	s10 =	sld [smem:$0x3FB8]  }
0x3d: {  	_ =	shalt  }
0x3e: {  	_ =	shalt  }
0x3f: {  	_ =	shalt  }
0x40: {  	_ =	shalt  }
0x41: {  	_ =	shalt  }
0x42: {  	_ =	shalt  }
0x43: {  	_ =	shalt  }
0x44: {  	_ =	shalt  }
0x45: {  	_ =	shalt  }
0x46: {  	_ =	shalt  }
0x47: {  	_ =	shalt  }
0x48: {  	_ =	shalt  }
0x49: {  	_ =	shalt  }
0x4a: {  	_ =	shalt  }
0x4b: {  	_ =	shalt  }
0x4c: {  	_ =	shalt  }
0x4d: {  	_ =	shalt  }
0x4e: {  	_ =	shalt  }
0x4f: {  	_ =	shalt  }
0x50: {  	_ =	shalt  }
0x51: {  	_ =	shalt  }
0x52: {  	_ =	shalt  }
0x53: {  	_ =	shalt  }
0x54: {  	_ =	shalt  }
0x55: {  	_ =	shalt  }
0x56: {  	_ =	shalt  }
0x57: {  	_ =	shalt  }
0x58: {  	_ =	shalt  }
0x59: {  	_ =	shalt  }
0x5a: {  	_ =	shalt  }
0x5b: {  	_ =	shalt  }
0x5c: {  	_ =	shalt  }
0x5d: {  	_ =	shalt  }
0x5e: {  	_ =	shalt  }
0x5f: {  	_ =	shalt  }
0x60: {  	_ =	shalt  }
0x61: {  	_ =	shalt  }
0x62: {  	_ =	shalt  }
0x63: {  	_ =	shalt  }
0x64: {  	_ =	shalt  }
0x65: {  	_ =	shalt  }
0x66: {  	_ =	shalt  }
0x67: {  	_ =	shalt  }
0x68: {  	_ =	shalt  }
0x69: {  	_ =	shalt  }
0x6a: {  	_ =	shalt  }
0x6b: {  	_ =	shalt  }
0x6c: {  	_ =	shalt  }
0x6d: {  	_ =	shalt  }
0x6e: {  	_ =	shalt  }
0x6f: {  	_ =	shalt  }
0x70: {  	_ =	shalt  }
0x71: {  	_ =	shalt  }
0x72: {  	_ =	shalt  }
0x73: {  	_ =	shalt  }
0x74: {  	_ =	shalt  }
0x75: {  	_ =	shalt  }
0x76: {  	_ =	shalt  }
0x77: {  	_ =	shalt  }
0x78: {  	_ =	shalt  }
0x79: {  	_ =	shalt  }
0x7a: {  	_ =	shalt  }
0x7b: {  	_ =	shalt  }
0x7c: {  	_ =	shalt  }
0x7d: {  	_ =	shalt  }
0x7e: {  	_ =	shalt  }
0x7f: {  	_ =	shalt  }
0x80: {  	_ =	shalt  }
0x81: {  	_ =	shalt  }
0x82: {  	_ =	shalt  }
0x83: {  	_ =	shalt  }
0x84: {  	_ =	shalt  }
0x85: {  	_ =	shalt  }
0x86: {  	_ =	shalt  }
0x87: {  	_ =	shalt  }
.Lfunc_end0:
.L_simem_size_0:
called_computation.1_lowered:
.L_overlay_start_0:
0x88: {  	s2 =	sld [smem:$0x3FD9]  }
0x89: {  	s3 =	sld [smem:$0x3FFE];
	_ =	sdelay $0x1  }
0x8a: {  	s1 =	srdreg.scid  }
0x8b: {  	s0 =	sand.u32 $0x1, s1  }
0x8c: {  	s17 =	sshll.u32 s0, $0xA;
	s2 =	sadd.s32 s3, s2  }
0x8d: {  	s2 =	sadd.s32 s2, s17  }
0x8e: {  	[smem:$0x3FC4] =	sst s2  }
0x8f: {  	_ = 	snop  }
0x90: {  	s2 =	sld [smem:$0x3FD0];
	(tm) =	ssettm $0x1  }
0x91: {  	s18 =	sld [smem:$0x3FFB];
	_ =	sdelay $0x3  }
0x92: {  	_ =	strace s18  }
0x93: {  	s3 =	sld [smem:$0x3FFC];
	_ =	sdelay $0x3  }
0x94: {  	_ =	strace s3  }
0x95: {  	s3 =	sld [smem:$0x3FFD];
	_ =	sdelay $0x3  }
0x96: {  	_ =	strace s3  }
0x97: {  	_ =	strace $0x8FFFFFFF  }
0x98: {  	s19 =	sld [smem:$0x3FDB];
	_ =	sdelay $0x1  }
0x99: {  	s4 =	simm.s32 $_scs_section_size  }
0x9a: {  	s5 =	simm.s32 $_size__tile_overlayer_lowered;
	s6 =	simm.s32 $_tile_overlayer_lowered  }
0x9b: {  	s22 =	simm.s32 $0x1BFF;
	s21 =	sshll.u32 s6, $0x1;
	s3 =	sadd.s32 s4, s19  }
0x9c: {  	s7 =	simm.s32 $0x0;
	s20 =	sshll.u32 s5, $0x1;
	s5 =	sadd.s32 s21, s3  }
0x9d: {  	[timem:s7], [sflag:s22] =	dma.local [hbm:s5], s20  }
0x9e: {  	_ =	swait.ge [sflag:s22], s20  }
0x9f: {  	s4 =	ssub.s32 $0x0, s20;
	[sflag:s22] =	ssyncset.done $0x0  }
0xa0: {  	[sflag:s22] =	ssyncadd.s32 s4;
	_ =	sdelay $0x1  }
0xa1: {  	s23 =	simm.s32 $0x1B8B  }
0xa2: {  	_ =	swait.ge [sflag:s23], $0x1  }
0xa3: {  	[sflag:s23] =	ssyncset.done $0x0  }
0xa4: {  	s25 =	simm.s32 $0x1B8E;
	s24 =	sld [smem:$0x3FFE];
	[sflag:s23] =	ssyncadd.s32 $0xFFFFFFFF  }
0xa5: {  	s26 =	simm.s32 $execute0_lowered;
	[smem:$0x3FD2] =	sst s25  }
0xa6: {  	s5 =	sshll.u32 s26, $0x1;
	_ =	strace $0x80000049;
	[dreg:$0x1] =	wrdreg $0xFFFFFFFF  }
0xa7: {  	s28 =	simm.s32 $_size_execute0_lowered;
	s3 =	sadd.s32 s3, s5;
	[dreg:$0x0] =	wrdreg $0x0  }
0xa8: {  	s5 =	sshll.u32 s28, $0x1;
	[dreg:$0x2] =	wrdreg s3  }
0xa9: {  	[dreg:$0x3] =	wrdreg s5  }
0xaa: {  	[dreg:$0x4] =	wrdreg $0xC0  }
0xab: {  	_ =	task [dreg:s7], $0x5FFFF  }
0xac: {  	[dreg:$0x1] =	wrdreg $0xFFFFFFFF  }
0xad: {  	[dreg:$0x0] =	wrdreg $0x60  }
0xae: {  	[dreg:$0x2] =	wrdreg s24  }
0xaf: {  	[dreg:$0x3] =	wrdreg s2  }
0xb0: {  	[dreg:$0x4] =	wrdreg $0x0  }
0xb1: {  	[dreg:$0x5] =	wrdreg $0x9  }
0xb2: {  	_ =	task.clear_ibuf [dreg:s7], $0x6FFFF;
	_ =	strace $0x90000049  }
0xb3: {  	s29 =	simm.s32 $0x9;
	_ =	strace $0x8000004B  }
0xb4: {  	_ =	swait.ge [sflag:s29], $0x1  }
0xb5: {  	[sflag:s29] =	ssyncadd.s32 $0xFFFFFFFF  }
0xb6: {  	_ =	strace $0x9000004B  }
0xb7: {  	_ =	sfence  }
0xb8: {  	s30 =	sld [smem:$0x0];
	_ =	sdelay $0x2  }
0xb9: {  	s31 =	sshll.u32 s1, $0xD;
	s1 =	sshrl.u32 s1, $0x2  }
0xba: {  	s3 =	sand.u32 $0x4000, s31;
	s1 =	sadd.s32 s1, s30  }
0xbb: {  	s0 =	sor.u32 s3, s0;
	s1 =	sshll.u32 s1, $0x11  }
0xbc: {  	s0 =	sor.u32 s1, s0  }
0xbd: {  	s0 =	sadd.s32 $0x8F2B, s0  }
0xbe: {  	[sflag:s0] =	ssyncadd.remote.s32 $0x1  }
0xbf: {  	_ =	sfence.sel $0xFFFF  }
0xc0: {  	[dreg:$0x0] =	wrdreg $0xFFFFFFFF;
	(pc) =	sbr.abs _section_cstart, $3  }
0xc1: {  	[dreg:$0x1] =	wrdreg $0xFFFFFFFF  }
0xc2: {  	_ =	task.clear_ibuf [dreg:s7], $0x2FFFF;
	_ =	strace $0x9FFFFFFF  }
0xc3: {  	(tm) =	ssettm $0x7FFFFFFF  }
tec
execute0_lowered:
.L_overlay_start_1:
0x0: {  	(tag) =	ssettag $0x1  }
0x1: {  	s0 =	rddreg [dreg:$0x0]  }
0x2: {  	s12 =	rddreg [dreg:$0x1]  }
0x3: {  	s3 =	rddreg [dreg:$0x2];
	s11 =	stileid.u32  }
0x4: {  	s1 =	srdreg.scid;
	s13 =	simm.s32 $0x3;
	s7 =	smul.u32 $0x14000, s11  }
0x5: {  	s1 =	sand.u32 $0x1, s1;
	s2 =	sshll.u32 s11, $0x1;
	s10 =	smul.u32 $0x50000, s11  }
0x6: {  	s4 =	sshrl.u32 s11, $0x2;
	s17 =	sshll.u32 s11, $0x6;
	s18 =	smul.u32 $0x7D00, s11  }
0x7: {  	s11 =	smov.u32 s12;
	s2 =	sor.u32 s1, s2;
	s5 =	smul.u32 $0x13C00, s4  }
0x8: {  	s4 =	simm.s32 $0x0;
	s8 =	smul.u32 $0x140000, s1;
	s9 =	ssub.s32 $0x2, s1  }
0x9: {  	s1 =	smul.u32 $0x3E80, s1;
	s6 =	sshll.u32 s2, $0x7;
	[smem:$0x7FF] =	sst s4  }
0xa: {  	s15 =	sshrl.u32 s9, $0x1;
	s10 =	sshrl.u32 s10, $0x2;
	s2 =	smul.u32 $0x3E80, s2  }
0xb: {  	s6 =	sand.u32 $0x380, s6;
	_ =	strace $0x8000004A;
	s8 =	sadd.s32 s7, s8  }
0xc: {  	s7 =	sshrl.u32 s7, $0x3;
	s16 =	sadd.s32 s10, s3;
	[dreg:$0x5] =	wrdreg s17  }
0xd: {  	s10 =	sor.u32 $0x1C01, s17;
	s1 =	sadd.s32 s1, s18;
	s18 =	simm.s32 $0x16A00  }
0xe: {  	s17 =	simm.s32 $0xD;
	s6 =	sor.u32 s5, s6;
	s5 =	sadd.s32 $0xB800, s0  }
0xf: {  	s8 =	sshrl.u32 s8, $0x3;
	s2 =	sshrl.u32 s2, $0x3;
	[dreg:$0x6] =	wrdreg s10  }
0x10: {  	s22 =	sadd.s32 $0x380, s1;
	s23 =	sadd.s32 $0x280, s1;
	s25 =	sadd.s32 $0x300, s1  }
0x11: {  	s28 =	sadd.s32 $0x200, s1;
	s29 =	sadd.s32 $0x480, s1;
	s1 =	sadd.s32 $0x400, s1  }
0x12: {  	s6 =	sshrl.u32 s6, $0x3;
	s7 =	sadd.s32 s5, s7;
	[dreg:$0x10] =	wrdreg s25  }
0x13: {  	s2 =	sadd.s32 s12, s2;
	s1 =	sshrl.u32 s1, $0x3;
	[dreg:$0x4] =	wrdreg s7  }
0x14: {  	s25 =	simm.s32 $0x19380;
	s19 =	sadd.s32 $0x10, s2;
	[dreg:$0x7] =	wrdreg s2  }
0x15: {  	s6 =	sadd.s32 s6, s0;
	s20 =	sadd.s32 $0x20, s2;
	[dreg:$0x9] =	wrdreg s19  }
0x16: {  	s0 =	sadd.s32 s8, s0;
	s21 =	sadd.s32 $0x30, s2;
	[dreg:$0xa] =	wrdreg s20  }
0x17: {  	s8 =	ssub.s32 s9, s15;
	s2 =	sadd.s32 $0x7C0, s2;
	[dreg:$0xb] =	wrdreg s21  }
0x18: {  	s31 =	sadd.s32 s1, s12;
	s15 =	sshrl.u32 s16, $0x3;
	[dreg:$0xc] =	wrdreg s2  }
0x19: {  	s7 =	simm.s32 $0x5;
	s16 =	simm.s32 $0x4;
	[dreg:$0x14] =	wrdreg s31  }
0x1a: {  	s9 =	simm.s32 $0x6;
	s6 =	sadd.s32 $0x1A00, s6;
	[dreg:$0x15] =	wrdreg s15  }
0x1b: {  	s0 =	sadd.s32 $0x33800, s0;
	s24 =	smax.u32 s8, $0x1;
	[dreg:$0x8] =	wrdreg s6  }
0x1c: {  	s2 =	sshrl.u32 s23, $0x3;
	s21 =	simm.s32 $0xE;
	[dreg:$0xd] =	wrdreg s0  }
0x1d: {  	s8 =	simm.s32 $0x2;
	s19 =	simm.s32 $0x16A00;
	[dreg:$0xe] =	wrdreg s24  }
0x1e: {  	s0 =	sshrl.u32 s22, $0x3;
	s26 =	sadd.s32 s2, s12;
	s2 =	sshrl.u32 s29, $0x3  }
0x1f: {  	s24 =	simm.s32 $0x16B80;
	s0 =	sadd.s32 s0, s12;
	[dreg:$0x11] =	wrdreg s26  }
0x20: {  	s30 =	sadd.s32 s2, s12;
	[dreg:$0xf] =	wrdreg s0;
	s0 =	sshrl.u32 s28, $0x3  }
0x21: {  	s2 =	simm.s32 $0x0;
	[dreg:$0x13] =	wrdreg s30;
	s0 =	sadd.s32 s0, s12  }
0x22: {  	s12 =	simm.s32 $0x1BB80;
	[dreg:$0x12] =	wrdreg s0;
	s0 =	simm.s32 $0x50  }
.LBB2_1:
0x23: {  	[dreg:$0x16] =	wrdreg s2  }
0x24: {  	s1 =	rddreg [dreg:$0x4]  }
0x25: {  	s14 =	rddreg [dreg:$0x6];
	s22 =	simm.s32 $0x400  }
0x26: {  	[spmem:s15], [sflag:s14] =	dma.local [hbm:s1], $0x2800  }
0x27: {  	s20 =	simm.s32 $0x14000;
	s15 =	simm.s32 $0x80;
	s1 =	rddreg [dreg:$0x8]  }
0x28: {  	[tilespmem:s20], [sflag:$0xE] =	stream.strided.gather [hbm4b:s1+s15], $0x2780, s22, s15, $0x38;
	[tilespmem:$0x1E380] =	vst v63  }
0x29: {  	_ =	swait.ge [sflag:s21], $0x2780  }
0x2a: {  	[sflag:s21] =	ssyncset.done $0x0  }
0x2b: {  	s23 =	rddreg [dreg:$0x7];
	[sflag:s21] =	ssyncadd.s32 $0xFFFFD880;
	s21 =	simm.s32 $0x16780  }
0x2c: {  	[tilespmem:s21], [sflag:$0x8] =	stream.linear.gather [hbm4b:s23+s4], $0x80, $0x38;
	[tilespmem:$0x1E380] =	vst v63  }
0x2d: {  	s10 =	simm.s32 $0x16800;
	s26 =	rddreg [dreg:$0x9]  }
0x2e: {  	[tilespmem:s10], [sflag:$0x9] =	stream.linear.gather [hbm4b:s26+s4], $0x80, $0x38;
	[tilespmem:$0x1E380] =	vst v63  }
0x2f: {  	s14 =	simm.s32 $0x16880;
	s30 =	rddreg [dreg:$0xa]  }
0x30: {  	[tilespmem:s14], [sflag:$0xA] =	stream.linear.gather [hbm4b:s30+s4], $0x80, $0x38;
	[tilespmem:$0x1E380] =	vst v63  }
0x31: {  	s2 =	rddreg [dreg:$0xb];
	s26 =	simm.s32 $0x16900  }
0x32: {  	[tilespmem:s26], [sflag:$0xB] =	stream.linear.gather [hbm4b:s2+s4], $0x80, $0x38;
	[tilespmem:$0x1E380] =	vst v63  }
0x33: {  	_ = 	snop  }
0x34: {  	[tilespmem:s24], [sflag:$0x2] =	stream.indirect.gather [hbm4b:s5+s0], $0x80, s20, s0, $0xb8;
	[tilespmem:$0x1E380] =	vst v63  }
0x35: {  	s6 =	simm.s32 $0x14050;
	s15 =	simm.s32 $0x1  }
0x36: {  	[tilespmem:s25], [sflag:$0x3] =	stream.indirect.gather [hbm4b:s5+s0], $0x80, s6, s0, $0xb8;
	[tilespmem:$0x1E380] =	vst v63  }
0x37: {  	_ =	swait.ge [sflag:s15], $0x2800  }
0x38: {  	[sflag:s15] =	ssyncset.done $0x0  }
0x39: {  	[sflag:s15] =	ssyncadd.s32 $0xFFFFD800  }
0x3a: {  	[bflag:$0x0] =	sbarrier.arrive $0xFFFF  }
0x3b: {  	_ =	swait.ge [sflag:s8], $0x2800  }
0x3c: {  	[sflag:s8] =	ssyncset.done $0x0  }
0x3d: {  	s20 =	simm.s32 $0x8;
	[sflag:s8] =	ssyncadd.s32 $0xFFFFD800  }
0x3e: {  	_ =	swait.ge [sflag:s20], $0x80  }
0x3f: {  	[sflag:s20] =	ssyncset.done $0x0  }
0x40: {  	p0 =	por $0x1, $0x1;
	[sflag:s20] =	ssyncadd.s32 $0xFFFFFF80  }
0x41: {  	[spmem:s3] =	stream.indirect.scatter.add.f32 [tilespmem:s24], [sflag:$0x5], $0x80, s21, s0, $0xb8;
	[tilespmem:$0x1E380] =	vst v63  }
0x42: {  	s1 =	simm.s32 @!p0 $0x7;
	s6 =	simm.s32 $0x16980;
	s30 =	rddreg [dreg:$0x12]  }
0x43: {  	[tilespmem:s6], [sflag:$0xC] =	stream.linear.gather [hbm4b:s30+s4], $0x80, $0x38;
	[tilespmem:$0x1E380] =	vst v63  }
0x44: {  	_ =	swait.ge @!p0 [sflag:s1], $0x2800  }
0x45: {  	[sflag:s1] =	ssyncset.done @!p0 $0x0  }
0x46: {  	s22 =	simm.s32 $0x140A0;
	[sflag:s1] =	ssyncadd.s32 @!p0 $0xFFFFD800  }
0x47: {  	[tilespmem:s12], [sflag:$0x4] =	stream.indirect.gather [hbm4b:s5+s0], $0x80, s22, s0, $0xb8;
	[tilespmem:$0x1E380] =	vst v63  }
0x48: {  	_ =	swait.ge [sflag:s13], $0x2800  }
0x49: {  	[sflag:s13] =	ssyncset.done $0x0  }
0x4a: {  	s23 =	simm.s32 $0x9;
	[sflag:s13] =	ssyncadd.s32 $0xFFFFD800  }
0x4b: {  	_ =	swait.ge [sflag:s23], $0x80  }
0x4c: {  	[sflag:s23] =	ssyncset.done $0x0  }
0x4d: {  	[sflag:s23] =	ssyncadd.s32 $0xFFFFFF80  }
0x4e: {  	[spmem:s3] =	stream.indirect.scatter.add.f32 [tilespmem:s25], [sflag:$0x6], $0x80, s10, s0, $0xb8;
	[tilespmem:$0x1E380] =	vst v63  }
0x4f: {  	s15 =	rddreg [dreg:$0x11]  }
0x50: {  	[tilespmem:s18], [sflag:$0xD] =	stream.linear.gather [hbm4b:s15+s4], $0x80, $0x38;
	[tilespmem:$0x1E380] =	vst v63  }
0x51: {  	_ =	swait.ge [sflag:s7], $0x2800  }
0x52: {  	[sflag:s7] =	ssyncset.done $0x0  }
0x53: {  	s2 =	simm.s32 $0x140F0;
	[sflag:s7] =	ssyncadd.s32 $0xFFFFD800  }
0x54: {  	[tilespmem:s24], [sflag:$0x2] =	stream.indirect.gather [hbm4b:s5+s0], $0x80, s2, s0, $0xb8;
	[tilespmem:$0x1E380] =	vst v63  }
0x55: {  	_ =	swait.ge [sflag:s16], $0x2800  }
0x56: {  	[sflag:s16] =	ssyncset.done $0x0  }
0x57: {  	s20 =	simm.s32 $0xA;
	[sflag:s16] =	ssyncadd.s32 $0xFFFFD800  }
0x58: {  	_ =	swait.ge [sflag:s20], $0x80  }
0x59: {  	[sflag:s20] =	ssyncset.done $0x0;
	s2 =	rddreg [dreg:$0x10]  }
0x5a: {  	[sflag:s20] =	ssyncadd.s32 $0xFFFFFF80;
	s22 =	sshrl.u32 s2, $0x3  }
0x5b: {  	[spmem:s3] =	stream.indirect.scatter.add.f32 [tilespmem:s12], [sflag:$0x7], $0x80, s14, s0, $0xb8;
	[tilespmem:$0x1E380] =	vst v63  }
0x5c: {  	s1 =	sadd.s32 s11, s22  }
0x5d: {  	[tilespmem:s21], [sflag:$0x8] =	stream.linear.gather [hbm4b:s1+s4], $0x80, $0x38;
	[tilespmem:$0x1E380] =	vst v63  }
0x5e: {  	_ =	swait.ge [sflag:s9], $0x2800  }
0x5f: {  	[sflag:s9] =	ssyncset.done $0x0  }
0x60: {  	s23 =	simm.s32 $0x14140;
	[sflag:s9] =	ssyncadd.s32 $0xFFFFD800  }
0x61: {  	[tilespmem:s25], [sflag:$0x3] =	stream.indirect.gather [hbm4b:s5+s0], $0x80, s23, s0, $0xb8;
	[tilespmem:$0x1E380] =	vst v63  }
0x62: {  	_ =	swait.ge [sflag:s8], $0x2800  }
0x63: {  	[sflag:s8] =	ssyncset.done $0x0  }
0x64: {  	s20 =	simm.s32 $0xB;
	[sflag:s8] =	ssyncadd.s32 $0xFFFFD800  }
0x65: {  	_ =	swait.ge [sflag:s20], $0x80  }
0x66: {  	[sflag:s20] =	ssyncset.done $0x0  }
0x67: {  	[sflag:s20] =	ssyncadd.s32 $0xFFFFFF80  }
0x68: {  	[spmem:s3] =	stream.indirect.scatter.add.f32 [tilespmem:s24], [sflag:$0x5], $0x80, s26, s0, $0xb8;
	[tilespmem:$0x1E380] =	vst v63  }
0x69: {  	s21 =	simm.s32 $0x7;
	s29 =	rddreg [dreg:$0xf]  }
0x6a: {  	[tilespmem:s10], [sflag:$0x9] =	stream.linear.gather [hbm4b:s29+s4], $0x80, $0x38;
	[tilespmem:$0x1E380] =	vst v63  }
0x6b: {  	_ =	swait.ge [sflag:s21], $0x2800  }
0x6c: {  	[sflag:s21] =	ssyncset.done $0x0  }
0x6d: {  	s22 =	simm.s32 $0x14190;
	[sflag:s21] =	ssyncadd.s32 $0xFFFFD800  }
0x6e: {  	[tilespmem:s12], [sflag:$0x4] =	stream.indirect.gather [hbm4b:s5+s0], $0x80, s22, s0, $0xb8;
	[tilespmem:$0x1E380] =	vst v63  }
0x6f: {  	_ =	swait.ge [sflag:s13], $0x2800  }
0x70: {  	[sflag:s13] =	ssyncset.done $0x0  }
0x71: {  	s23 =	simm.s32 $0xC;
	[sflag:s13] =	ssyncadd.s32 $0xFFFFD800  }
0x72: {  	_ =	swait.ge [sflag:s23], $0x80  }
0x73: {  	[sflag:s23] =	ssyncset.done $0x0  }
0x74: {  	[sflag:s23] =	ssyncadd.s32 $0xFFFFFF80  }
0x75: {  	[spmem:s3] =	stream.indirect.scatter.add.f32 [tilespmem:s25], [sflag:$0x6], $0x80, s6, s0, $0xb8;
	[tilespmem:$0x1E380] =	vst v63  }
0x76: {  	s10 =	rddreg [dreg:$0x14]  }
0x77: {  	[tilespmem:s14], [sflag:$0xA] =	stream.linear.gather [hbm4b:s10+s4], $0x80, $0x38;
	[tilespmem:$0x1E380] =	vst v63  }
0x78: {  	_ =	swait.ge [sflag:s7], $0x2800  }
0x79: {  	[sflag:s7] =	ssyncset.done $0x0  }
0x7a: {  	s14 =	simm.s32 $0x141E0;
	[sflag:s7] =	ssyncadd.s32 $0xFFFFD800  }
0x7b: {  	[tilespmem:s24], [sflag:$0x2] =	stream.indirect.gather [hbm4b:s5+s0], $0x80, s14, s0, $0xb8;
	[tilespmem:$0x1E380] =	vst v63  }
0x7c: {  	_ =	swait.ge [sflag:s16], $0x2800  }
0x7d: {  	[sflag:s16] =	ssyncset.done $0x0  }
0x7e: {  	[sflag:s16] =	ssyncadd.s32 $0xFFFFD800  }
0x7f: {  	_ =	swait.ge [sflag:s17], $0x80  }
0x80: {  	[sflag:s17] =	ssyncset.done $0x0  }
0x81: {  	s31 =	simm.s32 $0x14230;
	[sflag:s17] =	ssyncadd.s32 $0xFFFFFF80  }
0x82: {  	[spmem:s3] =	stream.indirect.scatter.add.f32 [tilespmem:s12], [sflag:$0x7], $0x80, s18, s0, $0xb8;
	[tilespmem:$0x1E380] =	vst v63  }
0x83: {  	s28 =	sadd.s32 $0x60, s15;
	s1 =	sadd.s32 $0x300, s2;
	s18 =	rddreg [dreg:$0x13]  }
0x84: {  	[tilespmem:s26], [sflag:$0xB] =	stream.linear.gather [hbm4b:s18+s4], $0x80, $0x38;
	[tilespmem:$0x1E380] =	vst v63  }
0x85: {  	s20 =	sadd.s32 $0x60, s30;
	s21 =	simm.s32 $0x780;
	_ =	swait.ge [sflag:s9], $0x2800  }
0x86: {  	s23 =	sadd.s32 $0x60, s10;
	s22 =	sadd.s32 $0x60, s18;
	[sflag:s9] =	ssyncset.done $0x0  }
.LBB2_2:
0x87: {  	[sflag:s9] =	ssyncadd.s32 $0xFFFFD800;
	s29 =	sadd.s32 $0x60, s29  }
0x88: {  	s2 =	smov.u32 s21;
	s21 =	sadd.s32 $0x780, s21;
	s30 =	smov.u32 s22  }
0x89: {  	[tilespmem:s25], [sflag:$0x3] =	stream.indirect.gather [hbm4b:s5+s0], $0x80, s31, s0, $0xb8;
	[tilespmem:$0x1E380] =	vst v63  }
0x8a: {  	p0 =	sne.s32 s21, $0x9600;
	_ =	swait.ge [sflag:s8], $0x2800  }
0x8b: {  	[sflag:s8] =	ssyncset.done $0x0  }
0x8c: {  	s6 =	simm.s32 $0x8;
	[sflag:s8] =	ssyncadd.s32 $0xFFFFD800  }
0x8d: {  	_ =	swait.ge [sflag:s6], $0x80  }
0x8e: {  	[sflag:s6] =	ssyncset.done $0x0  }
0x8f: {  	s10 =	simm.s32 $0x16780;
	[sflag:s6] =	ssyncadd.s32 $0xFFFFFF80  }
0x90: {  	[spmem:s3] =	stream.indirect.scatter.add.f32 [tilespmem:s24], [sflag:$0x5], $0x80, s10, s0, $0xb8;
	[tilespmem:$0x1E380] =	vst v63  }
0x91: {  	s18 =	simm.s32 $0x16980;
	p1 =	seq.s32 s2, $0x0  }
0x92: {  	[tilespmem:s18], [sflag:$0xC] =	stream.linear.gather [hbm4b:s20+s4], $0x80, $0x38;
	[tilespmem:$0x1E380] =	vst v63  }
0x93: {  	s15 =	smov.u32 s11;
	s11 =	simm.s32 @!p1 $0x7  }
0x94: {  	s31 =	sshra.s32 s2, $0x2;
	_ =	swait.ge @!p1 [sflag:s11], $0x2800  }
0x95: {  	s2 =	sadd.s32 $0x140A0, s31;
	[sflag:s11] =	ssyncset.done @!p1 $0x0  }
0x96: {  	[sflag:s11] =	ssyncadd.s32 @!p1 $0xFFFFD800;
	s11 =	smov.u32 s15  }
0x97: {  	[tilespmem:s12], [sflag:$0x4] =	stream.indirect.gather [hbm4b:s5+s0], $0x80, s2, s0, $0xb8;
	[tilespmem:$0x1E380] =	vst v63  }
0x98: {  	_ =	swait.ge [sflag:s13], $0x2800  }
0x99: {  	[sflag:s13] =	ssyncset.done $0x0  }
0x9a: {  	s2 =	simm.s32 $0x9;
	[sflag:s13] =	ssyncadd.s32 $0xFFFFD800  }
0x9b: {  	_ =	swait.ge [sflag:s2], $0x80  }
0x9c: {  	[sflag:s2] =	ssyncset.done $0x0  }
0x9d: {  	s14 =	simm.s32 $0x16800;
	[sflag:s2] =	ssyncadd.s32 $0xFFFFFF80  }
0x9e: {  	[spmem:s3] =	stream.indirect.scatter.add.f32 [tilespmem:s25], [sflag:$0x6], $0x80, s14, s0, $0xb8;
	[tilespmem:$0x1E380] =	vst v63  }
0x9f: {  	_ = 	snop  }
0xa0: {  	[tilespmem:s19], [sflag:$0xD] =	stream.linear.gather [hbm4b:s28+s4], $0x80, $0x38;
	[tilespmem:$0x1E380] =	vst v63  }
0xa1: {  	_ =	swait.ge [sflag:s7], $0x2800  }
0xa2: {  	s2 =	sadd.s32 $0x140F0, s31;
	[sflag:s7] =	ssyncset.done $0x0  }
0xa3: {  	[sflag:s7] =	ssyncadd.s32 $0xFFFFD800  }
0xa4: {  	[tilespmem:s24], [sflag:$0x2] =	stream.indirect.gather [hbm4b:s5+s0], $0x80, s2, s0, $0xb8;
	[tilespmem:$0x1E380] =	vst v63  }
0xa5: {  	_ =	swait.ge [sflag:s16], $0x2800  }
0xa6: {  	[sflag:s16] =	ssyncset.done $0x0  }
0xa7: {  	s2 =	simm.s32 $0xA;
	[sflag:s16] =	ssyncadd.s32 $0xFFFFD800  }
0xa8: {  	_ =	swait.ge [sflag:s2], $0x80  }
0xa9: {  	[sflag:s2] =	ssyncset.done $0x0  }
0xaa: {  	s26 =	simm.s32 $0x16880;
	[sflag:s2] =	ssyncadd.s32 $0xFFFFFF80;
	s2 =	sshrl.u32 s1, $0x3  }
0xab: {  	[spmem:s3] =	stream.indirect.scatter.add.f32 [tilespmem:s12], [sflag:$0x7], $0x80, s26, s0, $0xb8;
	[tilespmem:$0x1E380] =	vst v63  }
0xac: {  	s2 =	sadd.s32 s15, s2;
	s15 =	simm.s32 $0x16780  }
0xad: {  	[tilespmem:s10], [sflag:$0x8] =	stream.linear.gather [hbm4b:s2+s4], $0x80, $0x38;
	[tilespmem:$0x1E380] =	vst v63  }
0xae: {  	_ =	swait.ge [sflag:s9], $0x2800  }
0xaf: {  	s2 =	sadd.s32 $0x14140, s31;
	[sflag:s9] =	ssyncset.done $0x0  }
0xb0: {  	[sflag:s9] =	ssyncadd.s32 $0xFFFFD800  }
0xb1: {  	[tilespmem:s25], [sflag:$0x3] =	stream.indirect.gather [hbm4b:s5+s0], $0x80, s2, s0, $0xb8;
	[tilespmem:$0x1E380] =	vst v63  }
0xb2: {  	_ =	swait.ge [sflag:s8], $0x2800  }
0xb3: {  	[sflag:s8] =	ssyncset.done $0x0  }
0xb4: {  	s2 =	simm.s32 $0xB;
	[sflag:s8] =	ssyncadd.s32 $0xFFFFD800  }
0xb5: {  	_ =	swait.ge [sflag:s2], $0x80  }
0xb6: {  	[sflag:s2] =	ssyncset.done $0x0  }
0xb7: {  	s6 =	simm.s32 $0x16900;
	[sflag:s2] =	ssyncadd.s32 $0xFFFFFF80  }
0xb8: {  	[spmem:s3] =	stream.indirect.scatter.add.f32 [tilespmem:s24], [sflag:$0x5], $0x80, s6, s0, $0xb8;
	[tilespmem:$0x1E380] =	vst v63  }
0xb9: {  	_ = 	snop  }
0xba: {  	[tilespmem:s14], [sflag:$0x9] =	stream.linear.gather [hbm4b:s29+s4], $0x80, $0x38;
	[tilespmem:$0x1E380] =	vst v63  }
0xbb: {  	s10 =	simm.s32 $0x16800;
	s14 =	simm.s32 $0x7  }
0xbc: {  	_ =	swait.ge [sflag:s14], $0x2800  }
0xbd: {  	s2 =	sadd.s32 $0x14190, s31;
	[sflag:s14] =	ssyncset.done $0x0  }
0xbe: {  	[sflag:s14] =	ssyncadd.s32 $0xFFFFD800  }
0xbf: {  	[tilespmem:s12], [sflag:$0x4] =	stream.indirect.gather [hbm4b:s5+s0], $0x80, s2, s0, $0xb8;
	[tilespmem:$0x1E380] =	vst v63  }
0xc0: {  	_ =	swait.ge [sflag:s13], $0x2800  }
0xc1: {  	[sflag:s13] =	ssyncset.done $0x0  }
0xc2: {  	s2 =	simm.s32 $0xC;
	[sflag:s13] =	ssyncadd.s32 $0xFFFFD800  }
0xc3: {  	_ =	swait.ge [sflag:s2], $0x80  }
0xc4: {  	[sflag:s2] =	ssyncset.done $0x0  }
0xc5: {  	[sflag:s2] =	ssyncadd.s32 $0xFFFFFF80  }
0xc6: {  	[spmem:s3] =	stream.indirect.scatter.add.f32 [tilespmem:s25], [sflag:$0x6], $0x80, s18, s0, $0xb8;
	[tilespmem:$0x1E380] =	vst v63  }
0xc7: {  	s14 =	simm.s32 $0x16880  }
0xc8: {  	[tilespmem:s26], [sflag:$0xA] =	stream.linear.gather [hbm4b:s23+s4], $0x80, $0x38;
	[tilespmem:$0x1E380] =	vst v63  }
0xc9: {  	_ =	swait.ge [sflag:s7], $0x2800  }
0xca: {  	s2 =	sadd.s32 $0x141E0, s31;
	[sflag:s7] =	ssyncset.done $0x0  }
0xcb: {  	[sflag:s7] =	ssyncadd.s32 $0xFFFFD800  }
0xcc: {  	[tilespmem:s24], [sflag:$0x2] =	stream.indirect.gather [hbm4b:s5+s0], $0x80, s2, s0, $0xb8;
	[tilespmem:$0x1E380] =	vst v63  }
0xcd: {  	_ =	swait.ge [sflag:s16], $0x2800  }
0xce: {  	[sflag:s16] =	ssyncset.done $0x0  }
0xcf: {  	[sflag:s16] =	ssyncadd.s32 $0xFFFFD800  }
0xd0: {  	_ =	swait.ge [sflag:s17], $0x80  }
0xd1: {  	[sflag:s17] =	ssyncset.done $0x0  }
0xd2: {  	[sflag:s17] =	ssyncadd.s32 $0xFFFFFF80  }
0xd3: {  	[spmem:s3] =	stream.indirect.scatter.add.f32 [tilespmem:s12], [sflag:$0x7], $0x80, s19, s0, $0xb8;
	[tilespmem:$0x1E380] =	vst v63  }
.Ltmp0:
0xd4: {  	_ = 	snop;
	(pc) =	sbr.rel @p0 .LBB2_2-.Ltmp0, $4  }
0xd5: {  	s22 =	sadd.s32 $0x60, s22;
	s23 =	sadd.s32 $0x60, s23;
	s2 =	simm.s32 $0x16900  }
0xd6: {  	[tilespmem:s6], [sflag:$0xB] =	stream.linear.gather [hbm4b:s30+s4], $0x80, $0x38;
	[tilespmem:$0x1E380] =	vst v63  }
0xd7: {  	s20 =	sadd.s32 $0x60, s20;
	s28 =	sadd.s32 $0x60, s28;
	_ =	swait.ge [sflag:s9], $0x2800  }
0xd8: {  	s1 =	sadd.s32 $0x300, s1;
	s31 =	sadd.s32 $0x14230, s31;
	[sflag:s9] =	ssyncset.done $0x0  }
0xd9: {  	[sflag:s9] =	ssyncadd.s32 $0xFFFFD800  }
0xda: {  	[tilespmem:s25], [sflag:$0x3] =	stream.indirect.gather [hbm4b:s5+s0], $0x80, s31, s0, $0xb8;
	[tilespmem:$0x1E380] =	vst v63  }
0xdb: {  	_ =	swait.ge [sflag:s8], $0x2800  }
0xdc: {  	[sflag:s8] =	ssyncset.done $0x0  }
0xdd: {  	s1 =	simm.s32 $0x8;
	[sflag:s8] =	ssyncadd.s32 $0xFFFFD800  }
0xde: {  	_ =	swait.ge [sflag:s1], $0x80  }
0xdf: {  	[sflag:s1] =	ssyncset.done $0x0  }
0xe0: {  	[sflag:s1] =	ssyncadd.s32 $0xFFFFFF80  }
0xe1: {  	[spmem:s3] =	stream.indirect.scatter.add.f32 [tilespmem:s24], [sflag:$0x5], $0x80, s15, s0, $0xb8;
	[tilespmem:$0x1E380] =	vst v63  }
0xe2: {  	s6 =	simm.s32 $0x16980;
	s30 =	simm.s32 $0x7;
	s29 =	rddreg [dreg:$0xc]  }
0xe3: {  	[tilespmem:s6], [sflag:$0xC] =	stream.linear.gather [hbm4b:s29+s4], $0x80, $0x38;
	[tilespmem:$0x1E380] =	vst v63  }
0xe4: {  	_ =	swait.ge [sflag:s30], $0x2800  }
0xe5: {  	[sflag:s30] =	ssyncset.done $0x0  }
0xe6: {  	s31 =	simm.s32 $0x16620;
	[sflag:s30] =	ssyncadd.s32 $0xFFFFD800  }
0xe7: {  	[tilespmem:s12], [sflag:$0x4] =	stream.indirect.gather [hbm4b:s5+s0], $0x80, s31, s0, $0xb8;
	[tilespmem:$0x1E380] =	vst v63  }
0xe8: {  	_ =	swait.ge [sflag:s13], $0x2800  }
0xe9: {  	[sflag:s13] =	ssyncset.done $0x0  }
0xea: {  	s18 =	simm.s32 $0x9;
	[sflag:s13] =	ssyncadd.s32 $0xFFFFD800  }
0xeb: {  	_ =	swait.ge [sflag:s18], $0x80  }
0xec: {  	[sflag:s18] =	ssyncset.done $0x0  }
0xed: {  	[sflag:s18] =	ssyncadd.s32 $0xFFFFFF80  }
0xee: {  	[spmem:s3] =	stream.indirect.scatter.add.f32 [tilespmem:s25], [sflag:$0x6], $0x80, s10, s0, $0xb8;
	[tilespmem:$0x1E380] =	vst v63  }
0xef: {  	_ =	swait.ge [sflag:s7], $0x2800  }
0xf0: {  	[sflag:s7] =	ssyncset.done $0x0  }
0xf1: {  	s20 =	simm.s32 $0x16670;
	[sflag:s7] =	ssyncadd.s32 $0xFFFFD800  }
0xf2: {  	[tilespmem:s24], [sflag:$0x2] =	stream.indirect.gather [hbm4b:s5+s0], $0x80, s20, s0, $0xb8;
	[tilespmem:$0x1E380] =	vst v63  }
0xf3: {  	_ =	swait.ge [sflag:s16], $0x2800  }
0xf4: {  	[sflag:s16] =	ssyncset.done $0x0  }
0xf5: {  	s21 =	simm.s32 $0xA;
	[sflag:s16] =	ssyncadd.s32 $0xFFFFD800  }
0xf6: {  	_ =	swait.ge [sflag:s21], $0x80  }
0xf7: {  	[sflag:s21] =	ssyncset.done $0x0  }
0xf8: {  	[sflag:s21] =	ssyncadd.s32 $0xFFFFFF80  }
0xf9: {  	[spmem:s3] =	stream.indirect.scatter.add.f32 [tilespmem:s12], [sflag:$0x7], $0x80, s14, s0, $0xb8;
	[tilespmem:$0x1E380] =	vst v63  }
0xfa: {  	_ =	swait.ge [sflag:s9], $0x2800  }
0xfb: {  	[sflag:s9] =	ssyncset.done $0x0  }
0xfc: {  	s22 =	simm.s32 $0x166C0;
	[sflag:s9] =	ssyncadd.s32 $0xFFFFD800  }
0xfd: {  	[tilespmem:s25], [sflag:$0x3] =	stream.indirect.gather [hbm4b:s5+s0], $0x80, s22, s0, $0xb8;
	[tilespmem:$0x1E380] =	vst v63  }
0xfe: {  	_ =	swait.ge [sflag:s8], $0x2800  }
0xff: {  	[sflag:s8] =	ssyncset.done $0x0  }
0x100: {  	s23 =	simm.s32 $0xB;
	[sflag:s8] =	ssyncadd.s32 $0xFFFFD800  }
0x101: {  	_ =	swait.ge [sflag:s23], $0x80  }
0x102: {  	[sflag:s23] =	ssyncset.done $0x0  }
0x103: {  	[sflag:s23] =	ssyncadd.s32 $0xFFFFFF80  }
0x104: {  	[spmem:s3] =	stream.indirect.scatter.add.f32 [tilespmem:s24], [sflag:$0x5], $0x80, s2, s0, $0xb8;
	[tilespmem:$0x1E380] =	vst v63  }
0x105: {  	_ =	swait.ge [sflag:s30], $0x2800  }
0x106: {  	[sflag:s30] =	ssyncset.done $0x0  }
0x107: {  	[sflag:s30] =	ssyncadd.s32 $0xFFFFD800  }
0x108: {  	_ =	swait.ge [sflag:s13], $0x2800  }
0x109: {  	[sflag:s13] =	ssyncset.done $0x0  }
0x10a: {  	s26 =	simm.s32 $0xC;
	[sflag:s13] =	ssyncadd.s32 $0xFFFFD800  }
0x10b: {  	_ =	swait.ge [sflag:s26], $0x80  }
0x10c: {  	[sflag:s26] =	ssyncset.done $0x0  }
0x10d: {  	[sflag:s26] =	ssyncadd.s32 $0xFFFFFF80  }
0x10e: {  	[spmem:s3] =	stream.indirect.scatter.add.f32 [tilespmem:s25], [sflag:$0x6], $0x80, s6, s0, $0xb8;
	[tilespmem:$0x1E380] =	vst v63  }
0x10f: {  	_ =	swait.ge [sflag:s7], $0x2800  }
0x110: {  	[sflag:s7] =	ssyncset.done $0x0  }
0x111: {  	[sflag:s7] =	ssyncadd.s32 $0xFFFFD800  }
0x112: {  	_ =	swait.ge [sflag:s9], $0x2800  }
0x113: {  	[sflag:s9] =	ssyncset.done $0x0  }
0x114: {  	[sflag:s9] =	ssyncadd.s32 $0xFFFFD800  }
0x115: {  	[bflag:$0x0] =	sbarrier.arrive $0xFFFF  }
0x116: {  	s28 =	rddreg [dreg:$0x5]  }
0x117: {  	s29 =	rddreg [dreg:$0xd]  }
0x118: {  	s21 =	simm.s32 $0xE;
	s15 =	rddreg [dreg:$0x15];
	s1 =	sor.u32 $0x1C0E, s28  }
0x119: {  	[hbm:s29], [sflag:s1] =	dma.local [spmem:s15], $0x2800  }
0x11a: {  	_ =	swait.ge [sflag:s21], $0x2800  }
0x11b: {  	s30 =	rddreg [dreg:$0x16]  }
0x11c: {  	s31 =	rddreg [dreg:$0xe];
	s2 =	sadd.s32 $0x1, s30  }
0x11d: {  	p0 =	sne.s32 s2, s31  }
.Ltmp1:
0x11e: {  	_ = 	snop;
	(pc) =	sbr.rel @p0 .LBB2_1-.Ltmp1, $3  }
0x11f: {  	_ =	sdelay $0x1  }
0x120: {  	[sflag:s21] =	ssyncset.done $0x0  }
0x121: {  	s18 =	simm.s32 $0x16A00;
	[sflag:s21] =	ssyncadd.s32 $0xFFFFD800  }
0x122: {  	_ =	sfence.sel $0x180000  }
0x123: {  	[bflag:$0x0] =	sbarrier.arrive $0xFFFF  }
0x124: {  	_ =	strace $0x9000004A  }
0x125: {  	s0 =	stileid.u32;
	[bflag:$0x2] =	sbarrier.arrive $0xFFFF  }
0x126: {  	p0 =	sne.s32 s0, $0x0;
	s0 =	rddreg [dreg:$0x3]  }
0x127: {  	s0 =	sadd.s32 @!p0 $0x100000, s0  }
0x128: {  	[sflag:s0] =	ssyncadd.tile.s32 @!p0 $0x1;
	_ =	shalt  }
.Lfunc_end2:
_tile_overlayer_lowered:
.L_overlay_start_2:
0x129: {  	(tag) =	ssettag $0x2  }
0x12a: {  	s0 =	rddreg [dreg:$0x0];
	s2 =	stileid.u32  }
0x12b: {  	s1 =	rddreg [dreg:$0x1];
	p0 =	sne.s32 s2, $0x0  }
0x12c: {  	s3 =	rddreg [dreg:$0x2];
	[bflag:$0x3] =	sbarrier.arrive $0xFFFF;
	s2 =	simm.s32 @!p0 $0x1C0E  }
0x12d: {  	[timem:s3], [sflag:s2] =	dma.local @!p0 [hbm:s0], s1  }
0x12e: {  	s0 =	simm.s32 @!p0 $0xE  }
0x12f: {  	_ =	swait.ge @!p0 [sflag:s0], s1  }
0x130: {  	s1 =	ssub.s32 @!p0 $0x0, s1;
	[sflag:s0] =	ssyncset.done @!p0 $0x0  }
0x131: {  	[sflag:s0] =	ssyncadd.s32 @!p0 s1  }
0x132: {  	[bflag:$0x3] =	sbarrier.arrive $0xFFFF  }
0x133: {  	_ =	shalt  }

// kernel: kernel.7.cloned.1.call-start
scs
__scs_entry_jumppad:
0x0: {  	(pc) =	sbr.rel $0x88, $3  }
0x1: {  	(tag) =	ssettag $0x0;
	lr =	simm.s32 $0x1  }
0x2: {  	[smem:$0x3F9D] =	sst lr;
	_ =	strace $0xD0000000  }
0x3: {  	_ = 	snop  }
0x4: {  	_ = 	snop  }
0x5: {  	_ = 	snop  }
0x6: {  	_ = 	snop  }
0x7: {  	_ = 	snop  }
__scs_overlays_trampoline_lowered:
0x8: {  	[smem:$0x3FAC] =	sst s0  }
0x9: {  	[smem:$0x3FAD] =	sst s1  }
0xa: {  	[smem:$0x3FAE] =	sst s2  }
0xb: {  	[smem:$0x3FAF] =	sst s3  }
0xc: {  	[smem:$0x3FB0] =	sst s4  }
0xd: {  	[smem:$0x3FB1] =	sst s5  }
0xe: {  	[smem:$0x3FB2] =	sst s6  }
0xf: {  	[smem:$0x3FB3] =	sst s7  }
0x10: {  	[smem:$0x3FB4] =	sst s8  }
0x11: {  	[smem:$0x3FB5] =	sst s9;
	s0 =	simm.s32 @!p0 $0x0  }
0x12: {  	s1 =	sld [smem:$0x3F9B];
	s0 =	simm.s32 @p0 $0x1  }
0x13: {  	[smem:$0x3FB6] =	sst s0;
	s0 =	simm.s32 @!p1 $0x0  }
0x14: {  	s2 =	sld [smem:$0x3F9A];
	s0 =	simm.s32 @p1 $0x1  }
0x15: {  	[smem:$0x3FB7] =	sst s0;
	s0 =	simm.s32 @!p2 $0x0  }
0x16: {  	s3 =	sld [smem:$0x3FDB];
	s0 =	simm.s32 @p2 $0x1  }
0x17: {  	s4 =	simm.s32 $0x1BF5;
	[smem:$0x3FB9] =	sst s0  }
0x18: {  	s0 =	sld [smem:$0x3F9C];
	_ =	swait.ge [sflag:s4], $0x0  }
0x19: {  	s7 =	sld [smem:$0x3F9D]  }
0x1a: {  	s8 =	sadd.s32 $0xFFFFE003, lr  }
0x1b: {  	s9 =	sadd.s32 $0xFFFFFEF7, lr;
	s5 =	simm.s32 $0xFFFFFFFF;
	p2 =	slt.u32 s8, $0xFFFFF086  }
0x1c: {  	p1 =	slt.u32 s9, $0xF7A;
	s5 =	simm.s32 @!p2 $0x0  }
0x1d: {  	s5 =	simm.s32 @p1 $0x1;
	p0 =	seq.s32 s7, s2  }
0x1e: {  	s7 =	smul.u32 @!p0 $0xF7A, s2;
	p2 =	seq.s32 @!p0 s5, $0x0  }
0x1f: {  	s9 =	smul.u32 $0xF7A, s1;
	s8 =	simm.s32 @!p0 $0x1BF5;
	p2 =	por !p2, p0  }
0x20: {  	[sflag:s8] =	ssyncset.s32 @!p0 $0xFFFFF086;
	s6 =	sadd.s32 @!p0 s3, s7;
	s7 =	simm.s32 @!p0 $0x108  }
0x21: {  	s3 =	sadd.s32 s3, s9;
	s6 =	sadd.s32 @!p0 $0x88, s6;
	s7 =	simm.s32 @p2 $0x1082  }
0x22: {  	[simem:s7], [sflag:s8] =	dma.local @!p0 [hbm:s6], $0xF7A  }
0x23: {  	s9 =	sor.u32 $0xD0000000, s2;
	s6 =	simm.s32 $0x108;
	_ =	swait.ge @!p0 [sflag:s8], $0x0  }
0x24: {  	s3 =	sadd.s32 $0x88, s3;
	s6 =	simm.s32 @!p1 $0x1082;
	[sflag:s4] =	ssyncset.s32 $0xFFFFF086  }
0x25: {  	[simem:s6], [sflag:s4] =	dma.local [hbm:s3], $0xF7A  }
0x26: {  	[smem:$0x3F9D] =	sst s1;
	(tag) =	ssettag s2;
	_ =	strace s9  }
0x27: {  	s1 =	sld [smem:$0x3FAD]  }
0x28: {  	s2 =	sld [smem:$0x3FAE]  }
0x29: {  	s4 =	sld [smem:$0x3FB0]  }
0x2a: {  	p0 =	seq.s32 s5, $0x0;
	s5 =	sld [smem:$0x3FB1]  }
0x2b: {  	s6 =	sld [smem:$0x3FB2]  }
0x2c: {  	s7 =	sld [smem:$0x3FB3]  }
0x2d: {  	s3 =	simm.s32 $0x108;
	s8 =	sld [smem:$0x3FB4]  }
0x2e: {  	s3 =	simm.s32 @!p0 $0x1082;
	s9 =	sld [smem:$0x3FB5]  }
0x2f: {  	lr =	sadd.s32 s0, s3;
	s0 =	sld [smem:$0x3FAC]  }
0x30: {  	s3 =	sld [smem:$0x3FAF]  }
0x31: {  	[smem:$0x3FB8] =	sst s10  }
0x32: {  	s10 =	sld [smem:$0x3FB6];
	_ =	sdelay $0x3  }
0x33: {  	p0 =	seq.s32 s10, $0x1;
	s10 =	sld [smem:$0x3FB8];
	_ =	sdelay $0x3  }
0x34: {  	[smem:$0x3FB8] =	sst s10  }
0x35: {  	s10 =	sld [smem:$0x3FB7];
	_ =	sdelay $0x3  }
0x36: {  	p1 =	seq.s32 s10, $0x1;
	s10 =	sld [smem:$0x3FB8];
	_ =	sdelay $0x3  }
0x37: {  	[smem:$0x3FB8] =	sst s10  }
0x38: {  	s10 =	sld [smem:$0x3FB9]  }
0x39: {  	_ = 	snop;
	(pc) =	sbr.ind lr, $3  }
0x3a: {  	_ = 	snop  }
0x3b: {  	_ = 	snop  }
0x3c: {  	p2 =	seq.s32 s10, $0x1;
	s10 =	sld [smem:$0x3FB8]  }
0x3d: {  	_ =	shalt  }
0x3e: {  	_ =	shalt  }
0x3f: {  	_ =	shalt  }
0x40: {  	_ =	shalt  }
0x41: {  	_ =	shalt  }
0x42: {  	_ =	shalt  }
0x43: {  	_ =	shalt  }
0x44: {  	_ =	shalt  }
0x45: {  	_ =	shalt  }
0x46: {  	_ =	shalt  }
0x47: {  	_ =	shalt  }
0x48: {  	_ =	shalt  }
0x49: {  	_ =	shalt  }
0x4a: {  	_ =	shalt  }
0x4b: {  	_ =	shalt  }
0x4c: {  	_ =	shalt  }
0x4d: {  	_ =	shalt  }
0x4e: {  	_ =	shalt  }
0x4f: {  	_ =	shalt  }
0x50: {  	_ =	shalt  }
0x51: {  	_ =	shalt  }
0x52: {  	_ =	shalt  }
0x53: {  	_ =	shalt  }
0x54: {  	_ =	shalt  }
0x55: {  	_ =	shalt  }
0x56: {  	_ =	shalt  }
0x57: {  	_ =	shalt  }
0x58: {  	_ =	shalt  }
0x59: {  	_ =	shalt  }
0x5a: {  	_ =	shalt  }
0x5b: {  	_ =	shalt  }
0x5c: {  	_ =	shalt  }
0x5d: {  	_ =	shalt  }
0x5e: {  	_ =	shalt  }
0x5f: {  	_ =	shalt  }
0x60: {  	_ =	shalt  }
0x61: {  	_ =	shalt  }
0x62: {  	_ =	shalt  }
0x63: {  	_ =	shalt  }
0x64: {  	_ =	shalt  }
0x65: {  	_ =	shalt  }
0x66: {  	_ =	shalt  }
0x67: {  	_ =	shalt  }
0x68: {  	_ =	shalt  }
0x69: {  	_ =	shalt  }
0x6a: {  	_ =	shalt  }
0x6b: {  	_ =	shalt  }
0x6c: {  	_ =	shalt  }
0x6d: {  	_ =	shalt  }
0x6e: {  	_ =	shalt  }
0x6f: {  	_ =	shalt  }
0x70: {  	_ =	shalt  }
0x71: {  	_ =	shalt  }
0x72: {  	_ =	shalt  }
0x73: {  	_ =	shalt  }
0x74: {  	_ =	shalt  }
0x75: {  	_ =	shalt  }
0x76: {  	_ =	shalt  }
0x77: {  	_ =	shalt  }
0x78: {  	_ =	shalt  }
0x79: {  	_ =	shalt  }
0x7a: {  	_ =	shalt  }
0x7b: {  	_ =	shalt  }
0x7c: {  	_ =	shalt  }
0x7d: {  	_ =	shalt  }
0x7e: {  	_ =	shalt  }
0x7f: {  	_ =	shalt  }
0x80: {  	_ =	shalt  }
0x81: {  	_ =	shalt  }
0x82: {  	_ =	shalt  }
0x83: {  	_ =	shalt  }
0x84: {  	_ =	shalt  }
0x85: {  	_ =	shalt  }
0x86: {  	_ =	shalt  }
0x87: {  	_ =	shalt  }
.Lfunc_end0:
.L_simem_size_0:
called_computation_lowered:
.L_overlay_start_0:
0x88: {  	s2 =	sld [smem:$0x3FD9]  }
0x89: {  	s3 =	sld [smem:$0x3FFE];
	_ =	sdelay $0x1  }
0x8a: {  	s1 =	srdreg.scid  }
0x8b: {  	s0 =	sand.u32 $0x1, s1  }
0x8c: {  	s17 =	sshll.u32 s0, $0xA;
	s2 =	sadd.s32 s3, s2  }
0x8d: {  	s2 =	sadd.s32 s2, s17  }
0x8e: {  	[smem:$0x3FC4] =	sst s2  }
0x8f: {  	_ = 	snop  }
0x90: {  	s2 =	sld [smem:$0x3FD0];
	(tm) =	ssettm $0x1  }
0x91: {  	s18 =	sld [smem:$0x3FFB];
	_ =	sdelay $0x3  }
0x92: {  	_ =	strace s18  }
0x93: {  	s3 =	sld [smem:$0x3FFC];
	_ =	sdelay $0x3  }
0x94: {  	_ =	strace s3  }
0x95: {  	s3 =	sld [smem:$0x3FFD];
	_ =	sdelay $0x3  }
0x96: {  	_ =	strace s3  }
0x97: {  	_ =	strace $0x8FFFFFFF  }
0x98: {  	s19 =	sld [smem:$0x3FDB];
	_ =	sdelay $0x1  }
0x99: {  	s4 =	simm.s32 $_scs_section_size  }
0x9a: {  	s5 =	simm.s32 $_size__tile_overlayer_lowered;
	s6 =	simm.s32 $_tile_overlayer_lowered  }
0x9b: {  	s22 =	simm.s32 $0x1BFF;
	s21 =	sshll.u32 s6, $0x1;
	s3 =	sadd.s32 s4, s19  }
0x9c: {  	s7 =	simm.s32 $0x0;
	s20 =	sshll.u32 s5, $0x1;
	s5 =	sadd.s32 s21, s3  }
0x9d: {  	[timem:s7], [sflag:s22] =	dma.local [hbm:s5], s20  }
0x9e: {  	_ =	swait.ge [sflag:s22], s20  }
0x9f: {  	s4 =	ssub.s32 $0x0, s20;
	[sflag:s22] =	ssyncset.done $0x0  }
0xa0: {  	[sflag:s22] =	ssyncadd.s32 s4;
	_ =	sdelay $0x1  }
0xa1: {  	s23 =	simm.s32 $0x1B8B  }
0xa2: {  	_ =	swait.ge [sflag:s23], $0x1  }
0xa3: {  	[sflag:s23] =	ssyncset.done $0x0  }
0xa4: {  	s25 =	simm.s32 $0x1B8E;
	s24 =	sld [smem:$0x3FFE];
	[sflag:s23] =	ssyncadd.s32 $0xFFFFFFFF  }
0xa5: {  	s26 =	simm.s32 $execute0_lowered;
	[smem:$0x3FD2] =	sst s25  }
0xa6: {  	s5 =	sshll.u32 s26, $0x1;
	_ =	strace $0x80000046;
	[dreg:$0x1] =	wrdreg $0xFFFFFFFF  }
0xa7: {  	s28 =	simm.s32 $_size_execute0_lowered;
	s3 =	sadd.s32 s3, s5;
	[dreg:$0x0] =	wrdreg $0x0  }
0xa8: {  	s5 =	sshll.u32 s28, $0x1;
	[dreg:$0x2] =	wrdreg s3  }
0xa9: {  	[dreg:$0x3] =	wrdreg s5  }
0xaa: {  	[dreg:$0x4] =	wrdreg $0xC0  }
0xab: {  	_ =	task [dreg:s7], $0x5FFFF  }
0xac: {  	[dreg:$0x1] =	wrdreg $0xFFFFFFFF  }
0xad: {  	[dreg:$0x0] =	wrdreg $0x60  }
0xae: {  	[dreg:$0x2] =	wrdreg s24  }
0xaf: {  	[dreg:$0x3] =	wrdreg s2  }
0xb0: {  	[dreg:$0x4] =	wrdreg $0x0  }
0xb1: {  	[dreg:$0x5] =	wrdreg $0x1E3800  }
0xb2: {  	[dreg:$0x6] =	wrdreg $0x9  }
0xb3: {  	_ =	task.clear_ibuf [dreg:s7], $0x7FFFF;
	_ =	strace $0x90000046  }
0xb4: {  	s29 =	simm.s32 $0x9;
	_ =	strace $0x80000048  }
0xb5: {  	_ =	swait.ge [sflag:s29], $0x1  }
0xb6: {  	[sflag:s29] =	ssyncadd.s32 $0xFFFFFFFF  }
0xb7: {  	_ =	strace $0x90000048  }
0xb8: {  	_ =	sfence  }
0xb9: {  	s30 =	sld [smem:$0x0];
	_ =	sdelay $0x2  }
0xba: {  	s31 =	sshll.u32 s1, $0xD;
	s1 =	sshrl.u32 s1, $0x2  }
0xbb: {  	s3 =	sand.u32 $0x4000, s31;
	s1 =	sadd.s32 s1, s30  }
0xbc: {  	s0 =	sor.u32 s3, s0;
	s1 =	sshll.u32 s1, $0x11  }
0xbd: {  	s0 =	sor.u32 s1, s0  }
0xbe: {  	s0 =	sadd.s32 $0x8F2B, s0  }
0xbf: {  	[sflag:s0] =	ssyncadd.remote.s32 $0x1  }
0xc0: {  	_ =	sfence.sel $0xFFFF  }
0xc1: {  	[dreg:$0x0] =	wrdreg $0xFFFFFFFF;
	(pc) =	sbr.abs _section_cstart, $3  }
0xc2: {  	[dreg:$0x1] =	wrdreg $0xFFFFFFFF  }
0xc3: {  	_ =	task.clear_ibuf [dreg:s7], $0x2FFFF;
	_ =	strace $0x9FFFFFFF  }
0xc4: {  	(tm) =	ssettm $0x7FFFFFFF  }
0xc5: {  	_ =	shalt  }
tec
execute0_lowered:
.L_overlay_start_1:
0x0: {  	(tag) =	ssettag $0x1  }
0x1: {  	s0 =	rddreg [dreg:$0x0]  }
0x2: {  	s26 =	rddreg [dreg:$0x1]  }
0x3: {  	s2 =	rddreg [dreg:$0x2];
	s15 =	stileid.u32  }
0x4: {  	s1 =	srdreg.scid;
	s8 =	smul.u32 $0x14000, s15  }
0x5: {  	s4 =	rddreg [dreg:$0x3];
	s29 =	simm.s32 $0x1E680;
	s24 =	smul.u32 $0x280, s15  }
0x6: {  	s30 =	simm.s32 $0xD;
	s5 =	sshrl.u32 s15, $0x2;
	s14 =	smul.u32 $0x50000, s15  }
0x7: {  	s1 =	sand.u32 $0x1, s1;
	s3 =	sshll.u32 s15, $0x1;
	s6 =	smul.u32 $0x13C00, s5  }
0x8: {  	s31 =	sshll.u32 s15, $0x6;
	s3 =	sor.u32 s1, s3;
	s9 =	smul.u32 $0x140000, s1  }
0x9: {  	s5 =	simm.s32 $0x0;
	s11 =	smul.u32 $0x2800, s1;
	s12 =	ssub.s32 $0x2, s1  }
0xa: {  	s1 =	smul.u32 $0x3E80, s1;
	s7 =	sshll.u32 s3, $0x7;
	[smem:$0x7FF] =	sst s5  }
0xb: {  	s13 =	sshrl.u32 s12, $0x1;
	s28 =	sshrl.u32 s14, $0x2;
	s3 =	smul.u32 $0x3E80, s3  }
0xc: {  	s7 =	sand.u32 $0x380, s7;
	_ =	strace $0x80000047;
	s9 =	sadd.s32 s8, s9  }
0xd: {  	s11 =	sadd.s32 s24, s11;
	s25 =	ssub.s32 s12, s13;
	s8 =	sshrl.u32 s8, $0x3  }
0xe: {  	s12 =	sadd.s32 s28, s2;
	[dreg:$0x7] =	wrdreg s31;
	s13 =	sadd.s32 s24, s4  }
0xf: {  	s6 =	sor.u32 s6, s7;
	s9 =	sshrl.u32 s9, $0x3;
	s11 =	sshrl.u32 s11, $0x3  }
0x10: {  	[dreg:$0x5] =	wrdreg s12;
	s3 =	sshrl.u32 s3, $0x3;
	s12 =	smul.u32 $0x7D00, s15  }
0x11: {  	s20 =	smax.u32 s25, $0x1;
	s7 =	simm.s32 $0x50;
	[dreg:$0xe] =	wrdreg s13  }
0x12: {  	s10 =	sshrl.u32 s6, $0x3;
	s6 =	sadd.s32 $0xB800, s0;
	s9 =	sadd.s32 s9, s0  }
0x13: {  	s14 =	sadd.s32 s26, s3;
	[dreg:$0x11] =	wrdreg s20;
	s10 =	sadd.s32 s10, s0  }
0x14: {  	s0 =	sadd.s32 s11, s0;
	s8 =	sadd.s32 s6, s8;
	[dreg:$0xa] =	wrdreg s14  }
0x15: {  	s3 =	sadd.s32 $0x10, s14;
	s15 =	sadd.s32 $0x20, s14;
	[dreg:$0x6] =	wrdreg s8  }
0x16: {  	s16 =	sadd.s32 $0x30, s14;
	s17 =	sadd.s32 $0x33800, s9;
	[dreg:$0xb] =	wrdreg s3  }
0x17: {  	s1 =	sadd.s32 s1, s12;
	s9 =	simm.s32 $0x3;
	[dreg:$0xc] =	wrdreg s15  }
0x18: {  	s12 =	simm.s32 $0x5;
	s11 =	simm.s32 $0x4;
	[dreg:$0xd] =	wrdreg s16  }
0x19: {  	s8 =	sor.u32 $0x1C01, s31;
	s10 =	sadd.s32 $0x1A00, s10;
	[dreg:$0xf] =	wrdreg s17  }
0x1a: {  	s0 =	sadd.s32 $0x83800, s0;
	s18 =	sadd.s32 $0x380, s1;
	s19 =	sadd.s32 $0x280, s1  }
0x1b: {  	s21 =	sadd.s32 $0x300, s1;
	s23 =	sadd.s32 $0x200, s1;
	s24 =	sadd.s32 $0x480, s1  }
0x1c: {  	s1 =	sadd.s32 $0x400, s1;
	s31 =	sadd.s32 $0x7C0, s14;
	[dreg:$0x8] =	wrdreg s8  }
0x1d: {  	s14 =	simm.s32 $0x2;
	s17 =	simm.s32 $0x1E600;
	[dreg:$0x9] =	wrdreg s10  }
0x1e: {  	s16 =	simm.s32 $0xE;
	[dreg:$0x10] =	wrdreg s0;
	s0 =	sshrl.u32 s18, $0x3  }
0x1f: {  	s3 =	sshrl.u32 s19, $0x3;
	[dreg:$0x13] =	wrdreg s21;
	s1 =	sshrl.u32 s1, $0x3  }
0x20: {  	[dreg:$0x18] =	wrdreg s31;
	s18 =	simm.s32 $0xF;
	s8 =	simm.s32 $0x16B80  }
0x21: {  	s10 =	simm.s32 $0x19380;
	s19 =	simm.s32 $0x1BB80;
	s0 =	sadd.s32 s0, s26  }
0x22: {  	s21 =	simm.s32 $0x6;
	s22 =	sadd.s32 s3, s26;
	[dreg:$0x12] =	wrdreg s0  }
0x23: {  	s3 =	sshrl.u32 s24, $0x3;
	s28 =	sadd.s32 s1, s26;
	[dreg:$0x14] =	wrdreg s22  }
0x24: {  	s0 =	sshrl.u32 s23, $0x3;
	s25 =	sadd.s32 s3, s26;
	[dreg:$0x17] =	wrdreg s28  }
0x25: {  	s1 =	simm.s32 $0x0;
	s0 =	sadd.s32 s0, s26;
	[dreg:$0x16] =	wrdreg s25  }
0x26: {  	v0 =	vimm.f32 $0.0e+00;
	v1 =	vimm.f32 $1.000000000e+00;
	s24 =	simm.s32 $0x16A00;
	s23 =	simm.s32 $0x16A00;
	[dreg:$0x15] =	wrdreg s0  }
.LBB2_1:
0x27: {  	[dreg:$0x19] =	wrdreg s1  }
0x28: {  	s0 =	rddreg [dreg:$0x5]  }
0x29: {  	s15 =	rddreg [dreg:$0x6]  }
0x2a: {  	s20 =	rddreg [dreg:$0x8];
	s3 =	sshrl.u32 s0, $0x3  }
0x2b: {  	s22 =	simm.s32 $0x80;
	[dreg:$0x1a] =	wrdreg s3  }
0x2c: {  	[spmem:s3], [sflag:s20] =	dma.local [hbm:s15], $0x2800  }
0x2d: {  	s25 =	simm.s32 $0x400;
	s15 =	simm.s32 $0x14000;
	s0 =	rddreg [dreg:$0x9]  }
0x2e: {  	[tilespmem:s15], [sflag:$0xF] =	stream.strided.gather [hbm4b:s0+s22], $0x2780, s25, s22, $0x38;
	[tilespmem:$0x1E900] =	vst v63  }
0x2f: {  	_ =	swait.ge [sflag:s18], $0x2780  }
0x30: {  	[sflag:s18] =	ssyncset.done $0x0  }
0x31: {  	s22 =	simm.s32 $0x16780;
	s20 =	rddreg [dreg:$0xa];
	[sflag:s18] =	ssyncadd.s32 $0xFFFFD880  }
0x32: {  	[tilespmem:s22], [sflag:$0x8] =	stream.linear.gather [hbm4b:s20+s5], $0x80, $0x38;
	[tilespmem:$0x1E900] =	vst v63  }
0x33: {  	s25 =	rddreg [dreg:$0xb];
	s20 =	simm.s32 $0x16800  }
0x34: {  	[tilespmem:s20], [sflag:$0x9] =	stream.linear.gather [hbm4b:s25+s5], $0x80, $0x38;
	[tilespmem:$0x1E900] =	vst v63  }
0x35: {  	s1 =	rddreg [dreg:$0xc];
	s25 =	simm.s32 $0x16880  }
0x36: {  	[tilespmem:s25], [sflag:$0xA] =	stream.linear.gather [hbm4b:s1+s5], $0x80, $0x38;
	[tilespmem:$0x1E900] =	vst v63  }
0x37: {  	s28 =	simm.s32 $0x16900;
	s3 =	rddreg [dreg:$0xd]  }
0x38: {  	[tilespmem:s28], [sflag:$0xB] =	stream.linear.gather [hbm4b:s3+s5], $0x80, $0x38;
	[tilespmem:$0x1E900] =	vst v63  }
0x39: {  	_ = 	snop  }
0x3a: {  	[tilespmem:s8], [sflag:$0x2] =	stream.indirect.gather [hbm4b:s6+s7], $0x80, s15, s7, $0xb8;
	[tilespmem:$0x1E900] =	vst v63  }
0x3b: {  	s15 =	simm.s32 $0x14050  }
0x3c: {  	[tilespmem:s10], [sflag:$0x3] =	stream.indirect.gather [hbm4b:s6+s7], $0x80, s15, s7, $0xb8;
	[tilespmem:$0x1E900] =	vst v63  }
0x3d: {  	[tilespmem:$0x1E680] =	vst v0  }
0x3e: {  	[tilespmem:$0x1E690] =	vst v0  }
0x3f: {  	[tilespmem:$0x1E6A0] =	vst v0  }
0x40: {  	[tilespmem:$0x1E6B0] =	vst v0  }
0x41: {  	[tilespmem:$0x1E6C0] =	vst v0  }
0x42: {  	[tilespmem:$0x1E6D0] =	vst v0  }
0x43: {  	[tilespmem:$0x1E6E0] =	vst v0  }
0x44: {  	[tilespmem:$0x1E6F0] =	vst v0  }
0x45: {  	[tilespmem:$0x1E700] =	vst v0  }
0x46: {  	[tilespmem:$0x1E710] =	vst v0  }
0x47: {  	[tilespmem:$0x1E720] =	vst v0  }
0x48: {  	[tilespmem:$0x1E730] =	vst v0  }
0x49: {  	[tilespmem:$0x1E740] =	vst v0  }
0x4a: {  	[tilespmem:$0x1E750] =	vst v0  }
0x4b: {  	[tilespmem:$0x1E760] =	vst v0  }
0x4c: {  	[tilespmem:$0x1E770] =	vst v0  }
0x4d: {  	[tilespmem:$0x1E780] =	vst v0  }
0x4e: {  	[tilespmem:$0x1E790] =	vst v0  }
0x4f: {  	[tilespmem:$0x1E7A0] =	vst v0  }
0x50: {  	[tilespmem:$0x1E7B0] =	vst v0  }
0x51: {  	[tilespmem:$0x1E7C0] =	vst v0  }
0x52: {  	[tilespmem:$0x1E7D0] =	vst v0  }
0x53: {  	[tilespmem:$0x1E7E0] =	vst v0  }
0x54: {  	[tilespmem:$0x1E7F0] =	vst v0  }
0x55: {  	[tilespmem:$0x1E800] =	vst v0  }
0x56: {  	[tilespmem:$0x1E810] =	vst v0  }
0x57: {  	[tilespmem:$0x1E820] =	vst v0  }
0x58: {  	[tilespmem:$0x1E830] =	vst v0  }
0x59: {  	[tilespmem:$0x1E840] =	vst v0  }
0x5a: {  	[tilespmem:$0x1E850] =	vst v0  }
0x5b: {  	[tilespmem:$0x1E860] =	vst v0  }
0x5c: {  	[tilespmem:$0x1E870] =	vst v0  }
0x5d: {  	[tilespmem:$0x1E880] =	vst v0  }
0x5e: {  	[tilespmem:$0x1E890] =	vst v0  }
0x5f: {  	[tilespmem:$0x1E8A0] =	vst v0  }
0x60: {  	[tilespmem:$0x1E8B0] =	vst v0  }
0x61: {  	[tilespmem:$0x1E8C0] =	vst v0  }
0x62: {  	[tilespmem:$0x1E8D0] =	vst v0  }
0x63: {  	[tilespmem:$0x1E8E0] =	vst v0  }
0x64: {  	[tilespmem:$0x1E8F0] =	vst v0  }
0x65: {  	[spmem:s13] =	stream.linear.scatter [tilespmem:s29], [sflag:$0xF], $0x280, $0x38;
	[tilespmem:$0x1E900] =	vst v63  }
0x66: {  	_ =	swait.ge [sflag:s18], $0x280  }
0x67: {  	[sflag:s18] =	ssyncset.done $0x0  }
0x68: {  	[sflag:s18] =	ssyncadd.s32 $0xFFFFFD80  }
0x69: {  	[tilespmem:$0x1E600] =	vst v1  }
0x6a: {  	[tilespmem:$0x1E610] =	vst v1  }
0x6b: {  	[tilespmem:$0x1E620] =	vst v1  }
0x6c: {  	[tilespmem:$0x1E630] =	vst v1  }
0x6d: {  	s1 =	simm.s32 $0x1;
	[tilespmem:$0x1E640] =	vst v1  }
0x6e: {  	_ =	swait.ge [sflag:s1], $0x2800  }
0x6f: {  	[sflag:s1] =	ssyncset.done $0x0  }
0x70: {  	[sflag:s1] =	ssyncadd.s32 $0xFFFFD800  }
0x71: {  	[bflag:$0x0] =	sbarrier.arrive $0xFFFF  }
0x72: {  	_ =	swait.ge [sflag:s14], $0x2800  }
0x73: {  	[sflag:s14] =	ssyncset.done $0x0  }
0x74: {  	s3 =	simm.s32 $0x8;
	[sflag:s14] =	ssyncadd.s32 $0xFFFFD800  }
0x75: {  	_ =	swait.ge [sflag:s3], $0x80  }
0x76: {  	p0 =	por $0x1, $0x1;
	[sflag:s3] =	ssyncset.done $0x0  }
0x77: {  	s0 =	simm.s32 @!p0 $0xE;
	[sflag:s3] =	ssyncadd.s32 $0xFFFFFF80  }
0x78: {  	[spmem:s2] =	stream.indirect.scatter.add.f32 [tilespmem:s8], [sflag:$0x5], $0x80, s22, s7, $0xb8;
	[tilespmem:$0x1E900] =	vst v63  }
0x79: {  	_ =	swait.ge @!p0 [sflag:s0], $0x50  }
0x7a: {  	[sflag:s0] =	ssyncset.done @!p0 $0x0  }
0x7b: {  	[sflag:s0] =	ssyncadd.s32 @!p0 $0xFFFFFFB0  }
0x7c: {  	[spmem:s4] =	stream.indirect.scatter.add.f32 [tilespmem:s17], [sflag:$0xE], $0x1, s22, s7, $0xb8;
	[tilespmem:$0x1E900] =	vst v63  }
0x7d: {  	s18 =	simm.s32 $0x16980;
	s1 =	simm.s32 @!p0 $0x7;
	s15 =	rddreg [dreg:$0x15]  }
0x7e: {  	[tilespmem:s18], [sflag:$0xC] =	stream.linear.gather [hbm4b:s15+s5], $0x80, $0x38;
	[tilespmem:$0x1E900] =	vst v63  }
0x7f: {  	_ =	swait.ge @!p0 [sflag:s1], $0x2800  }
0x80: {  	[sflag:s1] =	ssyncset.done @!p0 $0x0  }
0x81: {  	s13 =	simm.s32 $0x140A0;
	[sflag:s1] =	ssyncadd.s32 @!p0 $0xFFFFD800  }
0x82: {  	[tilespmem:s19], [sflag:$0x4] =	stream.indirect.gather [hbm4b:s6+s7], $0x80, s13, s7, $0xb8;
	[tilespmem:$0x1E900] =	vst v63  }
0x83: {  	_ =	swait.ge [sflag:s9], $0x2800  }
0x84: {  	[sflag:s9] =	ssyncset.done $0x0  }
0x85: {  	s13 =	simm.s32 $0x9;
	[sflag:s9] =	ssyncadd.s32 $0xFFFFD800  }
0x86: {  	_ =	swait.ge [sflag:s13], $0x80  }
0x87: {  	[sflag:s13] =	ssyncset.done $0x0  }
0x88: {  	[sflag:s13] =	ssyncadd.s32 $0xFFFFFF80  }
0x89: {  	[spmem:s2] =	stream.indirect.scatter.add.f32 [tilespmem:s10], [sflag:$0x6], $0x80, s20, s7, $0xb8;
	[tilespmem:$0x1E900] =	vst v63  }
0x8a: {  	_ =	swait.ge @!p0 [sflag:s0], $0x50  }
0x8b: {  	[sflag:s0] =	ssyncset.done @!p0 $0x0  }
0x8c: {  	[sflag:s0] =	ssyncadd.s32 @!p0 $0xFFFFFFB0  }
0x8d: {  	[spmem:s4] =	stream.indirect.scatter.add.f32 [tilespmem:s17], [sflag:$0xE], $0x1, s20, s7, $0xb8;
	[tilespmem:$0x1E900] =	vst v63  }
0x8e: {  	s3 =	rddreg [dreg:$0x14]  }
0x8f: {  	[tilespmem:s23], [sflag:$0xD] =	stream.linear.gather [hbm4b:s3+s5], $0x80, $0x38;
	[tilespmem:$0x1E900] =	vst v63  }
0x90: {  	_ =	swait.ge [sflag:s12], $0x2800  }
0x91: {  	[sflag:s12] =	ssyncset.done $0x0  }
0x92: {  	s1 =	simm.s32 $0x140F0;
	[sflag:s12] =	ssyncadd.s32 $0xFFFFD800  }
0x93: {  	[tilespmem:s8], [sflag:$0x2] =	stream.indirect.gather [hbm4b:s6+s7], $0x80, s1, s7, $0xb8;
	[tilespmem:$0x1E900] =	vst v63  }
0x94: {  	_ =	swait.ge [sflag:s11], $0x2800  }
0x95: {  	[sflag:s11] =	ssyncset.done $0x0  }
0x96: {  	s13 =	simm.s32 $0xA;
	[sflag:s11] =	ssyncadd.s32 $0xFFFFD800  }
0x97: {  	_ =	swait.ge [sflag:s13], $0x80  }
0x98: {  	[sflag:s13] =	ssyncset.done $0x0  }
0x99: {  	[sflag:s13] =	ssyncadd.s32 $0xFFFFFF80  }
0x9a: {  	[spmem:s2] =	stream.indirect.scatter.add.f32 [tilespmem:s19], [sflag:$0x7], $0x80, s25, s7, $0xb8;
	[tilespmem:$0x1E900] =	vst v63  }
0x9b: {  	_ =	swait.ge [sflag:s16], $0x50  }
0x9c: {  	[sflag:s16] =	ssyncset.done $0x0;
	s13 =	rddreg [dreg:$0x13]  }
0x9d: {  	[sflag:s16] =	ssyncadd.s32 $0xFFFFFFB0;
	s1 =	sshrl.u32 s13, $0x3  }
0x9e: {  	[spmem:s4] =	stream.indirect.scatter.add.f32 [tilespmem:s17], [sflag:$0xE], $0x1, s25, s7, $0xb8;
	[tilespmem:$0x1E900] =	vst v63  }
0x9f: {  	s0 =	sadd.s32 s26, s1  }
0xa0: {  	[tilespmem:s22], [sflag:$0x8] =	stream.linear.gather [hbm4b:s0+s5], $0x80, $0x38;
	[tilespmem:$0x1E900] =	vst v63  }
0xa1: {  	_ =	swait.ge [sflag:s21], $0x2800  }
0xa2: {  	[sflag:s21] =	ssyncset.done $0x0  }
0xa3: {  	s22 =	simm.s32 $0x14140;
	[sflag:s21] =	ssyncadd.s32 $0xFFFFD800  }
0xa4: {  	[tilespmem:s10], [sflag:$0x3] =	stream.indirect.gather [hbm4b:s6+s7], $0x80, s22, s7, $0xb8;
	[tilespmem:$0x1E900] =	vst v63  }
0xa5: {  	_ =	swait.ge [sflag:s14], $0x2800  }
0xa6: {  	[sflag:s14] =	ssyncset.done $0x0  }
0xa7: {  	s1 =	simm.s32 $0xB;
	[sflag:s14] =	ssyncadd.s32 $0xFFFFD800  }
0xa8: {  	_ =	swait.ge [sflag:s1], $0x80  }
0xa9: {  	[sflag:s1] =	ssyncset.done $0x0  }
0xaa: {  	[sflag:s1] =	ssyncadd.s32 $0xFFFFFF80  }
0xab: {  	[spmem:s2] =	stream.indirect.scatter.add.f32 [tilespmem:s8], [sflag:$0x5], $0x80, s28, s7, $0xb8;
	[tilespmem:$0x1E900] =	vst v63  }
0xac: {  	_ =	swait.ge [sflag:s16], $0x50  }
0xad: {  	[sflag:s16] =	ssyncset.done $0x0  }
0xae: {  	[sflag:s16] =	ssyncadd.s32 $0xFFFFFFB0  }
0xaf: {  	[spmem:s4] =	stream.indirect.scatter.add.f32 [tilespmem:s17], [sflag:$0xE], $0x1, s28, s7, $0xb8;
	[tilespmem:$0x1E900] =	vst v63  }
0xb0: {  	s29 =	rddreg [dreg:$0x12]  }
0xb1: {  	[tilespmem:s20], [sflag:$0x9] =	stream.linear.gather [hbm4b:s29+s5], $0x80, $0x38;
	[tilespmem:$0x1E900] =	vst v63  }
0xb2: {  	s20 =	simm.s32 $0x7  }
0xb3: {  	_ =	swait.ge [sflag:s20], $0x2800  }
0xb4: {  	[sflag:s20] =	ssyncset.done $0x0  }
0xb5: {  	s22 =	simm.s32 $0x14190;
	[sflag:s20] =	ssyncadd.s32 $0xFFFFD800  }
0xb6: {  	[tilespmem:s19], [sflag:$0x4] =	stream.indirect.gather [hbm4b:s6+s7], $0x80, s22, s7, $0xb8;
	[tilespmem:$0x1E900] =	vst v63  }
0xb7: {  	_ =	swait.ge [sflag:s9], $0x2800  }
0xb8: {  	[sflag:s9] =	ssyncset.done $0x0  }
0xb9: {  	s20 =	simm.s32 $0xC;
	[sflag:s9] =	ssyncadd.s32 $0xFFFFD800  }
0xba: {  	_ =	swait.ge [sflag:s20], $0x80  }
0xbb: {  	[sflag:s20] =	ssyncset.done $0x0  }
0xbc: {  	[sflag:s20] =	ssyncadd.s32 $0xFFFFFF80  }
0xbd: {  	[spmem:s2] =	stream.indirect.scatter.add.f32 [tilespmem:s10], [sflag:$0x6], $0x80, s18, s7, $0xb8;
	[tilespmem:$0x1E900] =	vst v63  }
0xbe: {  	_ =	swait.ge [sflag:s16], $0x50  }
0xbf: {  	[sflag:s16] =	ssyncset.done $0x0  }
0xc0: {  	[sflag:s16] =	ssyncadd.s32 $0xFFFFFFB0  }
0xc1: {  	[spmem:s4] =	stream.indirect.scatter.add.f32 [tilespmem:s17], [sflag:$0xE], $0x1, s18, s7, $0xb8;
	[tilespmem:$0x1E900] =	vst v63  }
0xc2: {  	s22 =	rddreg [dreg:$0x17]  }
0xc3: {  	[tilespmem:s25], [sflag:$0xA] =	stream.linear.gather [hbm4b:s22+s5], $0x80, $0x38;
	[tilespmem:$0x1E900] =	vst v63  }
0xc4: {  	_ =	swait.ge [sflag:s12], $0x2800  }
0xc5: {  	[sflag:s12] =	ssyncset.done $0x0  }
0xc6: {  	s25 =	simm.s32 $0x141E0;
	[sflag:s12] =	ssyncadd.s32 $0xFFFFD800  }
0xc7: {  	[tilespmem:s8], [sflag:$0x2] =	stream.indirect.gather [hbm4b:s6+s7], $0x80, s25, s7, $0xb8;
	[tilespmem:$0x1E900] =	vst v63  }
0xc8: {  	_ =	swait.ge [sflag:s11], $0x2800  }
0xc9: {  	[sflag:s11] =	ssyncset.done $0x0  }
0xca: {  	[sflag:s11] =	ssyncadd.s32 $0xFFFFD800  }
0xcb: {  	_ =	swait.ge [sflag:s30], $0x80  }
0xcc: {  	[sflag:s30] =	ssyncset.done $0x0  }
0xcd: {  	[sflag:s30] =	ssyncadd.s32 $0xFFFFFF80  }
0xce: {  	[spmem:s2] =	stream.indirect.scatter.add.f32 [tilespmem:s19], [sflag:$0x7], $0x80, s23, s7, $0xb8;
	[tilespmem:$0x1E900] =	vst v63  }
0xcf: {  	_ =	swait.ge [sflag:s16], $0x50  }
0xd0: {  	[sflag:s16] =	ssyncset.done $0x0  }
0xd1: {  	s3 =	sadd.s32 $0x60, s3;
	[sflag:s16] =	ssyncadd.s32 $0xFFFFFFB0  }
0xd2: {  	[spmem:s4] =	stream.indirect.scatter.add.f32 [tilespmem:s17], [sflag:$0xE], $0x1, s23, s7, $0xb8;
	[tilespmem:$0x1E900] =	vst v63  }
0xd3: {  	s0 =	sadd.s32 $0x60, s15;
	s1 =	sadd.s32 $0x60, s22;
	s30 =	rddreg [dreg:$0x16]  }
0xd4: {  	[tilespmem:s28], [sflag:$0xB] =	stream.linear.gather [hbm4b:s30+s5], $0x80, $0x38;
	[tilespmem:$0x1E900] =	vst v63  }
0xd5: {  	s18 =	simm.s32 $0x14230;
	s25 =	simm.s32 $0x780;
	_ =	swait.ge [sflag:s21], $0x2800  }
0xd6: {  	s31 =	sadd.s32 $0x60, s30;
	s28 =	sadd.s32 $0x300, s13;
	[sflag:s21] =	ssyncset.done $0x0  }
.LBB2_2:
0xd7: {  	[sflag:s21] =	ssyncadd.s32 $0xFFFFD800;
	s29 =	sadd.s32 $0x60, s29  }
0xd8: {  	s30 =	smov.u32 s25;
	s25 =	sadd.s32 $0x780, s25;
	s15 =	smov.u32 s31  }
0xd9: {  	[tilespmem:s10], [sflag:$0x3] =	stream.indirect.gather [hbm4b:s6+s7], $0x80, s18, s7, $0xb8;
	[tilespmem:$0x1E900] =	vst v63  }
0xda: {  	p0 =	sne.s32 s25, $0x9600;
	_ =	swait.ge [sflag:s14], $0x2800  }
0xdb: {  	[sflag:s14] =	ssyncset.done $0x0  }
0xdc: {  	s13 =	simm.s32 $0x8;
	[sflag:s14] =	ssyncadd.s32 $0xFFFFD800  }
0xdd: {  	_ =	swait.ge [sflag:s13], $0x80  }
0xde: {  	[sflag:s13] =	ssyncset.done $0x0  }
0xdf: {  	s20 =	simm.s32 $0x16780;
	p1 =	seq.s32 s30, $0x0;
	[sflag:s13] =	ssyncadd.s32 $0xFFFFFF80  }
0xe0: {  	[spmem:s2] =	stream.indirect.scatter.add.f32 [tilespmem:s8], [sflag:$0x5], $0x80, s20, s7, $0xb8;
	[tilespmem:$0x1E900] =	vst v63  }
0xe1: {  	s22 =	smov.u32 s26;
	s26 =	simm.s32 @!p1 $0xE  }
0xe2: {  	_ =	swait.ge @!p1 [sflag:s26], $0x50  }
0xe3: {  	[sflag:s26] =	ssyncset.done @!p1 $0x0  }
0xe4: {  	[sflag:s26] =	ssyncadd.s32 @!p1 $0xFFFFFFB0  }
0xe5: {  	[spmem:s4] =	stream.indirect.scatter.add.f32 [tilespmem:s17], [sflag:$0xE], $0x1, s20, s7, $0xb8;
	[tilespmem:$0x1E900] =	vst v63  }
0xe6: {  	s23 =	simm.s32 $0x16980;
	s13 =	simm.s32 @!p1 $0x7  }
0xe7: {  	[tilespmem:s23], [sflag:$0xC] =	stream.linear.gather [hbm4b:s0+s5], $0x80, $0x38;
	[tilespmem:$0x1E900] =	vst v63  }
0xe8: {  	s18 =	sshra.s32 s30, $0x2;
	_ =	swait.ge @!p1 [sflag:s13], $0x2800  }
0xe9: {  	s30 =	sadd.s32 $0x140A0, s18;
	[sflag:s13] =	ssyncset.done @!p1 $0x0  }
0xea: {  	[sflag:s13] =	ssyncadd.s32 @!p1 $0xFFFFD800  }
0xeb: {  	[tilespmem:s19], [sflag:$0x4] =	stream.indirect.gather [hbm4b:s6+s7], $0x80, s30, s7, $0xb8;
	[tilespmem:$0x1E900] =	vst v63  }
0xec: {  	_ =	swait.ge [sflag:s9], $0x2800  }
0xed: {  	[sflag:s9] =	ssyncset.done $0x0  }
0xee: {  	s13 =	simm.s32 $0x9;
	[sflag:s9] =	ssyncadd.s32 $0xFFFFD800  }
0xef: {  	_ =	swait.ge [sflag:s13], $0x80  }
0xf0: {  	[sflag:s13] =	ssyncset.done $0x0  }
0xf1: {  	s30 =	simm.s32 $0x16800;
	[sflag:s13] =	ssyncadd.s32 $0xFFFFFF80  }
0xf2: {  	[spmem:s2] =	stream.indirect.scatter.add.f32 [tilespmem:s10], [sflag:$0x6], $0x80, s30, s7, $0xb8;
	[tilespmem:$0x1E900] =	vst v63  }
0xf3: {  	_ =	swait.ge @!p1 [sflag:s26], $0x50  }
0xf4: {  	[sflag:s26] =	ssyncset.done @!p1 $0x0  }
0xf5: {  	[sflag:s26] =	ssyncadd.s32 @!p1 $0xFFFFFFB0;
	s26 =	smov.u32 s22  }
0xf6: {  	[spmem:s4] =	stream.indirect.scatter.add.f32 [tilespmem:s17], [sflag:$0xE], $0x1, s30, s7, $0xb8;
	[tilespmem:$0x1E900] =	vst v63  }
0xf7: {  	_ = 	snop  }
0xf8: {  	[tilespmem:s24], [sflag:$0xD] =	stream.linear.gather [hbm4b:s3+s5], $0x80, $0x38;
	[tilespmem:$0x1E900] =	vst v63  }
0xf9: {  	_ =	swait.ge [sflag:s12], $0x2800  }
0xfa: {  	s13 =	sadd.s32 $0x140F0, s18;
	[sflag:s12] =	ssyncset.done $0x0  }
0xfb: {  	[sflag:s12] =	ssyncadd.s32 $0xFFFFD800  }
0xfc: {  	[tilespmem:s8], [sflag:$0x2] =	stream.indirect.gather [hbm4b:s6+s7], $0x80, s13, s7, $0xb8;
	[tilespmem:$0x1E900] =	vst v63  }
0xfd: {  	_ =	swait.ge [sflag:s11], $0x2800  }
0xfe: {  	[sflag:s11] =	ssyncset.done $0x0  }
0xff: {  	s13 =	simm.s32 $0xA;
	[sflag:s11] =	ssyncadd.s32 $0xFFFFD800  }
0x100: {  	_ =	swait.ge [sflag:s13], $0x80  }
0x101: {  	[sflag:s13] =	ssyncset.done $0x0  }
0x102: {  	s22 =	simm.s32 $0x16880;
	[sflag:s13] =	ssyncadd.s32 $0xFFFFFF80  }
0x103: {  	[spmem:s2] =	stream.indirect.scatter.add.f32 [tilespmem:s19], [sflag:$0x7], $0x80, s22, s7, $0xb8;
	[tilespmem:$0x1E900] =	vst v63  }
0x104: {  	_ =	swait.ge [sflag:s16], $0x50  }
0x105: {  	[sflag:s16] =	ssyncset.done $0x0  }
0x106: {  	s13 =	sshrl.u32 s28, $0x3;
	[sflag:s16] =	ssyncadd.s32 $0xFFFFFFB0  }
0x107: {  	[spmem:s4] =	stream.indirect.scatter.add.f32 [tilespmem:s17], [sflag:$0xE], $0x1, s22, s7, $0xb8;
	[tilespmem:$0x1E900] =	vst v63  }
0x108: {  	s13 =	sadd.s32 s26, s13  }
0x109: {  	[tilespmem:s20], [sflag:$0x8] =	stream.linear.gather [hbm4b:s13+s5], $0x80, $0x38;
	[tilespmem:$0x1E900] =	vst v63  }
0x10a: {  	_ =	swait.ge [sflag:s21], $0x2800  }
0x10b: {  	s13 =	sadd.s32 $0x14140, s18;
	[sflag:s21] =	ssyncset.done $0x0  }
0x10c: {  	[sflag:s21] =	ssyncadd.s32 $0xFFFFD800  }
0x10d: {  	[tilespmem:s10], [sflag:$0x3] =	stream.indirect.gather [hbm4b:s6+s7], $0x80, s13, s7, $0xb8;
	[tilespmem:$0x1E900] =	vst v63  }
0x10e: {  	_ =	swait.ge [sflag:s14], $0x2800  }
0x10f: {  	[sflag:s14] =	ssyncset.done $0x0  }
0x110: {  	s13 =	simm.s32 $0xB;
	[sflag:s14] =	ssyncadd.s32 $0xFFFFD800  }
0x111: {  	_ =	swait.ge [sflag:s13], $0x80  }
0x112: {  	[sflag:s13] =	ssyncset.done $0x0  }
0x113: {  	s20 =	simm.s32 $0x16900;
	[sflag:s13] =	ssyncadd.s32 $0xFFFFFF80  }
0x114: {  	[spmem:s2] =	stream.indirect.scatter.add.f32 [tilespmem:s8], [sflag:$0x5], $0x80, s20, s7, $0xb8;
	[tilespmem:$0x1E900] =	vst v63  }
0x115: {  	_ =	swait.ge [sflag:s16], $0x50  }
0x116: {  	[sflag:s16] =	ssyncset.done $0x0  }
0x117: {  	[sflag:s16] =	ssyncadd.s32 $0xFFFFFFB0  }
0x118: {  	[spmem:s4] =	stream.indirect.scatter.add.f32 [tilespmem:s17], [sflag:$0xE], $0x1, s20, s7, $0xb8;
	[tilespmem:$0x1E900] =	vst v63  }
0x119: {  	_ = 	snop  }
0x11a: {  	[tilespmem:s30], [sflag:$0x9] =	stream.linear.gather [hbm4b:s29+s5], $0x80, $0x38;
	[tilespmem:$0x1E900] =	vst v63  }
0x11b: {  	s30 =	simm.s32 $0x7  }
0x11c: {  	_ =	swait.ge [sflag:s30], $0x2800  }
0x11d: {  	s13 =	sadd.s32 $0x14190, s18;
	[sflag:s30] =	ssyncset.done $0x0  }
0x11e: {  	[sflag:s30] =	ssyncadd.s32 $0xFFFFD800;
	s30 =	simm.s32 $0xD  }
0x11f: {  	[tilespmem:s19], [sflag:$0x4] =	stream.indirect.gather [hbm4b:s6+s7], $0x80, s13, s7, $0xb8;
	[tilespmem:$0x1E900] =	vst v63  }
0x120: {  	_ =	swait.ge [sflag:s9], $0x2800  }
0x121: {  	[sflag:s9] =	ssyncset.done $0x0  }
0x122: {  	s13 =	simm.s32 $0xC;
	[sflag:s9] =	ssyncadd.s32 $0xFFFFD800  }
0x123: {  	_ =	swait.ge [sflag:s13], $0x80  }
0x124: {  	[sflag:s13] =	ssyncset.done $0x0  }
0x125: {  	[sflag:s13] =	ssyncadd.s32 $0xFFFFFF80  }
0x126: {  	[spmem:s2] =	stream.indirect.scatter.add.f32 [tilespmem:s10], [sflag:$0x6], $0x80, s23, s7, $0xb8;
	[tilespmem:$0x1E900] =	vst v63  }
0x127: {  	_ =	swait.ge [sflag:s16], $0x50  }
0x128: {  	[sflag:s16] =	ssyncset.done $0x0  }
0x129: {  	[sflag:s16] =	ssyncadd.s32 $0xFFFFFFB0  }
0x12a: {  	[spmem:s4] =	stream.indirect.scatter.add.f32 [tilespmem:s17], [sflag:$0xE], $0x1, s23, s7, $0xb8;
	[tilespmem:$0x1E900] =	vst v63  }
0x12b: {  	_ = 	snop  }
0x12c: {  	[tilespmem:s22], [sflag:$0xA] =	stream.linear.gather [hbm4b:s1+s5], $0x80, $0x38;
	[tilespmem:$0x1E900] =	vst v63  }
0x12d: {  	_ =	swait.ge [sflag:s12], $0x2800  }
0x12e: {  	s13 =	sadd.s32 $0x141E0, s18;
	[sflag:s12] =	ssyncset.done $0x0  }
0x12f: {  	[sflag:s12] =	ssyncadd.s32 $0xFFFFD800  }
0x130: {  	[tilespmem:s8], [sflag:$0x2] =	stream.indirect.gather [hbm4b:s6+s7], $0x80, s13, s7, $0xb8;
	[tilespmem:$0x1E900] =	vst v63  }
0x131: {  	_ =	swait.ge [sflag:s11], $0x2800  }
0x132: {  	[sflag:s11] =	ssyncset.done $0x0  }
0x133: {  	[sflag:s11] =	ssyncadd.s32 $0xFFFFD800  }
0x134: {  	_ =	swait.ge [sflag:s30], $0x80  }
0x135: {  	[sflag:s30] =	ssyncset.done $0x0  }
0x136: {  	[sflag:s30] =	ssyncadd.s32 $0xFFFFFF80  }
0x137: {  	[spmem:s2] =	stream.indirect.scatter.add.f32 [tilespmem:s19], [sflag:$0x7], $0x80, s24, s7, $0xb8;
	[tilespmem:$0x1E900] =	vst v63  }
0x138: {  	_ =	swait.ge [sflag:s16], $0x50  }
0x139: {  	[sflag:s16] =	ssyncset.done $0x0  }
0x13a: {  	[sflag:s16] =	ssyncadd.s32 $0xFFFFFFB0  }
0x13b: {  	[spmem:s4] =	stream.indirect.scatter.add.f32 [tilespmem:s17], [sflag:$0xE], $0x1, s24, s7, $0xb8;
	[tilespmem:$0x1E900] =	vst v63  }
.Ltmp0:
0x13c: {  	_ = 	snop;
	(pc) =	sbr.rel @p0 .LBB2_2-.Ltmp0, $4  }
0x13d: {  	s31 =	sadd.s32 $0x60, s31;
	s1 =	sadd.s32 $0x60, s1  }
0x13e: {  	[tilespmem:s20], [sflag:$0xB] =	stream.linear.gather [hbm4b:s15+s5], $0x80, $0x38;
	[tilespmem:$0x1E900] =	vst v63  }
0x13f: {  	s0 =	sadd.s32 $0x60, s0;
	s3 =	sadd.s32 $0x60, s3;
	_ =	swait.ge [sflag:s21], $0x2800  }
0x140: {  	s28 =	sadd.s32 $0x300, s28;
	s18 =	sadd.s32 $0x14230, s18;
	[sflag:s21] =	ssyncset.done $0x0  }
0x141: {  	[sflag:s21] =	ssyncadd.s32 $0xFFFFD800  }
0x142: {  	[tilespmem:s10], [sflag:$0x3] =	stream.indirect.gather [hbm4b:s6+s7], $0x80, s18, s7, $0xb8;
	[tilespmem:$0x1E900] =	vst v63  }
0x143: {  	_ =	swait.ge [sflag:s14], $0x2800  }
0x144: {  	[sflag:s14] =	ssyncset.done $0x0  }
0x145: {  	s0 =	simm.s32 $0x8;
	[sflag:s14] =	ssyncadd.s32 $0xFFFFD800  }
0x146: {  	_ =	swait.ge [sflag:s0], $0x80  }
0x147: {  	[sflag:s0] =	ssyncset.done $0x0  }
0x148: {  	s13 =	simm.s32 $0x16780;
	[sflag:s0] =	ssyncadd.s32 $0xFFFFFF80  }
0x149: {  	[spmem:s2] =	stream.indirect.scatter.add.f32 [tilespmem:s8], [sflag:$0x5], $0x80, s13, s7, $0xb8;
	[tilespmem:$0x1E900] =	vst v63  }
0x14a: {  	_ =	swait.ge [sflag:s16], $0x50  }
0x14b: {  	[sflag:s16] =	ssyncset.done $0x0  }
0x14c: {  	[sflag:s16] =	ssyncadd.s32 $0xFFFFFFB0  }
0x14d: {  	[spmem:s4] =	stream.indirect.scatter.add.f32 [tilespmem:s17], [sflag:$0xE], $0x1, s13, s7, $0xb8;
	[tilespmem:$0x1E900] =	vst v63  }
0x14e: {  	s1 =	simm.s32 $0x16980;
	s3 =	simm.s32 $0x7;
	s15 =	rddreg [dreg:$0x18]  }
0x14f: {  	[tilespmem:s1], [sflag:$0xC] =	stream.linear.gather [hbm4b:s15+s5], $0x80, $0x38;
	[tilespmem:$0x1E900] =	vst v63  }
0x150: {  	_ =	swait.ge [sflag:s3], $0x2800  }
0x151: {  	[sflag:s3] =	ssyncset.done $0x0  }
0x152: {  	s18 =	simm.s32 $0x16620;
	[sflag:s3] =	ssyncadd.s32 $0xFFFFD800  }
0x153: {  	[tilespmem:s19], [sflag:$0x4] =	stream.indirect.gather [hbm4b:s6+s7], $0x80, s18, s7, $0xb8;
	[tilespmem:$0x1E900] =	vst v63  }
0x154: {  	_ =	swait.ge [sflag:s9], $0x2800  }
0x155: {  	[sflag:s9] =	ssyncset.done $0x0  }
0x156: {  	s20 =	simm.s32 $0x9;
	[sflag:s9] =	ssyncadd.s32 $0xFFFFD800  }
0x157: {  	_ =	swait.ge [sflag:s20], $0x80  }
0x158: {  	[sflag:s20] =	ssyncset.done $0x0  }
0x159: {  	s22 =	simm.s32 $0x16800;
	[sflag:s20] =	ssyncadd.s32 $0xFFFFFF80  }
0x15a: {  	[spmem:s2] =	stream.indirect.scatter.add.f32 [tilespmem:s10], [sflag:$0x6], $0x80, s22, s7, $0xb8;
	[tilespmem:$0x1E900] =	vst v63  }
0x15b: {  	_ =	swait.ge [sflag:s16], $0x50  }
0x15c: {  	[sflag:s16] =	ssyncset.done $0x0  }
0x15d: {  	[sflag:s16] =	ssyncadd.s32 $0xFFFFFFB0  }
0x15e: {  	[spmem:s4] =	stream.indirect.scatter.add.f32 [tilespmem:s17], [sflag:$0xE], $0x1, s22, s7, $0xb8;
	[tilespmem:$0x1E900] =	vst v63  }
0x15f: {  	_ =	swait.ge [sflag:s12], $0x2800  }
0x160: {  	[sflag:s12] =	ssyncset.done $0x0  }
0x161: {  	s23 =	simm.s32 $0x16670;
	[sflag:s12] =	ssyncadd.s32 $0xFFFFD800  }
0x162: {  	[tilespmem:s8], [sflag:$0x2] =	stream.indirect.gather [hbm4b:s6+s7], $0x80, s23, s7, $0xb8;
	[tilespmem:$0x1E900] =	vst v63  }
0x163: {  	_ =	swait.ge [sflag:s11], $0x2800  }
0x164: {  	[sflag:s11] =	ssyncset.done $0x0  }
0x165: {  	s25 =	simm.s32 $0xA;
	[sflag:s11] =	ssyncadd.s32 $0xFFFFD800  }
0x166: {  	_ =	swait.ge [sflag:s25], $0x80  }
0x167: {  	[sflag:s25] =	ssyncset.done $0x0  }
0x168: {  	s28 =	simm.s32 $0x16880;
	[sflag:s25] =	ssyncadd.s32 $0xFFFFFF80  }
0x169: {  	[spmem:s2] =	stream.indirect.scatter.add.f32 [tilespmem:s19], [sflag:$0x7], $0x80, s28, s7, $0xb8;
	[tilespmem:$0x1E900] =	vst v63  }
0x16a: {  	_ =	swait.ge [sflag:s16], $0x50  }
0x16b: {  	[sflag:s16] =	ssyncset.done $0x0  }
0x16c: {  	[sflag:s16] =	ssyncadd.s32 $0xFFFFFFB0  }
0x16d: {  	[spmem:s4] =	stream.indirect.scatter.add.f32 [tilespmem:s17], [sflag:$0xE], $0x1, s28, s7, $0xb8;
	[tilespmem:$0x1E900] =	vst v63  }
0x16e: {  	_ =	swait.ge [sflag:s21], $0x2800  }
0x16f: {  	[sflag:s21] =	ssyncset.done $0x0  }
0x170: {  	s31 =	simm.s32 $0x166C0;
	[sflag:s21] =	ssyncadd.s32 $0xFFFFD800  }
0x171: {  	[tilespmem:s10], [sflag:$0x3] =	stream.indirect.gather [hbm4b:s6+s7], $0x80, s31, s7, $0xb8;
	[tilespmem:$0x1E900] =	vst v63  }
0x172: {  	_ =	swait.ge [sflag:s14], $0x2800  }
0x173: {  	[sflag:s14] =	ssyncset.done $0x0  }
0x174: {  	s13 =	simm.s32 $0xB;
	[sflag:s14] =	ssyncadd.s32 $0xFFFFD800  }
0x175: {  	_ =	swait.ge [sflag:s13], $0x80  }
0x176: {  	[sflag:s13] =	ssyncset.done $0x0  }
0x177: {  	s15 =	simm.s32 $0x16900;
	[sflag:s13] =	ssyncadd.s32 $0xFFFFFF80  }
0x178: {  	[spmem:s2] =	stream.indirect.scatter.add.f32 [tilespmem:s8], [sflag:$0x5], $0x80, s15, s7, $0xb8;
	[tilespmem:$0x1E900] =	vst v63  }
0x179: {  	_ =	swait.ge [sflag:s16], $0x50  }
0x17a: {  	[sflag:s16] =	ssyncset.done $0x0  }
0x17b: {  	[sflag:s16] =	ssyncadd.s32 $0xFFFFFFB0  }
0x17c: {  	[spmem:s4] =	stream.indirect.scatter.add.f32 [tilespmem:s17], [sflag:$0xE], $0x1, s15, s7, $0xb8;
	[tilespmem:$0x1E900] =	vst v63  }
0x17d: {  	_ =	swait.ge [sflag:s3], $0x2800  }
0x17e: {  	[sflag:s3] =	ssyncset.done $0x0  }
0x17f: {  	[sflag:s3] =	ssyncadd.s32 $0xFFFFD800  }
0x180: {  	_ =	swait.ge [sflag:s9], $0x2800  }
0x181: {  	[sflag:s9] =	ssyncset.done $0x0  }
0x182: {  	s18 =	simm.s32 $0xC;
	[sflag:s9] =	ssyncadd.s32 $0xFFFFD800  }
0x183: {  	_ =	swait.ge [sflag:s18], $0x80  }
0x184: {  	[sflag:s18] =	ssyncset.done $0x0  }
0x185: {  	[sflag:s18] =	ssyncadd.s32 $0xFFFFFF80  }
0x186: {  	[spmem:s2] =	stream.indirect.scatter.add.f32 [tilespmem:s10], [sflag:$0x6], $0x80, s1, s7, $0xb8;
	[tilespmem:$0x1E900] =	vst v63  }
0x187: {  	_ =	swait.ge [sflag:s16], $0x50  }
0x188: {  	[sflag:s16] =	ssyncset.done $0x0  }
0x189: {  	[sflag:s16] =	ssyncadd.s32 $0xFFFFFFB0  }
0x18a: {  	[spmem:s4] =	stream.indirect.scatter.add.f32 [tilespmem:s17], [sflag:$0xE], $0x1, s1, s7, $0xb8;
	[tilespmem:$0x1E900] =	vst v63  }
0x18b: {  	_ =	swait.ge [sflag:s12], $0x2800  }
0x18c: {  	[sflag:s12] =	ssyncset.done $0x0  }
0x18d: {  	[sflag:s12] =	ssyncadd.s32 $0xFFFFD800  }
0x18e: {  	_ =	swait.ge [sflag:s21], $0x2800  }
0x18f: {  	[sflag:s21] =	ssyncset.done $0x0  }
0x190: {  	[sflag:s21] =	ssyncadd.s32 $0xFFFFD800  }
0x191: {  	_ =	swait.ge [sflag:s16], $0x50  }
0x192: {  	[sflag:s16] =	ssyncset.done $0x0  }
0x193: {  	[sflag:s16] =	ssyncadd.s32 $0xFFFFFFB0  }
0x194: {  	_ =	swait.ge [sflag:s16], $0x50  }
0x195: {  	[sflag:s16] =	ssyncset.done $0x0  }
0x196: {  	[sflag:s16] =	ssyncadd.s32 $0xFFFFFFB0  }
0x197: {  	[bflag:$0x0] =	sbarrier.arrive $0xFFFF  }
0x198: {  	s20 =	rddreg [dreg:$0x7]  }
0x199: {  	s22 =	rddreg [dreg:$0xf]  }
0x19a: {  	s18 =	simm.s32 $0xF;
	s23 =	rddreg [dreg:$0x1a];
	s0 =	sor.u32 $0x1C0F, s20  }
0x19b: {  	[hbm:s22], [sflag:s0] =	dma.local [spmem:s23], $0x2800  }
0x19c: {  	_ =	swait.ge [sflag:s18], $0x2800  }
0x19d: {  	[sflag:s18] =	ssyncset.done $0x0  }
0x19e: {  	s29 =	simm.s32 $0x1E680;
	s13 =	rddreg [dreg:$0xe];
	[sflag:s18] =	ssyncadd.s32 $0xFFFFD800  }
0x19f: {  	[tilespmem:s29], [sflag:$0xF] =	stream.linear.gather [spmem:s13], $0x280, $0x38;
	[tilespmem:$0x1E900] =	vst v63  }
0x1a0: {  	_ =	swait.ge [sflag:s18], $0x280  }
0x1a1: {  	[sflag:s18] =	ssyncset.done $0x0  }
0x1a2: {  	s25 =	rddreg [dreg:$0x10];
	[sflag:s18] =	ssyncadd.s32 $0xFFFFFD80  }
0x1a3: {  	[hbm4b:s25+s5] =	stream.linear.scatter [tilespmem:s29], [sflag:$0xF], $0x280, $0x38;
	[tilespmem:$0x1E900] =	vst v63  }
0x1a4: {  	_ =	swait.ge [sflag:s18], $0x280  }
0x1a5: {  	s28 =	rddreg [dreg:$0x19]  }
0x1a6: {  	s31 =	rddreg [dreg:$0x11];
	s1 =	sadd.s32 $0x1, s28  }
0x1a7: {  	p0 =	sne.s32 s1, s31  }
.Ltmp1:
0x1a8: {  	_ = 	snop;
	(pc) =	sbr.rel @p0 .LBB2_1-.Ltmp1, $3  }
0x1a9: {  	_ =	sdelay $0x1  }
0x1aa: {  	[sflag:s18] =	ssyncset.done $0x0  }
0x1ab: {  	s23 =	simm.s32 $0x16A00;
	[sflag:s18] =	ssyncadd.s32 $0xFFFFFD80  }
0x1ac: {  	_ =	sfence.sel $0x180000  }
0x1ad: {  	[bflag:$0x0] =	sbarrier.arrive $0xFFFF  }
0x1ae: {  	_ =	strace $0x90000047  }
0x1af: {  	s0 =	stileid.u32;
	[bflag:$0x2] =	sbarrier.arrive $0xFFFF  }
0x1b0: {  	p0 =	sne.s32 s0, $0x0;
	s0 =	rddreg [dreg:$0x4]  }
0x1b1: {  	s0 =	sadd.s32 @!p0 $0x100000, s0  }
0x1b2: {  	[sflag:s0] =	ssyncadd.tile.s32 @!p0 $0x1;
	_ =	shalt  }
.Lfunc_end2:
_tile_overlayer_lowered:
.L_overlay_start_2:
0x1b3: {  	(tag) =	ssettag $0x2  }
0x1b4: {  	s0 =	rddreg [dreg:$0x0];
	s2 =	stileid.u32  }
0x1b5: {  	s1 =	rddreg [dreg:$0x1];
	p0 =	sne.s32 s2, $0x0  }
0x1b6: {  	s3 =	rddreg [dreg:$0x2];
	[bflag:$0x3] =	sbarrier.arrive $0xFFFF;
	s2 =	simm.s32 @!p0 $0x1C0F  }
0x1b7: {  	[timem:s3], [sflag:s2] =	dma.local @!p0 [hbm:s0], s1  }
0x1b8: {  	s0 =	simm.s32 @!p0 $0xF  }
0x1b9: {  	_ =	swait.ge @!p0 [sflag:s0], s1  }
0x1ba: {  	s1 =	ssub.s32 @!p0 $0x0, s1;
	[sflag:s0] =	ssyncset.done @!p0 $0x0  }
0x1bb: {  	[sflag:s0] =	ssyncadd.s32 @!p0 s1  }
0x1bc: {  	[bflag:$0x3] =	sbarrier.arrive $0xFFFF  }
0x1bd: {  	_ =	shalt  }

</sc_bundles>
